<compile_context>
chip_gen: v7x
topology: tpu7x:2x2x1
jax: 0.10.2.dev20260603
libtpu: 0.0.44.dev20260713+nightly
codegen_flags: <defaults>
</compile_context>

<pallas_src>
import functools

import jax
import jax.numpy as jnp
from jax import lax
from jax.experimental import pallas as pl
from jax.experimental.pallas import tpu as pltpu
from jax.experimental.pallas import tpu_sc as plsc

N = 50000
NP = 50176
E = 800000
G = 128
NW = 32
NB = 6272
GRID = NP // NB

DEG_S = 25
C1_S = 2
C2_S = 20
B_E = 4000



def _zero_acc(acc):
    z16 = jnp.zeros((16,), jnp.float32)

    @plsc.parallel_loop(0, NP // 16, unroll=8)
    def _(i):
        acc[pl.ds(i * 16, 16)] = z16


def _make_sc_prop(C, S):
    ES = E // S
    nch = ES // B_E
    assert ES % B_E == 0 and B_E % 16 == 0 and nch % 2 == 0
    units = C * S
    rounds = (units + NW - 1) // NW
    mesh = plsc.VectorSubcoreMesh(core_axis_name="c", subcore_axis_name="s")

    @functools.partial(
        pl.kernel,
        out_type=jax.ShapeDtypeStruct((S, C, NP), jnp.float32),
        mesh=mesh,
        compiler_params=pltpu.CompilerParams(needs_layout_passes=False),
        scratch_types=[
            pltpu.VMEM((NP,), jnp.float32),
            pltpu.VMEM((NP,), jnp.float32),
            pltpu.VMEM((B_E,), jnp.int32),
            pltpu.VMEM((B_E,), jnp.int32),
            pltpu.VMEM((B_E,), jnp.int32),
            pltpu.VMEM((B_E,), jnp.int32),
            pltpu.SemaphoreType.DMA,
            pltpu.SemaphoreType.DMA,
        ],
    )
    def k(tbl_hbm, ei_hbm, out_hbm, tbl, acc,
          rbuf0, rbuf1, cbuf0, cbuf1, sem_r, sem_c):
        wid = lax.axis_index("s") * 2 + lax.axis_index("c")
        rbufs = (rbuf0, rbuf1)
        cbufs = (cbuf0, cbuf1)

        def start(parity, ch, ebase):
            off = ebase + ch * B_E
            pltpu.make_async_copy(ei_hbm.at[pl.ds(off, B_E)], rbufs[parity], sem_r).start()
            pltpu.make_async_copy(ei_hbm.at[pl.ds(E + off, B_E)], cbufs[parity], sem_c).start()

        def wait(parity):
            pltpu.make_async_copy(ei_hbm.at[pl.ds(0, B_E)], rbufs[parity], sem_r).wait()
            pltpu.make_async_copy(ei_hbm.at[pl.ds(0, B_E)], cbufs[parity], sem_c).wait()

        def compute(parity):
            @plsc.parallel_loop(0, B_E // 16, unroll=8)
            def _(i):
                sl = pl.ds(i * 16, 16)
                r16 = rbufs[parity][sl]
                c16 = cbufs[parity][sl]
                vals = plsc.load_gather(tbl, [r16])
                plsc.addupdate_scatter(acc, [c16], vals)

        def do_unit(u):
            c = u % C
            s = u // C
            ebase = s * ES
            pltpu.sync_copy(tbl_hbm.at[c], tbl)
            _zero_acc(acc)
            start(0, 0, ebase)

            @pl.loop(0, nch // 2)
            def _(gp):
                g0 = gp * 2
                wait(0)
                start(1, g0 + 1, ebase)
                compute(0)
                wait(1)

                @pl.when(g0 + 2 < nch)
                def _():
                    start(0, g0 + 2, ebase)

                compute(1)

            pltpu.sync_copy(acc, out_hbm.at[s, c])

        for r in range(rounds):
            u = wid + r * NW
            if (r + 1) * NW <= units:
                do_unit(u)
            else:
                @pl.when(u < units)
                def _():
                    do_unit(u)

    return k


def _make_sc_deg():
    S = DEG_S
    ES = E // S
    nch = ES // B_E
    assert ES % B_E == 0 and nch % 2 == 0
    mesh = plsc.VectorSubcoreMesh(core_axis_name="c", subcore_axis_name="s")

    @functools.partial(
        pl.kernel,
        out_type=jax.ShapeDtypeStruct((S, 1, NP), jnp.float32),
        mesh=mesh,
        compiler_params=pltpu.CompilerParams(needs_layout_passes=False),
        scratch_types=[
            pltpu.VMEM((NP,), jnp.float32),
            pltpu.VMEM((B_E,), jnp.int32),
            pltpu.VMEM((B_E,), jnp.int32),
            pltpu.SemaphoreType.DMA,
        ],
    )
    def k(ei_hbm, out_hbm, acc, cbuf0, cbuf1, sem_c):
        wid = lax.axis_index("s") * 2 + lax.axis_index("c")
        ones = jnp.ones((16,), jnp.float32)
        cbufs = (cbuf0, cbuf1)

        def start(parity, ch, ebase):
            off = ebase + ch * B_E
            pltpu.make_async_copy(ei_hbm.at[pl.ds(E + off, B_E)], cbufs[parity], sem_c).start()

        def wait(parity):
            pltpu.make_async_copy(ei_hbm.at[pl.ds(0, B_E)], cbufs[parity], sem_c).wait()

        def compute(parity):
            @plsc.parallel_loop(0, B_E // 16, unroll=8)
            def _(i):
                c16 = cbufs[parity][pl.ds(i * 16, 16)]
                plsc.addupdate_scatter(acc, [c16], ones)

        @pl.when(wid < S)
        def _():
            ebase = wid * ES
            _zero_acc(acc)
            start(0, 0, ebase)

            @pl.loop(0, nch // 2)
            def _(gp):
                g0 = gp * 2
                wait(0)
                start(1, g0 + 1, ebase)
                compute(0)
                wait(1)

                @pl.when(g0 + 2 < nch)
                def _():
                    start(0, g0 + 2, ebase)

                compute(1)

            pltpu.sync_copy(acc, out_hbm.at[wid, 0])

    return k



def _dotT(w, xb):
    return lax.dot_general(w, xb, (((1,), (1,)), ((), ())),
                           preferred_element_type=jnp.float32)


def _dot(w, h):
    return lax.dot_general(w, h, (((1,), (0,)), ((), ())),
                           preferred_element_type=jnp.float32)


def _tc_pre(xp, degp, w1i, w1r, b1):
    def body(x_ref, deg_ref, wi_ref, wr_ref, b_ref, p0_ref, rt_ref, dis_ref):
        xb = x_ref[...]
        deg = deg_ref[...].sum(axis=0)
        dis = jnp.where(deg > 0, lax.rsqrt(deg), 0.0)
        p0_ref[...] = _dotT(wi_ref[...], xb) * dis
        rt_ref[...] = _dotT(wr_ref[...], xb) + b_ref[...]
        dis_ref[...] = dis

    return pl.pallas_call(
        body,
        grid=(GRID,),
        in_specs=[
            pl.BlockSpec((NB, 75), lambda i: (i, 0)),
            pl.BlockSpec((DEG_S, 1, NB), lambda i: (0, 0, i)),
            pl.BlockSpec((48, 75), lambda i: (0, 0)),
            pl.BlockSpec((48, 75), lambda i: (0, 0)),
            pl.BlockSpec((48, 1), lambda i: (0, 0)),
        ],
        out_specs=[
            pl.BlockSpec((48, NB), lambda i: (0, i)),
            pl.BlockSpec((48, NB), lambda i: (0, i)),
            pl.BlockSpec((1, NB), lambda i: (0, i)),
        ],
        out_shape=[
            jax.ShapeDtypeStruct((48, NP), jnp.float32),
            jax.ShapeDtypeStruct((48, NP), jnp.float32),
            jax.ShapeDtypeStruct((1, NP), jnp.float32),
        ],
    )(xp, degp, w1i, w1r, b1)


def _tc_mid(u0p, rt, dis, w1wt):
    def body(up_ref, rt_ref, dis_ref, w_ref, q_ref):
        u0 = up_ref[...].sum(axis=0)
        dis = dis_ref[...]
        ut = jnp.maximum(u0 * dis + rt_ref[...], 0.0)
        w = w_ref[...]
        q = jnp.concatenate(
            [_dot(w[k], ut[k * 16:(k + 1) * 16, :]) for k in range(3)], axis=0)
        q_ref[...] = q * dis

    return pl.pallas_call(
        body,
        grid=(GRID,),
        in_specs=[
            pl.BlockSpec((C1_S, 48, NB), lambda i: (0, 0, i)),
            pl.BlockSpec((48, NB), lambda i: (0, i)),
            pl.BlockSpec((1, NB), lambda i: (0, i)),
            pl.BlockSpec((3, 16, 16), lambda i: (0, 0, 0)),
        ],
        out_specs=pl.BlockSpec((48, NB), lambda i: (0, i)),
        out_shape=jax.ShapeDtypeStruct((48, NP), jnp.float32),
    )(u0p, rt, dis, w1wt)


def _tc_h1(v0p, rt, dis, ma):
    def body(vp_ref, rt_ref, dis_ref, ma_ref, s0_ref, h1_ref):
        v0 = vp_ref[...].sum(axis=0)
        dis = dis_ref[...]
        vt = jnp.maximum(v0 * dis + rt_ref[...], 0.0)
        h1 = jnp.maximum((vt[0:16] + vt[16:32] + vt[32:48]) * (1.0 / 3.0), 0.0)
        s0_ref[...] = _dot(ma_ref[...], h1) * dis
        h1_ref[...] = h1

    return pl.pallas_call(
        body,
        grid=(GRID,),
        in_specs=[
            pl.BlockSpec((C1_S, 48, NB), lambda i: (0, 0, i)),
            pl.BlockSpec((48, NB), lambda i: (0, i)),
            pl.BlockSpec((1, NB), lambda i: (0, i)),
            pl.BlockSpec((3, 16), lambda i: (0, 0)),
        ],
        out_specs=[
            pl.BlockSpec((3, NB), lambda i: (0, i)),
            pl.BlockSpec((16, NB), lambda i: (0, i)),
        ],
        out_shape=[
            jax.ShapeDtypeStruct((3, NP), jnp.float32),
            jax.ShapeDtypeStruct((16, NP), jnp.float32),
        ],
    )(v0p, rt, dis, ma)


def _tc_m(w0p, h1, dis, mb, beta):
    def body(wp_ref, h1_ref, dis_ref, mb_ref, beta_ref, ms_ref):
        w0 = wp_ref[...].sum(axis=0)
        dis = dis_ref[...]
        m = w0 * dis + _dot(mb_ref[...], h1_ref[...]) + beta_ref[...]
        ms_ref[...] = m * dis

    return pl.pallas_call(
        body,
        grid=(GRID,),
        in_specs=[
            pl.BlockSpec((C2_S, 3, NB), lambda i: (0, 0, i)),
            pl.BlockSpec((16, NB), lambda i: (0, i)),
            pl.BlockSpec((1, NB), lambda i: (0, i)),
            pl.BlockSpec((3, 16), lambda i: (0, 0)),
            pl.BlockSpec((3, 1), lambda i: (0, 0)),
        ],
        out_specs=pl.BlockSpec((3, NB), lambda i: (0, i)),
        out_shape=jax.ShapeDtypeStruct((3, NP), jnp.float32),
    )(w0p, h1, dis, mb, beta)


def _tc_out(w1p, h1, dis, mc, gamma, batch_p, lin_b):
    def body(wp_ref, h1_ref, dis_ref, mc_ref, gam_ref, b_ref, linb_ref, z_ref):
        i = pl.program_id(0)
        w1 = wp_ref[...].sum(axis=0)
        dis = dis_ref[...]
        sig3 = w1 * dis + _dot(mc_ref[...], h1_ref[...]) + gam_ref[...]
        sig = sig3.sum(axis=0, keepdims=True) * (1.0 / 3.0)
        oh = (b_ref[...] == lax.broadcasted_iota(jnp.int32, (G, NB), 0))
        zc = lax.dot_general(oh.astype(jnp.float32), sig,
                             (((1,), (1,)), ((), ())),
                             preferred_element_type=jnp.float32)

        @pl.when(i == 0)
        def _():
            z_ref[...] = linb_ref[...] + zc

        @pl.when(i != 0)
        def _():
            z_ref[...] += zc

    return pl.pallas_call(
        body,
        grid=(GRID,),
        in_specs=[
            pl.BlockSpec((C2_S, 3, NB), lambda i: (0, 0, i)),
            pl.BlockSpec((16, NB), lambda i: (0, i)),
            pl.BlockSpec((1, NB), lambda i: (0, i)),
            pl.BlockSpec((3, 16), lambda i: (0, 0)),
            pl.BlockSpec((3, 1), lambda i: (0, 0)),
            pl.BlockSpec((1, NB), lambda i: (0, i)),
            pl.BlockSpec((1, 1), lambda i: (0, 0)),
        ],
        out_specs=pl.BlockSpec((G, 1), lambda i: (0, 0)),
        out_shape=jax.ShapeDtypeStruct((G, 1), jnp.float32),
    )(w1p, h1, dis, mc, gamma, batch_p, lin_b)


_sc_deg = _make_sc_deg()
_sc_prop48 = _make_sc_prop(48, C1_S)
_sc_prop3 = _make_sc_prop(3, C2_S)


def kernel(x, edge_index, batch, c1_init, c1_w, c1_root, c1_bias,
           c2_init, c2_w, c2_root, c2_bias, lin_w, lin_b):
    ei_flat = edge_index.reshape(2 * E)

    xp = jnp.pad(x, ((0, NP - N), (0, 0)))
    batch_p = jnp.pad(batch, (0, NP - N), constant_values=jnp.int32(2 ** 30))
    batch_p = batch_p.reshape(1, NP)
    w1i = c1_init.transpose(0, 2, 1).reshape(48, 75)
    w1r = c1_root[0].transpose(0, 2, 1).reshape(48, 75)
    b1 = c1_bias[0].reshape(48, 1)
    w1wt = c1_w[0].transpose(0, 2, 1)
    p = lin_w[0]
    c2w0, c2r0, c2b0 = c2_w[0], c2_root[0], c2_bias[0][:, 0, :]
    q = jnp.einsum('kij,j->ki', c2w0, p)
    ma = jnp.einsum('kfj,kj->kf', c2_init, q)
    mb = jnp.einsum('kfj,kj->kf', c2r0, q)
    beta = jnp.einsum('kj,kj->k', c2b0, q).reshape(3, 1)
    mc = jnp.einsum('kfj,j->kf', c2r0, p)
    gamma = (c2b0 @ p).reshape(3, 1)
    lin_b2 = lin_b.reshape(1, 1)

    degp = _sc_deg(ei_flat)
    p0s, rt, dis = _tc_pre(xp, degp, w1i, w1r, b1)
    u0p = _sc_prop48(p0s, ei_flat)
    qs = _tc_mid(u0p, rt, dis, w1wt)
    v0p = _sc_prop48(qs, ei_flat)
    s0s, h1 = _tc_h1(v0p, rt, dis, ma)
    w0p = _sc_prop3(s0s, ei_flat)
    ms = _tc_m(w0p, h1, dis, mb, beta)
    w1p = _sc_prop3(ms, ei_flat)
    z = _tc_out(w1p, h1, dis, mc, gamma, batch_p, lin_b2)
    return z

# --- scband reference (transcript-rebuilt; emitter-appended) ---
"""Pipeline reference for scband-arma-7103875907623 (READ-ONLY COPY).

The authoritative reference and input builder live on the scoring server;
editing this copy changes nothing except your own understanding.
"""

import jax, jax.numpy as jnp
import numpy as np

N = 50000
E = 800000
G = 128


def gcn_norm(row, col, n):
    ew = jnp.ones(row.shape[0], dtype=jnp.float32)
    deg = jnp.zeros(n, dtype=jnp.float32).at[col].add(ew)
    dis = jnp.where(deg > 0, 1.0 / jnp.sqrt(deg), 0.0)
    return dis[row] * ew * dis[col]


def arma_conv(x, row, col, norm, init_w, w, root_w, bias, act, num_layers=2):
    # PyG ARMAConv with shared_weights=True, eval mode (dropout off)
    x0 = x[None, :, :]  # [1, N, F_in]
    out = x0
    for t in range(num_layers):
        if t == 0:
            out = jnp.matmul(out, init_w)      # [K, N, F_out]
        else:
            out = jnp.matmul(out, w[0])        # shared weights -> index 0
        msgs = out[:, row, :] * norm[None, :, None]
        out = jnp.zeros_like(out).at[:, col, :].add(msgs)
        root = jnp.matmul(x0, root_w[0])
        out = out + root + bias[0]
        if act:
            out = jax.nn.relu(out)
    return out.mean(axis=0)


def setup_inputs(seed: int = 0) -> dict:
    key = jax.random.key(seed)
    ks = jax.random.split(key, 10)
    x = jax.random.normal(ks[0], (N, 75), dtype=jnp.float32)
    edge_index = jax.random.randint(ks[1], (2, E), 0, N, dtype=jnp.int32)
    batch = jnp.sort(jax.random.randint(ks[2], (N,), 0, G, dtype=jnp.int32))

    def w(k, shape, fan_in):
        return jax.random.normal(k, shape, dtype=jnp.float32) * (1.0 / np.sqrt(fan_in))

    c1_init = w(ks[3], (3, 75, 16), 75)
    c1_w = w(ks[4], (1, 3, 16, 16), 16)
    c1_root = w(ks[5], (1, 3, 75, 16), 75)
    c1_bias = jnp.zeros((1, 3, 1, 16), dtype=jnp.float32)
    c2_init = w(ks[6], (3, 16, 64), 16)
    c2_w = w(ks[7], (1, 3, 64, 64), 64)
    c2_root = w(ks[8], (1, 3, 16, 64), 16)
    c2_bias = jnp.zeros((1, 3, 1, 64), dtype=jnp.float32)
    lin_w = w(ks[9], (1, 64), 64)
    lin_b = jnp.zeros((1,), dtype=jnp.float32)
    return {"x": x, "edge_index": edge_index, "batch": batch,
            "c1_init": c1_init, "c1_w": c1_w, "c1_root": c1_root, "c1_bias": c1_bias,
            "c2_init": c2_init, "c2_w": c2_w, "c2_root": c2_root, "c2_bias": c2_bias,
            "lin_w": lin_w, "lin_b": lin_b}


def reference(x, edge_index, batch, c1_init, c1_w, c1_root, c1_bias,
              c2_init, c2_w, c2_root, c2_bias, lin_w, lin_b):
    row, col = edge_index[0], edge_index[1]
    norm = gcn_norm(row, col, x.shape[0])
    # eval mode: F.dropout is identity
    h = arma_conv(x, row, col, norm, c1_init, c1_w, c1_root, c1_bias, act=True)
    h = jax.nn.relu(h)
    h = arma_conv(h, row, col, norm, c2_init, c2_w, c2_root, c2_bias, act=False)
    y = jnp.zeros((G, h.shape[1]), dtype=h.dtype).at[batch].add(h)  # global_add_pool
    z = y @ lin_w.T + lin_b
    return z

if __name__ == "__main__":
    import jax
    _d = setup_inputs()
    print(jax.jit(kernel)(*tuple(_d.values())))

</pallas_src>

<mosaic_0001>
#map = affine_map<(d0, d1) -> (0, 0)>
#map1 = affine_map<(d0, d1) -> (0)>
#map2 = affine_map<(d0, d1) -> (0, 0, 0)>
module attributes {stable_mosaic.version = 14 : i64} {
  func.func @k(%arg0: i32, %arg1: i32, %arg2: memref<48x50176xf32, #tpu.memory_space<hbm>>, %arg3: memref<1600000xi32, #tpu.memory_space<hbm>>, %arg4: memref<2x48x50176xf32, #tpu.memory_space<hbm>>, %arg5: memref<50176xf32, #tpu.memory_space<vmem>>, %arg6: memref<50176xf32, #tpu.memory_space<vmem>>, %arg7: memref<4000xi32, #tpu.memory_space<vmem>>, %arg8: memref<4000xi32, #tpu.memory_space<vmem>>, %arg9: memref<4000xi32, #tpu.memory_space<vmem>>, %arg10: memref<4000xi32, #tpu.memory_space<vmem>>, %arg11: memref<!tpu.dma_semaphore, #tpu.memory_space<semaphore_mem>>, %arg12: memref<!tpu.dma_semaphore, #tpu.memory_space<semaphore_mem>>) attributes {dimension_semantics = [#tpu.dimension_semantics<core_parallel>, #tpu.dimension_semantics<subcore_parallel>], iteration_bounds = array<i64: 2, 16>, scalar_prefetch = 0 : i64, scratch_operands = 8 : i64, tpu.core_type = #tpu.core_type<sc_vector_subcore>, window_params = [{transform_indices = #map}, {transform_indices = #map1}, {transform_indices = #map2}]} {
    %mul3A = arith.constant 2 : i32
    %mul3A_0 = arith.muli %arg1, %mul3A : i32
    %add3A = arith.addi %mul3A_0, %arg0 : i32
    %add3A_1 = arith.constant 0 : i32
    %add3A_2 = arith.addi %add3A, %add3A_1 : i32
    %jit3A = arith.constant 48 : i32
    %eq3A = arith.constant 0 : i32
    %eq3A_3 = arith.cmpi eq, %jit3A, %eq3A : i32
    %jit3A_4 = arith.constant 1 : i32
    %select_n3A = arith.select %eq3A_3, %jit3A_4, %jit3A : i32
    %rem3A = arith.remsi %add3A_2, %select_n3A : i32
    %ne3A = arith.constant 0 : i32
    %ne3A_5 = arith.cmpi ne, %rem3A, %ne3A : i32
    %lt3A = arith.constant 0 : i32
    %lt3A_6 = arith.cmpi slt, %rem3A, %lt3A : i32
    %lt3A_7 = arith.constant 0 : i32
    %lt3A_8 = arith.cmpi slt, %select_n3A, %lt3A_7 : i32
    %ne3A_9 = arith.xori %lt3A_6, %lt3A_8 : i1
    %and3A = arith.andi %ne3A_9, %ne3A_5 : i1
    %add3A_10 = arith.addi %rem3A, %select_n3A : i32
    %select_n3A_11 = arith.select %and3A, %add3A_10, %rem3A : i32
    %jit3A_12 = arith.constant 48 : i32
    %div3A = arith.divsi %add3A_2, %jit3A_12 : i32
    %sign3A = arith.constant 0 : i32
    %sign3A_13 = arith.cmpi sgt, %add3A_2, %sign3A : i32
    %sign3A_14 = arith.extui %sign3A_13 : i1 to i32
    %sign3A_15 = arith.constant 0 : i32
    %sign3A_16 = arith.cmpi slt, %add3A_2, %sign3A_15 : i32
    %sign3A_17 = arith.extui %sign3A_16 : i1 to i32
    %sign3A_18 = arith.subi %sign3A_14, %sign3A_17 : i32
    %sign3A_19 = arith.constant 0 : i32
    %sign3A_20 = arith.cmpi sgt, %jit3A_12, %sign3A_19 : i32
    %sign3A_21 = arith.extui %sign3A_20 : i1 to i32
    %sign3A_22 = arith.constant 0 : i32
    %sign3A_23 = arith.cmpi slt, %jit3A_12, %sign3A_22 : i32
    %sign3A_24 = arith.extui %sign3A_23 : i1 to i32
    %sign3A_25 = arith.subi %sign3A_21, %sign3A_24 : i32
    %ne3A_26 = arith.cmpi ne, %sign3A_18, %sign3A_25 : i32
    %rem3A_27 = arith.remsi %add3A_2, %jit3A_12 : i32
    %ne3A_28 = arith.constant 0 : i32
    %ne3A_29 = arith.cmpi ne, %rem3A_27, %ne3A_28 : i32
    %and3A_30 = arith.andi %ne3A_26, %ne3A_29 : i1
    %sub3A = arith.constant 1 : i32
    %sub3A_31 = arith.subi %div3A, %sub3A : i32
    %select_n3A_32 = arith.select %and3A_30, %sub3A_31, %div3A : i32
    %mul3A_33 = arith.constant 400000 : i32
    %mul3A_34 = arith.muli %select_n3A_32, %mul3A_33 : i32
    "tpu.region"() ({
      %run_scoped3A = tpu.sem_alloc : memref<!tpu.dma_semaphore, #tpu.memory_space<semaphore_mem>>
      %dma_start3A_173 = arith.constant 0 : i32
      %dma_start3A_174 = tpu.memref_slice %arg2[%select_n3A_11, %dma_start3A_173] : memref<48x50176xf32, #tpu.memory_space<hbm>> -> memref<1x50176xf32, #tpu.memory_space<hbm>>
      %dma_start3A_175 = tpu.memref_squeeze %dma_start3A_174 : memref<1x50176xf32, #tpu.memory_space<hbm>> -> memref<50176xf32, #tpu.memory_space<hbm>>
      %dma_start3A_176 = arith.constant 0 : i32
      %dma_start3A_177 = tpu.memref_slice %arg2[%select_n3A_11, %dma_start3A_176] : memref<48x50176xf32, #tpu.memory_space<hbm>> -> memref<1x50176xf32, #tpu.memory_space<hbm>>
      %dma_start3A_178 = tpu.memref_squeeze %dma_start3A_177 : memref<1x50176xf32, #tpu.memory_space<hbm>> -> memref<50176xf32, #tpu.memory_space<hbm>>
      tpu.enqueue_dma source(%dma_start3A_178 : memref<50176xf32, #tpu.memory_space<hbm>>) target(%arg5 : memref<50176xf32, #tpu.memory_space<vmem>>) target_semaphore(%run_scoped3A : memref<!tpu.dma_semaphore, #tpu.memory_space<semaphore_mem>>)
      %dma_wait3A = arith.constant 0 : i32
      %dma_wait3A_179 = tpu.memref_slice %arg2[%select_n3A_11, %dma_wait3A] : memref<48x50176xf32, #tpu.memory_space<hbm>> -> memref<1x50176xf32, #tpu.memory_space<hbm>>
      %dma_wait3A_180 = tpu.memref_squeeze %dma_wait3A_179 : memref<1x50176xf32, #tpu.memory_space<hbm>> -> memref<50176xf32, #tpu.memory_space<hbm>>
      %dma_wait3A_181 = arith.constant 0 : i32
      %dma_wait3A_182 = tpu.memref_slice %arg2[%select_n3A_11, %dma_wait3A_181] : memref<48x50176xf32, #tpu.memory_space<hbm>> -> memref<1x50176xf32, #tpu.memory_space<hbm>>
      %dma_wait3A_183 = tpu.memref_squeeze %dma_wait3A_182 : memref<1x50176xf32, #tpu.memory_space<hbm>> -> memref<50176xf32, #tpu.memory_space<hbm>>
      tpu.wait_dma2 semaphore(%run_scoped3A : memref<!tpu.dma_semaphore, #tpu.memory_space<semaphore_mem>>) src(%dma_wait3A_183 : memref<50176xf32, #tpu.memory_space<hbm>>) dst(%arg5 : memref<50176xf32, #tpu.memory_space<vmem>>)
      tpu.yield
    }) : () -> ()
    %broadcast_in_dim3A = arith.constant 0.000000e+00 : f32
    %broadcast_in_dim3A_35 = vector.broadcast %broadcast_in_dim3A : f32 to vector<16xf32>
    %parallel_loop3A = arith.constant 0 : i32
    %parallel_loop3A_36 = arith.constant 3136 : i32
    %parallel_loop3A_37 = arith.constant 1 : i32
    scf.for %parallel_loop3A_173 = %parallel_loop3A to %parallel_loop3A_36 step %parallel_loop3A_37  : i32 {
      %parallel_loop3A_174 = arith.constant 16 : i32
      %parallel_loop3A_175 = arith.muli %parallel_loop3A_173, %parallel_loop3A_174 : i32
      %parallel_loop3A_176 = arith.index_cast %parallel_loop3A_175 : i32 to index
      %parallel_loop3A_177 = tpu.vector_load %arg6[%parallel_loop3A_176] {strides = array<i32>} : memref<50176xf32, #tpu.memory_space<vmem>>, vector<16xf32>,
      tpu.vector_store %arg6[%parallel_loop3A_176], %broadcast_in_dim3A_35 {strides = array<i32>} : memref<50176xf32, #tpu.memory_space<vmem>>, vector<16xf32>,
    } {sc.loop_unroll_factor = 8 : i64, sc.parallel_access}
    %add3A_38 = arith.constant 0 : i32
    %add3A_39 = arith.addi %mul3A_34, %add3A_38 : i32
    %dma_start3A = tpu.memref_slice %arg3[%add3A_39] : memref<1600000xi32, #tpu.memory_space<hbm>> -> memref<4000xi32, #tpu.memory_space<hbm>>
    %dma_start3A_40 = tpu.memref_slice %arg3[%add3A_39] : memref<1600000xi32, #tpu.memory_space<hbm>> -> memref<4000xi32, #tpu.memory_space<hbm>>
    tpu.enqueue_dma source(%dma_start3A_40 : memref<4000xi32, #tpu.memory_space<hbm>>) target(%arg7 : memref<4000xi32, #tpu.memory_space<vmem>>) target_semaphore(%arg11 : memref<!tpu.dma_semaphore, #tpu.memory_space<semaphore_mem>>)
    %add3A_41 = arith.constant 800000 : i32
    %add3A_42 = arith.addi %add3A_41, %add3A_39 : i32
    %dma_start3A_43 = tpu.memref_slice %arg3[%add3A_42] : memref<1600000xi32, #tpu.memory_space<hbm>> -> memref<4000xi32, #tpu.memory_space<hbm>>
    %dma_start3A_44 = tpu.memref_slice %arg3[%add3A_42] : memref<1600000xi32, #tpu.memory_space<hbm>> -> memref<4000xi32, #tpu.memory_space<hbm>>
    tpu.enqueue_dma source(%dma_start3A_44 : memref<4000xi32, #tpu.memory_space<hbm>>) target(%arg9 : memref<4000xi32, #tpu.memory_space<vmem>>) target_semaphore(%arg12 : memref<!tpu.dma_semaphore, #tpu.memory_space<semaphore_mem>>)
    %scan3A = arith.constant 0 : i32
    %scan3A_45 = arith.constant 50 : i32
    %scan3A_46 = arith.addi %scan3A, %scan3A_45 : i32
    %scan3A_47 = arith.constant 1 : i32
    scf.for %scan3A_173 = %scan3A to %scan3A_46 step %scan3A_47  : i32 {
      %mul3A_174 = arith.constant 1 : i32
      %mul3A_175 = arith.muli %scan3A_173, %mul3A_174 : i32
      %add3A_176 = arith.constant 0 : i32
      %add3A_177 = arith.addi %add3A_176, %mul3A_175 : i32
      %mul3A_178 = arith.constant 2 : i32
      %mul3A_179 = arith.muli %add3A_177, %mul3A_178 : i32
      %dma_wait3A = arith.constant 0 : i32
      %dma_wait3A_180 = tpu.memref_slice %arg3[%dma_wait3A] : memref<1600000xi32, #tpu.memory_space<hbm>> -> memref<4000xi32, #tpu.memory_space<hbm>>
      %dma_wait3A_181 = arith.constant 0 : i32
      %dma_wait3A_182 = tpu.memref_slice %arg3[%dma_wait3A_181] : memref<1600000xi32, #tpu.memory_space<hbm>> -> memref<4000xi32, #tpu.memory_space<hbm>>
      tpu.wait_dma2 semaphore(%arg11 : memref<!tpu.dma_semaphore, #tpu.memory_space<semaphore_mem>>) src(%dma_wait3A_182 : memref<4000xi32, #tpu.memory_space<hbm>>) dst(%arg7 : memref<4000xi32, #tpu.memory_space<vmem>>)
      %dma_wait3A_183 = arith.constant 0 : i32
      %dma_wait3A_184 = tpu.memref_slice %arg3[%dma_wait3A_183] : memref<1600000xi32, #tpu.memory_space<hbm>> -> memref<4000xi32, #tpu.memory_space<hbm>>
      %dma_wait3A_185 = arith.constant 0 : i32
      %dma_wait3A_186 = tpu.memref_slice %arg3[%dma_wait3A_185] : memref<1600000xi32, #tpu.memory_space<hbm>> -> memref<4000xi32, #tpu.memory_space<hbm>>
      tpu.wait_dma2 semaphore(%arg12 : memref<!tpu.dma_semaphore, #tpu.memory_space<semaphore_mem>>) src(%dma_wait3A_186 : memref<4000xi32, #tpu.memory_space<hbm>>) dst(%arg9 : memref<4000xi32, #tpu.memory_space<vmem>>)
      %add3A_187 = arith.constant 1 : i32
      %add3A_188 = arith.addi %mul3A_179, %add3A_187 : i32
      %mul3A_189 = arith.constant 4000 : i32
      %mul3A_190 = arith.muli %add3A_188, %mul3A_189 : i32
      %add3A_191 = arith.addi %mul3A_34, %mul3A_190 : i32
      %dma_start3A_192 = tpu.memref_slice %arg3[%add3A_191] : memref<1600000xi32, #tpu.memory_space<hbm>> -> memref<4000xi32, #tpu.memory_space<hbm>>
      %dma_start3A_193 = tpu.memref_slice %arg3[%add3A_191] : memref<1600000xi32, #tpu.memory_space<hbm>> -> memref<4000xi32, #tpu.memory_space<hbm>>
      tpu.enqueue_dma source(%dma_start3A_193 : memref<4000xi32, #tpu.memory_space<hbm>>) target(%arg8 : memref<4000xi32, #tpu.memory_space<vmem>>) target_semaphore(%arg11 : memref<!tpu.dma_semaphore, #tpu.memory_space<semaphore_mem>>)
      %add3A_194 = arith.constant 800000 : i32
      %add3A_195 = arith.addi %add3A_194, %add3A_191 : i32
      %dma_start3A_196 = tpu.memref_slice %arg3[%add3A_195] : memref<1600000xi32, #tpu.memory_space<hbm>> -> memref<4000xi32, #tpu.memory_space<hbm>>
      %dma_start3A_197 = tpu.memref_slice %arg3[%add3A_195] : memref<1600000xi32, #tpu.memory_space<hbm>> -> memref<4000xi32, #tpu.memory_space<hbm>>
      tpu.enqueue_dma source(%dma_start3A_197 : memref<4000xi32, #tpu.memory_space<hbm>>) target(%arg10 : memref<4000xi32, #tpu.memory_space<vmem>>) target_semaphore(%arg12 : memref<!tpu.dma_semaphore, #tpu.memory_space<semaphore_mem>>)
      %parallel_loop3A_198 = arith.constant 0 : i32
      %parallel_loop3A_199 = arith.constant 250 : i32
      %parallel_loop3A_200 = arith.constant 1 : i32
      scf.for %parallel_loop3A_217 = %parallel_loop3A_198 to %parallel_loop3A_199 step %parallel_loop3A_200  : i32 {
        %parallel_loop3A_218 = arith.constant 16 : i32
        %parallel_loop3A_219 = arith.muli %parallel_loop3A_217, %parallel_loop3A_218 : i32
        %parallel_loop3A_220 = arith.index_cast %parallel_loop3A_219 : i32 to index
        %parallel_loop3A_221 = tpu.vector_load %arg7[%parallel_loop3A_220] {strides = array<i32>} : memref<4000xi32, #tpu.memory_space<vmem>>, vector<16xi32>,
        %parallel_loop3A_222 = arith.index_cast %parallel_loop3A_219 : i32 to index
        %parallel_loop3A_223 = tpu.vector_load %arg9[%parallel_loop3A_222] {strides = array<i32>} : memref<4000xi32, #tpu.memory_space<vmem>>, vector<16xi32>,
        %parallel_loop3A_224 = tpu.vector_load_idx %arg5[%parallel_loop3A_221] : memref<50176xf32, #tpu.memory_space<vmem>>[vector<16xi32>], vector<16xf32>,
        tpu.vector_store_idx %arg6[%parallel_loop3A_223], %parallel_loop3A_224 {add = true} : memref<50176xf32, #tpu.memory_space<vmem>>[vector<16xi32>], vector<16xf32>,
      } {sc.loop_unroll_factor = 8 : i64, sc.parallel_access}
      %dma_wait3A_201 = arith.constant 0 : i32
      %dma_wait3A_202 = tpu.memref_slice %arg3[%dma_wait3A_201] : memref<1600000xi32, #tpu.memory_space<hbm>> -> memref<4000xi32, #tpu.memory_space<hbm>>
      %dma_wait3A_203 = arith.constant 0 : i32
      %dma_wait3A_204 = tpu.memref_slice %arg3[%dma_wait3A_203] : memref<1600000xi32, #tpu.memory_space<hbm>> -> memref<4000xi32, #tpu.memory_space<hbm>>
      tpu.wait_dma2 semaphore(%arg11 : memref<!tpu.dma_semaphore, #tpu.memory_space<semaphore_mem>>) src(%dma_wait3A_204 : memref<4000xi32, #tpu.memory_space<hbm>>) dst(%arg8 : memref<4000xi32, #tpu.memory_space<vmem>>)
      %dma_wait3A_205 = arith.constant 0 : i32
      %dma_wait3A_206 = tpu.memref_slice %arg3[%dma_wait3A_205] : memref<1600000xi32, #tpu.memory_space<hbm>> -> memref<4000xi32, #tpu.memory_space<hbm>>
      %dma_wait3A_207 = arith.constant 0 : i32
      %dma_wait3A_208 = tpu.memref_slice %arg3[%dma_wait3A_207] : memref<1600000xi32, #tpu.memory_space<hbm>> -> memref<4000xi32, #tpu.memory_space<hbm>>
      tpu.wait_dma2 semaphore(%arg12 : memref<!tpu.dma_semaphore, #tpu.memory_space<semaphore_mem>>) src(%dma_wait3A_208 : memref<4000xi32, #tpu.memory_space<hbm>>) dst(%arg10 : memref<4000xi32, #tpu.memory_space<vmem>>)
      %add3A_209 = arith.constant 2 : i32
      %add3A_210 = arith.addi %mul3A_179, %add3A_209 : i32
      %lt3A_211 = arith.constant 100 : i32
      %lt3A_212 = arith.cmpi slt, %add3A_210, %lt3A_211 : i32
      %convert_element_type3A = arith.extui %lt3A_212 : i1 to i32
      %cond3A = arith.constant 0 : i32
      %cond3A_213 = arith.cmpi ne, %convert_element_type3A, %cond3A : i32
      scf.if %cond3A_213 {
        %add3A_217 = arith.constant 2 : i32
        %add3A_218 = arith.addi %mul3A_179, %add3A_217 : i32
        %mul3A_219 = arith.constant 4000 : i32
        %mul3A_220 = arith.muli %add3A_218, %mul3A_219 : i32
        %add3A_221 = arith.addi %mul3A_34, %mul3A_220 : i32
        %dma_start3A_222 = tpu.memref_slice %arg3[%add3A_221] : memref<1600000xi32, #tpu.memory_space<hbm>> -> memref<4000xi32, #tpu.memory_space<hbm>>
        %dma_start3A_223 = tpu.memref_slice %arg3[%add3A_221] : memref<1600000xi32, #tpu.memory_space<hbm>> -> memref<4000xi32, #tpu.memory_space<hbm>>
        tpu.enqueue_dma source(%dma_start3A_223 : memref<4000xi32, #tpu.memory_space<hbm>>) target(%arg7 : memref<4000xi32, #tpu.memory_space<vmem>>) target_semaphore(%arg11 : memref<!tpu.dma_semaphore, #tpu.memory_space<semaphore_mem>>)
        %add3A_224 = arith.constant 800000 : i32
        %add3A_225 = arith.addi %add3A_224, %add3A_221 : i32
        %dma_start3A_226 = tpu.memref_slice %arg3[%add3A_225] : memref<1600000xi32, #tpu.memory_space<hbm>> -> memref<4000xi32, #tpu.memory_space<hbm>>
        %dma_start3A_227 = tpu.memref_slice %arg3[%add3A_225] : memref<1600000xi32, #tpu.memory_space<hbm>> -> memref<4000xi32, #tpu.memory_space<hbm>>
        tpu.enqueue_dma source(%dma_start3A_227 : memref<4000xi32, #tpu.memory_space<hbm>>) target(%arg9 : memref<4000xi32, #tpu.memory_space<vmem>>) target_semaphore(%arg12 : memref<!tpu.dma_semaphore, #tpu.memory_space<semaphore_mem>>)
      } else {
      }
      %parallel_loop3A_214 = arith.constant 0 : i32
      %parallel_loop3A_215 = arith.constant 250 : i32
      %parallel_loop3A_216 = arith.constant 1 : i32
      scf.for %parallel_loop3A_217 = %parallel_loop3A_214 to %parallel_loop3A_215 step %parallel_loop3A_216  : i32 {
        %parallel_loop3A_218 = arith.constant 16 : i32
        %parallel_loop3A_219 = arith.muli %parallel_loop3A_217, %parallel_loop3A_218 : i32
        %parallel_loop3A_220 = arith.index_cast %parallel_loop3A_219 : i32 to index
        %parallel_loop3A_221 = tpu.vector_load %arg8[%parallel_loop3A_220] {strides = array<i32>} : memref<4000xi32, #tpu.memory_space<vmem>>, vector<16xi32>,
        %parallel_loop3A_222 = arith.index_cast %parallel_loop3A_219 : i32 to index
        %parallel_loop3A_223 = tpu.vector_load %arg10[%parallel_loop3A_222] {strides = array<i32>} : memref<4000xi32, #tpu.memory_space<vmem>>, vector<16xi32>,
        %parallel_loop3A_224 = tpu.vector_load_idx %arg5[%parallel_loop3A_221] : memref<50176xf32, #tpu.memory_space<vmem>>[vector<16xi32>], vector<16xf32>,
        tpu.vector_store_idx %arg6[%parallel_loop3A_223], %parallel_loop3A_224 {add = true} : memref<50176xf32, #tpu.memory_space<vmem>>[vector<16xi32>], vector<16xf32>,
      } {sc.loop_unroll_factor = 8 : i64, sc.parallel_access}
    }
    %scan3A_48 = arith.constant 50 : i32
    "tpu.region"() ({
      %run_scoped3A = tpu.sem_alloc : memref<!tpu.dma_semaphore, #tpu.memory_space<semaphore_mem>>
      %dma_start3A_173 = arith.constant 0 : i32
      %dma_start3A_174 = tpu.memref_slice %arg4[%select_n3A_32, %select_n3A_11, %dma_start3A_173] : memref<2x48x50176xf32, #tpu.memory_space<hbm>> -> memref<1x1x50176xf32, #tpu.memory_space<hbm>>
      %dma_start3A_175 = tpu.memref_squeeze %dma_start3A_174 : memref<1x1x50176xf32, #tpu.memory_space<hbm>> -> memref<50176xf32, #tpu.memory_space<hbm>>
      %dma_start3A_176 = arith.constant 0 : i32
      %dma_start3A_177 = tpu.memref_slice %arg4[%select_n3A_32, %select_n3A_11, %dma_start3A_176] : memref<2x48x50176xf32, #tpu.memory_space<hbm>> -> memref<1x1x50176xf32, #tpu.memory_space<hbm>>
      %dma_start3A_178 = tpu.memref_squeeze %dma_start3A_177 : memref<1x1x50176xf32, #tpu.memory_space<hbm>> -> memref<50176xf32, #tpu.memory_space<hbm>>
      tpu.enqueue_dma source(%arg6 : memref<50176xf32, #tpu.memory_space<vmem>>) target(%dma_start3A_178 : memref<50176xf32, #tpu.memory_space<hbm>>) target_semaphore(%run_scoped3A : memref<!tpu.dma_semaphore, #tpu.memory_space<semaphore_mem>>)
      %dma_wait3A = arith.constant 0 : i32
      %dma_wait3A_179 = tpu.memref_slice %arg4[%select_n3A_32, %select_n3A_11, %dma_wait3A] : memref<2x48x50176xf32, #tpu.memory_space<hbm>> -> memref<1x1x50176xf32, #tpu.memory_space<hbm>>
      %dma_wait3A_180 = tpu.memref_squeeze %dma_wait3A_179 : memref<1x1x50176xf32, #tpu.memory_space<hbm>> -> memref<50176xf32, #tpu.memory_space<hbm>>
      %dma_wait3A_181 = arith.constant 0 : i32
      %dma_wait3A_182 = tpu.memref_slice %arg4[%select_n3A_32, %select_n3A_11, %dma_wait3A_181] : memref<2x48x50176xf32, #tpu.memory_space<hbm>> -> memref<1x1x50176xf32, #tpu.memory_space<hbm>>
      %dma_wait3A_183 = tpu.memref_squeeze %dma_wait3A_182 : memref<1x1x50176xf32, #tpu.memory_space<hbm>> -> memref<50176xf32, #tpu.memory_space<hbm>>
      tpu.wait_dma2 semaphore(%run_scoped3A : memref<!tpu.dma_semaphore, #tpu.memory_space<semaphore_mem>>) src(%arg6 : memref<50176xf32, #tpu.memory_space<vmem>>) dst(%dma_wait3A_183 : memref<50176xf32, #tpu.memory_space<hbm>>)
      tpu.yield
    }) : () -> ()
    %add3A_49 = arith.constant 32 : i32
    %add3A_50 = arith.addi %add3A, %add3A_49 : i32
    %jit3A_51 = arith.constant 48 : i32
    %eq3A_52 = arith.constant 0 : i32
    %eq3A_53 = arith.cmpi eq, %jit3A_51, %eq3A_52 : i32
    %jit3A_54 = arith.constant 1 : i32
    %select_n3A_55 = arith.select %eq3A_53, %jit3A_54, %jit3A_51 : i32
    %rem3A_56 = arith.remsi %add3A_50, %select_n3A_55 : i32
    %ne3A_57 = arith.constant 0 : i32
    %ne3A_58 = arith.cmpi ne, %rem3A_56, %ne3A_57 : i32
    %lt3A_59 = arith.constant 0 : i32
    %lt3A_60 = arith.cmpi slt, %rem3A_56, %lt3A_59 : i32
    %lt3A_61 = arith.constant 0 : i32
    %lt3A_62 = arith.cmpi slt, %select_n3A_55, %lt3A_61 : i32
    %ne3A_63 = arith.xori %lt3A_60, %lt3A_62 : i1
    %and3A_64 = arith.andi %ne3A_63, %ne3A_58 : i1
    %add3A_65 = arith.addi %rem3A_56, %select_n3A_55 : i32
    %select_n3A_66 = arith.select %and3A_64, %add3A_65, %rem3A_56 : i32
    %jit3A_67 = arith.constant 48 : i32
    %div3A_68 = arith.divsi %add3A_50, %jit3A_67 : i32
    %sign3A_69 = arith.constant 0 : i32
    %sign3A_70 = arith.cmpi sgt, %add3A_50, %sign3A_69 : i32
    %sign3A_71 = arith.extui %sign3A_70 : i1 to i32
    %sign3A_72 = arith.constant 0 : i32
    %sign3A_73 = arith.cmpi slt, %add3A_50, %sign3A_72 : i32
    %sign3A_74 = arith.extui %sign3A_73 : i1 to i32
    %sign3A_75 = arith.subi %sign3A_71, %sign3A_74 : i32
    %sign3A_76 = arith.constant 0 : i32
    %sign3A_77 = arith.cmpi sgt, %jit3A_67, %sign3A_76 : i32
    %sign3A_78 = arith.extui %sign3A_77 : i1 to i32
    %sign3A_79 = arith.constant 0 : i32
    %sign3A_80 = arith.cmpi slt, %jit3A_67, %sign3A_79 : i32
    %sign3A_81 = arith.extui %sign3A_80 : i1 to i32
    %sign3A_82 = arith.subi %sign3A_78, %sign3A_81 : i32
    %ne3A_83 = arith.cmpi ne, %sign3A_75, %sign3A_82 : i32
    %rem3A_84 = arith.remsi %add3A_50, %jit3A_67 : i32
    %ne3A_85 = arith.constant 0 : i32
    %ne3A_86 = arith.cmpi ne, %rem3A_84, %ne3A_85 : i32
    %and3A_87 = arith.andi %ne3A_83, %ne3A_86 : i1
    %sub3A_88 = arith.constant 1 : i32
    %sub3A_89 = arith.subi %div3A_68, %sub3A_88 : i32
    %select_n3A_90 = arith.select %and3A_87, %sub3A_89, %div3A_68 : i32
    %mul3A_91 = arith.constant 400000 : i32
    %mul3A_92 = arith.muli %select_n3A_90, %mul3A_91 : i32
    "tpu.region"() ({
      %run_scoped3A = tpu.sem_alloc : memref<!tpu.dma_semaphore, #tpu.memory_space<semaphore_mem>>
      %dma_start3A_173 = arith.constant 0 : i32
      %dma_start3A_174 = tpu.memref_slice %arg2[%select_n3A_66, %dma_start3A_173] : memref<48x50176xf32, #tpu.memory_space<hbm>> -> memref<1x50176xf32, #tpu.memory_space<hbm>>
      %dma_start3A_175 = tpu.memref_squeeze %dma_start3A_174 : memref<1x50176xf32, #tpu.memory_space<hbm>> -> memref<50176xf32, #tpu.memory_space<hbm>>
      %dma_start3A_176 = arith.constant 0 : i32
      %dma_start3A_177 = tpu.memref_slice %arg2[%select_n3A_66, %dma_start3A_176] : memref<48x50176xf32, #tpu.memory_space<hbm>> -> memref<1x50176xf32, #tpu.memory_space<hbm>>
      %dma_start3A_178 = tpu.memref_squeeze %dma_start3A_177 : memref<1x50176xf32, #tpu.memory_space<hbm>> -> memref<50176xf32, #tpu.memory_space<hbm>>
      tpu.enqueue_dma source(%dma_start3A_178 : memref<50176xf32, #tpu.memory_space<hbm>>) target(%arg5 : memref<50176xf32, #tpu.memory_space<vmem>>) target_semaphore(%run_scoped3A : memref<!tpu.dma_semaphore, #tpu.memory_space<semaphore_mem>>)
      %dma_wait3A = arith.constant 0 : i32
      %dma_wait3A_179 = tpu.memref_slice %arg2[%select_n3A_66, %dma_wait3A] : memref<48x50176xf32, #tpu.memory_space<hbm>> -> memref<1x50176xf32, #tpu.memory_space<hbm>>
      %dma_wait3A_180 = tpu.memref_squeeze %dma_wait3A_179 : memref<1x50176xf32, #tpu.memory_space<hbm>> -> memref<50176xf32, #tpu.memory_space<hbm>>
      %dma_wait3A_181 = arith.constant 0 : i32
      %dma_wait3A_182 = tpu.memref_slice %arg2[%select_n3A_66, %dma_wait3A_181] : memref<48x50176xf32, #tpu.memory_space<hbm>> -> memref<1x50176xf32, #tpu.memory_space<hbm>>
      %dma_wait3A_183 = tpu.memref_squeeze %dma_wait3A_182 : memref<1x50176xf32, #tpu.memory_space<hbm>> -> memref<50176xf32, #tpu.memory_space<hbm>>
      tpu.wait_dma2 semaphore(%run_scoped3A : memref<!tpu.dma_semaphore, #tpu.memory_space<semaphore_mem>>) src(%dma_wait3A_183 : memref<50176xf32, #tpu.memory_space<hbm>>) dst(%arg5 : memref<50176xf32, #tpu.memory_space<vmem>>)
      tpu.yield
    }) : () -> ()
    %broadcast_in_dim3A_93 = arith.constant 0.000000e+00 : f32
    %broadcast_in_dim3A_94 = vector.broadcast %broadcast_in_dim3A_93 : f32 to vector<16xf32>
    %parallel_loop3A_95 = arith.constant 0 : i32
    %parallel_loop3A_96 = arith.constant 3136 : i32
    %parallel_loop3A_97 = arith.constant 1 : i32
    scf.for %parallel_loop3A_173 = %parallel_loop3A_95 to %parallel_loop3A_96 step %parallel_loop3A_97  : i32 {
      %parallel_loop3A_174 = arith.constant 16 : i32
      %parallel_loop3A_175 = arith.muli %parallel_loop3A_173, %parallel_loop3A_174 : i32
      %parallel_loop3A_176 = arith.index_cast %parallel_loop3A_175 : i32 to index
      %parallel_loop3A_177 = tpu.vector_load %arg6[%parallel_loop3A_176] {strides = array<i32>} : memref<50176xf32, #tpu.memory_space<vmem>>, vector<16xf32>,
      tpu.vector_store %arg6[%parallel_loop3A_176], %broadcast_in_dim3A_94 {strides = array<i32>} : memref<50176xf32, #tpu.memory_space<vmem>>, vector<16xf32>,
    } {sc.loop_unroll_factor = 8 : i64, sc.parallel_access}
    %add3A_98 = arith.constant 0 : i32
    %add3A_99 = arith.addi %mul3A_92, %add3A_98 : i32
    %dma_start3A_100 = tpu.memref_slice %arg3[%add3A_99] : memref<1600000xi32, #tpu.memory_space<hbm>> -> memref<4000xi32, #tpu.memory_space<hbm>>
    %dma_start3A_101 = tpu.memref_slice %arg3[%add3A_99] : memref<1600000xi32, #tpu.memory_space<hbm>> -> memref<4000xi32, #tpu.memory_space<hbm>>
    tpu.enqueue_dma source(%dma_start3A_101 : memref<4000xi32, #tpu.memory_space<hbm>>) target(%arg7 : memref<4000xi32, #tpu.memory_space<vmem>>) target_semaphore(%arg11 : memref<!tpu.dma_semaphore, #tpu.memory_space<semaphore_mem>>)
    %add3A_102 = arith.constant 800000 : i32
    %add3A_103 = arith.addi %add3A_102, %add3A_99 : i32
    %dma_start3A_104 = tpu.memref_slice %arg3[%add3A_103] : memref<1600000xi32, #tpu.memory_space<hbm>> -> memref<4000xi32, #tpu.memory_space<hbm>>
    %dma_start3A_105 = tpu.memref_slice %arg3[%add3A_103] : memref<1600000xi32, #tpu.memory_space<hbm>> -> memref<4000xi32, #tpu.memory_space<hbm>>
    tpu.enqueue_dma source(%dma_start3A_105 : memref<4000xi32, #tpu.memory_space<hbm>>) target(%arg9 : memref<4000xi32, #tpu.memory_space<vmem>>) target_semaphore(%arg12 : memref<!tpu.dma_semaphore, #tpu.memory_space<semaphore_mem>>)
    %scan3A_106 = arith.constant 0 : i32
    %scan3A_107 = arith.constant 50 : i32
    %scan3A_108 = arith.addi %scan3A_106, %scan3A_107 : i32
    %scan3A_109 = arith.constant 1 : i32
    scf.for %scan3A_173 = %scan3A_106 to %scan3A_108 step %scan3A_109  : i32 {
      %mul3A_174 = arith.constant 1 : i32
      %mul3A_175 = arith.muli %scan3A_173, %mul3A_174 : i32
      %add3A_176 = arith.constant 0 : i32
      %add3A_177 = arith.addi %add3A_176, %mul3A_175 : i32
      %mul3A_178 = arith.constant 2 : i32
      %mul3A_179 = arith.muli %add3A_177, %mul3A_178 : i32
      %dma_wait3A = arith.constant 0 : i32
      %dma_wait3A_180 = tpu.memref_slice %arg3[%dma_wait3A] : memref<1600000xi32, #tpu.memory_space<hbm>> -> memref<4000xi32, #tpu.memory_space<hbm>>
      %dma_wait3A_181 = arith.constant 0 : i32
      %dma_wait3A_182 = tpu.memref_slice %arg3[%dma_wait3A_181] : memref<1600000xi32, #tpu.memory_space<hbm>> -> memref<4000xi32, #tpu.memory_space<hbm>>
      tpu.wait_dma2 semaphore(%arg11 : memref<!tpu.dma_semaphore, #tpu.memory_space<semaphore_mem>>) src(%dma_wait3A_182 : memref<4000xi32, #tpu.memory_space<hbm>>) dst(%arg7 : memref<4000xi32, #tpu.memory_space<vmem>>)
      %dma_wait3A_183 = arith.constant 0 : i32
      %dma_wait3A_184 = tpu.memref_slice %arg3[%dma_wait3A_183] : memref<1600000xi32, #tpu.memory_space<hbm>> -> memref<4000xi32, #tpu.memory_space<hbm>>
      %dma_wait3A_185 = arith.constant 0 : i32
      %dma_wait3A_186 = tpu.memref_slice %arg3[%dma_wait3A_185] : memref<1600000xi32, #tpu.memory_space<hbm>> -> memref<4000xi32, #tpu.memory_space<hbm>>
      tpu.wait_dma2 semaphore(%arg12 : memref<!tpu.dma_semaphore, #tpu.memory_space<semaphore_mem>>) src(%dma_wait3A_186 : memref<4000xi32, #tpu.memory_space<hbm>>) dst(%arg9 : memref<4000xi32, #tpu.memory_space<vmem>>)
      %add3A_187 = arith.constant 1 : i32
      %add3A_188 = arith.addi %mul3A_179, %add3A_187 : i32
      %mul3A_189 = arith.constant 4000 : i32
      %mul3A_190 = arith.muli %add3A_188, %mul3A_189 : i32
      %add3A_191 = arith.addi %mul3A_92, %mul3A_190 : i32
      %dma_start3A_192 = tpu.memref_slice %arg3[%add3A_191] : memref<1600000xi32, #tpu.memory_space<hbm>> -> memref<4000xi32, #tpu.memory_space<hbm>>
      %dma_start3A_193 = tpu.memref_slice %arg3[%add3A_191] : memref<1600000xi32, #tpu.memory_space<hbm>> -> memref<4000xi32, #tpu.memory_space<hbm>>
      tpu.enqueue_dma source(%dma_start3A_193 : memref<4000xi32, #tpu.memory_space<hbm>>) target(%arg8 : memref<4000xi32, #tpu.memory_space<vmem>>) target_semaphore(%arg11 : memref<!tpu.dma_semaphore, #tpu.memory_space<semaphore_mem>>)
      %add3A_194 = arith.constant 800000 : i32
      %add3A_195 = arith.addi %add3A_194, %add3A_191 : i32
      %dma_start3A_196 = tpu.memref_slice %arg3[%add3A_195] : memref<1600000xi32, #tpu.memory_space<hbm>> -> memref<4000xi32, #tpu.memory_space<hbm>>
      %dma_start3A_197 = tpu.memref_slice %arg3[%add3A_195] : memref<1600000xi32, #tpu.memory_space<hbm>> -> memref<4000xi32, #tpu.memory_space<hbm>>
      tpu.enqueue_dma source(%dma_start3A_197 : memref<4000xi32, #tpu.memory_space<hbm>>) target(%arg10 : memref<4000xi32, #tpu.memory_space<vmem>>) target_semaphore(%arg12 : memref<!tpu.dma_semaphore, #tpu.memory_space<semaphore_mem>>)
      %parallel_loop3A_198 = arith.constant 0 : i32
      %parallel_loop3A_199 = arith.constant 250 : i32
      %parallel_loop3A_200 = arith.constant 1 : i32
      scf.for %parallel_loop3A_217 = %parallel_loop3A_198 to %parallel_loop3A_199 step %parallel_loop3A_200  : i32 {
        %parallel_loop3A_218 = arith.constant 16 : i32
        %parallel_loop3A_219 = arith.muli %parallel_loop3A_217, %parallel_loop3A_218 : i32
        %parallel_loop3A_220 = arith.index_cast %parallel_loop3A_219 : i32 to index
        %parallel_loop3A_221 = tpu.vector_load %arg7[%parallel_loop3A_220] {strides = array<i32>} : memref<4000xi32, #tpu.memory_space<vmem>>, vector<16xi32>,
        %parallel_loop3A_222 = arith.index_cast %parallel_loop3A_219 : i32 to index
        %parallel_loop3A_223 = tpu.vector_load %arg9[%parallel_loop3A_222] {strides = array<i32>} : memref<4000xi32, #tpu.memory_space<vmem>>, vector<16xi32>,
        %parallel_loop3A_224 = tpu.vector_load_idx %arg5[%parallel_loop3A_221] : memref<50176xf32, #tpu.memory_space<vmem>>[vector<16xi32>], vector<16xf32>,
        tpu.vector_store_idx %arg6[%parallel_loop3A_223], %parallel_loop3A_224 {add = true} : memref<50176xf32, #tpu.memory_space<vmem>>[vector<16xi32>], vector<16xf32>,
      } {sc.loop_unroll_factor = 8 : i64, sc.parallel_access}
      %dma_wait3A_201 = arith.constant 0 : i32
      %dma_wait3A_202 = tpu.memref_slice %arg3[%dma_wait3A_201] : memref<1600000xi32, #tpu.memory_space<hbm>> -> memref<4000xi32, #tpu.memory_space<hbm>>
      %dma_wait3A_203 = arith.constant 0 : i32
      %dma_wait3A_204 = tpu.memref_slice %arg3[%dma_wait3A_203] : memref<1600000xi32, #tpu.memory_space<hbm>> -> memref<4000xi32, #tpu.memory_space<hbm>>
      tpu.wait_dma2 semaphore(%arg11 : memref<!tpu.dma_semaphore, #tpu.memory_space<semaphore_mem>>) src(%dma_wait3A_204 : memref<4000xi32, #tpu.memory_space<hbm>>) dst(%arg8 : memref<4000xi32, #tpu.memory_space<vmem>>)
      %dma_wait3A_205 = arith.constant 0 : i32
      %dma_wait3A_206 = tpu.memref_slice %arg3[%dma_wait3A_205] : memref<1600000xi32, #tpu.memory_space<hbm>> -> memref<4000xi32, #tpu.memory_space<hbm>>
      %dma_wait3A_207 = arith.constant 0 : i32
      %dma_wait3A_208 = tpu.memref_slice %arg3[%dma_wait3A_207] : memref<1600000xi32, #tpu.memory_space<hbm>> -> memref<4000xi32, #tpu.memory_space<hbm>>
      tpu.wait_dma2 semaphore(%arg12 : memref<!tpu.dma_semaphore, #tpu.memory_space<semaphore_mem>>) src(%dma_wait3A_208 : memref<4000xi32, #tpu.memory_space<hbm>>) dst(%arg10 : memref<4000xi32, #tpu.memory_space<vmem>>)
      %add3A_209 = arith.constant 2 : i32
      %add3A_210 = arith.addi %mul3A_179, %add3A_209 : i32
      %lt3A_211 = arith.constant 100 : i32
      %lt3A_212 = arith.cmpi slt, %add3A_210, %lt3A_211 : i32
      %convert_element_type3A = arith.extui %lt3A_212 : i1 to i32
      %cond3A = arith.constant 0 : i32
      %cond3A_213 = arith.cmpi ne, %convert_element_type3A, %cond3A : i32
      scf.if %cond3A_213 {
        %add3A_217 = arith.constant 2 : i32
        %add3A_218 = arith.addi %mul3A_179, %add3A_217 : i32
        %mul3A_219 = arith.constant 4000 : i32
        %mul3A_220 = arith.muli %add3A_218, %mul3A_219 : i32
        %add3A_221 = arith.addi %mul3A_92, %mul3A_220 : i32
        %dma_start3A_222 = tpu.memref_slice %arg3[%add3A_221] : memref<1600000xi32, #tpu.memory_space<hbm>> -> memref<4000xi32, #tpu.memory_space<hbm>>
        %dma_start3A_223 = tpu.memref_slice %arg3[%add3A_221] : memref<1600000xi32, #tpu.memory_space<hbm>> -> memref<4000xi32, #tpu.memory_space<hbm>>
        tpu.enqueue_dma source(%dma_start3A_223 : memref<4000xi32, #tpu.memory_space<hbm>>) target(%arg7 : memref<4000xi32, #tpu.memory_space<vmem>>) target_semaphore(%arg11 : memref<!tpu.dma_semaphore, #tpu.memory_space<semaphore_mem>>)
        %add3A_224 = arith.constant 800000 : i32
        %add3A_225 = arith.addi %add3A_224, %add3A_221 : i32
        %dma_start3A_226 = tpu.memref_slice %arg3[%add3A_225] : memref<1600000xi32, #tpu.memory_space<hbm>> -> memref<4000xi32, #tpu.memory_space<hbm>>
        %dma_start3A_227 = tpu.memref_slice %arg3[%add3A_225] : memref<1600000xi32, #tpu.memory_space<hbm>> -> memref<4000xi32, #tpu.memory_space<hbm>>
        tpu.enqueue_dma source(%dma_start3A_227 : memref<4000xi32, #tpu.memory_space<hbm>>) target(%arg9 : memref<4000xi32, #tpu.memory_space<vmem>>) target_semaphore(%arg12 : memref<!tpu.dma_semaphore, #tpu.memory_space<semaphore_mem>>)
      } else {
      }
      %parallel_loop3A_214 = arith.constant 0 : i32
      %parallel_loop3A_215 = arith.constant 250 : i32
      %parallel_loop3A_216 = arith.constant 1 : i32
      scf.for %parallel_loop3A_217 = %parallel_loop3A_214 to %parallel_loop3A_215 step %parallel_loop3A_216  : i32 {
        %parallel_loop3A_218 = arith.constant 16 : i32
        %parallel_loop3A_219 = arith.muli %parallel_loop3A_217, %parallel_loop3A_218 : i32
        %parallel_loop3A_220 = arith.index_cast %parallel_loop3A_219 : i32 to index
        %parallel_loop3A_221 = tpu.vector_load %arg8[%parallel_loop3A_220] {strides = array<i32>} : memref<4000xi32, #tpu.memory_space<vmem>>, vector<16xi32>,
        %parallel_loop3A_222 = arith.index_cast %parallel_loop3A_219 : i32 to index
        %parallel_loop3A_223 = tpu.vector_load %arg10[%parallel_loop3A_222] {strides = array<i32>} : memref<4000xi32, #tpu.memory_space<vmem>>, vector<16xi32>,
        %parallel_loop3A_224 = tpu.vector_load_idx %arg5[%parallel_loop3A_221] : memref<50176xf32, #tpu.memory_space<vmem>>[vector<16xi32>], vector<16xf32>,
        tpu.vector_store_idx %arg6[%parallel_loop3A_223], %parallel_loop3A_224 {add = true} : memref<50176xf32, #tpu.memory_space<vmem>>[vector<16xi32>], vector<16xf32>,
      } {sc.loop_unroll_factor = 8 : i64, sc.parallel_access}
    }
    %scan3A_110 = arith.constant 50 : i32
    "tpu.region"() ({
      %run_scoped3A = tpu.sem_alloc : memref<!tpu.dma_semaphore, #tpu.memory_space<semaphore_mem>>
      %dma_start3A_173 = arith.constant 0 : i32
      %dma_start3A_174 = tpu.memref_slice %arg4[%select_n3A_90, %select_n3A_66, %dma_start3A_173] : memref<2x48x50176xf32, #tpu.memory_space<hbm>> -> memref<1x1x50176xf32, #tpu.memory_space<hbm>>
      %dma_start3A_175 = tpu.memref_squeeze %dma_start3A_174 : memref<1x1x50176xf32, #tpu.memory_space<hbm>> -> memref<50176xf32, #tpu.memory_space<hbm>>
      %dma_start3A_176 = arith.constant 0 : i32
      %dma_start3A_177 = tpu.memref_slice %arg4[%select_n3A_90, %select_n3A_66, %dma_start3A_176] : memref<2x48x50176xf32, #tpu.memory_space<hbm>> -> memref<1x1x50176xf32, #tpu.memory_space<hbm>>
      %dma_start3A_178 = tpu.memref_squeeze %dma_start3A_177 : memref<1x1x50176xf32, #tpu.memory_space<hbm>> -> memref<50176xf32, #tpu.memory_space<hbm>>
      tpu.enqueue_dma source(%arg6 : memref<50176xf32, #tpu.memory_space<vmem>>) target(%dma_start3A_178 : memref<50176xf32, #tpu.memory_space<hbm>>) target_semaphore(%run_scoped3A : memref<!tpu.dma_semaphore, #tpu.memory_space<semaphore_mem>>)
      %dma_wait3A = arith.constant 0 : i32
      %dma_wait3A_179 = tpu.memref_slice %arg4[%select_n3A_90, %select_n3A_66, %dma_wait3A] : memref<2x48x50176xf32, #tpu.memory_space<hbm>> -> memref<1x1x50176xf32, #tpu.memory_space<hbm>>
      %dma_wait3A_180 = tpu.memref_squeeze %dma_wait3A_179 : memref<1x1x50176xf32, #tpu.memory_space<hbm>> -> memref<50176xf32, #tpu.memory_space<hbm>>
      %dma_wait3A_181 = arith.constant 0 : i32
      %dma_wait3A_182 = tpu.memref_slice %arg4[%select_n3A_90, %select_n3A_66, %dma_wait3A_181] : memref<2x48x50176xf32, #tpu.memory_space<hbm>> -> memref<1x1x50176xf32, #tpu.memory_space<hbm>>
      %dma_wait3A_183 = tpu.memref_squeeze %dma_wait3A_182 : memref<1x1x50176xf32, #tpu.memory_space<hbm>> -> memref<50176xf32, #tpu.memory_space<hbm>>
      tpu.wait_dma2 semaphore(%run_scoped3A : memref<!tpu.dma_semaphore, #tpu.memory_space<semaphore_mem>>) src(%arg6 : memref<50176xf32, #tpu.memory_space<vmem>>) dst(%dma_wait3A_183 : memref<50176xf32, #tpu.memory_space<hbm>>)
      tpu.yield
    }) : () -> ()
    %add3A_111 = arith.constant 64 : i32
    %add3A_112 = arith.addi %add3A, %add3A_111 : i32
    %jit3A_113 = arith.constant 48 : i32
    %eq3A_114 = arith.constant 0 : i32
    %eq3A_115 = arith.cmpi eq, %jit3A_113, %eq3A_114 : i32
    %jit3A_116 = arith.constant 1 : i32
    %select_n3A_117 = arith.select %eq3A_115, %jit3A_116, %jit3A_113 : i32
    %rem3A_118 = arith.remsi %add3A_112, %select_n3A_117 : i32
    %ne3A_119 = arith.constant 0 : i32
    %ne3A_120 = arith.cmpi ne, %rem3A_118, %ne3A_119 : i32
    %lt3A_121 = arith.constant 0 : i32
    %lt3A_122 = arith.cmpi slt, %rem3A_118, %lt3A_121 : i32
    %lt3A_123 = arith.constant 0 : i32
    %lt3A_124 = arith.cmpi slt, %select_n3A_117, %lt3A_123 : i32
    %ne3A_125 = arith.xori %lt3A_122, %lt3A_124 : i1
    %and3A_126 = arith.andi %ne3A_125, %ne3A_120 : i1
    %add3A_127 = arith.addi %rem3A_118, %select_n3A_117 : i32
    %select_n3A_128 = arith.select %and3A_126, %add3A_127, %rem3A_118 : i32
    %jit3A_129 = arith.constant 48 : i32
    %div3A_130 = arith.divsi %add3A_112, %jit3A_129 : i32
    %sign3A_131 = arith.constant 0 : i32
    %sign3A_132 = arith.cmpi sgt, %add3A_112, %sign3A_131 : i32
    %sign3A_133 = arith.extui %sign3A_132 : i1 to i32
    %sign3A_134 = arith.constant 0 : i32
    %sign3A_135 = arith.cmpi slt, %add3A_112, %sign3A_134 : i32
    %sign3A_136 = arith.extui %sign3A_135 : i1 to i32
    %sign3A_137 = arith.subi %sign3A_133, %sign3A_136 : i32
    %sign3A_138 = arith.constant 0 : i32
    %sign3A_139 = arith.cmpi sgt, %jit3A_129, %sign3A_138 : i32
    %sign3A_140 = arith.extui %sign3A_139 : i1 to i32
    %sign3A_141 = arith.constant 0 : i32
    %sign3A_142 = arith.cmpi slt, %jit3A_129, %sign3A_141 : i32
    %sign3A_143 = arith.extui %sign3A_142 : i1 to i32
    %sign3A_144 = arith.subi %sign3A_140, %sign3A_143 : i32
    %ne3A_145 = arith.cmpi ne, %sign3A_137, %sign3A_144 : i32
    %rem3A_146 = arith.remsi %add3A_112, %jit3A_129 : i32
    %ne3A_147 = arith.constant 0 : i32
    %ne3A_148 = arith.cmpi ne, %rem3A_146, %ne3A_147 : i32
    %and3A_149 = arith.andi %ne3A_145, %ne3A_148 : i1
    %sub3A_150 = arith.constant 1 : i32
    %sub3A_151 = arith.subi %div3A_130, %sub3A_150 : i32
    %select_n3A_152 = arith.select %and3A_149, %sub3A_151, %div3A_130 : i32
    %mul3A_153 = arith.constant 400000 : i32
    %mul3A_154 = arith.muli %select_n3A_152, %mul3A_153 : i32
    "tpu.region"() ({
      %run_scoped3A = tpu.sem_alloc : memref<!tpu.dma_semaphore, #tpu.memory_space<semaphore_mem>>
      %dma_start3A_173 = arith.constant 0 : i32
      %dma_start3A_174 = tpu.memref_slice %arg2[%select_n3A_128, %dma_start3A_173] : memref<48x50176xf32, #tpu.memory_space<hbm>> -> memref<1x50176xf32, #tpu.memory_space<hbm>>
      %dma_start3A_175 = tpu.memref_squeeze %dma_start3A_174 : memref<1x50176xf32, #tpu.memory_space<hbm>> -> memref<50176xf32, #tpu.memory_space<hbm>>
      %dma_start3A_176 = arith.constant 0 : i32
      %dma_start3A_177 = tpu.memref_slice %arg2[%select_n3A_128, %dma_start3A_176] : memref<48x50176xf32, #tpu.memory_space<hbm>> -> memref<1x50176xf32, #tpu.memory_space<hbm>>
      %dma_start3A_178 = tpu.memref_squeeze %dma_start3A_177 : memref<1x50176xf32, #tpu.memory_space<hbm>> -> memref<50176xf32, #tpu.memory_space<hbm>>
      tpu.enqueue_dma source(%dma_start3A_178 : memref<50176xf32, #tpu.memory_space<hbm>>) target(%arg5 : memref<50176xf32, #tpu.memory_space<vmem>>) target_semaphore(%run_scoped3A : memref<!tpu.dma_semaphore, #tpu.memory_space<semaphore_mem>>)
      %dma_wait3A = arith.constant 0 : i32
      %dma_wait3A_179 = tpu.memref_slice %arg2[%select_n3A_128, %dma_wait3A] : memref<48x50176xf32, #tpu.memory_space<hbm>> -> memref<1x50176xf32, #tpu.memory_space<hbm>>
      %dma_wait3A_180 = tpu.memref_squeeze %dma_wait3A_179 : memref<1x50176xf32, #tpu.memory_space<hbm>> -> memref<50176xf32, #tpu.memory_space<hbm>>
      %dma_wait3A_181 = arith.constant 0 : i32
      %dma_wait3A_182 = tpu.memref_slice %arg2[%select_n3A_128, %dma_wait3A_181] : memref<48x50176xf32, #tpu.memory_space<hbm>> -> memref<1x50176xf32, #tpu.memory_space<hbm>>
      %dma_wait3A_183 = tpu.memref_squeeze %dma_wait3A_182 : memref<1x50176xf32, #tpu.memory_space<hbm>> -> memref<50176xf32, #tpu.memory_space<hbm>>
      tpu.wait_dma2 semaphore(%run_scoped3A : memref<!tpu.dma_semaphore, #tpu.memory_space<semaphore_mem>>) src(%dma_wait3A_183 : memref<50176xf32, #tpu.memory_space<hbm>>) dst(%arg5 : memref<50176xf32, #tpu.memory_space<vmem>>)
      tpu.yield
    }) : () -> ()
    %broadcast_in_dim3A_155 = arith.constant 0.000000e+00 : f32
    %broadcast_in_dim3A_156 = vector.broadcast %broadcast_in_dim3A_155 : f32 to vector<16xf32>
    %parallel_loop3A_157 = arith.constant 0 : i32
    %parallel_loop3A_158 = arith.constant 3136 : i32
    %parallel_loop3A_159 = arith.constant 1 : i32
    scf.for %parallel_loop3A_173 = %parallel_loop3A_157 to %parallel_loop3A_158 step %parallel_loop3A_159  : i32 {
      %parallel_loop3A_174 = arith.constant 16 : i32
      %parallel_loop3A_175 = arith.muli %parallel_loop3A_173, %parallel_loop3A_174 : i32
      %parallel_loop3A_176 = arith.index_cast %parallel_loop3A_175 : i32 to index
      %parallel_loop3A_177 = tpu.vector_load %arg6[%parallel_loop3A_176] {strides = array<i32>} : memref<50176xf32, #tpu.memory_space<vmem>>, vector<16xf32>,
      tpu.vector_store %arg6[%parallel_loop3A_176], %broadcast_in_dim3A_156 {strides = array<i32>} : memref<50176xf32, #tpu.memory_space<vmem>>, vector<16xf32>,
    } {sc.loop_unroll_factor = 8 : i64, sc.parallel_access}
    %add3A_160 = arith.constant 0 : i32
    %add3A_161 = arith.addi %mul3A_154, %add3A_160 : i32
    %dma_start3A_162 = tpu.memref_slice %arg3[%add3A_161] : memref<1600000xi32, #tpu.memory_space<hbm>> -> memref<4000xi32, #tpu.memory_space<hbm>>
    %dma_start3A_163 = tpu.memref_slice %arg3[%add3A_161] : memref<1600000xi32, #tpu.memory_space<hbm>> -> memref<4000xi32, #tpu.memory_space<hbm>>
    tpu.enqueue_dma source(%dma_start3A_163 : memref<4000xi32, #tpu.memory_space<hbm>>) target(%arg7 : memref<4000xi32, #tpu.memory_space<vmem>>) target_semaphore(%arg11 : memref<!tpu.dma_semaphore, #tpu.memory_space<semaphore_mem>>)
    %add3A_164 = arith.constant 800000 : i32
    %add3A_165 = arith.addi %add3A_164, %add3A_161 : i32
    %dma_start3A_166 = tpu.memref_slice %arg3[%add3A_165] : memref<1600000xi32, #tpu.memory_space<hbm>> -> memref<4000xi32, #tpu.memory_space<hbm>>
    %dma_start3A_167 = tpu.memref_slice %arg3[%add3A_165] : memref<1600000xi32, #tpu.memory_space<hbm>> -> memref<4000xi32, #tpu.memory_space<hbm>>
    tpu.enqueue_dma source(%dma_start3A_167 : memref<4000xi32, #tpu.memory_space<hbm>>) target(%arg9 : memref<4000xi32, #tpu.memory_space<vmem>>) target_semaphore(%arg12 : memref<!tpu.dma_semaphore, #tpu.memory_space<semaphore_mem>>)
    %scan3A_168 = arith.constant 0 : i32
    %scan3A_169 = arith.constant 50 : i32
    %scan3A_170 = arith.addi %scan3A_168, %scan3A_169 : i32
    %scan3A_171 = arith.constant 1 : i32
    scf.for %scan3A_173 = %scan3A_168 to %scan3A_170 step %scan3A_171  : i32 {
      %mul3A_174 = arith.constant 1 : i32
      %mul3A_175 = arith.muli %scan3A_173, %mul3A_174 : i32
      %add3A_176 = arith.constant 0 : i32
      %add3A_177 = arith.addi %add3A_176, %mul3A_175 : i32
      %mul3A_178 = arith.constant 2 : i32
      %mul3A_179 = arith.muli %add3A_177, %mul3A_178 : i32
      %dma_wait3A = arith.constant 0 : i32
      %dma_wait3A_180 = tpu.memref_slice %arg3[%dma_wait3A] : memref<1600000xi32, #tpu.memory_space<hbm>> -> memref<4000xi32, #tpu.memory_space<hbm>>
      %dma_wait3A_181 = arith.constant 0 : i32
      %dma_wait3A_182 = tpu.memref_slice %arg3[%dma_wait3A_181] : memref<1600000xi32, #tpu.memory_space<hbm>> -> memref<4000xi32, #tpu.memory_space<hbm>>
      tpu.wait_dma2 semaphore(%arg11 : memref<!tpu.dma_semaphore, #tpu.memory_space<semaphore_mem>>) src(%dma_wait3A_182 : memref<4000xi32, #tpu.memory_space<hbm>>) dst(%arg7 : memref<4000xi32, #tpu.memory_space<vmem>>)
      %dma_wait3A_183 = arith.constant 0 : i32
      %dma_wait3A_184 = tpu.memref_slice %arg3[%dma_wait3A_183] : memref<1600000xi32, #tpu.memory_space<hbm>> -> memref<4000xi32, #tpu.memory_space<hbm>>
      %dma_wait3A_185 = arith.constant 0 : i32
      %dma_wait3A_186 = tpu.memref_slice %arg3[%dma_wait3A_185] : memref<1600000xi32, #tpu.memory_space<hbm>> -> memref<4000xi32, #tpu.memory_space<hbm>>
      tpu.wait_dma2 semaphore(%arg12 : memref<!tpu.dma_semaphore, #tpu.memory_space<semaphore_mem>>) src(%dma_wait3A_186 : memref<4000xi32, #tpu.memory_space<hbm>>) dst(%arg9 : memref<4000xi32, #tpu.memory_space<vmem>>)
      %add3A_187 = arith.constant 1 : i32
      %add3A_188 = arith.addi %mul3A_179, %add3A_187 : i32
      %mul3A_189 = arith.constant 4000 : i32
      %mul3A_190 = arith.muli %add3A_188, %mul3A_189 : i32
      %add3A_191 = arith.addi %mul3A_154, %mul3A_190 : i32
      %dma_start3A_192 = tpu.memref_slice %arg3[%add3A_191] : memref<1600000xi32, #tpu.memory_space<hbm>> -> memref<4000xi32, #tpu.memory_space<hbm>>
      %dma_start3A_193 = tpu.memref_slice %arg3[%add3A_191] : memref<1600000xi32, #tpu.memory_space<hbm>> -> memref<4000xi32, #tpu.memory_space<hbm>>
      tpu.enqueue_dma source(%dma_start3A_193 : memref<4000xi32, #tpu.memory_space<hbm>>) target(%arg8 : memref<4000xi32, #tpu.memory_space<vmem>>) target_semaphore(%arg11 : memref<!tpu.dma_semaphore, #tpu.memory_space<semaphore_mem>>)
      %add3A_194 = arith.constant 800000 : i32
      %add3A_195 = arith.addi %add3A_194, %add3A_191 : i32
      %dma_start3A_196 = tpu.memref_slice %arg3[%add3A_195] : memref<1600000xi32, #tpu.memory_space<hbm>> -> memref<4000xi32, #tpu.memory_space<hbm>>
      %dma_start3A_197 = tpu.memref_slice %arg3[%add3A_195] : memref<1600000xi32, #tpu.memory_space<hbm>> -> memref<4000xi32, #tpu.memory_space<hbm>>
      tpu.enqueue_dma source(%dma_start3A_197 : memref<4000xi32, #tpu.memory_space<hbm>>) target(%arg10 : memref<4000xi32, #tpu.memory_space<vmem>>) target_semaphore(%arg12 : memref<!tpu.dma_semaphore, #tpu.memory_space<semaphore_mem>>)
      %parallel_loop3A_198 = arith.constant 0 : i32
      %parallel_loop3A_199 = arith.constant 250 : i32
      %parallel_loop3A_200 = arith.constant 1 : i32
      scf.for %parallel_loop3A_217 = %parallel_loop3A_198 to %parallel_loop3A_199 step %parallel_loop3A_200  : i32 {
        %parallel_loop3A_218 = arith.constant 16 : i32
        %parallel_loop3A_219 = arith.muli %parallel_loop3A_217, %parallel_loop3A_218 : i32
        %parallel_loop3A_220 = arith.index_cast %parallel_loop3A_219 : i32 to index
        %parallel_loop3A_221 = tpu.vector_load %arg7[%parallel_loop3A_220] {strides = array<i32>} : memref<4000xi32, #tpu.memory_space<vmem>>, vector<16xi32>,
        %parallel_loop3A_222 = arith.index_cast %parallel_loop3A_219 : i32 to index
        %parallel_loop3A_223 = tpu.vector_load %arg9[%parallel_loop3A_222] {strides = array<i32>} : memref<4000xi32, #tpu.memory_space<vmem>>, vector<16xi32>,
        %parallel_loop3A_224 = tpu.vector_load_idx %arg5[%parallel_loop3A_221] : memref<50176xf32, #tpu.memory_space<vmem>>[vector<16xi32>], vector<16xf32>,
        tpu.vector_store_idx %arg6[%parallel_loop3A_223], %parallel_loop3A_224 {add = true} : memref<50176xf32, #tpu.memory_space<vmem>>[vector<16xi32>], vector<16xf32>,
      } {sc.loop_unroll_factor = 8 : i64, sc.parallel_access}
      %dma_wait3A_201 = arith.constant 0 : i32
      %dma_wait3A_202 = tpu.memref_slice %arg3[%dma_wait3A_201] : memref<1600000xi32, #tpu.memory_space<hbm>> -> memref<4000xi32, #tpu.memory_space<hbm>>
      %dma_wait3A_203 = arith.constant 0 : i32
      %dma_wait3A_204 = tpu.memref_slice %arg3[%dma_wait3A_203] : memref<1600000xi32, #tpu.memory_space<hbm>> -> memref<4000xi32, #tpu.memory_space<hbm>>
      tpu.wait_dma2 semaphore(%arg11 : memref<!tpu.dma_semaphore, #tpu.memory_space<semaphore_mem>>) src(%dma_wait3A_204 : memref<4000xi32, #tpu.memory_space<hbm>>) dst(%arg8 : memref<4000xi32, #tpu.memory_space<vmem>>)
      %dma_wait3A_205 = arith.constant 0 : i32
      %dma_wait3A_206 = tpu.memref_slice %arg3[%dma_wait3A_205] : memref<1600000xi32, #tpu.memory_space<hbm>> -> memref<4000xi32, #tpu.memory_space<hbm>>
      %dma_wait3A_207 = arith.constant 0 : i32
      %dma_wait3A_208 = tpu.memref_slice %arg3[%dma_wait3A_207] : memref<1600000xi32, #tpu.memory_space<hbm>> -> memref<4000xi32, #tpu.memory_space<hbm>>
      tpu.wait_dma2 semaphore(%arg12 : memref<!tpu.dma_semaphore, #tpu.memory_space<semaphore_mem>>) src(%dma_wait3A_208 : memref<4000xi32, #tpu.memory_space<hbm>>) dst(%arg10 : memref<4000xi32, #tpu.memory_space<vmem>>)
      %add3A_209 = arith.constant 2 : i32
      %add3A_210 = arith.addi %mul3A_179, %add3A_209 : i32
      %lt3A_211 = arith.constant 100 : i32
      %lt3A_212 = arith.cmpi slt, %add3A_210, %lt3A_211 : i32
      %convert_element_type3A = arith.extui %lt3A_212 : i1 to i32
      %cond3A = arith.constant 0 : i32
      %cond3A_213 = arith.cmpi ne, %convert_element_type3A, %cond3A : i32
      scf.if %cond3A_213 {
        %add3A_217 = arith.constant 2 : i32
        %add3A_218 = arith.addi %mul3A_179, %add3A_217 : i32
        %mul3A_219 = arith.constant 4000 : i32
        %mul3A_220 = arith.muli %add3A_218, %mul3A_219 : i32
        %add3A_221 = arith.addi %mul3A_154, %mul3A_220 : i32
        %dma_start3A_222 = tpu.memref_slice %arg3[%add3A_221] : memref<1600000xi32, #tpu.memory_space<hbm>> -> memref<4000xi32, #tpu.memory_space<hbm>>
        %dma_start3A_223 = tpu.memref_slice %arg3[%add3A_221] : memref<1600000xi32, #tpu.memory_space<hbm>> -> memref<4000xi32, #tpu.memory_space<hbm>>
        tpu.enqueue_dma source(%dma_start3A_223 : memref<4000xi32, #tpu.memory_space<hbm>>) target(%arg7 : memref<4000xi32, #tpu.memory_space<vmem>>) target_semaphore(%arg11 : memref<!tpu.dma_semaphore, #tpu.memory_space<semaphore_mem>>)
        %add3A_224 = arith.constant 800000 : i32
        %add3A_225 = arith.addi %add3A_224, %add3A_221 : i32
        %dma_start3A_226 = tpu.memref_slice %arg3[%add3A_225] : memref<1600000xi32, #tpu.memory_space<hbm>> -> memref<4000xi32, #tpu.memory_space<hbm>>
        %dma_start3A_227 = tpu.memref_slice %arg3[%add3A_225] : memref<1600000xi32, #tpu.memory_space<hbm>> -> memref<4000xi32, #tpu.memory_space<hbm>>
        tpu.enqueue_dma source(%dma_start3A_227 : memref<4000xi32, #tpu.memory_space<hbm>>) target(%arg9 : memref<4000xi32, #tpu.memory_space<vmem>>) target_semaphore(%arg12 : memref<!tpu.dma_semaphore, #tpu.memory_space<semaphore_mem>>)
      } else {
      }
      %parallel_loop3A_214 = arith.constant 0 : i32
      %parallel_loop3A_215 = arith.constant 250 : i32
      %parallel_loop3A_216 = arith.constant 1 : i32
      scf.for %parallel_loop3A_217 = %parallel_loop3A_214 to %parallel_loop3A_215 step %parallel_loop3A_216  : i32 {
        %parallel_loop3A_218 = arith.constant 16 : i32
        %parallel_loop3A_219 = arith.muli %parallel_loop3A_217, %parallel_loop3A_218 : i32
        %parallel_loop3A_220 = arith.index_cast %parallel_loop3A_219 : i32 to index
        %parallel_loop3A_221 = tpu.vector_load %arg8[%parallel_loop3A_220] {strides = array<i32>} : memref<4000xi32, #tpu.memory_space<vmem>>, vector<16xi32>,
        %parallel_loop3A_222 = arith.index_cast %parallel_loop3A_219 : i32 to index
        %parallel_loop3A_223 = tpu.vector_load %arg10[%parallel_loop3A_222] {strides = array<i32>} : memref<4000xi32, #tpu.memory_space<vmem>>, vector<16xi32>,
        %parallel_loop3A_224 = tpu.vector_load_idx %arg5[%parallel_loop3A_221] : memref<50176xf32, #tpu.memory_space<vmem>>[vector<16xi32>], vector<16xf32>,
        tpu.vector_store_idx %arg6[%parallel_loop3A_223], %parallel_loop3A_224 {add = true} : memref<50176xf32, #tpu.memory_space<vmem>>[vector<16xi32>], vector<16xf32>,
      } {sc.loop_unroll_factor = 8 : i64, sc.parallel_access}
    }
    %scan3A_172 = arith.constant 50 : i32
    "tpu.region"() ({
      %run_scoped3A = tpu.sem_alloc : memref<!tpu.dma_semaphore, #tpu.memory_space<semaphore_mem>>
      %dma_start3A_173 = arith.constant 0 : i32
      %dma_start3A_174 = tpu.memref_slice %arg4[%select_n3A_152, %select_n3A_128, %dma_start3A_173] : memref<2x48x50176xf32, #tpu.memory_space<hbm>> -> memref<1x1x50176xf32, #tpu.memory_space<hbm>>
      %dma_start3A_175 = tpu.memref_squeeze %dma_start3A_174 : memref<1x1x50176xf32, #tpu.memory_space<hbm>> -> memref<50176xf32, #tpu.memory_space<hbm>>
      %dma_start3A_176 = arith.constant 0 : i32
      %dma_start3A_177 = tpu.memref_slice %arg4[%select_n3A_152, %select_n3A_128, %dma_start3A_176] : memref<2x48x50176xf32, #tpu.memory_space<hbm>> -> memref<1x1x50176xf32, #tpu.memory_space<hbm>>
      %dma_start3A_178 = tpu.memref_squeeze %dma_start3A_177 : memref<1x1x50176xf32, #tpu.memory_space<hbm>> -> memref<50176xf32, #tpu.memory_space<hbm>>
      tpu.enqueue_dma source(%arg6 : memref<50176xf32, #tpu.memory_space<vmem>>) target(%dma_start3A_178 : memref<50176xf32, #tpu.memory_space<hbm>>) target_semaphore(%run_scoped3A : memref<!tpu.dma_semaphore, #tpu.memory_space<semaphore_mem>>)
      %dma_wait3A = arith.constant 0 : i32
      %dma_wait3A_179 = tpu.memref_slice %arg4[%select_n3A_152, %select_n3A_128, %dma_wait3A] : memref<2x48x50176xf32, #tpu.memory_space<hbm>> -> memref<1x1x50176xf32, #tpu.memory_space<hbm>>
      %dma_wait3A_180 = tpu.memref_squeeze %dma_wait3A_179 : memref<1x1x50176xf32, #tpu.memory_space<hbm>> -> memref<50176xf32, #tpu.memory_space<hbm>>
      %dma_wait3A_181 = arith.constant 0 : i32
      %dma_wait3A_182 = tpu.memref_slice %arg4[%select_n3A_152, %select_n3A_128, %dma_wait3A_181] : memref<2x48x50176xf32, #tpu.memory_space<hbm>> -> memref<1x1x50176xf32, #tpu.memory_space<hbm>>
      %dma_wait3A_183 = tpu.memref_squeeze %dma_wait3A_182 : memref<1x1x50176xf32, #tpu.memory_space<hbm>> -> memref<50176xf32, #tpu.memory_space<hbm>>
      tpu.wait_dma2 semaphore(%run_scoped3A : memref<!tpu.dma_semaphore, #tpu.memory_space<semaphore_mem>>) src(%arg6 : memref<50176xf32, #tpu.memory_space<vmem>>) dst(%dma_wait3A_183 : memref<50176xf32, #tpu.memory_space<hbm>>)
      tpu.yield
    }) : () -> ()
    return
  }
}

#map = affine_map<(d0, d1) -> (0)>
#map1 = affine_map<(d0, d1) -> (0, 0, 0)>
module attributes {stable_mosaic.version = 14 : i64} {
  func.func @k(%arg0: i32, %arg1: i32, %arg2: memref<1600000xi32, #tpu.memory_space<hbm>>, %arg3: memref<25x1x50176xf32, #tpu.memory_space<hbm>>, %arg4: memref<50176xf32, #tpu.memory_space<vmem>>, %arg5: memref<4000xi32, #tpu.memory_space<vmem>>, %arg6: memref<4000xi32, #tpu.memory_space<vmem>>, %arg7: memref<!tpu.dma_semaphore, #tpu.memory_space<semaphore_mem>>) attributes {dimension_semantics = [#tpu.dimension_semantics<core_parallel>, #tpu.dimension_semantics<subcore_parallel>], iteration_bounds = array<i64: 2, 16>, scalar_prefetch = 0 : i64, scratch_operands = 4 : i64, tpu.core_type = #tpu.core_type<sc_vector_subcore>, window_params = [{transform_indices = #map}, {transform_indices = #map1}]} {
    %mul3A = arith.constant 2 : i32
    %mul3A_0 = arith.muli %arg1, %mul3A : i32
    %add3A = arith.addi %mul3A_0, %arg0 : i32
    %broadcast_in_dim3A = arith.constant 1.000000e+00 : f32
    %broadcast_in_dim3A_1 = vector.broadcast %broadcast_in_dim3A : f32 to vector<16xf32>
    %lt3A = arith.constant 25 : i32
    %lt3A_2 = arith.cmpi slt, %add3A, %lt3A : i32
    %convert_element_type3A = arith.extui %lt3A_2 : i1 to i32
    %cond3A = arith.constant 0 : i32
    %cond3A_3 = arith.cmpi ne, %convert_element_type3A, %cond3A : i32
    scf.if %cond3A_3 {
      %mul3A_4 = arith.constant 32000 : i32
      %mul3A_5 = arith.muli %add3A, %mul3A_4 : i32
      %broadcast_in_dim3A_6 = arith.constant 0.000000e+00 : f32
      %broadcast_in_dim3A_7 = vector.broadcast %broadcast_in_dim3A_6 : f32 to vector<16xf32>
      %parallel_loop3A = arith.constant 0 : i32
      %parallel_loop3A_8 = arith.constant 3136 : i32
      %parallel_loop3A_9 = arith.constant 1 : i32
      scf.for %parallel_loop3A_19 = %parallel_loop3A to %parallel_loop3A_8 step %parallel_loop3A_9  : i32 {
        %parallel_loop3A_20 = arith.constant 16 : i32
        %parallel_loop3A_21 = arith.muli %parallel_loop3A_19, %parallel_loop3A_20 : i32
        %parallel_loop3A_22 = arith.index_cast %parallel_loop3A_21 : i32 to index
        %parallel_loop3A_23 = tpu.vector_load %arg4[%parallel_loop3A_22] {strides = array<i32>} : memref<50176xf32, #tpu.memory_space<vmem>>, vector<16xf32>,
        tpu.vector_store %arg4[%parallel_loop3A_22], %broadcast_in_dim3A_7 {strides = array<i32>} : memref<50176xf32, #tpu.memory_space<vmem>>, vector<16xf32>,
      } {sc.loop_unroll_factor = 8 : i64, sc.parallel_access}
      %add3A_10 = arith.constant 0 : i32
      %add3A_11 = arith.addi %mul3A_5, %add3A_10 : i32
      %add3A_12 = arith.constant 800000 : i32
      %add3A_13 = arith.addi %add3A_12, %add3A_11 : i32
      %dma_start3A = tpu.memref_slice %arg2[%add3A_13] : memref<1600000xi32, #tpu.memory_space<hbm>> -> memref<4000xi32, #tpu.memory_space<hbm>>
      %dma_start3A_14 = tpu.memref_slice %arg2[%add3A_13] : memref<1600000xi32, #tpu.memory_space<hbm>> -> memref<4000xi32, #tpu.memory_space<hbm>>
      tpu.enqueue_dma source(%dma_start3A_14 : memref<4000xi32, #tpu.memory_space<hbm>>) target(%arg5 : memref<4000xi32, #tpu.memory_space<vmem>>) target_semaphore(%arg7 : memref<!tpu.dma_semaphore, #tpu.memory_space<semaphore_mem>>)
      %scan3A = arith.constant 0 : i32
      %scan3A_15 = arith.constant 4 : i32
      %scan3A_16 = arith.addi %scan3A, %scan3A_15 : i32
      %scan3A_17 = arith.constant 1 : i32
      scf.for %scan3A_19 = %scan3A to %scan3A_16 step %scan3A_17  : i32 {
        %mul3A_20 = arith.constant 1 : i32
        %mul3A_21 = arith.muli %scan3A_19, %mul3A_20 : i32
        %add3A_22 = arith.constant 0 : i32
        %add3A_23 = arith.addi %add3A_22, %mul3A_21 : i32
        %mul3A_24 = arith.constant 2 : i32
        %mul3A_25 = arith.muli %add3A_23, %mul3A_24 : i32
        %dma_wait3A = arith.constant 0 : i32
        %dma_wait3A_26 = tpu.memref_slice %arg2[%dma_wait3A] : memref<1600000xi32, #tpu.memory_space<hbm>> -> memref<4000xi32, #tpu.memory_space<hbm>>
        %dma_wait3A_27 = arith.constant 0 : i32
        %dma_wait3A_28 = tpu.memref_slice %arg2[%dma_wait3A_27] : memref<1600000xi32, #tpu.memory_space<hbm>> -> memref<4000xi32, #tpu.memory_space<hbm>>
        tpu.wait_dma2 semaphore(%arg7 : memref<!tpu.dma_semaphore, #tpu.memory_space<semaphore_mem>>) src(%dma_wait3A_28 : memref<4000xi32, #tpu.memory_space<hbm>>) dst(%arg5 : memref<4000xi32, #tpu.memory_space<vmem>>)
        %add3A_29 = arith.constant 1 : i32
        %add3A_30 = arith.addi %mul3A_25, %add3A_29 : i32
        %mul3A_31 = arith.constant 4000 : i32
        %mul3A_32 = arith.muli %add3A_30, %mul3A_31 : i32
        %add3A_33 = arith.addi %mul3A_5, %mul3A_32 : i32
        %add3A_34 = arith.constant 800000 : i32
        %add3A_35 = arith.addi %add3A_34, %add3A_33 : i32
        %dma_start3A_36 = tpu.memref_slice %arg2[%add3A_35] : memref<1600000xi32, #tpu.memory_space<hbm>> -> memref<4000xi32, #tpu.memory_space<hbm>>
        %dma_start3A_37 = tpu.memref_slice %arg2[%add3A_35] : memref<1600000xi32, #tpu.memory_space<hbm>> -> memref<4000xi32, #tpu.memory_space<hbm>>
        tpu.enqueue_dma source(%dma_start3A_37 : memref<4000xi32, #tpu.memory_space<hbm>>) target(%arg6 : memref<4000xi32, #tpu.memory_space<vmem>>) target_semaphore(%arg7 : memref<!tpu.dma_semaphore, #tpu.memory_space<semaphore_mem>>)
        %parallel_loop3A_38 = arith.constant 0 : i32
        %parallel_loop3A_39 = arith.constant 250 : i32
        %parallel_loop3A_40 = arith.constant 1 : i32
        scf.for %parallel_loop3A_55 = %parallel_loop3A_38 to %parallel_loop3A_39 step %parallel_loop3A_40  : i32 {
          %parallel_loop3A_56 = arith.constant 16 : i32
          %parallel_loop3A_57 = arith.muli %parallel_loop3A_55, %parallel_loop3A_56 : i32
          %parallel_loop3A_58 = arith.index_cast %parallel_loop3A_57 : i32 to index
          %parallel_loop3A_59 = tpu.vector_load %arg5[%parallel_loop3A_58] {strides = array<i32>} : memref<4000xi32, #tpu.memory_space<vmem>>, vector<16xi32>,
          tpu.vector_store_idx %arg4[%parallel_loop3A_59], %broadcast_in_dim3A_1 {add = true} : memref<50176xf32, #tpu.memory_space<vmem>>[vector<16xi32>], vector<16xf32>,
        } {sc.loop_unroll_factor = 8 : i64, sc.parallel_access}
        %dma_wait3A_41 = arith.constant 0 : i32
        %dma_wait3A_42 = tpu.memref_slice %arg2[%dma_wait3A_41] : memref<1600000xi32, #tpu.memory_space<hbm>> -> memref<4000xi32, #tpu.memory_space<hbm>>
        %dma_wait3A_43 = arith.constant 0 : i32
        %dma_wait3A_44 = tpu.memref_slice %arg2[%dma_wait3A_43] : memref<1600000xi32, #tpu.memory_space<hbm>> -> memref<4000xi32, #tpu.memory_space<hbm>>
        tpu.wait_dma2 semaphore(%arg7 : memref<!tpu.dma_semaphore, #tpu.memory_space<semaphore_mem>>) src(%dma_wait3A_44 : memref<4000xi32, #tpu.memory_space<hbm>>) dst(%arg6 : memref<4000xi32, #tpu.memory_space<vmem>>)
        %add3A_45 = arith.constant 2 : i32
        %add3A_46 = arith.addi %mul3A_25, %add3A_45 : i32
        %lt3A_47 = arith.constant 8 : i32
        %lt3A_48 = arith.cmpi slt, %add3A_46, %lt3A_47 : i32
        %convert_element_type3A_49 = arith.extui %lt3A_48 : i1 to i32
        %cond3A_50 = arith.constant 0 : i32
        %cond3A_51 = arith.cmpi ne, %convert_element_type3A_49, %cond3A_50 : i32
        scf.if %cond3A_51 {
          %add3A_55 = arith.constant 2 : i32
          %add3A_56 = arith.addi %mul3A_25, %add3A_55 : i32
          %mul3A_57 = arith.constant 4000 : i32
          %mul3A_58 = arith.muli %add3A_56, %mul3A_57 : i32
          %add3A_59 = arith.addi %mul3A_5, %mul3A_58 : i32
          %add3A_60 = arith.constant 800000 : i32
          %add3A_61 = arith.addi %add3A_60, %add3A_59 : i32
          %dma_start3A_62 = tpu.memref_slice %arg2[%add3A_61] : memref<1600000xi32, #tpu.memory_space<hbm>> -> memref<4000xi32, #tpu.memory_space<hbm>>
          %dma_start3A_63 = tpu.memref_slice %arg2[%add3A_61] : memref<1600000xi32, #tpu.memory_space<hbm>> -> memref<4000xi32, #tpu.memory_space<hbm>>
          tpu.enqueue_dma source(%dma_start3A_63 : memref<4000xi32, #tpu.memory_space<hbm>>) target(%arg5 : memref<4000xi32, #tpu.memory_space<vmem>>) target_semaphore(%arg7 : memref<!tpu.dma_semaphore, #tpu.memory_space<semaphore_mem>>)
        } else {
        }
        %parallel_loop3A_52 = arith.constant 0 : i32
        %parallel_loop3A_53 = arith.constant 250 : i32
        %parallel_loop3A_54 = arith.constant 1 : i32
        scf.for %parallel_loop3A_55 = %parallel_loop3A_52 to %parallel_loop3A_53 step %parallel_loop3A_54  : i32 {
          %parallel_loop3A_56 = arith.constant 16 : i32
          %parallel_loop3A_57 = arith.muli %parallel_loop3A_55, %parallel_loop3A_56 : i32
          %parallel_loop3A_58 = arith.index_cast %parallel_loop3A_57 : i32 to index
          %parallel_loop3A_59 = tpu.vector_load %arg6[%parallel_loop3A_58] {strides = array<i32>} : memref<4000xi32, #tpu.memory_space<vmem>>, vector<16xi32>,
          tpu.vector_store_idx %arg4[%parallel_loop3A_59], %broadcast_in_dim3A_1 {add = true} : memref<50176xf32, #tpu.memory_space<vmem>>[vector<16xi32>], vector<16xf32>,
        } {sc.loop_unroll_factor = 8 : i64, sc.parallel_access}
      }
      %scan3A_18 = arith.constant 4 : i32
      %run_scoped3A = arith.constant 0 : i32
      "tpu.region"() ({
        %run_scoped3A_19 = tpu.sem_alloc : memref<!tpu.dma_semaphore, #tpu.memory_space<semaphore_mem>>
        %dma_start3A_20 = arith.constant 0 : i32
        %dma_start3A_21 = tpu.memref_slice %arg3[%add3A, %run_scoped3A, %dma_start3A_20] : memref<25x1x50176xf32, #tpu.memory_space<hbm>> -> memref<1x1x50176xf32, #tpu.memory_space<hbm>>
        %dma_start3A_22 = tpu.memref_squeeze %dma_start3A_21 : memref<1x1x50176xf32, #tpu.memory_space<hbm>> -> memref<50176xf32, #tpu.memory_space<hbm>>
        %dma_start3A_23 = arith.constant 0 : i32
        %dma_start3A_24 = tpu.memref_slice %arg3[%add3A, %run_scoped3A, %dma_start3A_23] : memref<25x1x50176xf32, #tpu.memory_space<hbm>> -> memref<1x1x50176xf32, #tpu.memory_space<hbm>>
        %dma_start3A_25 = tpu.memref_squeeze %dma_start3A_24 : memref<1x1x50176xf32, #tpu.memory_space<hbm>> -> memref<50176xf32, #tpu.memory_space<hbm>>
        tpu.enqueue_dma source(%arg4 : memref<50176xf32, #tpu.memory_space<vmem>>) target(%dma_start3A_25 : memref<50176xf32, #tpu.memory_space<hbm>>) target_semaphore(%run_scoped3A_19 : memref<!tpu.dma_semaphore, #tpu.memory_space<semaphore_mem>>)
        %dma_wait3A = arith.constant 0 : i32
        %dma_wait3A_26 = tpu.memref_slice %arg3[%add3A, %run_scoped3A, %dma_wait3A] : memref<25x1x50176xf32, #tpu.memory_space<hbm>> -> memref<1x1x50176xf32, #tpu.memory_space<hbm>>
        %dma_wait3A_27 = tpu.memref_squeeze %dma_wait3A_26 : memref<1x1x50176xf32, #tpu.memory_space<hbm>> -> memref<50176xf32, #tpu.memory_space<hbm>>
        %dma_wait3A_28 = arith.constant 0 : i32
        %dma_wait3A_29 = tpu.memref_slice %arg3[%add3A, %run_scoped3A, %dma_wait3A_28] : memref<25x1x50176xf32, #tpu.memory_space<hbm>> -> memref<1x1x50176xf32, #tpu.memory_space<hbm>>
        %dma_wait3A_30 = tpu.memref_squeeze %dma_wait3A_29 : memref<1x1x50176xf32, #tpu.memory_space<hbm>> -> memref<50176xf32, #tpu.memory_space<hbm>>
        tpu.wait_dma2 semaphore(%run_scoped3A_19 : memref<!tpu.dma_semaphore, #tpu.memory_space<semaphore_mem>>) src(%arg4 : memref<50176xf32, #tpu.memory_space<vmem>>) dst(%dma_wait3A_30 : memref<50176xf32, #tpu.memory_space<hbm>>)
        tpu.yield
      }) : () -> ()
    } else {
    }
    return
  }
}

#map = affine_map<(d0, d1) -> (0, 0)>
#map1 = affine_map<(d0, d1) -> (0)>
#map2 = affine_map<(d0, d1) -> (0, 0, 0)>
module attributes {stable_mosaic.version = 14 : i64} {
  func.func @k(%arg0: i32, %arg1: i32, %arg2: memref<48x50176xf32, #tpu.memory_space<hbm>>, %arg3: memref<1600000xi32, #tpu.memory_space<hbm>>, %arg4: memref<2x48x50176xf32, #tpu.memory_space<hbm>>, %arg5: memref<50176xf32, #tpu.memory_space<vmem>>, %arg6: memref<50176xf32, #tpu.memory_space<vmem>>, %arg7: memref<4000xi32, #tpu.memory_space<vmem>>, %arg8: memref<4000xi32, #tpu.memory_space<vmem>>, %arg9: memref<4000xi32, #tpu.memory_space<vmem>>, %arg10: memref<4000xi32, #tpu.memory_space<vmem>>, %arg11: memref<!tpu.dma_semaphore, #tpu.memory_space<semaphore_mem>>, %arg12: memref<!tpu.dma_semaphore, #tpu.memory_space<semaphore_mem>>) attributes {dimension_semantics = [#tpu.dimension_semantics<core_parallel>, #tpu.dimension_semantics<subcore_parallel>], iteration_bounds = array<i64: 2, 16>, scalar_prefetch = 0 : i64, scratch_operands = 8 : i64, tpu.core_type = #tpu.core_type<sc_vector_subcore>, window_params = [{transform_indices = #map}, {transform_indices = #map1}, {transform_indices = #map2}]} {
    %mul3A = arith.constant 2 : i32
    %mul3A_0 = arith.muli %arg1, %mul3A : i32
    %add3A = arith.addi %mul3A_0, %arg0 : i32
    %add3A_1 = arith.constant 0 : i32
    %add3A_2 = arith.addi %add3A, %add3A_1 : i32
    %jit3A = arith.constant 48 : i32
    %eq3A = arith.constant 0 : i32
    %eq3A_3 = arith.cmpi eq, %jit3A, %eq3A : i32
    %jit3A_4 = arith.constant 1 : i32
    %select_n3A = arith.select %eq3A_3, %jit3A_4, %jit3A : i32
    %rem3A = arith.remsi %add3A_2, %select_n3A : i32
    %ne3A = arith.constant 0 : i32
    %ne3A_5 = arith.cmpi ne, %rem3A, %ne3A : i32
    %lt3A = arith.constant 0 : i32
    %lt3A_6 = arith.cmpi slt, %rem3A, %lt3A : i32
    %lt3A_7 = arith.constant 0 : i32
    %lt3A_8 = arith.cmpi slt, %select_n3A, %lt3A_7 : i32
    %ne3A_9 = arith.xori %lt3A_6, %lt3A_8 : i1
    %and3A = arith.andi %ne3A_9, %ne3A_5 : i1
    %add3A_10 = arith.addi %rem3A, %select_n3A : i32
    %select_n3A_11 = arith.select %and3A, %add3A_10, %rem3A : i32
    %jit3A_12 = arith.constant 48 : i32
    %div3A = arith.divsi %add3A_2, %jit3A_12 : i32
    %sign3A = arith.constant 0 : i32
    %sign3A_13 = arith.cmpi sgt, %add3A_2, %sign3A : i32
    %sign3A_14 = arith.extui %sign3A_13 : i1 to i32
    %sign3A_15 = arith.constant 0 : i32
    %sign3A_16 = arith.cmpi slt, %add3A_2, %sign3A_15 : i32
    %sign3A_17 = arith.extui %sign3A_16 : i1 to i32
    %sign3A_18 = arith.subi %sign3A_14, %sign3A_17 : i32
    %sign3A_19 = arith.constant 0 : i32
    %sign3A_20 = arith.cmpi sgt, %jit3A_12, %sign3A_19 : i32
    %sign3A_21 = arith.extui %sign3A_20 : i1 to i32
    %sign3A_22 = arith.constant 0 : i32
    %sign3A_23 = arith.cmpi slt, %jit3A_12, %sign3A_22 : i32
    %sign3A_24 = arith.extui %sign3A_23 : i1 to i32
    %sign3A_25 = arith.subi %sign3A_21, %sign3A_24 : i32
    %ne3A_26 = arith.cmpi ne, %sign3A_18, %sign3A_25 : i32
    %rem3A_27 = arith.remsi %add3A_2, %jit3A_12 : i32
    %ne3A_28 = arith.constant 0 : i32
    %ne3A_29 = arith.cmpi ne, %rem3A_27, %ne3A_28 : i32
    %and3A_30 = arith.andi %ne3A_26, %ne3A_29 : i1
    %sub3A = arith.constant 1 : i32
    %sub3A_31 = arith.subi %div3A, %sub3A : i32
    %select_n3A_32 = arith.select %and3A_30, %sub3A_31, %div3A : i32
    %mul3A_33 = arith.constant 400000 : i32
    %mul3A_34 = arith.muli %select_n3A_32, %mul3A_33 : i32
    "tpu.region"() ({
      %run_scoped3A = tpu.sem_alloc : memref<!tpu.dma_semaphore, #tpu.memory_space<semaphore_mem>>
      %dma_start3A_173 = arith.constant 0 : i32
      %dma_start3A_174 = tpu.memref_slice %arg2[%select_n3A_11, %dma_start3A_173] : memref<48x50176xf32, #tpu.memory_space<hbm>> -> memref<1x50176xf32, #tpu.memory_space<hbm>>
      %dma_start3A_175 = tpu.memref_squeeze %dma_start3A_174 : memref<1x50176xf32, #tpu.memory_space<hbm>> -> memref<50176xf32, #tpu.memory_space<hbm>>
      %dma_start3A_176 = arith.constant 0 : i32
      %dma_start3A_177 = tpu.memref_slice %arg2[%select_n3A_11, %dma_start3A_176] : memref<48x50176xf32, #tpu.memory_space<hbm>> -> memref<1x50176xf32, #tpu.memory_space<hbm>>
      %dma_start3A_178 = tpu.memref_squeeze %dma_start3A_177 : memref<1x50176xf32, #tpu.memory_space<hbm>> -> memref<50176xf32, #tpu.memory_space<hbm>>
      tpu.enqueue_dma source(%dma_start3A_178 : memref<50176xf32, #tpu.memory_space<hbm>>) target(%arg5 : memref<50176xf32, #tpu.memory_space<vmem>>) target_semaphore(%run_scoped3A : memref<!tpu.dma_semaphore, #tpu.memory_space<semaphore_mem>>)
      %dma_wait3A = arith.constant 0 : i32
      %dma_wait3A_179 = tpu.memref_slice %arg2[%select_n3A_11, %dma_wait3A] : memref<48x50176xf32, #tpu.memory_space<hbm>> -> memref<1x50176xf32, #tpu.memory_space<hbm>>
      %dma_wait3A_180 = tpu.memref_squeeze %dma_wait3A_179 : memref<1x50176xf32, #tpu.memory_space<hbm>> -> memref<50176xf32, #tpu.memory_space<hbm>>
      %dma_wait3A_181 = arith.constant 0 : i32
      %dma_wait3A_182 = tpu.memref_slice %arg2[%select_n3A_11, %dma_wait3A_181] : memref<48x50176xf32, #tpu.memory_space<hbm>> -> memref<1x50176xf32, #tpu.memory_space<hbm>>
      %dma_wait3A_183 = tpu.memref_squeeze %dma_wait3A_182 : memref<1x50176xf32, #tpu.memory_space<hbm>> -> memref<50176xf32, #tpu.memory_space<hbm>>
      tpu.wait_dma2 semaphore(%run_scoped3A : memref<!tpu.dma_semaphore, #tpu.memory_space<semaphore_mem>>) src(%dma_wait3A_183 : memref<50176xf32, #tpu.memory_space<hbm>>) dst(%arg5 : memref<50176xf32, #tpu.memory_space<vmem>>)
      tpu.yield
    }) : () -> ()
    %broadcast_in_dim3A = arith.constant 0.000000e+00 : f32
    %broadcast_in_dim3A_35 = vector.broadcast %broadcast_in_dim3A : f32 to vector<16xf32>
    %parallel_loop3A = arith.constant 0 : i32
    %parallel_loop3A_36 = arith.constant 3136 : i32
    %parallel_loop3A_37 = arith.constant 1 : i32
    scf.for %parallel_loop3A_173 = %parallel_loop3A to %parallel_loop3A_36 step %parallel_loop3A_37  : i32 {
      %parallel_loop3A_174 = arith.constant 16 : i32
      %parallel_loop3A_175 = arith.muli %parallel_loop3A_173, %parallel_loop3A_174 : i32
      %parallel_loop3A_176 = arith.index_cast %parallel_loop3A_175 : i32 to index
      %parallel_loop3A_177 = tpu.vector_load %arg6[%parallel_loop3A_176] {strides = array<i32>} : memref<50176xf32, #tpu.memory_space<vmem>>, vector<16xf32>,
      tpu.vector_store %arg6[%parallel_loop3A_176], %broadcast_in_dim3A_35 {strides = array<i32>} : memref<50176xf32, #tpu.memory_space<vmem>>, vector<16xf32>,
    } {sc.loop_unroll_factor = 8 : i64, sc.parallel_access}
    %add3A_38 = arith.constant 0 : i32
    %add3A_39 = arith.addi %mul3A_34, %add3A_38 : i32
    %dma_start3A = tpu.memref_slice %arg3[%add3A_39] : memref<1600000xi32, #tpu.memory_space<hbm>> -> memref<4000xi32, #tpu.memory_space<hbm>>
    %dma_start3A_40 = tpu.memref_slice %arg3[%add3A_39] : memref<1600000xi32, #tpu.memory_space<hbm>> -> memref<4000xi32, #tpu.memory_space<hbm>>
    tpu.enqueue_dma source(%dma_start3A_40 : memref<4000xi32, #tpu.memory_space<hbm>>) target(%arg7 : memref<4000xi32, #tpu.memory_space<vmem>>) target_semaphore(%arg11 : memref<!tpu.dma_semaphore, #tpu.memory_space<semaphore_mem>>)
    %add3A_41 = arith.constant 800000 : i32
    %add3A_42 = arith.addi %add3A_41, %add3A_39 : i32
    %dma_start3A_43 = tpu.memref_slice %arg3[%add3A_42] : memref<1600000xi32, #tpu.memory_space<hbm>> -> memref<4000xi32, #tpu.memory_space<hbm>>
    %dma_start3A_44 = tpu.memref_slice %arg3[%add3A_42] : memref<1600000xi32, #tpu.memory_space<hbm>> -> memref<4000xi32, #tpu.memory_space<hbm>>
    tpu.enqueue_dma source(%dma_start3A_44 : memref<4000xi32, #tpu.memory_space<hbm>>) target(%arg9 : memref<4000xi32, #tpu.memory_space<vmem>>) target_semaphore(%arg12 : memref<!tpu.dma_semaphore, #tpu.memory_space<semaphore_mem>>)
    %scan3A = arith.constant 0 : i32
    %scan3A_45 = arith.constant 50 : i32
    %scan3A_46 = arith.addi %scan3A, %scan3A_45 : i32
    %scan3A_47 = arith.constant 1 : i32
    scf.for %scan3A_173 = %scan3A to %scan3A_46 step %scan3A_47  : i32 {
      %mul3A_174 = arith.constant 1 : i32
      %mul3A_175 = arith.muli %scan3A_173, %mul3A_174 : i32
      %add3A_176 = arith.constant 0 : i32
      %add3A_177 = arith.addi %add3A_176, %mul3A_175 : i32
      %mul3A_178 = arith.constant 2 : i32
      %mul3A_179 = arith.muli %add3A_177, %mul3A_178 : i32
      %dma_wait3A = arith.constant 0 : i32
      %dma_wait3A_180 = tpu.memref_slice %arg3[%dma_wait3A] : memref<1600000xi32, #tpu.memory_space<hbm>> -> memref<4000xi32, #tpu.memory_space<hbm>>
      %dma_wait3A_181 = arith.constant 0 : i32
      %dma_wait3A_182 = tpu.memref_slice %arg3[%dma_wait3A_181] : memref<1600000xi32, #tpu.memory_space<hbm>> -> memref<4000xi32, #tpu.memory_space<hbm>>
      tpu.wait_dma2 semaphore(%arg11 : memref<!tpu.dma_semaphore, #tpu.memory_space<semaphore_mem>>) src(%dma_wait3A_182 : memref<4000xi32, #tpu.memory_space<hbm>>) dst(%arg7 : memref<4000xi32, #tpu.memory_space<vmem>>)
      %dma_wait3A_183 = arith.constant 0 : i32
      %dma_wait3A_184 = tpu.memref_slice %arg3[%dma_wait3A_183] : memref<1600000xi32, #tpu.memory_space<hbm>> -> memref<4000xi32, #tpu.memory_space<hbm>>
      %dma_wait3A_185 = arith.constant 0 : i32
      %dma_wait3A_186 = tpu.memref_slice %arg3[%dma_wait3A_185] : memref<1600000xi32, #tpu.memory_space<hbm>> -> memref<4000xi32, #tpu.memory_space<hbm>>
      tpu.wait_dma2 semaphore(%arg12 : memref<!tpu.dma_semaphore, #tpu.memory_space<semaphore_mem>>) src(%dma_wait3A_186 : memref<4000xi32, #tpu.memory_space<hbm>>) dst(%arg9 : memref<4000xi32, #tpu.memory_space<vmem>>)
      %add3A_187 = arith.constant 1 : i32
      %add3A_188 = arith.addi %mul3A_179, %add3A_187 : i32
      %mul3A_189 = arith.constant 4000 : i32
      %mul3A_190 = arith.muli %add3A_188, %mul3A_189 : i32
      %add3A_191 = arith.addi %mul3A_34, %mul3A_190 : i32
      %dma_start3A_192 = tpu.memref_slice %arg3[%add3A_191] : memref<1600000xi32, #tpu.memory_space<hbm>> -> memref<4000xi32, #tpu.memory_space<hbm>>
      %dma_start3A_193 = tpu.memref_slice %arg3[%add3A_191] : memref<1600000xi32, #tpu.memory_space<hbm>> -> memref<4000xi32, #tpu.memory_space<hbm>>
      tpu.enqueue_dma source(%dma_start3A_193 : memref<4000xi32, #tpu.memory_space<hbm>>) target(%arg8 : memref<4000xi32, #tpu.memory_space<vmem>>) target_semaphore(%arg11 : memref<!tpu.dma_semaphore, #tpu.memory_space<semaphore_mem>>)
      %add3A_194 = arith.constant 800000 : i32
      %add3A_195 = arith.addi %add3A_194, %add3A_191 : i32
      %dma_start3A_196 = tpu.memref_slice %arg3[%add3A_195] : memref<1600000xi32, #tpu.memory_space<hbm>> -> memref<4000xi32, #tpu.memory_space<hbm>>
      %dma_start3A_197 = tpu.memref_slice %arg3[%add3A_195] : memref<1600000xi32, #tpu.memory_space<hbm>> -> memref<4000xi32, #tpu.memory_space<hbm>>
      tpu.enqueue_dma source(%dma_start3A_197 : memref<4000xi32, #tpu.memory_space<hbm>>) target(%arg10 : memref<4000xi32, #tpu.memory_space<vmem>>) target_semaphore(%arg12 : memref<!tpu.dma_semaphore, #tpu.memory_space<semaphore_mem>>)
      %parallel_loop3A_198 = arith.constant 0 : i32
      %parallel_loop3A_199 = arith.constant 250 : i32
      %parallel_loop3A_200 = arith.constant 1 : i32
      scf.for %parallel_loop3A_217 = %parallel_loop3A_198 to %parallel_loop3A_199 step %parallel_loop3A_200  : i32 {
        %parallel_loop3A_218 = arith.constant 16 : i32
        %parallel_loop3A_219 = arith.muli %parallel_loop3A_217, %parallel_loop3A_218 : i32
        %parallel_loop3A_220 = arith.index_cast %parallel_loop3A_219 : i32 to index
        %parallel_loop3A_221 = tpu.vector_load %arg7[%parallel_loop3A_220] {strides = array<i32>} : memref<4000xi32, #tpu.memory_space<vmem>>, vector<16xi32>,
        %parallel_loop3A_222 = arith.index_cast %parallel_loop3A_219 : i32 to index
        %parallel_loop3A_223 = tpu.vector_load %arg9[%parallel_loop3A_222] {strides = array<i32>} : memref<4000xi32, #tpu.memory_space<vmem>>, vector<16xi32>,
        %parallel_loop3A_224 = tpu.vector_load_idx %arg5[%parallel_loop3A_221] : memref<50176xf32, #tpu.memory_space<vmem>>[vector<16xi32>], vector<16xf32>,
        tpu.vector_store_idx %arg6[%parallel_loop3A_223], %parallel_loop3A_224 {add = true} : memref<50176xf32, #tpu.memory_space<vmem>>[vector<16xi32>], vector<16xf32>,
      } {sc.loop_unroll_factor = 8 : i64, sc.parallel_access}
      %dma_wait3A_201 = arith.constant 0 : i32
      %dma_wait3A_202 = tpu.memref_slice %arg3[%dma_wait3A_201] : memref<1600000xi32, #tpu.memory_space<hbm>> -> memref<4000xi32, #tpu.memory_space<hbm>>
      %dma_wait3A_203 = arith.constant 0 : i32
      %dma_wait3A_204 = tpu.memref_slice %arg3[%dma_wait3A_203] : memref<1600000xi32, #tpu.memory_space<hbm>> -> memref<4000xi32, #tpu.memory_space<hbm>>
      tpu.wait_dma2 semaphore(%arg11 : memref<!tpu.dma_semaphore, #tpu.memory_space<semaphore_mem>>) src(%dma_wait3A_204 : memref<4000xi32, #tpu.memory_space<hbm>>) dst(%arg8 : memref<4000xi32, #tpu.memory_space<vmem>>)
      %dma_wait3A_205 = arith.constant 0 : i32
      %dma_wait3A_206 = tpu.memref_slice %arg3[%dma_wait3A_205] : memref<1600000xi32, #tpu.memory_space<hbm>> -> memref<4000xi32, #tpu.memory_space<hbm>>
      %dma_wait3A_207 = arith.constant 0 : i32
      %dma_wait3A_208 = tpu.memref_slice %arg3[%dma_wait3A_207] : memref<1600000xi32, #tpu.memory_space<hbm>> -> memref<4000xi32, #tpu.memory_space<hbm>>
      tpu.wait_dma2 semaphore(%arg12 : memref<!tpu.dma_semaphore, #tpu.memory_space<semaphore_mem>>) src(%dma_wait3A_208 : memref<4000xi32, #tpu.memory_space<hbm>>) dst(%arg10 : memref<4000xi32, #tpu.memory_space<vmem>>)
      %add3A_209 = arith.constant 2 : i32
      %add3A_210 = arith.addi %mul3A_179, %add3A_209 : i32
      %lt3A_211 = arith.constant 100 : i32
      %lt3A_212 = arith.cmpi slt, %add3A_210, %lt3A_211 : i32
      %convert_element_type3A = arith.extui %lt3A_212 : i1 to i32
      %cond3A = arith.constant 0 : i32
      %cond3A_213 = arith.cmpi ne, %convert_element_type3A, %cond3A : i32
      scf.if %cond3A_213 {
        %add3A_217 = arith.constant 2 : i32
        %add3A_218 = arith.addi %mul3A_179, %add3A_217 : i32
        %mul3A_219 = arith.constant 4000 : i32
        %mul3A_220 = arith.muli %add3A_218, %mul3A_219 : i32
        %add3A_221 = arith.addi %mul3A_34, %mul3A_220 : i32
        %dma_start3A_222 = tpu.memref_slice %arg3[%add3A_221] : memref<1600000xi32, #tpu.memory_space<hbm>> -> memref<4000xi32, #tpu.memory_space<hbm>>
        %dma_start3A_223 = tpu.memref_slice %arg3[%add3A_221] : memref<1600000xi32, #tpu.memory_space<hbm>> -> memref<4000xi32, #tpu.memory_space<hbm>>
        tpu.enqueue_dma source(%dma_start3A_223 : memref<4000xi32, #tpu.memory_space<hbm>>) target(%arg7 : memref<4000xi32, #tpu.memory_space<vmem>>) target_semaphore(%arg11 : memref<!tpu.dma_semaphore, #tpu.memory_space<semaphore_mem>>)
        %add3A_224 = arith.constant 800000 : i32
        %add3A_225 = arith.addi %add3A_224, %add3A_221 : i32
        %dma_start3A_226 = tpu.memref_slice %arg3[%add3A_225] : memref<1600000xi32, #tpu.memory_space<hbm>> -> memref<4000xi32, #tpu.memory_space<hbm>>
        %dma_start3A_227 = tpu.memref_slice %arg3[%add3A_225] : memref<1600000xi32, #tpu.memory_space<hbm>> -> memref<4000xi32, #tpu.memory_space<hbm>>
        tpu.enqueue_dma source(%dma_start3A_227 : memref<4000xi32, #tpu.memory_space<hbm>>) target(%arg9 : memref<4000xi32, #tpu.memory_space<vmem>>) target_semaphore(%arg12 : memref<!tpu.dma_semaphore, #tpu.memory_space<semaphore_mem>>)
      } else {
      }
      %parallel_loop3A_214 = arith.constant 0 : i32
      %parallel_loop3A_215 = arith.constant 250 : i32
      %parallel_loop3A_216 = arith.constant 1 : i32
      scf.for %parallel_loop3A_217 = %parallel_loop3A_214 to %parallel_loop3A_215 step %parallel_loop3A_216  : i32 {
        %parallel_loop3A_218 = arith.constant 16 : i32
        %parallel_loop3A_219 = arith.muli %parallel_loop3A_217, %parallel_loop3A_218 : i32
        %parallel_loop3A_220 = arith.index_cast %parallel_loop3A_219 : i32 to index
        %parallel_loop3A_221 = tpu.vector_load %arg8[%parallel_loop3A_220] {strides = array<i32>} : memref<4000xi32, #tpu.memory_space<vmem>>, vector<16xi32>,
        %parallel_loop3A_222 = arith.index_cast %parallel_loop3A_219 : i32 to index
        %parallel_loop3A_223 = tpu.vector_load %arg10[%parallel_loop3A_222] {strides = array<i32>} : memref<4000xi32, #tpu.memory_space<vmem>>, vector<16xi32>,
        %parallel_loop3A_224 = tpu.vector_load_idx %arg5[%parallel_loop3A_221] : memref<50176xf32, #tpu.memory_space<vmem>>[vector<16xi32>], vector<16xf32>,
        tpu.vector_store_idx %arg6[%parallel_loop3A_223], %parallel_loop3A_224 {add = true} : memref<50176xf32, #tpu.memory_space<vmem>>[vector<16xi32>], vector<16xf32>,
      } {sc.loop_unroll_factor = 8 : i64, sc.parallel_access}
    }
    %scan3A_48 = arith.constant 50 : i32
    "tpu.region"() ({
      %run_scoped3A = tpu.sem_alloc : memref<!tpu.dma_semaphore, #tpu.memory_space<semaphore_mem>>
      %dma_start3A_173 = arith.constant 0 : i32
      %dma_start3A_174 = tpu.memref_slice %arg4[%select_n3A_32, %select_n3A_11, %dma_start3A_173] : memref<2x48x50176xf32, #tpu.memory_space<hbm>> -> memref<1x1x50176xf32, #tpu.memory_space<hbm>>
      %dma_start3A_175 = tpu.memref_squeeze %dma_start3A_174 : memref<1x1x50176xf32, #tpu.memory_space<hbm>> -> memref<50176xf32, #tpu.memory_space<hbm>>
      %dma_start3A_176 = arith.constant 0 : i32
      %dma_start3A_177 = tpu.memref_slice %arg4[%select_n3A_32, %select_n3A_11, %dma_start3A_176] : memref<2x48x50176xf32, #tpu.memory_space<hbm>> -> memref<1x1x50176xf32, #tpu.memory_space<hbm>>
      %dma_start3A_178 = tpu.memref_squeeze %dma_start3A_177 : memref<1x1x50176xf32, #tpu.memory_space<hbm>> -> memref<50176xf32, #tpu.memory_space<hbm>>
      tpu.enqueue_dma source(%arg6 : memref<50176xf32, #tpu.memory_space<vmem>>) target(%dma_start3A_178 : memref<50176xf32, #tpu.memory_space<hbm>>) target_semaphore(%run_scoped3A : memref<!tpu.dma_semaphore, #tpu.memory_space<semaphore_mem>>)
      %dma_wait3A = arith.constant 0 : i32
      %dma_wait3A_179 = tpu.memref_slice %arg4[%select_n3A_32, %select_n3A_11, %dma_wait3A] : memref<2x48x50176xf32, #tpu.memory_space<hbm>> -> memref<1x1x50176xf32, #tpu.memory_space<hbm>>
      %dma_wait3A_180 = tpu.memref_squeeze %dma_wait3A_179 : memref<1x1x50176xf32, #tpu.memory_space<hbm>> -> memref<50176xf32, #tpu.memory_space<hbm>>
      %dma_wait3A_181 = arith.constant 0 : i32
      %dma_wait3A_182 = tpu.memref_slice %arg4[%select_n3A_32, %select_n3A_11, %dma_wait3A_181] : memref<2x48x50176xf32, #tpu.memory_space<hbm>> -> memref<1x1x50176xf32, #tpu.memory_space<hbm>>
      %dma_wait3A_183 = tpu.memref_squeeze %dma_wait3A_182 : memref<1x1x50176xf32, #tpu.memory_space<hbm>> -> memref<50176xf32, #tpu.memory_space<hbm>>
      tpu.wait_dma2 semaphore(%run_scoped3A : memref<!tpu.dma_semaphore, #tpu.memory_space<semaphore_mem>>) src(%arg6 : memref<50176xf32, #tpu.memory_space<vmem>>) dst(%dma_wait3A_183 : memref<50176xf32, #tpu.memory_space<hbm>>)
      tpu.yield
    }) : () -> ()
    %add3A_49 = arith.constant 32 : i32
    %add3A_50 = arith.addi %add3A, %add3A_49 : i32
    %jit3A_51 = arith.constant 48 : i32
    %eq3A_52 = arith.constant 0 : i32
    %eq3A_53 = arith.cmpi eq, %jit3A_51, %eq3A_52 : i32
    %jit3A_54 = arith.constant 1 : i32
    %select_n3A_55 = arith.select %eq3A_53, %jit3A_54, %jit3A_51 : i32
    %rem3A_56 = arith.remsi %add3A_50, %select_n3A_55 : i32
    %ne3A_57 = arith.constant 0 : i32
    %ne3A_58 = arith.cmpi ne, %rem3A_56, %ne3A_57 : i32
    %lt3A_59 = arith.constant 0 : i32
    %lt3A_60 = arith.cmpi slt, %rem3A_56, %lt3A_59 : i32
    %lt3A_61 = arith.constant 0 : i32
    %lt3A_62 = arith.cmpi slt, %select_n3A_55, %lt3A_61 : i32
    %ne3A_63 = arith.xori %lt3A_60, %lt3A_62 : i1
    %and3A_64 = arith.andi %ne3A_63, %ne3A_58 : i1
    %add3A_65 = arith.addi %rem3A_56, %select_n3A_55 : i32
    %select_n3A_66 = arith.select %and3A_64, %add3A_65, %rem3A_56 : i32
    %jit3A_67 = arith.constant 48 : i32
    %div3A_68 = arith.divsi %add3A_50, %jit3A_67 : i32
    %sign3A_69 = arith.constant 0 : i32
    %sign3A_70 = arith.cmpi sgt, %add3A_50, %sign3A_69 : i32
    %sign3A_71 = arith.extui %sign3A_70 : i1 to i32
    %sign3A_72 = arith.constant 0 : i32
    %sign3A_73 = arith.cmpi slt, %add3A_50, %sign3A_72 : i32
    %sign3A_74 = arith.extui %sign3A_73 : i1 to i32
    %sign3A_75 = arith.subi %sign3A_71, %sign3A_74 : i32
    %sign3A_76 = arith.constant 0 : i32
    %sign3A_77 = arith.cmpi sgt, %jit3A_67, %sign3A_76 : i32
    %sign3A_78 = arith.extui %sign3A_77 : i1 to i32
    %sign3A_79 = arith.constant 0 : i32
    %sign3A_80 = arith.cmpi slt, %jit3A_67, %sign3A_79 : i32
    %sign3A_81 = arith.extui %sign3A_80 : i1 to i32
    %sign3A_82 = arith.subi %sign3A_78, %sign3A_81 : i32
    %ne3A_83 = arith.cmpi ne, %sign3A_75, %sign3A_82 : i32
    %rem3A_84 = arith.remsi %add3A_50, %jit3A_67 : i32
    %ne3A_85 = arith.constant 0 : i32
    %ne3A_86 = arith.cmpi ne, %rem3A_84, %ne3A_85 : i32
    %and3A_87 = arith.andi %ne3A_83, %ne3A_86 : i1
    %sub3A_88 = arith.constant 1 : i32
    %sub3A_89 = arith.subi %div3A_68, %sub3A_88 : i32
    %select_n3A_90 = arith.select %and3A_87, %sub3A_89, %div3A_68 : i32
    %mul3A_91 = arith.constant 400000 : i32
    %mul3A_92 = arith.muli %select_n3A_90, %mul3A_91 : i32
    "tpu.region"() ({
      %run_scoped3A = tpu.sem_alloc : memref<!tpu.dma_semaphore, #tpu.memory_space<semaphore_mem>>
      %dma_start3A_173 = arith.constant 0 : i32
      %dma_start3A_174 = tpu.memref_slice %arg2[%select_n3A_66, %dma_start3A_173] : memref<48x50176xf32, #tpu.memory_space<hbm>> -> memref<1x50176xf32, #tpu.memory_space<hbm>>
      %dma_start3A_175 = tpu.memref_squeeze %dma_start3A_174 : memref<1x50176xf32, #tpu.memory_space<hbm>> -> memref<50176xf32, #tpu.memory_space<hbm>>
      %dma_start3A_176 = arith.constant 0 : i32
      %dma_start3A_177 = tpu.memref_slice %arg2[%select_n3A_66, %dma_start3A_176] : memref<48x50176xf32, #tpu.memory_space<hbm>> -> memref<1x50176xf32, #tpu.memory_space<hbm>>
      %dma_start3A_178 = tpu.memref_squeeze %dma_start3A_177 : memref<1x50176xf32, #tpu.memory_space<hbm>> -> memref<50176xf32, #tpu.memory_space<hbm>>
      tpu.enqueue_dma source(%dma_start3A_178 : memref<50176xf32, #tpu.memory_space<hbm>>) target(%arg5 : memref<50176xf32, #tpu.memory_space<vmem>>) target_semaphore(%run_scoped3A : memref<!tpu.dma_semaphore, #tpu.memory_space<semaphore_mem>>)
      %dma_wait3A = arith.constant 0 : i32
      %dma_wait3A_179 = tpu.memref_slice %arg2[%select_n3A_66, %dma_wait3A] : memref<48x50176xf32, #tpu.memory_space<hbm>> -> memref<1x50176xf32, #tpu.memory_space<hbm>>
      %dma_wait3A_180 = tpu.memref_squeeze %dma_wait3A_179 : memref<1x50176xf32, #tpu.memory_space<hbm>> -> memref<50176xf32, #tpu.memory_space<hbm>>
      %dma_wait3A_181 = arith.constant 0 : i32
      %dma_wait3A_182 = tpu.memref_slice %arg2[%select_n3A_66, %dma_wait3A_181] : memref<48x50176xf32, #tpu.memory_space<hbm>> -> memref<1x50176xf32, #tpu.memory_space<hbm>>
      %dma_wait3A_183 = tpu.memref_squeeze %dma_wait3A_182 : memref<1x50176xf32, #tpu.memory_space<hbm>> -> memref<50176xf32, #tpu.memory_space<hbm>>
      tpu.wait_dma2 semaphore(%run_scoped3A : memref<!tpu.dma_semaphore, #tpu.memory_space<semaphore_mem>>) src(%dma_wait3A_183 : memref<50176xf32, #tpu.memory_space<hbm>>) dst(%arg5 : memref<50176xf32, #tpu.memory_space<vmem>>)
      tpu.yield
    }) : () -> ()
    %broadcast_in_dim3A_93 = arith.constant 0.000000e+00 : f32
    %broadcast_in_dim3A_94 = vector.broadcast %broadcast_in_dim3A_93 : f32 to vector<16xf32>
    %parallel_loop3A_95 = arith.constant 0 : i32
    %parallel_loop3A_96 = arith.constant 3136 : i32
    %parallel_loop3A_97 = arith.constant 1 : i32
    scf.for %parallel_loop3A_173 = %parallel_loop3A_95 to %parallel_loop3A_96 step %parallel_loop3A_97  : i32 {
      %parallel_loop3A_174 = arith.constant 16 : i32
      %parallel_loop3A_175 = arith.muli %parallel_loop3A_173, %parallel_loop3A_174 : i32
      %parallel_loop3A_176 = arith.index_cast %parallel_loop3A_175 : i32 to index
      %parallel_loop3A_177 = tpu.vector_load %arg6[%parallel_loop3A_176] {strides = array<i32>} : memref<50176xf32, #tpu.memory_space<vmem>>, vector<16xf32>,
      tpu.vector_store %arg6[%parallel_loop3A_176], %broadcast_in_dim3A_94 {strides = array<i32>} : memref<50176xf32, #tpu.memory_space<vmem>>, vector<16xf32>,
    } {sc.loop_unroll_factor = 8 : i64, sc.parallel_access}
    %add3A_98 = arith.constant 0 : i32
    %add3A_99 = arith.addi %mul3A_92, %add3A_98 : i32
    %dma_start3A_100 = tpu.memref_slice %arg3[%add3A_99] : memref<1600000xi32, #tpu.memory_space<hbm>> -> memref<4000xi32, #tpu.memory_space<hbm>>
    %dma_start3A_101 = tpu.memref_slice %arg3[%add3A_99] : memref<1600000xi32, #tpu.memory_space<hbm>> -> memref<4000xi32, #tpu.memory_space<hbm>>
    tpu.enqueue_dma source(%dma_start3A_101 : memref<4000xi32, #tpu.memory_space<hbm>>) target(%arg7 : memref<4000xi32, #tpu.memory_space<vmem>>) target_semaphore(%arg11 : memref<!tpu.dma_semaphore, #tpu.memory_space<semaphore_mem>>)
    %add3A_102 = arith.constant 800000 : i32
    %add3A_103 = arith.addi %add3A_102, %add3A_99 : i32
    %dma_start3A_104 = tpu.memref_slice %arg3[%add3A_103] : memref<1600000xi32, #tpu.memory_space<hbm>> -> memref<4000xi32, #tpu.memory_space<hbm>>
    %dma_start3A_105 = tpu.memref_slice %arg3[%add3A_103] : memref<1600000xi32, #tpu.memory_space<hbm>> -> memref<4000xi32, #tpu.memory_space<hbm>>
    tpu.enqueue_dma source(%dma_start3A_105 : memref<4000xi32, #tpu.memory_space<hbm>>) target(%arg9 : memref<4000xi32, #tpu.memory_space<vmem>>) target_semaphore(%arg12 : memref<!tpu.dma_semaphore, #tpu.memory_space<semaphore_mem>>)
    %scan3A_106 = arith.constant 0 : i32
    %scan3A_107 = arith.constant 50 : i32
    %scan3A_108 = arith.addi %scan3A_106, %scan3A_107 : i32
    %scan3A_109 = arith.constant 1 : i32
    scf.for %scan3A_173 = %scan3A_106 to %scan3A_108 step %scan3A_109  : i32 {
      %mul3A_174 = arith.constant 1 : i32
      %mul3A_175 = arith.muli %scan3A_173, %mul3A_174 : i32
      %add3A_176 = arith.constant 0 : i32
      %add3A_177 = arith.addi %add3A_176, %mul3A_175 : i32
      %mul3A_178 = arith.constant 2 : i32
      %mul3A_179 = arith.muli %add3A_177, %mul3A_178 : i32
      %dma_wait3A = arith.constant 0 : i32
      %dma_wait3A_180 = tpu.memref_slice %arg3[%dma_wait3A] : memref<1600000xi32, #tpu.memory_space<hbm>> -> memref<4000xi32, #tpu.memory_space<hbm>>
      %dma_wait3A_181 = arith.constant 0 : i32
      %dma_wait3A_182 = tpu.memref_slice %arg3[%dma_wait3A_181] : memref<1600000xi32, #tpu.memory_space<hbm>> -> memref<4000xi32, #tpu.memory_space<hbm>>
      tpu.wait_dma2 semaphore(%arg11 : memref<!tpu.dma_semaphore, #tpu.memory_space<semaphore_mem>>) src(%dma_wait3A_182 : memref<4000xi32, #tpu.memory_space<hbm>>) dst(%arg7 : memref<4000xi32, #tpu.memory_space<vmem>>)
      %dma_wait3A_183 = arith.constant 0 : i32
      %dma_wait3A_184 = tpu.memref_slice %arg3[%dma_wait3A_183] : memref<1600000xi32, #tpu.memory_space<hbm>> -> memref<4000xi32, #tpu.memory_space<hbm>>
      %dma_wait3A_185 = arith.constant 0 : i32
      %dma_wait3A_186 = tpu.memref_slice %arg3[%dma_wait3A_185] : memref<1600000xi32, #tpu.memory_space<hbm>> -> memref<4000xi32, #tpu.memory_space<hbm>>
      tpu.wait_dma2 semaphore(%arg12 : memref<!tpu.dma_semaphore, #tpu.memory_space<semaphore_mem>>) src(%dma_wait3A_186 : memref<4000xi32, #tpu.memory_space<hbm>>) dst(%arg9 : memref<4000xi32, #tpu.memory_space<vmem>>)
      %add3A_187 = arith.constant 1 : i32
      %add3A_188 = arith.addi %mul3A_179, %add3A_187 : i32
      %mul3A_189 = arith.constant 4000 : i32
      %mul3A_190 = arith.muli %add3A_188, %mul3A_189 : i32
      %add3A_191 = arith.addi %mul3A_92, %mul3A_190 : i32
      %dma_start3A_192 = tpu.memref_slice %arg3[%add3A_191] : memref<1600000xi32, #tpu.memory_space<hbm>> -> memref<4000xi32, #tpu.memory_space<hbm>>
      %dma_start3A_193 = tpu.memref_slice %arg3[%add3A_191] : memref<1600000xi32, #tpu.memory_space<hbm>> -> memref<4000xi32, #tpu.memory_space<hbm>>
      tpu.enqueue_dma source(%dma_start3A_193 : memref<4000xi32, #tpu.memory_space<hbm>>) target(%arg8 : memref<4000xi32, #tpu.memory_space<vmem>>) target_semaphore(%arg11 : memref<!tpu.dma_semaphore, #tpu.memory_space<semaphore_mem>>)
      %add3A_194 = arith.constant 800000 : i32
      %add3A_195 = arith.addi %add3A_194, %add3A_191 : i32
      %dma_start3A_196 = tpu.memref_slice %arg3[%add3A_195] : memref<1600000xi32, #tpu.memory_space<hbm>> -> memref<4000xi32, #tpu.memory_space<hbm>>
      %dma_start3A_197 = tpu.memref_slice %arg3[%add3A_195] : memref<1600000xi32, #tpu.memory_space<hbm>> -> memref<4000xi32, #tpu.memory_space<hbm>>
      tpu.enqueue_dma source(%dma_start3A_197 : memref<4000xi32, #tpu.memory_space<hbm>>) target(%arg10 : memref<4000xi32, #tpu.memory_space<vmem>>) target_semaphore(%arg12 : memref<!tpu.dma_semaphore, #tpu.memory_space<semaphore_mem>>)
      %parallel_loop3A_198 = arith.constant 0 : i32
      %parallel_loop3A_199 = arith.constant 250 : i32
      %parallel_loop3A_200 = arith.constant 1 : i32
      scf.for %parallel_loop3A_217 = %parallel_loop3A_198 to %parallel_loop3A_199 step %parallel_loop3A_200  : i32 {
        %parallel_loop3A_218 = arith.constant 16 : i32
        %parallel_loop3A_219 = arith.muli %parallel_loop3A_217, %parallel_loop3A_218 : i32
        %parallel_loop3A_220 = arith.index_cast %parallel_loop3A_219 : i32 to index
        %parallel_loop3A_221 = tpu.vector_load %arg7[%parallel_loop3A_220] {strides = array<i32>} : memref<4000xi32, #tpu.memory_space<vmem>>, vector<16xi32>,
        %parallel_loop3A_222 = arith.index_cast %parallel_loop3A_219 : i32 to index
        %parallel_loop3A_223 = tpu.vector_load %arg9[%parallel_loop3A_222] {strides = array<i32>} : memref<4000xi32, #tpu.memory_space<vmem>>, vector<16xi32>,
        %parallel_loop3A_224 = tpu.vector_load_idx %arg5[%parallel_loop3A_221] : memref<50176xf32, #tpu.memory_space<vmem>>[vector<16xi32>], vector<16xf32>,
        tpu.vector_store_idx %arg6[%parallel_loop3A_223], %parallel_loop3A_224 {add = true} : memref<50176xf32, #tpu.memory_space<vmem>>[vector<16xi32>], vector<16xf32>,
      } {sc.loop_unroll_factor = 8 : i64, sc.parallel_access}
      %dma_wait3A_201 = arith.constant 0 : i32
      %dma_wait3A_202 = tpu.memref_slice %arg3[%dma_wait3A_201] : memref<1600000xi32, #tpu.memory_space<hbm>> -> memref<4000xi32, #tpu.memory_space<hbm>>
      %dma_wait3A_203 = arith.constant 0 : i32
      %dma_wait3A_204 = tpu.memref_slice %arg3[%dma_wait3A_203] : memref<1600000xi32, #tpu.memory_space<hbm>> -> memref<4000xi32, #tpu.memory_space<hbm>>
      tpu.wait_dma2 semaphore(%arg11 : memref<!tpu.dma_semaphore, #tpu.memory_space<semaphore_mem>>) src(%dma_wait3A_204 : memref<4000xi32, #tpu.memory_space<hbm>>) dst(%arg8 : memref<4000xi32, #tpu.memory_space<vmem>>)
      %dma_wait3A_205 = arith.constant 0 : i32
      %dma_wait3A_206 = tpu.memref_slice %arg3[%dma_wait3A_205] : memref<1600000xi32, #tpu.memory_space<hbm>> -> memref<4000xi32, #tpu.memory_space<hbm>>
      %dma_wait3A_207 = arith.constant 0 : i32
      %dma_wait3A_208 = tpu.memref_slice %arg3[%dma_wait3A_207] : memref<1600000xi32, #tpu.memory_space<hbm>> -> memref<4000xi32, #tpu.memory_space<hbm>>
      tpu.wait_dma2 semaphore(%arg12 : memref<!tpu.dma_semaphore, #tpu.memory_space<semaphore_mem>>) src(%dma_wait3A_208 : memref<4000xi32, #tpu.memory_space<hbm>>) dst(%arg10 : memref<4000xi32, #tpu.memory_space<vmem>>)
      %add3A_209 = arith.constant 2 : i32
      %add3A_210 = arith.addi %mul3A_179, %add3A_209 : i32
      %lt3A_211 = arith.constant 100 : i32
      %lt3A_212 = arith.cmpi slt, %add3A_210, %lt3A_211 : i32
      %convert_element_type3A = arith.extui %lt3A_212 : i1 to i32
      %cond3A = arith.constant 0 : i32
      %cond3A_213 = arith.cmpi ne, %convert_element_type3A, %cond3A : i32
      scf.if %cond3A_213 {
        %add3A_217 = arith.constant 2 : i32
        %add3A_218 = arith.addi %mul3A_179, %add3A_217 : i32
        %mul3A_219 = arith.constant 4000 : i32
        %mul3A_220 = arith.muli %add3A_218, %mul3A_219 : i32
        %add3A_221 = arith.addi %mul3A_92, %mul3A_220 : i32
        %dma_start3A_222 = tpu.memref_slice %arg3[%add3A_221] : memref<1600000xi32, #tpu.memory_space<hbm>> -> memref<4000xi32, #tpu.memory_space<hbm>>
        %dma_start3A_223 = tpu.memref_slice %arg3[%add3A_221] : memref<1600000xi32, #tpu.memory_space<hbm>> -> memref<4000xi32, #tpu.memory_space<hbm>>
        tpu.enqueue_dma source(%dma_start3A_223 : memref<4000xi32, #tpu.memory_space<hbm>>) target(%arg7 : memref<4000xi32, #tpu.memory_space<vmem>>) target_semaphore(%arg11 : memref<!tpu.dma_semaphore, #tpu.memory_space<semaphore_mem>>)
        %add3A_224 = arith.constant 800000 : i32
        %add3A_225 = arith.addi %add3A_224, %add3A_221 : i32
        %dma_start3A_226 = tpu.memref_slice %arg3[%add3A_225] : memref<1600000xi32, #tpu.memory_space<hbm>> -> memref<4000xi32, #tpu.memory_space<hbm>>
        %dma_start3A_227 = tpu.memref_slice %arg3[%add3A_225] : memref<1600000xi32, #tpu.memory_space<hbm>> -> memref<4000xi32, #tpu.memory_space<hbm>>
        tpu.enqueue_dma source(%dma_start3A_227 : memref<4000xi32, #tpu.memory_space<hbm>>) target(%arg9 : memref<4000xi32, #tpu.memory_space<vmem>>) target_semaphore(%arg12 : memref<!tpu.dma_semaphore, #tpu.memory_space<semaphore_mem>>)
      } else {
      }
      %parallel_loop3A_214 = arith.constant 0 : i32
      %parallel_loop3A_215 = arith.constant 250 : i32
      %parallel_loop3A_216 = arith.constant 1 : i32
      scf.for %parallel_loop3A_217 = %parallel_loop3A_214 to %parallel_loop3A_215 step %parallel_loop3A_216  : i32 {
        %parallel_loop3A_218 = arith.constant 16 : i32
        %parallel_loop3A_219 = arith.muli %parallel_loop3A_217, %parallel_loop3A_218 : i32
        %parallel_loop3A_220 = arith.index_cast %parallel_loop3A_219 : i32 to index
        %parallel_loop3A_221 = tpu.vector_load %arg8[%parallel_loop3A_220] {strides = array<i32>} : memref<4000xi32, #tpu.memory_space<vmem>>, vector<16xi32>,
        %parallel_loop3A_222 = arith.index_cast %parallel_loop3A_219 : i32 to index
        %parallel_loop3A_223 = tpu.vector_load %arg10[%parallel_loop3A_222] {strides = array<i32>} : memref<4000xi32, #tpu.memory_space<vmem>>, vector<16xi32>,
        %parallel_loop3A_224 = tpu.vector_load_idx %arg5[%parallel_loop3A_221] : memref<50176xf32, #tpu.memory_space<vmem>>[vector<16xi32>], vector<16xf32>,
        tpu.vector_store_idx %arg6[%parallel_loop3A_223], %parallel_loop3A_224 {add = true} : memref<50176xf32, #tpu.memory_space<vmem>>[vector<16xi32>], vector<16xf32>,
      } {sc.loop_unroll_factor = 8 : i64, sc.parallel_access}
    }
    %scan3A_110 = arith.constant 50 : i32
    "tpu.region"() ({
      %run_scoped3A = tpu.sem_alloc : memref<!tpu.dma_semaphore, #tpu.memory_space<semaphore_mem>>
      %dma_start3A_173 = arith.constant 0 : i32
      %dma_start3A_174 = tpu.memref_slice %arg4[%select_n3A_90, %select_n3A_66, %dma_start3A_173] : memref<2x48x50176xf32, #tpu.memory_space<hbm>> -> memref<1x1x50176xf32, #tpu.memory_space<hbm>>
      %dma_start3A_175 = tpu.memref_squeeze %dma_start3A_174 : memref<1x1x50176xf32, #tpu.memory_space<hbm>> -> memref<50176xf32, #tpu.memory_space<hbm>>
      %dma_start3A_176 = arith.constant 0 : i32
      %dma_start3A_177 = tpu.memref_slice %arg4[%select_n3A_90, %select_n3A_66, %dma_start3A_176] : memref<2x48x50176xf32, #tpu.memory_space<hbm>> -> memref<1x1x50176xf32, #tpu.memory_space<hbm>>
      %dma_start3A_178 = tpu.memref_squeeze %dma_start3A_177 : memref<1x1x50176xf32, #tpu.memory_space<hbm>> -> memref<50176xf32, #tpu.memory_space<hbm>>
      tpu.enqueue_dma source(%arg6 : memref<50176xf32, #tpu.memory_space<vmem>>) target(%dma_start3A_178 : memref<50176xf32, #tpu.memory_space<hbm>>) target_semaphore(%run_scoped3A : memref<!tpu.dma_semaphore, #tpu.memory_space<semaphore_mem>>)
      %dma_wait3A = arith.constant 0 : i32
      %dma_wait3A_179 = tpu.memref_slice %arg4[%select_n3A_90, %select_n3A_66, %dma_wait3A] : memref<2x48x50176xf32, #tpu.memory_space<hbm>> -> memref<1x1x50176xf32, #tpu.memory_space<hbm>>
      %dma_wait3A_180 = tpu.memref_squeeze %dma_wait3A_179 : memref<1x1x50176xf32, #tpu.memory_space<hbm>> -> memref<50176xf32, #tpu.memory_space<hbm>>
      %dma_wait3A_181 = arith.constant 0 : i32
      %dma_wait3A_182 = tpu.memref_slice %arg4[%select_n3A_90, %select_n3A_66, %dma_wait3A_181] : memref<2x48x50176xf32, #tpu.memory_space<hbm>> -> memref<1x1x50176xf32, #tpu.memory_space<hbm>>
      %dma_wait3A_183 = tpu.memref_squeeze %dma_wait3A_182 : memref<1x1x50176xf32, #tpu.memory_space<hbm>> -> memref<50176xf32, #tpu.memory_space<hbm>>
      tpu.wait_dma2 semaphore(%run_scoped3A : memref<!tpu.dma_semaphore, #tpu.memory_space<semaphore_mem>>) src(%arg6 : memref<50176xf32, #tpu.memory_space<vmem>>) dst(%dma_wait3A_183 : memref<50176xf32, #tpu.memory_space<hbm>>)
      tpu.yield
    }) : () -> ()
    %add3A_111 = arith.constant 64 : i32
    %add3A_112 = arith.addi %add3A, %add3A_111 : i32
    %jit3A_113 = arith.constant 48 : i32
    %eq3A_114 = arith.constant 0 : i32
    %eq3A_115 = arith.cmpi eq, %jit3A_113, %eq3A_114 : i32
    %jit3A_116 = arith.constant 1 : i32
    %select_n3A_117 = arith.select %eq3A_115, %jit3A_116, %jit3A_113 : i32
    %rem3A_118 = arith.remsi %add3A_112, %select_n3A_117 : i32
    %ne3A_119 = arith.constant 0 : i32
    %ne3A_120 = arith.cmpi ne, %rem3A_118, %ne3A_119 : i32
    %lt3A_121 = arith.constant 0 : i32
    %lt3A_122 = arith.cmpi slt, %rem3A_118, %lt3A_121 : i32
    %lt3A_123 = arith.constant 0 : i32
    %lt3A_124 = arith.cmpi slt, %select_n3A_117, %lt3A_123 : i32
    %ne3A_125 = arith.xori %lt3A_122, %lt3A_124 : i1
    %and3A_126 = arith.andi %ne3A_125, %ne3A_120 : i1
    %add3A_127 = arith.addi %rem3A_118, %select_n3A_117 : i32
    %select_n3A_128 = arith.select %and3A_126, %add3A_127, %rem3A_118 : i32
    %jit3A_129 = arith.constant 48 : i32
    %div3A_130 = arith.divsi %add3A_112, %jit3A_129 : i32
    %sign3A_131 = arith.constant 0 : i32
    %sign3A_132 = arith.cmpi sgt, %add3A_112, %sign3A_131 : i32
    %sign3A_133 = arith.extui %sign3A_132 : i1 to i32
    %sign3A_134 = arith.constant 0 : i32
    %sign3A_135 = arith.cmpi slt, %add3A_112, %sign3A_134 : i32
    %sign3A_136 = arith.extui %sign3A_135 : i1 to i32
    %sign3A_137 = arith.subi %sign3A_133, %sign3A_136 : i32
    %sign3A_138 = arith.constant 0 : i32
    %sign3A_139 = arith.cmpi sgt, %jit3A_129, %sign3A_138 : i32
    %sign3A_140 = arith.extui %sign3A_139 : i1 to i32
    %sign3A_141 = arith.constant 0 : i32
    %sign3A_142 = arith.cmpi slt, %jit3A_129, %sign3A_141 : i32
    %sign3A_143 = arith.extui %sign3A_142 : i1 to i32
    %sign3A_144 = arith.subi %sign3A_140, %sign3A_143 : i32
    %ne3A_145 = arith.cmpi ne, %sign3A_137, %sign3A_144 : i32
    %rem3A_146 = arith.remsi %add3A_112, %jit3A_129 : i32
    %ne3A_147 = arith.constant 0 : i32
    %ne3A_148 = arith.cmpi ne, %rem3A_146, %ne3A_147 : i32
    %and3A_149 = arith.andi %ne3A_145, %ne3A_148 : i1
    %sub3A_150 = arith.constant 1 : i32
    %sub3A_151 = arith.subi %div3A_130, %sub3A_150 : i32
    %select_n3A_152 = arith.select %and3A_149, %sub3A_151, %div3A_130 : i32
    %mul3A_153 = arith.constant 400000 : i32
    %mul3A_154 = arith.muli %select_n3A_152, %mul3A_153 : i32
    "tpu.region"() ({
      %run_scoped3A = tpu.sem_alloc : memref<!tpu.dma_semaphore, #tpu.memory_space<semaphore_mem>>
      %dma_start3A_173 = arith.constant 0 : i32
      %dma_start3A_174 = tpu.memref_slice %arg2[%select_n3A_128, %dma_start3A_173] : memref<48x50176xf32, #tpu.memory_space<hbm>> -> memref<1x50176xf32, #tpu.memory_space<hbm>>
      %dma_start3A_175 = tpu.memref_squeeze %dma_start3A_174 : memref<1x50176xf32, #tpu.memory_space<hbm>> -> memref<50176xf32, #tpu.memory_space<hbm>>
      %dma_start3A_176 = arith.constant 0 : i32
      %dma_start3A_177 = tpu.memref_slice %arg2[%select_n3A_128, %dma_start3A_176] : memref<48x50176xf32, #tpu.memory_space<hbm>> -> memref<1x50176xf32, #tpu.memory_space<hbm>>
      %dma_start3A_178 = tpu.memref_squeeze %dma_start3A_177 : memref<1x50176xf32, #tpu.memory_space<hbm>> -> memref<50176xf32, #tpu.memory_space<hbm>>
      tpu.enqueue_dma source(%dma_start3A_178 : memref<50176xf32, #tpu.memory_space<hbm>>) target(%arg5 : memref<50176xf32, #tpu.memory_space<vmem>>) target_semaphore(%run_scoped3A : memref<!tpu.dma_semaphore, #tpu.memory_space<semaphore_mem>>)
      %dma_wait3A = arith.constant 0 : i32
      %dma_wait3A_179 = tpu.memref_slice %arg2[%select_n3A_128, %dma_wait3A] : memref<48x50176xf32, #tpu.memory_space<hbm>> -> memref<1x50176xf32, #tpu.memory_space<hbm>>
      %dma_wait3A_180 = tpu.memref_squeeze %dma_wait3A_179 : memref<1x50176xf32, #tpu.memory_space<hbm>> -> memref<50176xf32, #tpu.memory_space<hbm>>
      %dma_wait3A_181 = arith.constant 0 : i32
      %dma_wait3A_182 = tpu.memref_slice %arg2[%select_n3A_128, %dma_wait3A_181] : memref<48x50176xf32, #tpu.memory_space<hbm>> -> memref<1x50176xf32, #tpu.memory_space<hbm>>
      %dma_wait3A_183 = tpu.memref_squeeze %dma_wait3A_182 : memref<1x50176xf32, #tpu.memory_space<hbm>> -> memref<50176xf32, #tpu.memory_space<hbm>>
      tpu.wait_dma2 semaphore(%run_scoped3A : memref<!tpu.dma_semaphore, #tpu.memory_space<semaphore_mem>>) src(%dma_wait3A_183 : memref<50176xf32, #tpu.memory_space<hbm>>) dst(%arg5 : memref<50176xf32, #tpu.memory_space<vmem>>)
      tpu.yield
    }) : () -> ()
    %broadcast_in_dim3A_155 = arith.constant 0.000000e+00 : f32
    %broadcast_in_dim3A_156 = vector.broadcast %broadcast_in_dim3A_155 : f32 to vector<16xf32>
    %parallel_loop3A_157 = arith.constant 0 : i32
    %parallel_loop3A_158 = arith.constant 3136 : i32
    %parallel_loop3A_159 = arith.constant 1 : i32
    scf.for %parallel_loop3A_173 = %parallel_loop3A_157 to %parallel_loop3A_158 step %parallel_loop3A_159  : i32 {
      %parallel_loop3A_174 = arith.constant 16 : i32
      %parallel_loop3A_175 = arith.muli %parallel_loop3A_173, %parallel_loop3A_174 : i32
      %parallel_loop3A_176 = arith.index_cast %parallel_loop3A_175 : i32 to index
      %parallel_loop3A_177 = tpu.vector_load %arg6[%parallel_loop3A_176] {strides = array<i32>} : memref<50176xf32, #tpu.memory_space<vmem>>, vector<16xf32>,
      tpu.vector_store %arg6[%parallel_loop3A_176], %broadcast_in_dim3A_156 {strides = array<i32>} : memref<50176xf32, #tpu.memory_space<vmem>>, vector<16xf32>,
    } {sc.loop_unroll_factor = 8 : i64, sc.parallel_access}
    %add3A_160 = arith.constant 0 : i32
    %add3A_161 = arith.addi %mul3A_154, %add3A_160 : i32
    %dma_start3A_162 = tpu.memref_slice %arg3[%add3A_161] : memref<1600000xi32, #tpu.memory_space<hbm>> -> memref<4000xi32, #tpu.memory_space<hbm>>
    %dma_start3A_163 = tpu.memref_slice %arg3[%add3A_161] : memref<1600000xi32, #tpu.memory_space<hbm>> -> memref<4000xi32, #tpu.memory_space<hbm>>
    tpu.enqueue_dma source(%dma_start3A_163 : memref<4000xi32, #tpu.memory_space<hbm>>) target(%arg7 : memref<4000xi32, #tpu.memory_space<vmem>>) target_semaphore(%arg11 : memref<!tpu.dma_semaphore, #tpu.memory_space<semaphore_mem>>)
    %add3A_164 = arith.constant 800000 : i32
    %add3A_165 = arith.addi %add3A_164, %add3A_161 : i32
    %dma_start3A_166 = tpu.memref_slice %arg3[%add3A_165] : memref<1600000xi32, #tpu.memory_space<hbm>> -> memref<4000xi32, #tpu.memory_space<hbm>>
    %dma_start3A_167 = tpu.memref_slice %arg3[%add3A_165] : memref<1600000xi32, #tpu.memory_space<hbm>> -> memref<4000xi32, #tpu.memory_space<hbm>>
    tpu.enqueue_dma source(%dma_start3A_167 : memref<4000xi32, #tpu.memory_space<hbm>>) target(%arg9 : memref<4000xi32, #tpu.memory_space<vmem>>) target_semaphore(%arg12 : memref<!tpu.dma_semaphore, #tpu.memory_space<semaphore_mem>>)
    %scan3A_168 = arith.constant 0 : i32
    %scan3A_169 = arith.constant 50 : i32
    %scan3A_170 = arith.addi %scan3A_168, %scan3A_169 : i32
    %scan3A_171 = arith.constant 1 : i32
    scf.for %scan3A_173 = %scan3A_168 to %scan3A_170 step %scan3A_171  : i32 {
      %mul3A_174 = arith.constant 1 : i32
      %mul3A_175 = arith.muli %scan3A_173, %mul3A_174 : i32
      %add3A_176 = arith.constant 0 : i32
      %add3A_177 = arith.addi %add3A_176, %mul3A_175 : i32
      %mul3A_178 = arith.constant 2 : i32
      %mul3A_179 = arith.muli %add3A_177, %mul3A_178 : i32
      %dma_wait3A = arith.constant 0 : i32
      %dma_wait3A_180 = tpu.memref_slice %arg3[%dma_wait3A] : memref<1600000xi32, #tpu.memory_space<hbm>> -> memref<4000xi32, #tpu.memory_space<hbm>>
      %dma_wait3A_181 = arith.constant 0 : i32
      %dma_wait3A_182 = tpu.memref_slice %arg3[%dma_wait3A_181] : memref<1600000xi32, #tpu.memory_space<hbm>> -> memref<4000xi32, #tpu.memory_space<hbm>>
      tpu.wait_dma2 semaphore(%arg11 : memref<!tpu.dma_semaphore, #tpu.memory_space<semaphore_mem>>) src(%dma_wait3A_182 : memref<4000xi32, #tpu.memory_space<hbm>>) dst(%arg7 : memref<4000xi32, #tpu.memory_space<vmem>>)
      %dma_wait3A_183 = arith.constant 0 : i32
      %dma_wait3A_184 = tpu.memref_slice %arg3[%dma_wait3A_183] : memref<1600000xi32, #tpu.memory_space<hbm>> -> memref<4000xi32, #tpu.memory_space<hbm>>
      %dma_wait3A_185 = arith.constant 0 : i32
      %dma_wait3A_186 = tpu.memref_slice %arg3[%dma_wait3A_185] : memref<1600000xi32, #tpu.memory_space<hbm>> -> memref<4000xi32, #tpu.memory_space<hbm>>
      tpu.wait_dma2 semaphore(%arg12 : memref<!tpu.dma_semaphore, #tpu.memory_space<semaphore_mem>>) src(%dma_wait3A_186 : memref<4000xi32, #tpu.memory_space<hbm>>) dst(%arg9 : memref<4000xi32, #tpu.memory_space<vmem>>)
      %add3A_187 = arith.constant 1 : i32
      %add3A_188 = arith.addi %mul3A_179, %add3A_187 : i32
      %mul3A_189 = arith.constant 4000 : i32
      %mul3A_190 = arith.muli %add3A_188, %mul3A_189 : i32
      %add3A_191 = arith.addi %mul3A_154, %mul3A_190 : i32
      %dma_start3A_192 = tpu.memref_slice %arg3[%add3A_191] : memref<1600000xi32, #tpu.memory_space<hbm>> -> memref<4000xi32, #tpu.memory_space<hbm>>
      %dma_start3A_193 = tpu.memref_slice %arg3[%add3A_191] : memref<1600000xi32, #tpu.memory_space<hbm>> -> memref<4000xi32, #tpu.memory_space<hbm>>
      tpu.enqueue_dma source(%dma_start3A_193 : memref<4000xi32, #tpu.memory_space<hbm>>) target(%arg8 : memref<4000xi32, #tpu.memory_space<vmem>>) target_semaphore(%arg11 : memref<!tpu.dma_semaphore, #tpu.memory_space<semaphore_mem>>)
      %add3A_194 = arith.constant 800000 : i32
      %add3A_195 = arith.addi %add3A_194, %add3A_191 : i32
      %dma_start3A_196 = tpu.memref_slice %arg3[%add3A_195] : memref<1600000xi32, #tpu.memory_space<hbm>> -> memref<4000xi32, #tpu.memory_space<hbm>>
      %dma_start3A_197 = tpu.memref_slice %arg3[%add3A_195] : memref<1600000xi32, #tpu.memory_space<hbm>> -> memref<4000xi32, #tpu.memory_space<hbm>>
      tpu.enqueue_dma source(%dma_start3A_197 : memref<4000xi32, #tpu.memory_space<hbm>>) target(%arg10 : memref<4000xi32, #tpu.memory_space<vmem>>) target_semaphore(%arg12 : memref<!tpu.dma_semaphore, #tpu.memory_space<semaphore_mem>>)
      %parallel_loop3A_198 = arith.constant 0 : i32
      %parallel_loop3A_199 = arith.constant 250 : i32
      %parallel_loop3A_200 = arith.constant 1 : i32
      scf.for %parallel_loop3A_217 = %parallel_loop3A_198 to %parallel_loop3A_199 step %parallel_loop3A_200  : i32 {
        %parallel_loop3A_218 = arith.constant 16 : i32
        %parallel_loop3A_219 = arith.muli %parallel_loop3A_217, %parallel_loop3A_218 : i32
        %parallel_loop3A_220 = arith.index_cast %parallel_loop3A_219 : i32 to index
        %parallel_loop3A_221 = tpu.vector_load %arg7[%parallel_loop3A_220] {strides = array<i32>} : memref<4000xi32, #tpu.memory_space<vmem>>, vector<16xi32>,
        %parallel_loop3A_222 = arith.index_cast %parallel_loop3A_219 : i32 to index
        %parallel_loop3A_223 = tpu.vector_load %arg9[%parallel_loop3A_222] {strides = array<i32>} : memref<4000xi32, #tpu.memory_space<vmem>>, vector<16xi32>,
        %parallel_loop3A_224 = tpu.vector_load_idx %arg5[%parallel_loop3A_221] : memref<50176xf32, #tpu.memory_space<vmem>>[vector<16xi32>], vector<16xf32>,
        tpu.vector_store_idx %arg6[%parallel_loop3A_223], %parallel_loop3A_224 {add = true} : memref<50176xf32, #tpu.memory_space<vmem>>[vector<16xi32>], vector<16xf32>,
      } {sc.loop_unroll_factor = 8 : i64, sc.parallel_access}
      %dma_wait3A_201 = arith.constant 0 : i32
      %dma_wait3A_202 = tpu.memref_slice %arg3[%dma_wait3A_201] : memref<1600000xi32, #tpu.memory_space<hbm>> -> memref<4000xi32, #tpu.memory_space<hbm>>
      %dma_wait3A_203 = arith.constant 0 : i32
      %dma_wait3A_204 = tpu.memref_slice %arg3[%dma_wait3A_203] : memref<1600000xi32, #tpu.memory_space<hbm>> -> memref<4000xi32, #tpu.memory_space<hbm>>
      tpu.wait_dma2 semaphore(%arg11 : memref<!tpu.dma_semaphore, #tpu.memory_space<semaphore_mem>>) src(%dma_wait3A_204 : memref<4000xi32, #tpu.memory_space<hbm>>) dst(%arg8 : memref<4000xi32, #tpu.memory_space<vmem>>)
      %dma_wait3A_205 = arith.constant 0 : i32
      %dma_wait3A_206 = tpu.memref_slice %arg3[%dma_wait3A_205] : memref<1600000xi32, #tpu.memory_space<hbm>> -> memref<4000xi32, #tpu.memory_space<hbm>>
      %dma_wait3A_207 = arith.constant 0 : i32
      %dma_wait3A_208 = tpu.memref_slice %arg3[%dma_wait3A_207] : memref<1600000xi32, #tpu.memory_space<hbm>> -> memref<4000xi32, #tpu.memory_space<hbm>>
      tpu.wait_dma2 semaphore(%arg12 : memref<!tpu.dma_semaphore, #tpu.memory_space<semaphore_mem>>) src(%dma_wait3A_208 : memref<4000xi32, #tpu.memory_space<hbm>>) dst(%arg10 : memref<4000xi32, #tpu.memory_space<vmem>>)
      %add3A_209 = arith.constant 2 : i32
      %add3A_210 = arith.addi %mul3A_179, %add3A_209 : i32
      %lt3A_211 = arith.constant 100 : i32
      %lt3A_212 = arith.cmpi slt, %add3A_210, %lt3A_211 : i32
      %convert_element_type3A = arith.extui %lt3A_212 : i1 to i32
      %cond3A = arith.constant 0 : i32
      %cond3A_213 = arith.cmpi ne, %convert_element_type3A, %cond3A : i32
      scf.if %cond3A_213 {
        %add3A_217 = arith.constant 2 : i32
        %add3A_218 = arith.addi %mul3A_179, %add3A_217 : i32
        %mul3A_219 = arith.constant 4000 : i32
        %mul3A_220 = arith.muli %add3A_218, %mul3A_219 : i32
        %add3A_221 = arith.addi %mul3A_154, %mul3A_220 : i32
        %dma_start3A_222 = tpu.memref_slice %arg3[%add3A_221] : memref<1600000xi32, #tpu.memory_space<hbm>> -> memref<4000xi32, #tpu.memory_space<hbm>>
        %dma_start3A_223 = tpu.memref_slice %arg3[%add3A_221] : memref<1600000xi32, #tpu.memory_space<hbm>> -> memref<4000xi32, #tpu.memory_space<hbm>>
        tpu.enqueue_dma source(%dma_start3A_223 : memref<4000xi32, #tpu.memory_space<hbm>>) target(%arg7 : memref<4000xi32, #tpu.memory_space<vmem>>) target_semaphore(%arg11 : memref<!tpu.dma_semaphore, #tpu.memory_space<semaphore_mem>>)
        %add3A_224 = arith.constant 800000 : i32
        %add3A_225 = arith.addi %add3A_224, %add3A_221 : i32
        %dma_start3A_226 = tpu.memref_slice %arg3[%add3A_225] : memref<1600000xi32, #tpu.memory_space<hbm>> -> memref<4000xi32, #tpu.memory_space<hbm>>
        %dma_start3A_227 = tpu.memref_slice %arg3[%add3A_225] : memref<1600000xi32, #tpu.memory_space<hbm>> -> memref<4000xi32, #tpu.memory_space<hbm>>
        tpu.enqueue_dma source(%dma_start3A_227 : memref<4000xi32, #tpu.memory_space<hbm>>) target(%arg9 : memref<4000xi32, #tpu.memory_space<vmem>>) target_semaphore(%arg12 : memref<!tpu.dma_semaphore, #tpu.memory_space<semaphore_mem>>)
      } else {
      }
      %parallel_loop3A_214 = arith.constant 0 : i32
      %parallel_loop3A_215 = arith.constant 250 : i32
      %parallel_loop3A_216 = arith.constant 1 : i32
      scf.for %parallel_loop3A_217 = %parallel_loop3A_214 to %parallel_loop3A_215 step %parallel_loop3A_216  : i32 {
        %parallel_loop3A_218 = arith.constant 16 : i32
        %parallel_loop3A_219 = arith.muli %parallel_loop3A_217, %parallel_loop3A_218 : i32
        %parallel_loop3A_220 = arith.index_cast %parallel_loop3A_219 : i32 to index
        %parallel_loop3A_221 = tpu.vector_load %arg8[%parallel_loop3A_220] {strides = array<i32>} : memref<4000xi32, #tpu.memory_space<vmem>>, vector<16xi32>,
        %parallel_loop3A_222 = arith.index_cast %parallel_loop3A_219 : i32 to index
        %parallel_loop3A_223 = tpu.vector_load %arg10[%parallel_loop3A_222] {strides = array<i32>} : memref<4000xi32, #tpu.memory_space<vmem>>, vector<16xi32>,
        %parallel_loop3A_224 = tpu.vector_load_idx %arg5[%parallel_loop3A_221] : memref<50176xf32, #tpu.memory_space<vmem>>[vector<16xi32>], vector<16xf32>,
        tpu.vector_store_idx %arg6[%parallel_loop3A_223], %parallel_loop3A_224 {add = true} : memref<50176xf32, #tpu.memory_space<vmem>>[vector<16xi32>], vector<16xf32>,
      } {sc.loop_unroll_factor = 8 : i64, sc.parallel_access}
    }
    %scan3A_172 = arith.constant 50 : i32
    "tpu.region"() ({
      %run_scoped3A = tpu.sem_alloc : memref<!tpu.dma_semaphore, #tpu.memory_space<semaphore_mem>>
      %dma_start3A_173 = arith.constant 0 : i32
      %dma_start3A_174 = tpu.memref_slice %arg4[%select_n3A_152, %select_n3A_128, %dma_start3A_173] : memref<2x48x50176xf32, #tpu.memory_space<hbm>> -> memref<1x1x50176xf32, #tpu.memory_space<hbm>>
      %dma_start3A_175 = tpu.memref_squeeze %dma_start3A_174 : memref<1x1x50176xf32, #tpu.memory_space<hbm>> -> memref<50176xf32, #tpu.memory_space<hbm>>
      %dma_start3A_176 = arith.constant 0 : i32
      %dma_start3A_177 = tpu.memref_slice %arg4[%select_n3A_152, %select_n3A_128, %dma_start3A_176] : memref<2x48x50176xf32, #tpu.memory_space<hbm>> -> memref<1x1x50176xf32, #tpu.memory_space<hbm>>
      %dma_start3A_178 = tpu.memref_squeeze %dma_start3A_177 : memref<1x1x50176xf32, #tpu.memory_space<hbm>> -> memref<50176xf32, #tpu.memory_space<hbm>>
      tpu.enqueue_dma source(%arg6 : memref<50176xf32, #tpu.memory_space<vmem>>) target(%dma_start3A_178 : memref<50176xf32, #tpu.memory_space<hbm>>) target_semaphore(%run_scoped3A : memref<!tpu.dma_semaphore, #tpu.memory_space<semaphore_mem>>)
      %dma_wait3A = arith.constant 0 : i32
      %dma_wait3A_179 = tpu.memref_slice %arg4[%select_n3A_152, %select_n3A_128, %dma_wait3A] : memref<2x48x50176xf32, #tpu.memory_space<hbm>> -> memref<1x1x50176xf32, #tpu.memory_space<hbm>>
      %dma_wait3A_180 = tpu.memref_squeeze %dma_wait3A_179 : memref<1x1x50176xf32, #tpu.memory_space<hbm>> -> memref<50176xf32, #tpu.memory_space<hbm>>
      %dma_wait3A_181 = arith.constant 0 : i32
      %dma_wait3A_182 = tpu.memref_slice %arg4[%select_n3A_152, %select_n3A_128, %dma_wait3A_181] : memref<2x48x50176xf32, #tpu.memory_space<hbm>> -> memref<1x1x50176xf32, #tpu.memory_space<hbm>>
      %dma_wait3A_183 = tpu.memref_squeeze %dma_wait3A_182 : memref<1x1x50176xf32, #tpu.memory_space<hbm>> -> memref<50176xf32, #tpu.memory_space<hbm>>
      tpu.wait_dma2 semaphore(%run_scoped3A : memref<!tpu.dma_semaphore, #tpu.memory_space<semaphore_mem>>) src(%arg6 : memref<50176xf32, #tpu.memory_space<vmem>>) dst(%dma_wait3A_183 : memref<50176xf32, #tpu.memory_space<hbm>>)
      tpu.yield
    }) : () -> ()
    return
  }
}

#map = affine_map<(d0, d1) -> (0, 0)>
#map1 = affine_map<(d0, d1) -> (0)>
#map2 = affine_map<(d0, d1) -> (0, 0, 0)>
module attributes {stable_mosaic.version = 14 : i64} {
  func.func @k(%arg0: i32, %arg1: i32, %arg2: memref<3x50176xf32, #tpu.memory_space<hbm>>, %arg3: memref<1600000xi32, #tpu.memory_space<hbm>>, %arg4: memref<20x3x50176xf32, #tpu.memory_space<hbm>>, %arg5: memref<50176xf32, #tpu.memory_space<vmem>>, %arg6: memref<50176xf32, #tpu.memory_space<vmem>>, %arg7: memref<4000xi32, #tpu.memory_space<vmem>>, %arg8: memref<4000xi32, #tpu.memory_space<vmem>>, %arg9: memref<4000xi32, #tpu.memory_space<vmem>>, %arg10: memref<4000xi32, #tpu.memory_space<vmem>>, %arg11: memref<!tpu.dma_semaphore, #tpu.memory_space<semaphore_mem>>, %arg12: memref<!tpu.dma_semaphore, #tpu.memory_space<semaphore_mem>>) attributes {dimension_semantics = [#tpu.dimension_semantics<core_parallel>, #tpu.dimension_semantics<subcore_parallel>], iteration_bounds = array<i64: 2, 16>, scalar_prefetch = 0 : i64, scratch_operands = 8 : i64, tpu.core_type = #tpu.core_type<sc_vector_subcore>, window_params = [{transform_indices = #map}, {transform_indices = #map1}, {transform_indices = #map2}]} {
    %mul3A = arith.constant 2 : i32
    %mul3A_0 = arith.muli %arg1, %mul3A : i32
    %add3A = arith.addi %mul3A_0, %arg0 : i32
    %add3A_1 = arith.constant 0 : i32
    %add3A_2 = arith.addi %add3A, %add3A_1 : i32
    %jit3A = arith.constant 3 : i32
    %eq3A = arith.constant 0 : i32
    %eq3A_3 = arith.cmpi eq, %jit3A, %eq3A : i32
    %jit3A_4 = arith.constant 1 : i32
    %select_n3A = arith.select %eq3A_3, %jit3A_4, %jit3A : i32
    %rem3A = arith.remsi %add3A_2, %select_n3A : i32
    %ne3A = arith.constant 0 : i32
    %ne3A_5 = arith.cmpi ne, %rem3A, %ne3A : i32
    %lt3A = arith.constant 0 : i32
    %lt3A_6 = arith.cmpi slt, %rem3A, %lt3A : i32
    %lt3A_7 = arith.constant 0 : i32
    %lt3A_8 = arith.cmpi slt, %select_n3A, %lt3A_7 : i32
    %ne3A_9 = arith.xori %lt3A_6, %lt3A_8 : i1
    %and3A = arith.andi %ne3A_9, %ne3A_5 : i1
    %add3A_10 = arith.addi %rem3A, %select_n3A : i32
    %select_n3A_11 = arith.select %and3A, %add3A_10, %rem3A : i32
    %jit3A_12 = arith.constant 3 : i32
    %div3A = arith.divsi %add3A_2, %jit3A_12 : i32
    %sign3A = arith.constant 0 : i32
    %sign3A_13 = arith.cmpi sgt, %add3A_2, %sign3A : i32
    %sign3A_14 = arith.extui %sign3A_13 : i1 to i32
    %sign3A_15 = arith.constant 0 : i32
    %sign3A_16 = arith.cmpi slt, %add3A_2, %sign3A_15 : i32
    %sign3A_17 = arith.extui %sign3A_16 : i1 to i32
    %sign3A_18 = arith.subi %sign3A_14, %sign3A_17 : i32
    %sign3A_19 = arith.constant 0 : i32
    %sign3A_20 = arith.cmpi sgt, %jit3A_12, %sign3A_19 : i32
    %sign3A_21 = arith.extui %sign3A_20 : i1 to i32
    %sign3A_22 = arith.constant 0 : i32
    %sign3A_23 = arith.cmpi slt, %jit3A_12, %sign3A_22 : i32
    %sign3A_24 = arith.extui %sign3A_23 : i1 to i32
    %sign3A_25 = arith.subi %sign3A_21, %sign3A_24 : i32
    %ne3A_26 = arith.cmpi ne, %sign3A_18, %sign3A_25 : i32
    %rem3A_27 = arith.remsi %add3A_2, %jit3A_12 : i32
    %ne3A_28 = arith.constant 0 : i32
    %ne3A_29 = arith.cmpi ne, %rem3A_27, %ne3A_28 : i32
    %and3A_30 = arith.andi %ne3A_26, %ne3A_29 : i1
    %sub3A = arith.constant 1 : i32
    %sub3A_31 = arith.subi %div3A, %sub3A : i32
    %select_n3A_32 = arith.select %and3A_30, %sub3A_31, %div3A : i32
    %mul3A_33 = arith.constant 40000 : i32
    %mul3A_34 = arith.muli %select_n3A_32, %mul3A_33 : i32
    "tpu.region"() ({
      %run_scoped3A = tpu.sem_alloc : memref<!tpu.dma_semaphore, #tpu.memory_space<semaphore_mem>>
      %dma_start3A_54 = arith.constant 0 : i32
      %dma_start3A_55 = tpu.memref_slice %arg2[%select_n3A_11, %dma_start3A_54] : memref<3x50176xf32, #tpu.memory_space<hbm>> -> memref<1x50176xf32, #tpu.memory_space<hbm>>
      %dma_start3A_56 = tpu.memref_squeeze %dma_start3A_55 : memref<1x50176xf32, #tpu.memory_space<hbm>> -> memref<50176xf32, #tpu.memory_space<hbm>>
      %dma_start3A_57 = arith.constant 0 : i32
      %dma_start3A_58 = tpu.memref_slice %arg2[%select_n3A_11, %dma_start3A_57] : memref<3x50176xf32, #tpu.memory_space<hbm>> -> memref<1x50176xf32, #tpu.memory_space<hbm>>
      %dma_start3A_59 = tpu.memref_squeeze %dma_start3A_58 : memref<1x50176xf32, #tpu.memory_space<hbm>> -> memref<50176xf32, #tpu.memory_space<hbm>>
      tpu.enqueue_dma source(%dma_start3A_59 : memref<50176xf32, #tpu.memory_space<hbm>>) target(%arg5 : memref<50176xf32, #tpu.memory_space<vmem>>) target_semaphore(%run_scoped3A : memref<!tpu.dma_semaphore, #tpu.memory_space<semaphore_mem>>)
      %dma_wait3A = arith.constant 0 : i32
      %dma_wait3A_60 = tpu.memref_slice %arg2[%select_n3A_11, %dma_wait3A] : memref<3x50176xf32, #tpu.memory_space<hbm>> -> memref<1x50176xf32, #tpu.memory_space<hbm>>
      %dma_wait3A_61 = tpu.memref_squeeze %dma_wait3A_60 : memref<1x50176xf32, #tpu.memory_space<hbm>> -> memref<50176xf32, #tpu.memory_space<hbm>>
      %dma_wait3A_62 = arith.constant 0 : i32
      %dma_wait3A_63 = tpu.memref_slice %arg2[%select_n3A_11, %dma_wait3A_62] : memref<3x50176xf32, #tpu.memory_space<hbm>> -> memref<1x50176xf32, #tpu.memory_space<hbm>>
      %dma_wait3A_64 = tpu.memref_squeeze %dma_wait3A_63 : memref<1x50176xf32, #tpu.memory_space<hbm>> -> memref<50176xf32, #tpu.memory_space<hbm>>
      tpu.wait_dma2 semaphore(%run_scoped3A : memref<!tpu.dma_semaphore, #tpu.memory_space<semaphore_mem>>) src(%dma_wait3A_64 : memref<50176xf32, #tpu.memory_space<hbm>>) dst(%arg5 : memref<50176xf32, #tpu.memory_space<vmem>>)
      tpu.yield
    }) : () -> ()
    %broadcast_in_dim3A = arith.constant 0.000000e+00 : f32
    %broadcast_in_dim3A_35 = vector.broadcast %broadcast_in_dim3A : f32 to vector<16xf32>
    %parallel_loop3A = arith.constant 0 : i32
    %parallel_loop3A_36 = arith.constant 3136 : i32
    %parallel_loop3A_37 = arith.constant 1 : i32
    scf.for %parallel_loop3A_54 = %parallel_loop3A to %parallel_loop3A_36 step %parallel_loop3A_37  : i32 {
      %parallel_loop3A_55 = arith.constant 16 : i32
      %parallel_loop3A_56 = arith.muli %parallel_loop3A_54, %parallel_loop3A_55 : i32
      %parallel_loop3A_57 = arith.index_cast %parallel_loop3A_56 : i32 to index
      %parallel_loop3A_58 = tpu.vector_load %arg6[%parallel_loop3A_57] {strides = array<i32>} : memref<50176xf32, #tpu.memory_space<vmem>>, vector<16xf32>,
      tpu.vector_store %arg6[%parallel_loop3A_57], %broadcast_in_dim3A_35 {strides = array<i32>} : memref<50176xf32, #tpu.memory_space<vmem>>, vector<16xf32>,
    } {sc.loop_unroll_factor = 8 : i64, sc.parallel_access}
    %add3A_38 = arith.constant 0 : i32
    %add3A_39 = arith.addi %mul3A_34, %add3A_38 : i32
    %dma_start3A = tpu.memref_slice %arg3[%add3A_39] : memref<1600000xi32, #tpu.memory_space<hbm>> -> memref<4000xi32, #tpu.memory_space<hbm>>
    %dma_start3A_40 = tpu.memref_slice %arg3[%add3A_39] : memref<1600000xi32, #tpu.memory_space<hbm>> -> memref<4000xi32, #tpu.memory_space<hbm>>
    tpu.enqueue_dma source(%dma_start3A_40 : memref<4000xi32, #tpu.memory_space<hbm>>) target(%arg7 : memref<4000xi32, #tpu.memory_space<vmem>>) target_semaphore(%arg11 : memref<!tpu.dma_semaphore, #tpu.memory_space<semaphore_mem>>)
    %add3A_41 = arith.constant 800000 : i32
    %add3A_42 = arith.addi %add3A_41, %add3A_39 : i32
    %dma_start3A_43 = tpu.memref_slice %arg3[%add3A_42] : memref<1600000xi32, #tpu.memory_space<hbm>> -> memref<4000xi32, #tpu.memory_space<hbm>>
    %dma_start3A_44 = tpu.memref_slice %arg3[%add3A_42] : memref<1600000xi32, #tpu.memory_space<hbm>> -> memref<4000xi32, #tpu.memory_space<hbm>>
    tpu.enqueue_dma source(%dma_start3A_44 : memref<4000xi32, #tpu.memory_space<hbm>>) target(%arg9 : memref<4000xi32, #tpu.memory_space<vmem>>) target_semaphore(%arg12 : memref<!tpu.dma_semaphore, #tpu.memory_space<semaphore_mem>>)
    %scan3A = arith.constant 0 : i32
    %scan3A_45 = arith.constant 5 : i32
    %scan3A_46 = arith.addi %scan3A, %scan3A_45 : i32
    %scan3A_47 = arith.constant 1 : i32
    scf.for %scan3A_54 = %scan3A to %scan3A_46 step %scan3A_47  : i32 {
      %mul3A_55 = arith.constant 1 : i32
      %mul3A_56 = arith.muli %scan3A_54, %mul3A_55 : i32
      %add3A_57 = arith.constant 0 : i32
      %add3A_58 = arith.addi %add3A_57, %mul3A_56 : i32
      %mul3A_59 = arith.constant 2 : i32
      %mul3A_60 = arith.muli %add3A_58, %mul3A_59 : i32
      %dma_wait3A = arith.constant 0 : i32
      %dma_wait3A_61 = tpu.memref_slice %arg3[%dma_wait3A] : memref<1600000xi32, #tpu.memory_space<hbm>> -> memref<4000xi32, #tpu.memory_space<hbm>>
      %dma_wait3A_62 = arith.constant 0 : i32
      %dma_wait3A_63 = tpu.memref_slice %arg3[%dma_wait3A_62] : memref<1600000xi32, #tpu.memory_space<hbm>> -> memref<4000xi32, #tpu.memory_space<hbm>>
      tpu.wait_dma2 semaphore(%arg11 : memref<!tpu.dma_semaphore, #tpu.memory_space<semaphore_mem>>) src(%dma_wait3A_63 : memref<4000xi32, #tpu.memory_space<hbm>>) dst(%arg7 : memref<4000xi32, #tpu.memory_space<vmem>>)
      %dma_wait3A_64 = arith.constant 0 : i32
      %dma_wait3A_65 = tpu.memref_slice %arg3[%dma_wait3A_64] : memref<1600000xi32, #tpu.memory_space<hbm>> -> memref<4000xi32, #tpu.memory_space<hbm>>
      %dma_wait3A_66 = arith.constant 0 : i32
      %dma_wait3A_67 = tpu.memref_slice %arg3[%dma_wait3A_66] : memref<1600000xi32, #tpu.memory_space<hbm>> -> memref<4000xi32, #tpu.memory_space<hbm>>
      tpu.wait_dma2 semaphore(%arg12 : memref<!tpu.dma_semaphore, #tpu.memory_space<semaphore_mem>>) src(%dma_wait3A_67 : memref<4000xi32, #tpu.memory_space<hbm>>) dst(%arg9 : memref<4000xi32, #tpu.memory_space<vmem>>)
      %add3A_68 = arith.constant 1 : i32
      %add3A_69 = arith.addi %mul3A_60, %add3A_68 : i32
      %mul3A_70 = arith.constant 4000 : i32
      %mul3A_71 = arith.muli %add3A_69, %mul3A_70 : i32
      %add3A_72 = arith.addi %mul3A_34, %mul3A_71 : i32
      %dma_start3A_73 = tpu.memref_slice %arg3[%add3A_72] : memref<1600000xi32, #tpu.memory_space<hbm>> -> memref<4000xi32, #tpu.memory_space<hbm>>
      %dma_start3A_74 = tpu.memref_slice %arg3[%add3A_72] : memref<1600000xi32, #tpu.memory_space<hbm>> -> memref<4000xi32, #tpu.memory_space<hbm>>
      tpu.enqueue_dma source(%dma_start3A_74 : memref<4000xi32, #tpu.memory_space<hbm>>) target(%arg8 : memref<4000xi32, #tpu.memory_space<vmem>>) target_semaphore(%arg11 : memref<!tpu.dma_semaphore, #tpu.memory_space<semaphore_mem>>)
      %add3A_75 = arith.constant 800000 : i32
      %add3A_76 = arith.addi %add3A_75, %add3A_72 : i32
      %dma_start3A_77 = tpu.memref_slice %arg3[%add3A_76] : memref<1600000xi32, #tpu.memory_space<hbm>> -> memref<4000xi32, #tpu.memory_space<hbm>>
      %dma_start3A_78 = tpu.memref_slice %arg3[%add3A_76] : memref<1600000xi32, #tpu.memory_space<hbm>> -> memref<4000xi32, #tpu.memory_space<hbm>>
      tpu.enqueue_dma source(%dma_start3A_78 : memref<4000xi32, #tpu.memory_space<hbm>>) target(%arg10 : memref<4000xi32, #tpu.memory_space<vmem>>) target_semaphore(%arg12 : memref<!tpu.dma_semaphore, #tpu.memory_space<semaphore_mem>>)
      %parallel_loop3A_79 = arith.constant 0 : i32
      %parallel_loop3A_80 = arith.constant 250 : i32
      %parallel_loop3A_81 = arith.constant 1 : i32
      scf.for %parallel_loop3A_100 = %parallel_loop3A_79 to %parallel_loop3A_80 step %parallel_loop3A_81  : i32 {
        %parallel_loop3A_101 = arith.constant 16 : i32
        %parallel_loop3A_102 = arith.muli %parallel_loop3A_100, %parallel_loop3A_101 : i32
        %parallel_loop3A_103 = arith.index_cast %parallel_loop3A_102 : i32 to index
        %parallel_loop3A_104 = tpu.vector_load %arg7[%parallel_loop3A_103] {strides = array<i32>} : memref<4000xi32, #tpu.memory_space<vmem>>, vector<16xi32>,
        %parallel_loop3A_105 = arith.index_cast %parallel_loop3A_102 : i32 to index
        %parallel_loop3A_106 = tpu.vector_load %arg9[%parallel_loop3A_105] {strides = array<i32>} : memref<4000xi32, #tpu.memory_space<vmem>>, vector<16xi32>,
        %parallel_loop3A_107 = tpu.vector_load_idx %arg5[%parallel_loop3A_104] : memref<50176xf32, #tpu.memory_space<vmem>>[vector<16xi32>], vector<16xf32>,
        tpu.vector_store_idx %arg6[%parallel_loop3A_106], %parallel_loop3A_107 {add = true} : memref<50176xf32, #tpu.memory_space<vmem>>[vector<16xi32>], vector<16xf32>,
      } {sc.loop_unroll_factor = 8 : i64, sc.parallel_access}
      %dma_wait3A_82 = arith.constant 0 : i32
      %dma_wait3A_83 = tpu.memref_slice %arg3[%dma_wait3A_82] : memref<1600000xi32, #tpu.memory_space<hbm>> -> memref<4000xi32, #tpu.memory_space<hbm>>
      %dma_wait3A_84 = arith.constant 0 : i32
      %dma_wait3A_85 = tpu.memref_slice %arg3[%dma_wait3A_84] : memref<1600000xi32, #tpu.memory_space<hbm>> -> memref<4000xi32, #tpu.memory_space<hbm>>
      tpu.wait_dma2 semaphore(%arg11 : memref<!tpu.dma_semaphore, #tpu.memory_space<semaphore_mem>>) src(%dma_wait3A_85 : memref<4000xi32, #tpu.memory_space<hbm>>) dst(%arg8 : memref<4000xi32, #tpu.memory_space<vmem>>)
      %dma_wait3A_86 = arith.constant 0 : i32
      %dma_wait3A_87 = tpu.memref_slice %arg3[%dma_wait3A_86] : memref<1600000xi32, #tpu.memory_space<hbm>> -> memref<4000xi32, #tpu.memory_space<hbm>>
      %dma_wait3A_88 = arith.constant 0 : i32
      %dma_wait3A_89 = tpu.memref_slice %arg3[%dma_wait3A_88] : memref<1600000xi32, #tpu.memory_space<hbm>> -> memref<4000xi32, #tpu.memory_space<hbm>>
      tpu.wait_dma2 semaphore(%arg12 : memref<!tpu.dma_semaphore, #tpu.memory_space<semaphore_mem>>) src(%dma_wait3A_89 : memref<4000xi32, #tpu.memory_space<hbm>>) dst(%arg10 : memref<4000xi32, #tpu.memory_space<vmem>>)
      %add3A_90 = arith.constant 2 : i32
      %add3A_91 = arith.addi %mul3A_60, %add3A_90 : i32
      %lt3A_92 = arith.constant 10 : i32
      %lt3A_93 = arith.cmpi slt, %add3A_91, %lt3A_92 : i32
      %convert_element_type3A_94 = arith.extui %lt3A_93 : i1 to i32
      %cond3A_95 = arith.constant 0 : i32
      %cond3A_96 = arith.cmpi ne, %convert_element_type3A_94, %cond3A_95 : i32
      scf.if %cond3A_96 {
        %add3A_100 = arith.constant 2 : i32
        %add3A_101 = arith.addi %mul3A_60, %add3A_100 : i32
        %mul3A_102 = arith.constant 4000 : i32
        %mul3A_103 = arith.muli %add3A_101, %mul3A_102 : i32
        %add3A_104 = arith.addi %mul3A_34, %mul3A_103 : i32
        %dma_start3A_105 = tpu.memref_slice %arg3[%add3A_104] : memref<1600000xi32, #tpu.memory_space<hbm>> -> memref<4000xi32, #tpu.memory_space<hbm>>
        %dma_start3A_106 = tpu.memref_slice %arg3[%add3A_104] : memref<1600000xi32, #tpu.memory_space<hbm>> -> memref<4000xi32, #tpu.memory_space<hbm>>
        tpu.enqueue_dma source(%dma_start3A_106 : memref<4000xi32, #tpu.memory_space<hbm>>) target(%arg7 : memref<4000xi32, #tpu.memory_space<vmem>>) target_semaphore(%arg11 : memref<!tpu.dma_semaphore, #tpu.memory_space<semaphore_mem>>)
        %add3A_107 = arith.constant 800000 : i32
        %add3A_108 = arith.addi %add3A_107, %add3A_104 : i32
        %dma_start3A_109 = tpu.memref_slice %arg3[%add3A_108] : memref<1600000xi32, #tpu.memory_space<hbm>> -> memref<4000xi32, #tpu.memory_space<hbm>>
        %dma_start3A_110 = tpu.memref_slice %arg3[%add3A_108] : memref<1600000xi32, #tpu.memory_space<hbm>> -> memref<4000xi32, #tpu.memory_space<hbm>>
        tpu.enqueue_dma source(%dma_start3A_110 : memref<4000xi32, #tpu.memory_space<hbm>>) target(%arg9 : memref<4000xi32, #tpu.memory_space<vmem>>) target_semaphore(%arg12 : memref<!tpu.dma_semaphore, #tpu.memory_space<semaphore_mem>>)
      } else {
      }
      %parallel_loop3A_97 = arith.constant 0 : i32
      %parallel_loop3A_98 = arith.constant 250 : i32
      %parallel_loop3A_99 = arith.constant 1 : i32
      scf.for %parallel_loop3A_100 = %parallel_loop3A_97 to %parallel_loop3A_98 step %parallel_loop3A_99  : i32 {
        %parallel_loop3A_101 = arith.constant 16 : i32
        %parallel_loop3A_102 = arith.muli %parallel_loop3A_100, %parallel_loop3A_101 : i32
        %parallel_loop3A_103 = arith.index_cast %parallel_loop3A_102 : i32 to index
        %parallel_loop3A_104 = tpu.vector_load %arg8[%parallel_loop3A_103] {strides = array<i32>} : memref<4000xi32, #tpu.memory_space<vmem>>, vector<16xi32>,
        %parallel_loop3A_105 = arith.index_cast %parallel_loop3A_102 : i32 to index
        %parallel_loop3A_106 = tpu.vector_load %arg10[%parallel_loop3A_105] {strides = array<i32>} : memref<4000xi32, #tpu.memory_space<vmem>>, vector<16xi32>,
        %parallel_loop3A_107 = tpu.vector_load_idx %arg5[%parallel_loop3A_104] : memref<50176xf32, #tpu.memory_space<vmem>>[vector<16xi32>], vector<16xf32>,
        tpu.vector_store_idx %arg6[%parallel_loop3A_106], %parallel_loop3A_107 {add = true} : memref<50176xf32, #tpu.memory_space<vmem>>[vector<16xi32>], vector<16xf32>,
      } {sc.loop_unroll_factor = 8 : i64, sc.parallel_access}
    }
    %scan3A_48 = arith.constant 5 : i32
    "tpu.region"() ({
      %run_scoped3A = tpu.sem_alloc : memref<!tpu.dma_semaphore, #tpu.memory_space<semaphore_mem>>
      %dma_start3A_54 = arith.constant 0 : i32
      %dma_start3A_55 = tpu.memref_slice %arg4[%select_n3A_32, %select_n3A_11, %dma_start3A_54] : memref<20x3x50176xf32, #tpu.memory_space<hbm>> -> memref<1x1x50176xf32, #tpu.memory_space<hbm>>
      %dma_start3A_56 = tpu.memref_squeeze %dma_start3A_55 : memref<1x1x50176xf32, #tpu.memory_space<hbm>> -> memref<50176xf32, #tpu.memory_space<hbm>>
      %dma_start3A_57 = arith.constant 0 : i32
      %dma_start3A_58 = tpu.memref_slice %arg4[%select_n3A_32, %select_n3A_11, %dma_start3A_57] : memref<20x3x50176xf32, #tpu.memory_space<hbm>> -> memref<1x1x50176xf32, #tpu.memory_space<hbm>>
      %dma_start3A_59 = tpu.memref_squeeze %dma_start3A_58 : memref<1x1x50176xf32, #tpu.memory_space<hbm>> -> memref<50176xf32, #tpu.memory_space<hbm>>
      tpu.enqueue_dma source(%arg6 : memref<50176xf32, #tpu.memory_space<vmem>>) target(%dma_start3A_59 : memref<50176xf32, #tpu.memory_space<hbm>>) target_semaphore(%run_scoped3A : memref<!tpu.dma_semaphore, #tpu.memory_space<semaphore_mem>>)
      %dma_wait3A = arith.constant 0 : i32
      %dma_wait3A_60 = tpu.memref_slice %arg4[%select_n3A_32, %select_n3A_11, %dma_wait3A] : memref<20x3x50176xf32, #tpu.memory_space<hbm>> -> memref<1x1x50176xf32, #tpu.memory_space<hbm>>
      %dma_wait3A_61 = tpu.memref_squeeze %dma_wait3A_60 : memref<1x1x50176xf32, #tpu.memory_space<hbm>> -> memref<50176xf32, #tpu.memory_space<hbm>>
      %dma_wait3A_62 = arith.constant 0 : i32
      %dma_wait3A_63 = tpu.memref_slice %arg4[%select_n3A_32, %select_n3A_11, %dma_wait3A_62] : memref<20x3x50176xf32, #tpu.memory_space<hbm>> -> memref<1x1x50176xf32, #tpu.memory_space<hbm>>
      %dma_wait3A_64 = tpu.memref_squeeze %dma_wait3A_63 : memref<1x1x50176xf32, #tpu.memory_space<hbm>> -> memref<50176xf32, #tpu.memory_space<hbm>>
      tpu.wait_dma2 semaphore(%run_scoped3A : memref<!tpu.dma_semaphore, #tpu.memory_space<semaphore_mem>>) src(%arg6 : memref<50176xf32, #tpu.memory_space<vmem>>) dst(%dma_wait3A_64 : memref<50176xf32, #tpu.memory_space<hbm>>)
      tpu.yield
    }) : () -> ()
    %add3A_49 = arith.constant 32 : i32
    %add3A_50 = arith.addi %add3A, %add3A_49 : i32
    %lt3A_51 = arith.constant 60 : i32
    %lt3A_52 = arith.cmpi slt, %add3A_50, %lt3A_51 : i32
    %convert_element_type3A = arith.extui %lt3A_52 : i1 to i32
    %cond3A = arith.constant 0 : i32
    %cond3A_53 = arith.cmpi ne, %convert_element_type3A, %cond3A : i32
    scf.if %cond3A_53 {
      %jit3A_54 = arith.constant 3 : i32
      %eq3A_55 = arith.constant 0 : i32
      %eq3A_56 = arith.cmpi eq, %jit3A_54, %eq3A_55 : i32
      %jit3A_57 = arith.constant 1 : i32
      %select_n3A_58 = arith.select %eq3A_56, %jit3A_57, %jit3A_54 : i32
      %rem3A_59 = arith.remsi %add3A_50, %select_n3A_58 : i32
      %ne3A_60 = arith.constant 0 : i32
      %ne3A_61 = arith.cmpi ne, %rem3A_59, %ne3A_60 : i32
      %lt3A_62 = arith.constant 0 : i32
      %lt3A_63 = arith.cmpi slt, %rem3A_59, %lt3A_62 : i32
      %lt3A_64 = arith.constant 0 : i32
      %lt3A_65 = arith.cmpi slt, %select_n3A_58, %lt3A_64 : i32
      %ne3A_66 = arith.xori %lt3A_63, %lt3A_65 : i1
      %and3A_67 = arith.andi %ne3A_66, %ne3A_61 : i1
      %add3A_68 = arith.addi %rem3A_59, %select_n3A_58 : i32
      %select_n3A_69 = arith.select %and3A_67, %add3A_68, %rem3A_59 : i32
      %jit3A_70 = arith.constant 3 : i32
      %div3A_71 = arith.divsi %add3A_50, %jit3A_70 : i32
      %sign3A_72 = arith.constant 0 : i32
      %sign3A_73 = arith.cmpi sgt, %add3A_50, %sign3A_72 : i32
      %sign3A_74 = arith.extui %sign3A_73 : i1 to i32
      %sign3A_75 = arith.constant 0 : i32
      %sign3A_76 = arith.cmpi slt, %add3A_50, %sign3A_75 : i32
      %sign3A_77 = arith.extui %sign3A_76 : i1 to i32
      %sign3A_78 = arith.subi %sign3A_74, %sign3A_77 : i32
      %sign3A_79 = arith.constant 0 : i32
      %sign3A_80 = arith.cmpi sgt, %jit3A_70, %sign3A_79 : i32
      %sign3A_81 = arith.extui %sign3A_80 : i1 to i32
      %sign3A_82 = arith.constant 0 : i32
      %sign3A_83 = arith.cmpi slt, %jit3A_70, %sign3A_82 : i32
      %sign3A_84 = arith.extui %sign3A_83 : i1 to i32
      %sign3A_85 = arith.subi %sign3A_81, %sign3A_84 : i32
      %ne3A_86 = arith.cmpi ne, %sign3A_78, %sign3A_85 : i32
      %rem3A_87 = arith.remsi %add3A_50, %jit3A_70 : i32
      %ne3A_88 = arith.constant 0 : i32
      %ne3A_89 = arith.cmpi ne, %rem3A_87, %ne3A_88 : i32
      %and3A_90 = arith.andi %ne3A_86, %ne3A_89 : i1
      %sub3A_91 = arith.constant 1 : i32
      %sub3A_92 = arith.subi %div3A_71, %sub3A_91 : i32
      %select_n3A_93 = arith.select %and3A_90, %sub3A_92, %div3A_71 : i32
      %mul3A_94 = arith.constant 40000 : i32
      %mul3A_95 = arith.muli %select_n3A_93, %mul3A_94 : i32
      "tpu.region"() ({
        %run_scoped3A = tpu.sem_alloc : memref<!tpu.dma_semaphore, #tpu.memory_space<semaphore_mem>>
        %dma_start3A_114 = arith.constant 0 : i32
        %dma_start3A_115 = tpu.memref_slice %arg2[%select_n3A_69, %dma_start3A_114] : memref<3x50176xf32, #tpu.memory_space<hbm>> -> memref<1x50176xf32, #tpu.memory_space<hbm>>
        %dma_start3A_116 = tpu.memref_squeeze %dma_start3A_115 : memref<1x50176xf32, #tpu.memory_space<hbm>> -> memref<50176xf32, #tpu.memory_space<hbm>>
        %dma_start3A_117 = arith.constant 0 : i32
        %dma_start3A_118 = tpu.memref_slice %arg2[%select_n3A_69, %dma_start3A_117] : memref<3x50176xf32, #tpu.memory_space<hbm>> -> memref<1x50176xf32, #tpu.memory_space<hbm>>
        %dma_start3A_119 = tpu.memref_squeeze %dma_start3A_118 : memref<1x50176xf32, #tpu.memory_space<hbm>> -> memref<50176xf32, #tpu.memory_space<hbm>>
        tpu.enqueue_dma source(%dma_start3A_119 : memref<50176xf32, #tpu.memory_space<hbm>>) target(%arg5 : memref<50176xf32, #tpu.memory_space<vmem>>) target_semaphore(%run_scoped3A : memref<!tpu.dma_semaphore, #tpu.memory_space<semaphore_mem>>)
        %dma_wait3A = arith.constant 0 : i32
        %dma_wait3A_120 = tpu.memref_slice %arg2[%select_n3A_69, %dma_wait3A] : memref<3x50176xf32, #tpu.memory_space<hbm>> -> memref<1x50176xf32, #tpu.memory_space<hbm>>
        %dma_wait3A_121 = tpu.memref_squeeze %dma_wait3A_120 : memref<1x50176xf32, #tpu.memory_space<hbm>> -> memref<50176xf32, #tpu.memory_space<hbm>>
        %dma_wait3A_122 = arith.constant 0 : i32
        %dma_wait3A_123 = tpu.memref_slice %arg2[%select_n3A_69, %dma_wait3A_122] : memref<3x50176xf32, #tpu.memory_space<hbm>> -> memref<1x50176xf32, #tpu.memory_space<hbm>>
        %dma_wait3A_124 = tpu.memref_squeeze %dma_wait3A_123 : memref<1x50176xf32, #tpu.memory_space<hbm>> -> memref<50176xf32, #tpu.memory_space<hbm>>
        tpu.wait_dma2 semaphore(%run_scoped3A : memref<!tpu.dma_semaphore, #tpu.memory_space<semaphore_mem>>) src(%dma_wait3A_124 : memref<50176xf32, #tpu.memory_space<hbm>>) dst(%arg5 : memref<50176xf32, #tpu.memory_space<vmem>>)
        tpu.yield
      }) : () -> ()
      %broadcast_in_dim3A_96 = arith.constant 0.000000e+00 : f32
      %broadcast_in_dim3A_97 = vector.broadcast %broadcast_in_dim3A_96 : f32 to vector<16xf32>
      %parallel_loop3A_98 = arith.constant 0 : i32
      %parallel_loop3A_99 = arith.constant 3136 : i32
      %parallel_loop3A_100 = arith.constant 1 : i32
      scf.for %parallel_loop3A_114 = %parallel_loop3A_98 to %parallel_loop3A_99 step %parallel_loop3A_100  : i32 {
        %parallel_loop3A_115 = arith.constant 16 : i32
        %parallel_loop3A_116 = arith.muli %parallel_loop3A_114, %parallel_loop3A_115 : i32
        %parallel_loop3A_117 = arith.index_cast %parallel_loop3A_116 : i32 to index
        %parallel_loop3A_118 = tpu.vector_load %arg6[%parallel_loop3A_117] {strides = array<i32>} : memref<50176xf32, #tpu.memory_space<vmem>>, vector<16xf32>,
        tpu.vector_store %arg6[%parallel_loop3A_117], %broadcast_in_dim3A_97 {strides = array<i32>} : memref<50176xf32, #tpu.memory_space<vmem>>, vector<16xf32>,
      } {sc.loop_unroll_factor = 8 : i64, sc.parallel_access}
      %add3A_101 = arith.constant 0 : i32
      %add3A_102 = arith.addi %mul3A_95, %add3A_101 : i32
      %dma_start3A_103 = tpu.memref_slice %arg3[%add3A_102] : memref<1600000xi32, #tpu.memory_space<hbm>> -> memref<4000xi32, #tpu.memory_space<hbm>>
      %dma_start3A_104 = tpu.memref_slice %arg3[%add3A_102] : memref<1600000xi32, #tpu.memory_space<hbm>> -> memref<4000xi32, #tpu.memory_space<hbm>>
      tpu.enqueue_dma source(%dma_start3A_104 : memref<4000xi32, #tpu.memory_space<hbm>>) target(%arg7 : memref<4000xi32, #tpu.memory_space<vmem>>) target_semaphore(%arg11 : memref<!tpu.dma_semaphore, #tpu.memory_space<semaphore_mem>>)
      %add3A_105 = arith.constant 800000 : i32
      %add3A_106 = arith.addi %add3A_105, %add3A_102 : i32
      %dma_start3A_107 = tpu.memref_slice %arg3[%add3A_106] : memref<1600000xi32, #tpu.memory_space<hbm>> -> memref<4000xi32, #tpu.memory_space<hbm>>
      %dma_start3A_108 = tpu.memref_slice %arg3[%add3A_106] : memref<1600000xi32, #tpu.memory_space<hbm>> -> memref<4000xi32, #tpu.memory_space<hbm>>
      tpu.enqueue_dma source(%dma_start3A_108 : memref<4000xi32, #tpu.memory_space<hbm>>) target(%arg9 : memref<4000xi32, #tpu.memory_space<vmem>>) target_semaphore(%arg12 : memref<!tpu.dma_semaphore, #tpu.memory_space<semaphore_mem>>)
      %scan3A_109 = arith.constant 0 : i32
      %scan3A_110 = arith.constant 5 : i32
      %scan3A_111 = arith.addi %scan3A_109, %scan3A_110 : i32
      %scan3A_112 = arith.constant 1 : i32
      scf.for %scan3A_114 = %scan3A_109 to %scan3A_111 step %scan3A_112  : i32 {
        %mul3A_115 = arith.constant 1 : i32
        %mul3A_116 = arith.muli %scan3A_114, %mul3A_115 : i32
        %add3A_117 = arith.constant 0 : i32
        %add3A_118 = arith.addi %add3A_117, %mul3A_116 : i32
        %mul3A_119 = arith.constant 2 : i32
        %mul3A_120 = arith.muli %add3A_118, %mul3A_119 : i32
        %dma_wait3A = arith.constant 0 : i32
        %dma_wait3A_121 = tpu.memref_slice %arg3[%dma_wait3A] : memref<1600000xi32, #tpu.memory_space<hbm>> -> memref<4000xi32, #tpu.memory_space<hbm>>
        %dma_wait3A_122 = arith.constant 0 : i32
        %dma_wait3A_123 = tpu.memref_slice %arg3[%dma_wait3A_122] : memref<1600000xi32, #tpu.memory_space<hbm>> -> memref<4000xi32, #tpu.memory_space<hbm>>
        tpu.wait_dma2 semaphore(%arg11 : memref<!tpu.dma_semaphore, #tpu.memory_space<semaphore_mem>>) src(%dma_wait3A_123 : memref<4000xi32, #tpu.memory_space<hbm>>) dst(%arg7 : memref<4000xi32, #tpu.memory_space<vmem>>)
        %dma_wait3A_124 = arith.constant 0 : i32
        %dma_wait3A_125 = tpu.memref_slice %arg3[%dma_wait3A_124] : memref<1600000xi32, #tpu.memory_space<hbm>> -> memref<4000xi32, #tpu.memory_space<hbm>>
        %dma_wait3A_126 = arith.constant 0 : i32
        %dma_wait3A_127 = tpu.memref_slice %arg3[%dma_wait3A_126] : memref<1600000xi32, #tpu.memory_space<hbm>> -> memref<4000xi32, #tpu.memory_space<hbm>>
        tpu.wait_dma2 semaphore(%arg12 : memref<!tpu.dma_semaphore, #tpu.memory_space<semaphore_mem>>) src(%dma_wait3A_127 : memref<4000xi32, #tpu.memory_space<hbm>>) dst(%arg9 : memref<4000xi32, #tpu.memory_space<vmem>>)
        %add3A_128 = arith.constant 1 : i32
        %add3A_129 = arith.addi %mul3A_120, %add3A_128 : i32
        %mul3A_130 = arith.constant 4000 : i32
        %mul3A_131 = arith.muli %add3A_129, %mul3A_130 : i32
        %add3A_132 = arith.addi %mul3A_95, %mul3A_131 : i32
        %dma_start3A_133 = tpu.memref_slice %arg3[%add3A_132] : memref<1600000xi32, #tpu.memory_space<hbm>> -> memref<4000xi32, #tpu.memory_space<hbm>>
        %dma_start3A_134 = tpu.memref_slice %arg3[%add3A_132] : memref<1600000xi32, #tpu.memory_space<hbm>> -> memref<4000xi32, #tpu.memory_space<hbm>>
        tpu.enqueue_dma source(%dma_start3A_134 : memref<4000xi32, #tpu.memory_space<hbm>>) target(%arg8 : memref<4000xi32, #tpu.memory_space<vmem>>) target_semaphore(%arg11 : memref<!tpu.dma_semaphore, #tpu.memory_space<semaphore_mem>>)
        %add3A_135 = arith.constant 800000 : i32
        %add3A_136 = arith.addi %add3A_135, %add3A_132 : i32
        %dma_start3A_137 = tpu.memref_slice %arg3[%add3A_136] : memref<1600000xi32, #tpu.memory_space<hbm>> -> memref<4000xi32, #tpu.memory_space<hbm>>
        %dma_start3A_138 = tpu.memref_slice %arg3[%add3A_136] : memref<1600000xi32, #tpu.memory_space<hbm>> -> memref<4000xi32, #tpu.memory_space<hbm>>
        tpu.enqueue_dma source(%dma_start3A_138 : memref<4000xi32, #tpu.memory_space<hbm>>) target(%arg10 : memref<4000xi32, #tpu.memory_space<vmem>>) target_semaphore(%arg12 : memref<!tpu.dma_semaphore, #tpu.memory_space<semaphore_mem>>)
        %parallel_loop3A_139 = arith.constant 0 : i32
        %parallel_loop3A_140 = arith.constant 250 : i32
        %parallel_loop3A_141 = arith.constant 1 : i32
        scf.for %parallel_loop3A_160 = %parallel_loop3A_139 to %parallel_loop3A_140 step %parallel_loop3A_141  : i32 {
          %parallel_loop3A_161 = arith.constant 16 : i32
          %parallel_loop3A_162 = arith.muli %parallel_loop3A_160, %parallel_loop3A_161 : i32
          %parallel_loop3A_163 = arith.index_cast %parallel_loop3A_162 : i32 to index
          %parallel_loop3A_164 = tpu.vector_load %arg7[%parallel_loop3A_163] {strides = array<i32>} : memref<4000xi32, #tpu.memory_space<vmem>>, vector<16xi32>,
          %parallel_loop3A_165 = arith.index_cast %parallel_loop3A_162 : i32 to index
          %parallel_loop3A_166 = tpu.vector_load %arg9[%parallel_loop3A_165] {strides = array<i32>} : memref<4000xi32, #tpu.memory_space<vmem>>, vector<16xi32>,
          %parallel_loop3A_167 = tpu.vector_load_idx %arg5[%parallel_loop3A_164] : memref<50176xf32, #tpu.memory_space<vmem>>[vector<16xi32>], vector<16xf32>,
          tpu.vector_store_idx %arg6[%parallel_loop3A_166], %parallel_loop3A_167 {add = true} : memref<50176xf32, #tpu.memory_space<vmem>>[vector<16xi32>], vector<16xf32>,
        } {sc.loop_unroll_factor = 8 : i64, sc.parallel_access}
        %dma_wait3A_142 = arith.constant 0 : i32
        %dma_wait3A_143 = tpu.memref_slice %arg3[%dma_wait3A_142] : memref<1600000xi32, #tpu.memory_space<hbm>> -> memref<4000xi32, #tpu.memory_space<hbm>>
        %dma_wait3A_144 = arith.constant 0 : i32
        %dma_wait3A_145 = tpu.memref_slice %arg3[%dma_wait3A_144] : memref<1600000xi32, #tpu.memory_space<hbm>> -> memref<4000xi32, #tpu.memory_space<hbm>>
        tpu.wait_dma2 semaphore(%arg11 : memref<!tpu.dma_semaphore, #tpu.memory_space<semaphore_mem>>) src(%dma_wait3A_145 : memref<4000xi32, #tpu.memory_space<hbm>>) dst(%arg8 : memref<4000xi32, #tpu.memory_space<vmem>>)
        %dma_wait3A_146 = arith.constant 0 : i32
        %dma_wait3A_147 = tpu.memref_slice %arg3[%dma_wait3A_146] : memref<1600000xi32, #tpu.memory_space<hbm>> -> memref<4000xi32, #tpu.memory_space<hbm>>
        %dma_wait3A_148 = arith.constant 0 : i32
        %dma_wait3A_149 = tpu.memref_slice %arg3[%dma_wait3A_148] : memref<1600000xi32, #tpu.memory_space<hbm>> -> memref<4000xi32, #tpu.memory_space<hbm>>
        tpu.wait_dma2 semaphore(%arg12 : memref<!tpu.dma_semaphore, #tpu.memory_space<semaphore_mem>>) src(%dma_wait3A_149 : memref<4000xi32, #tpu.memory_space<hbm>>) dst(%arg10 : memref<4000xi32, #tpu.memory_space<vmem>>)
        %add3A_150 = arith.constant 2 : i32
        %add3A_151 = arith.addi %mul3A_120, %add3A_150 : i32
        %lt3A_152 = arith.constant 10 : i32
        %lt3A_153 = arith.cmpi slt, %add3A_151, %lt3A_152 : i32
        %convert_element_type3A_154 = arith.extui %lt3A_153 : i1 to i32
        %cond3A_155 = arith.constant 0 : i32
        %cond3A_156 = arith.cmpi ne, %convert_element_type3A_154, %cond3A_155 : i32
        scf.if %cond3A_156 {
          %add3A_160 = arith.constant 2 : i32
          %add3A_161 = arith.addi %mul3A_120, %add3A_160 : i32
          %mul3A_162 = arith.constant 4000 : i32
          %mul3A_163 = arith.muli %add3A_161, %mul3A_162 : i32
          %add3A_164 = arith.addi %mul3A_95, %mul3A_163 : i32
          %dma_start3A_165 = tpu.memref_slice %arg3[%add3A_164] : memref<1600000xi32, #tpu.memory_space<hbm>> -> memref<4000xi32, #tpu.memory_space<hbm>>
          %dma_start3A_166 = tpu.memref_slice %arg3[%add3A_164] : memref<1600000xi32, #tpu.memory_space<hbm>> -> memref<4000xi32, #tpu.memory_space<hbm>>
          tpu.enqueue_dma source(%dma_start3A_166 : memref<4000xi32, #tpu.memory_space<hbm>>) target(%arg7 : memref<4000xi32, #tpu.memory_space<vmem>>) target_semaphore(%arg11 : memref<!tpu.dma_semaphore, #tpu.memory_space<semaphore_mem>>)
          %add3A_167 = arith.constant 800000 : i32
          %add3A_168 = arith.addi %add3A_167, %add3A_164 : i32
          %dma_start3A_169 = tpu.memref_slice %arg3[%add3A_168] : memref<1600000xi32, #tpu.memory_space<hbm>> -> memref<4000xi32, #tpu.memory_space<hbm>>
          %dma_start3A_170 = tpu.memref_slice %arg3[%add3A_168] : memref<1600000xi32, #tpu.memory_space<hbm>> -> memref<4000xi32, #tpu.memory_space<hbm>>
          tpu.enqueue_dma source(%dma_start3A_170 : memref<4000xi32, #tpu.memory_space<hbm>>) target(%arg9 : memref<4000xi32, #tpu.memory_space<vmem>>) target_semaphore(%arg12 : memref<!tpu.dma_semaphore, #tpu.memory_space<semaphore_mem>>)
        } else {
        }
        %parallel_loop3A_157 = arith.constant 0 : i32
        %parallel_loop3A_158 = arith.constant 250 : i32
        %parallel_loop3A_159 = arith.constant 1 : i32
        scf.for %parallel_loop3A_160 = %parallel_loop3A_157 to %parallel_loop3A_158 step %parallel_loop3A_159  : i32 {
          %parallel_loop3A_161 = arith.constant 16 : i32
          %parallel_loop3A_162 = arith.muli %parallel_loop3A_160, %parallel_loop3A_161 : i32
          %parallel_loop3A_163 = arith.index_cast %parallel_loop3A_162 : i32 to index
          %parallel_loop3A_164 = tpu.vector_load %arg8[%parallel_loop3A_163] {strides = array<i32>} : memref<4000xi32, #tpu.memory_space<vmem>>, vector<16xi32>,
          %parallel_loop3A_165 = arith.index_cast %parallel_loop3A_162 : i32 to index
          %parallel_loop3A_166 = tpu.vector_load %arg10[%parallel_loop3A_165] {strides = array<i32>} : memref<4000xi32, #tpu.memory_space<vmem>>, vector<16xi32>,
          %parallel_loop3A_167 = tpu.vector_load_idx %arg5[%parallel_loop3A_164] : memref<50176xf32, #tpu.memory_space<vmem>>[vector<16xi32>], vector<16xf32>,
          tpu.vector_store_idx %arg6[%parallel_loop3A_166], %parallel_loop3A_167 {add = true} : memref<50176xf32, #tpu.memory_space<vmem>>[vector<16xi32>], vector<16xf32>,
        } {sc.loop_unroll_factor = 8 : i64, sc.parallel_access}
      }
      %scan3A_113 = arith.constant 5 : i32
      "tpu.region"() ({
        %run_scoped3A = tpu.sem_alloc : memref<!tpu.dma_semaphore, #tpu.memory_space<semaphore_mem>>
        %dma_start3A_114 = arith.constant 0 : i32
        %dma_start3A_115 = tpu.memref_slice %arg4[%select_n3A_93, %select_n3A_69, %dma_start3A_114] : memref<20x3x50176xf32, #tpu.memory_space<hbm>> -> memref<1x1x50176xf32, #tpu.memory_space<hbm>>
        %dma_start3A_116 = tpu.memref_squeeze %dma_start3A_115 : memref<1x1x50176xf32, #tpu.memory_space<hbm>> -> memref<50176xf32, #tpu.memory_space<hbm>>
        %dma_start3A_117 = arith.constant 0 : i32
        %dma_start3A_118 = tpu.memref_slice %arg4[%select_n3A_93, %select_n3A_69, %dma_start3A_117] : memref<20x3x50176xf32, #tpu.memory_space<hbm>> -> memref<1x1x50176xf32, #tpu.memory_space<hbm>>
        %dma_start3A_119 = tpu.memref_squeeze %dma_start3A_118 : memref<1x1x50176xf32, #tpu.memory_space<hbm>> -> memref<50176xf32, #tpu.memory_space<hbm>>
        tpu.enqueue_dma source(%arg6 : memref<50176xf32, #tpu.memory_space<vmem>>) target(%dma_start3A_119 : memref<50176xf32, #tpu.memory_space<hbm>>) target_semaphore(%run_scoped3A : memref<!tpu.dma_semaphore, #tpu.memory_space<semaphore_mem>>)
        %dma_wait3A = arith.constant 0 : i32
        %dma_wait3A_120 = tpu.memref_slice %arg4[%select_n3A_93, %select_n3A_69, %dma_wait3A] : memref<20x3x50176xf32, #tpu.memory_space<hbm>> -> memref<1x1x50176xf32, #tpu.memory_space<hbm>>
        %dma_wait3A_121 = tpu.memref_squeeze %dma_wait3A_120 : memref<1x1x50176xf32, #tpu.memory_space<hbm>> -> memref<50176xf32, #tpu.memory_space<hbm>>
        %dma_wait3A_122 = arith.constant 0 : i32
        %dma_wait3A_123 = tpu.memref_slice %arg4[%select_n3A_93, %select_n3A_69, %dma_wait3A_122] : memref<20x3x50176xf32, #tpu.memory_space<hbm>> -> memref<1x1x50176xf32, #tpu.memory_space<hbm>>
        %dma_wait3A_124 = tpu.memref_squeeze %dma_wait3A_123 : memref<1x1x50176xf32, #tpu.memory_space<hbm>> -> memref<50176xf32, #tpu.memory_space<hbm>>
        tpu.wait_dma2 semaphore(%run_scoped3A : memref<!tpu.dma_semaphore, #tpu.memory_space<semaphore_mem>>) src(%arg6 : memref<50176xf32, #tpu.memory_space<vmem>>) dst(%dma_wait3A_124 : memref<50176xf32, #tpu.memory_space<hbm>>)
        tpu.yield
      }) : () -> ()
    } else {
    }
    return
  }
}

#map = affine_map<(d0, d1) -> (0, 0)>
#map1 = affine_map<(d0, d1) -> (0)>
#map2 = affine_map<(d0, d1) -> (0, 0, 0)>
module attributes {stable_mosaic.version = 14 : i64} {
  func.func @k(%arg0: i32, %arg1: i32, %arg2: memref<3x50176xf32, #tpu.memory_space<hbm>>, %arg3: memref<1600000xi32, #tpu.memory_space<hbm>>, %arg4: memref<20x3x50176xf32, #tpu.memory_space<hbm>>, %arg5: memref<50176xf32, #tpu.memory_space<vmem>>, %arg6: memref<50176xf32, #tpu.memory_space<vmem>>, %arg7: memref<4000xi32, #tpu.memory_space<vmem>>, %arg8: memref<4000xi32, #tpu.memory_space<vmem>>, %arg9: memref<4000xi32, #tpu.memory_space<vmem>>, %arg10: memref<4000xi32, #tpu.memory_space<vmem>>, %arg11: memref<!tpu.dma_semaphore, #tpu.memory_space<semaphore_mem>>, %arg12: memref<!tpu.dma_semaphore, #tpu.memory_space<semaphore_mem>>) attributes {dimension_semantics = [#tpu.dimension_semantics<core_parallel>, #tpu.dimension_semantics<subcore_parallel>], iteration_bounds = array<i64: 2, 16>, scalar_prefetch = 0 : i64, scratch_operands = 8 : i64, tpu.core_type = #tpu.core_type<sc_vector_subcore>, window_params = [{transform_indices = #map}, {transform_indices = #map1}, {transform_indices = #map2}]} {
    %mul3A = arith.constant 2 : i32
    %mul3A_0 = arith.muli %arg1, %mul3A : i32
    %add3A = arith.addi %mul3A_0, %arg0 : i32
    %add3A_1 = arith.constant 0 : i32
    %add3A_2 = arith.addi %add3A, %add3A_1 : i32
    %jit3A = arith.constant 3 : i32
    %eq3A = arith.constant 0 : i32
    %eq3A_3 = arith.cmpi eq, %jit3A, %eq3A : i32
    %jit3A_4 = arith.constant 1 : i32
    %select_n3A = arith.select %eq3A_3, %jit3A_4, %jit3A : i32
    %rem3A = arith.remsi %add3A_2, %select_n3A : i32
    %ne3A = arith.constant 0 : i32
    %ne3A_5 = arith.cmpi ne, %rem3A, %ne3A : i32
    %lt3A = arith.constant 0 : i32
    %lt3A_6 = arith.cmpi slt, %rem3A, %lt3A : i32
    %lt3A_7 = arith.constant 0 : i32
    %lt3A_8 = arith.cmpi slt, %select_n3A, %lt3A_7 : i32
    %ne3A_9 = arith.xori %lt3A_6, %lt3A_8 : i1
    %and3A = arith.andi %ne3A_9, %ne3A_5 : i1
    %add3A_10 = arith.addi %rem3A, %select_n3A : i32
    %select_n3A_11 = arith.select %and3A, %add3A_10, %rem3A : i32
    %jit3A_12 = arith.constant 3 : i32
    %div3A = arith.divsi %add3A_2, %jit3A_12 : i32
    %sign3A = arith.constant 0 : i32
    %sign3A_13 = arith.cmpi sgt, %add3A_2, %sign3A : i32
    %sign3A_14 = arith.extui %sign3A_13 : i1 to i32
    %sign3A_15 = arith.constant 0 : i32
    %sign3A_16 = arith.cmpi slt, %add3A_2, %sign3A_15 : i32
    %sign3A_17 = arith.extui %sign3A_16 : i1 to i32
    %sign3A_18 = arith.subi %sign3A_14, %sign3A_17 : i32
    %sign3A_19 = arith.constant 0 : i32
    %sign3A_20 = arith.cmpi sgt, %jit3A_12, %sign3A_19 : i32
    %sign3A_21 = arith.extui %sign3A_20 : i1 to i32
    %sign3A_22 = arith.constant 0 : i32
    %sign3A_23 = arith.cmpi slt, %jit3A_12, %sign3A_22 : i32
    %sign3A_24 = arith.extui %sign3A_23 : i1 to i32
    %sign3A_25 = arith.subi %sign3A_21, %sign3A_24 : i32
    %ne3A_26 = arith.cmpi ne, %sign3A_18, %sign3A_25 : i32
    %rem3A_27 = arith.remsi %add3A_2, %jit3A_12 : i32
    %ne3A_28 = arith.constant 0 : i32
    %ne3A_29 = arith.cmpi ne, %rem3A_27, %ne3A_28 : i32
    %and3A_30 = arith.andi %ne3A_26, %ne3A_29 : i1
    %sub3A = arith.constant 1 : i32
    %sub3A_31 = arith.subi %div3A, %sub3A : i32
    %select_n3A_32 = arith.select %and3A_30, %sub3A_31, %div3A : i32
    %mul3A_33 = arith.constant 40000 : i32
    %mul3A_34 = arith.muli %select_n3A_32, %mul3A_33 : i32
    "tpu.region"() ({
      %run_scoped3A = tpu.sem_alloc : memref<!tpu.dma_semaphore, #tpu.memory_space<semaphore_mem>>
      %dma_start3A_54 = arith.constant 0 : i32
      %dma_start3A_55 = tpu.memref_slice %arg2[%select_n3A_11, %dma_start3A_54] : memref<3x50176xf32, #tpu.memory_space<hbm>> -> memref<1x50176xf32, #tpu.memory_space<hbm>>
      %dma_start3A_56 = tpu.memref_squeeze %dma_start3A_55 : memref<1x50176xf32, #tpu.memory_space<hbm>> -> memref<50176xf32, #tpu.memory_space<hbm>>
      %dma_start3A_57 = arith.constant 0 : i32
      %dma_start3A_58 = tpu.memref_slice %arg2[%select_n3A_11, %dma_start3A_57] : memref<3x50176xf32, #tpu.memory_space<hbm>> -> memref<1x50176xf32, #tpu.memory_space<hbm>>
      %dma_start3A_59 = tpu.memref_squeeze %dma_start3A_58 : memref<1x50176xf32, #tpu.memory_space<hbm>> -> memref<50176xf32, #tpu.memory_space<hbm>>
      tpu.enqueue_dma source(%dma_start3A_59 : memref<50176xf32, #tpu.memory_space<hbm>>) target(%arg5 : memref<50176xf32, #tpu.memory_space<vmem>>) target_semaphore(%run_scoped3A : memref<!tpu.dma_semaphore, #tpu.memory_space<semaphore_mem>>)
      %dma_wait3A = arith.constant 0 : i32
      %dma_wait3A_60 = tpu.memref_slice %arg2[%select_n3A_11, %dma_wait3A] : memref<3x50176xf32, #tpu.memory_space<hbm>> -> memref<1x50176xf32, #tpu.memory_space<hbm>>
      %dma_wait3A_61 = tpu.memref_squeeze %dma_wait3A_60 : memref<1x50176xf32, #tpu.memory_space<hbm>> -> memref<50176xf32, #tpu.memory_space<hbm>>
      %dma_wait3A_62 = arith.constant 0 : i32
      %dma_wait3A_63 = tpu.memref_slice %arg2[%select_n3A_11, %dma_wait3A_62] : memref<3x50176xf32, #tpu.memory_space<hbm>> -> memref<1x50176xf32, #tpu.memory_space<hbm>>
      %dma_wait3A_64 = tpu.memref_squeeze %dma_wait3A_63 : memref<1x50176xf32, #tpu.memory_space<hbm>> -> memref<50176xf32, #tpu.memory_space<hbm>>
      tpu.wait_dma2 semaphore(%run_scoped3A : memref<!tpu.dma_semaphore, #tpu.memory_space<semaphore_mem>>) src(%dma_wait3A_64 : memref<50176xf32, #tpu.memory_space<hbm>>) dst(%arg5 : memref<50176xf32, #tpu.memory_space<vmem>>)
      tpu.yield
    }) : () -> ()
    %broadcast_in_dim3A = arith.constant 0.000000e+00 : f32
    %broadcast_in_dim3A_35 = vector.broadcast %broadcast_in_dim3A : f32 to vector<16xf32>
    %parallel_loop3A = arith.constant 0 : i32
    %parallel_loop3A_36 = arith.constant 3136 : i32
    %parallel_loop3A_37 = arith.constant 1 : i32
    scf.for %parallel_loop3A_54 = %parallel_loop3A to %parallel_loop3A_36 step %parallel_loop3A_37  : i32 {
      %parallel_loop3A_55 = arith.constant 16 : i32
      %parallel_loop3A_56 = arith.muli %parallel_loop3A_54, %parallel_loop3A_55 : i32
      %parallel_loop3A_57 = arith.index_cast %parallel_loop3A_56 : i32 to index
      %parallel_loop3A_58 = tpu.vector_load %arg6[%parallel_loop3A_57] {strides = array<i32>} : memref<50176xf32, #tpu.memory_space<vmem>>, vector<16xf32>,
      tpu.vector_store %arg6[%parallel_loop3A_57], %broadcast_in_dim3A_35 {strides = array<i32>} : memref<50176xf32, #tpu.memory_space<vmem>>, vector<16xf32>,
    } {sc.loop_unroll_factor = 8 : i64, sc.parallel_access}
    %add3A_38 = arith.constant 0 : i32
    %add3A_39 = arith.addi %mul3A_34, %add3A_38 : i32
    %dma_start3A = tpu.memref_slice %arg3[%add3A_39] : memref<1600000xi32, #tpu.memory_space<hbm>> -> memref<4000xi32, #tpu.memory_space<hbm>>
    %dma_start3A_40 = tpu.memref_slice %arg3[%add3A_39] : memref<1600000xi32, #tpu.memory_space<hbm>> -> memref<4000xi32, #tpu.memory_space<hbm>>
    tpu.enqueue_dma source(%dma_start3A_40 : memref<4000xi32, #tpu.memory_space<hbm>>) target(%arg7 : memref<4000xi32, #tpu.memory_space<vmem>>) target_semaphore(%arg11 : memref<!tpu.dma_semaphore, #tpu.memory_space<semaphore_mem>>)
    %add3A_41 = arith.constant 800000 : i32
    %add3A_42 = arith.addi %add3A_41, %add3A_39 : i32
    %dma_start3A_43 = tpu.memref_slice %arg3[%add3A_42] : memref<1600000xi32, #tpu.memory_space<hbm>> -> memref<4000xi32, #tpu.memory_space<hbm>>
    %dma_start3A_44 = tpu.memref_slice %arg3[%add3A_42] : memref<1600000xi32, #tpu.memory_space<hbm>> -> memref<4000xi32, #tpu.memory_space<hbm>>
    tpu.enqueue_dma source(%dma_start3A_44 : memref<4000xi32, #tpu.memory_space<hbm>>) target(%arg9 : memref<4000xi32, #tpu.memory_space<vmem>>) target_semaphore(%arg12 : memref<!tpu.dma_semaphore, #tpu.memory_space<semaphore_mem>>)
    %scan3A = arith.constant 0 : i32
    %scan3A_45 = arith.constant 5 : i32
    %scan3A_46 = arith.addi %scan3A, %scan3A_45 : i32
    %scan3A_47 = arith.constant 1 : i32
    scf.for %scan3A_54 = %scan3A to %scan3A_46 step %scan3A_47  : i32 {
      %mul3A_55 = arith.constant 1 : i32
      %mul3A_56 = arith.muli %scan3A_54, %mul3A_55 : i32
      %add3A_57 = arith.constant 0 : i32
      %add3A_58 = arith.addi %add3A_57, %mul3A_56 : i32
      %mul3A_59 = arith.constant 2 : i32
      %mul3A_60 = arith.muli %add3A_58, %mul3A_59 : i32
      %dma_wait3A = arith.constant 0 : i32
      %dma_wait3A_61 = tpu.memref_slice %arg3[%dma_wait3A] : memref<1600000xi32, #tpu.memory_space<hbm>> -> memref<4000xi32, #tpu.memory_space<hbm>>
      %dma_wait3A_62 = arith.constant 0 : i32
      %dma_wait3A_63 = tpu.memref_slice %arg3[%dma_wait3A_62] : memref<1600000xi32, #tpu.memory_space<hbm>> -> memref<4000xi32, #tpu.memory_space<hbm>>
      tpu.wait_dma2 semaphore(%arg11 : memref<!tpu.dma_semaphore, #tpu.memory_space<semaphore_mem>>) src(%dma_wait3A_63 : memref<4000xi32, #tpu.memory_space<hbm>>) dst(%arg7 : memref<4000xi32, #tpu.memory_space<vmem>>)
      %dma_wait3A_64 = arith.constant 0 : i32
      %dma_wait3A_65 = tpu.memref_slice %arg3[%dma_wait3A_64] : memref<1600000xi32, #tpu.memory_space<hbm>> -> memref<4000xi32, #tpu.memory_space<hbm>>
      %dma_wait3A_66 = arith.constant 0 : i32
      %dma_wait3A_67 = tpu.memref_slice %arg3[%dma_wait3A_66] : memref<1600000xi32, #tpu.memory_space<hbm>> -> memref<4000xi32, #tpu.memory_space<hbm>>
      tpu.wait_dma2 semaphore(%arg12 : memref<!tpu.dma_semaphore, #tpu.memory_space<semaphore_mem>>) src(%dma_wait3A_67 : memref<4000xi32, #tpu.memory_space<hbm>>) dst(%arg9 : memref<4000xi32, #tpu.memory_space<vmem>>)
      %add3A_68 = arith.constant 1 : i32
      %add3A_69 = arith.addi %mul3A_60, %add3A_68 : i32
      %mul3A_70 = arith.constant 4000 : i32
      %mul3A_71 = arith.muli %add3A_69, %mul3A_70 : i32
      %add3A_72 = arith.addi %mul3A_34, %mul3A_71 : i32
      %dma_start3A_73 = tpu.memref_slice %arg3[%add3A_72] : memref<1600000xi32, #tpu.memory_space<hbm>> -> memref<4000xi32, #tpu.memory_space<hbm>>
      %dma_start3A_74 = tpu.memref_slice %arg3[%add3A_72] : memref<1600000xi32, #tpu.memory_space<hbm>> -> memref<4000xi32, #tpu.memory_space<hbm>>
      tpu.enqueue_dma source(%dma_start3A_74 : memref<4000xi32, #tpu.memory_space<hbm>>) target(%arg8 : memref<4000xi32, #tpu.memory_space<vmem>>) target_semaphore(%arg11 : memref<!tpu.dma_semaphore, #tpu.memory_space<semaphore_mem>>)
      %add3A_75 = arith.constant 800000 : i32
      %add3A_76 = arith.addi %add3A_75, %add3A_72 : i32
      %dma_start3A_77 = tpu.memref_slice %arg3[%add3A_76] : memref<1600000xi32, #tpu.memory_space<hbm>> -> memref<4000xi32, #tpu.memory_space<hbm>>
      %dma_start3A_78 = tpu.memref_slice %arg3[%add3A_76] : memref<1600000xi32, #tpu.memory_space<hbm>> -> memref<4000xi32, #tpu.memory_space<hbm>>
      tpu.enqueue_dma source(%dma_start3A_78 : memref<4000xi32, #tpu.memory_space<hbm>>) target(%arg10 : memref<4000xi32, #tpu.memory_space<vmem>>) target_semaphore(%arg12 : memref<!tpu.dma_semaphore, #tpu.memory_space<semaphore_mem>>)
      %parallel_loop3A_79 = arith.constant 0 : i32
      %parallel_loop3A_80 = arith.constant 250 : i32
      %parallel_loop3A_81 = arith.constant 1 : i32
      scf.for %parallel_loop3A_100 = %parallel_loop3A_79 to %parallel_loop3A_80 step %parallel_loop3A_81  : i32 {
        %parallel_loop3A_101 = arith.constant 16 : i32
        %parallel_loop3A_102 = arith.muli %parallel_loop3A_100, %parallel_loop3A_101 : i32
        %parallel_loop3A_103 = arith.index_cast %parallel_loop3A_102 : i32 to index
        %parallel_loop3A_104 = tpu.vector_load %arg7[%parallel_loop3A_103] {strides = array<i32>} : memref<4000xi32, #tpu.memory_space<vmem>>, vector<16xi32>,
        %parallel_loop3A_105 = arith.index_cast %parallel_loop3A_102 : i32 to index
        %parallel_loop3A_106 = tpu.vector_load %arg9[%parallel_loop3A_105] {strides = array<i32>} : memref<4000xi32, #tpu.memory_space<vmem>>, vector<16xi32>,
        %parallel_loop3A_107 = tpu.vector_load_idx %arg5[%parallel_loop3A_104] : memref<50176xf32, #tpu.memory_space<vmem>>[vector<16xi32>], vector<16xf32>,
        tpu.vector_store_idx %arg6[%parallel_loop3A_106], %parallel_loop3A_107 {add = true} : memref<50176xf32, #tpu.memory_space<vmem>>[vector<16xi32>], vector<16xf32>,
      } {sc.loop_unroll_factor = 8 : i64, sc.parallel_access}
      %dma_wait3A_82 = arith.constant 0 : i32
      %dma_wait3A_83 = tpu.memref_slice %arg3[%dma_wait3A_82] : memref<1600000xi32, #tpu.memory_space<hbm>> -> memref<4000xi32, #tpu.memory_space<hbm>>
      %dma_wait3A_84 = arith.constant 0 : i32
      %dma_wait3A_85 = tpu.memref_slice %arg3[%dma_wait3A_84] : memref<1600000xi32, #tpu.memory_space<hbm>> -> memref<4000xi32, #tpu.memory_space<hbm>>
      tpu.wait_dma2 semaphore(%arg11 : memref<!tpu.dma_semaphore, #tpu.memory_space<semaphore_mem>>) src(%dma_wait3A_85 : memref<4000xi32, #tpu.memory_space<hbm>>) dst(%arg8 : memref<4000xi32, #tpu.memory_space<vmem>>)
      %dma_wait3A_86 = arith.constant 0 : i32
      %dma_wait3A_87 = tpu.memref_slice %arg3[%dma_wait3A_86] : memref<1600000xi32, #tpu.memory_space<hbm>> -> memref<4000xi32, #tpu.memory_space<hbm>>
      %dma_wait3A_88 = arith.constant 0 : i32
      %dma_wait3A_89 = tpu.memref_slice %arg3[%dma_wait3A_88] : memref<1600000xi32, #tpu.memory_space<hbm>> -> memref<4000xi32, #tpu.memory_space<hbm>>
      tpu.wait_dma2 semaphore(%arg12 : memref<!tpu.dma_semaphore, #tpu.memory_space<semaphore_mem>>) src(%dma_wait3A_89 : memref<4000xi32, #tpu.memory_space<hbm>>) dst(%arg10 : memref<4000xi32, #tpu.memory_space<vmem>>)
      %add3A_90 = arith.constant 2 : i32
      %add3A_91 = arith.addi %mul3A_60, %add3A_90 : i32
      %lt3A_92 = arith.constant 10 : i32
      %lt3A_93 = arith.cmpi slt, %add3A_91, %lt3A_92 : i32
      %convert_element_type3A_94 = arith.extui %lt3A_93 : i1 to i32
      %cond3A_95 = arith.constant 0 : i32
      %cond3A_96 = arith.cmpi ne, %convert_element_type3A_94, %cond3A_95 : i32
      scf.if %cond3A_96 {
        %add3A_100 = arith.constant 2 : i32
        %add3A_101 = arith.addi %mul3A_60, %add3A_100 : i32
        %mul3A_102 = arith.constant 4000 : i32
        %mul3A_103 = arith.muli %add3A_101, %mul3A_102 : i32
        %add3A_104 = arith.addi %mul3A_34, %mul3A_103 : i32
        %dma_start3A_105 = tpu.memref_slice %arg3[%add3A_104] : memref<1600000xi32, #tpu.memory_space<hbm>> -> memref<4000xi32, #tpu.memory_space<hbm>>
        %dma_start3A_106 = tpu.memref_slice %arg3[%add3A_104] : memref<1600000xi32, #tpu.memory_space<hbm>> -> memref<4000xi32, #tpu.memory_space<hbm>>
        tpu.enqueue_dma source(%dma_start3A_106 : memref<4000xi32, #tpu.memory_space<hbm>>) target(%arg7 : memref<4000xi32, #tpu.memory_space<vmem>>) target_semaphore(%arg11 : memref<!tpu.dma_semaphore, #tpu.memory_space<semaphore_mem>>)
        %add3A_107 = arith.constant 800000 : i32
        %add3A_108 = arith.addi %add3A_107, %add3A_104 : i32
        %dma_start3A_109 = tpu.memref_slice %arg3[%add3A_108] : memref<1600000xi32, #tpu.memory_space<hbm>> -> memref<4000xi32, #tpu.memory_space<hbm>>
        %dma_start3A_110 = tpu.memref_slice %arg3[%add3A_108] : memref<1600000xi32, #tpu.memory_space<hbm>> -> memref<4000xi32, #tpu.memory_space<hbm>>
        tpu.enqueue_dma source(%dma_start3A_110 : memref<4000xi32, #tpu.memory_space<hbm>>) target(%arg9 : memref<4000xi32, #tpu.memory_space<vmem>>) target_semaphore(%arg12 : memref<!tpu.dma_semaphore, #tpu.memory_space<semaphore_mem>>)
      } else {
      }
      %parallel_loop3A_97 = arith.constant 0 : i32
      %parallel_loop3A_98 = arith.constant 250 : i32
      %parallel_loop3A_99 = arith.constant 1 : i32
      scf.for %parallel_loop3A_100 = %parallel_loop3A_97 to %parallel_loop3A_98 step %parallel_loop3A_99  : i32 {
        %parallel_loop3A_101 = arith.constant 16 : i32
        %parallel_loop3A_102 = arith.muli %parallel_loop3A_100, %parallel_loop3A_101 : i32
        %parallel_loop3A_103 = arith.index_cast %parallel_loop3A_102 : i32 to index
        %parallel_loop3A_104 = tpu.vector_load %arg8[%parallel_loop3A_103] {strides = array<i32>} : memref<4000xi32, #tpu.memory_space<vmem>>, vector<16xi32>,
        %parallel_loop3A_105 = arith.index_cast %parallel_loop3A_102 : i32 to index
        %parallel_loop3A_106 = tpu.vector_load %arg10[%parallel_loop3A_105] {strides = array<i32>} : memref<4000xi32, #tpu.memory_space<vmem>>, vector<16xi32>,
        %parallel_loop3A_107 = tpu.vector_load_idx %arg5[%parallel_loop3A_104] : memref<50176xf32, #tpu.memory_space<vmem>>[vector<16xi32>], vector<16xf32>,
        tpu.vector_store_idx %arg6[%parallel_loop3A_106], %parallel_loop3A_107 {add = true} : memref<50176xf32, #tpu.memory_space<vmem>>[vector<16xi32>], vector<16xf32>,
      } {sc.loop_unroll_factor = 8 : i64, sc.parallel_access}
    }
    %scan3A_48 = arith.constant 5 : i32
    "tpu.region"() ({
      %run_scoped3A = tpu.sem_alloc : memref<!tpu.dma_semaphore, #tpu.memory_space<semaphore_mem>>
      %dma_start3A_54 = arith.constant 0 : i32
      %dma_start3A_55 = tpu.memref_slice %arg4[%select_n3A_32, %select_n3A_11, %dma_start3A_54] : memref<20x3x50176xf32, #tpu.memory_space<hbm>> -> memref<1x1x50176xf32, #tpu.memory_space<hbm>>
      %dma_start3A_56 = tpu.memref_squeeze %dma_start3A_55 : memref<1x1x50176xf32, #tpu.memory_space<hbm>> -> memref<50176xf32, #tpu.memory_space<hbm>>
      %dma_start3A_57 = arith.constant 0 : i32
      %dma_start3A_58 = tpu.memref_slice %arg4[%select_n3A_32, %select_n3A_11, %dma_start3A_57] : memref<20x3x50176xf32, #tpu.memory_space<hbm>> -> memref<1x1x50176xf32, #tpu.memory_space<hbm>>
      %dma_start3A_59 = tpu.memref_squeeze %dma_start3A_58 : memref<1x1x50176xf32, #tpu.memory_space<hbm>> -> memref<50176xf32, #tpu.memory_space<hbm>>
      tpu.enqueue_dma source(%arg6 : memref<50176xf32, #tpu.memory_space<vmem>>) target(%dma_start3A_59 : memref<50176xf32, #tpu.memory_space<hbm>>) target_semaphore(%run_scoped3A : memref<!tpu.dma_semaphore, #tpu.memory_space<semaphore_mem>>)
      %dma_wait3A = arith.constant 0 : i32
      %dma_wait3A_60 = tpu.memref_slice %arg4[%select_n3A_32, %select_n3A_11, %dma_wait3A] : memref<20x3x50176xf32, #tpu.memory_space<hbm>> -> memref<1x1x50176xf32, #tpu.memory_space<hbm>>
      %dma_wait3A_61 = tpu.memref_squeeze %dma_wait3A_60 : memref<1x1x50176xf32, #tpu.memory_space<hbm>> -> memref<50176xf32, #tpu.memory_space<hbm>>
      %dma_wait3A_62 = arith.constant 0 : i32
      %dma_wait3A_63 = tpu.memref_slice %arg4[%select_n3A_32, %select_n3A_11, %dma_wait3A_62] : memref<20x3x50176xf32, #tpu.memory_space<hbm>> -> memref<1x1x50176xf32, #tpu.memory_space<hbm>>
      %dma_wait3A_64 = tpu.memref_squeeze %dma_wait3A_63 : memref<1x1x50176xf32, #tpu.memory_space<hbm>> -> memref<50176xf32, #tpu.memory_space<hbm>>
      tpu.wait_dma2 semaphore(%run_scoped3A : memref<!tpu.dma_semaphore, #tpu.memory_space<semaphore_mem>>) src(%arg6 : memref<50176xf32, #tpu.memory_space<vmem>>) dst(%dma_wait3A_64 : memref<50176xf32, #tpu.memory_space<hbm>>)
      tpu.yield
    }) : () -> ()
    %add3A_49 = arith.constant 32 : i32
    %add3A_50 = arith.addi %add3A, %add3A_49 : i32
    %lt3A_51 = arith.constant 60 : i32
    %lt3A_52 = arith.cmpi slt, %add3A_50, %lt3A_51 : i32
    %convert_element_type3A = arith.extui %lt3A_52 : i1 to i32
    %cond3A = arith.constant 0 : i32
    %cond3A_53 = arith.cmpi ne, %convert_element_type3A, %cond3A : i32
    scf.if %cond3A_53 {
      %jit3A_54 = arith.constant 3 : i32
      %eq3A_55 = arith.constant 0 : i32
      %eq3A_56 = arith.cmpi eq, %jit3A_54, %eq3A_55 : i32
      %jit3A_57 = arith.constant 1 : i32
      %select_n3A_58 = arith.select %eq3A_56, %jit3A_57, %jit3A_54 : i32
      %rem3A_59 = arith.remsi %add3A_50, %select_n3A_58 : i32
      %ne3A_60 = arith.constant 0 : i32
      %ne3A_61 = arith.cmpi ne, %rem3A_59, %ne3A_60 : i32
      %lt3A_62 = arith.constant 0 : i32
      %lt3A_63 = arith.cmpi slt, %rem3A_59, %lt3A_62 : i32
      %lt3A_64 = arith.constant 0 : i32
      %lt3A_65 = arith.cmpi slt, %select_n3A_58, %lt3A_64 : i32
      %ne3A_66 = arith.xori %lt3A_63, %lt3A_65 : i1
      %and3A_67 = arith.andi %ne3A_66, %ne3A_61 : i1
      %add3A_68 = arith.addi %rem3A_59, %select_n3A_58 : i32
      %select_n3A_69 = arith.select %and3A_67, %add3A_68, %rem3A_59 : i32
      %jit3A_70 = arith.constant 3 : i32
      %div3A_71 = arith.divsi %add3A_50, %jit3A_70 : i32
      %sign3A_72 = arith.constant 0 : i32
      %sign3A_73 = arith.cmpi sgt, %add3A_50, %sign3A_72 : i32
      %sign3A_74 = arith.extui %sign3A_73 : i1 to i32
      %sign3A_75 = arith.constant 0 : i32
      %sign3A_76 = arith.cmpi slt, %add3A_50, %sign3A_75 : i32
      %sign3A_77 = arith.extui %sign3A_76 : i1 to i32
      %sign3A_78 = arith.subi %sign3A_74, %sign3A_77 : i32
      %sign3A_79 = arith.constant 0 : i32
      %sign3A_80 = arith.cmpi sgt, %jit3A_70, %sign3A_79 : i32
      %sign3A_81 = arith.extui %sign3A_80 : i1 to i32
      %sign3A_82 = arith.constant 0 : i32
      %sign3A_83 = arith.cmpi slt, %jit3A_70, %sign3A_82 : i32
      %sign3A_84 = arith.extui %sign3A_83 : i1 to i32
      %sign3A_85 = arith.subi %sign3A_81, %sign3A_84 : i32
      %ne3A_86 = arith.cmpi ne, %sign3A_78, %sign3A_85 : i32
      %rem3A_87 = arith.remsi %add3A_50, %jit3A_70 : i32
      %ne3A_88 = arith.constant 0 : i32
      %ne3A_89 = arith.cmpi ne, %rem3A_87, %ne3A_88 : i32
      %and3A_90 = arith.andi %ne3A_86, %ne3A_89 : i1
      %sub3A_91 = arith.constant 1 : i32
      %sub3A_92 = arith.subi %div3A_71, %sub3A_91 : i32
      %select_n3A_93 = arith.select %and3A_90, %sub3A_92, %div3A_71 : i32
      %mul3A_94 = arith.constant 40000 : i32
      %mul3A_95 = arith.muli %select_n3A_93, %mul3A_94 : i32
      "tpu.region"() ({
        %run_scoped3A = tpu.sem_alloc : memref<!tpu.dma_semaphore, #tpu.memory_space<semaphore_mem>>
        %dma_start3A_114 = arith.constant 0 : i32
        %dma_start3A_115 = tpu.memref_slice %arg2[%select_n3A_69, %dma_start3A_114] : memref<3x50176xf32, #tpu.memory_space<hbm>> -> memref<1x50176xf32, #tpu.memory_space<hbm>>
        %dma_start3A_116 = tpu.memref_squeeze %dma_start3A_115 : memref<1x50176xf32, #tpu.memory_space<hbm>> -> memref<50176xf32, #tpu.memory_space<hbm>>
        %dma_start3A_117 = arith.constant 0 : i32
        %dma_start3A_118 = tpu.memref_slice %arg2[%select_n3A_69, %dma_start3A_117] : memref<3x50176xf32, #tpu.memory_space<hbm>> -> memref<1x50176xf32, #tpu.memory_space<hbm>>
        %dma_start3A_119 = tpu.memref_squeeze %dma_start3A_118 : memref<1x50176xf32, #tpu.memory_space<hbm>> -> memref<50176xf32, #tpu.memory_space<hbm>>
        tpu.enqueue_dma source(%dma_start3A_119 : memref<50176xf32, #tpu.memory_space<hbm>>) target(%arg5 : memref<50176xf32, #tpu.memory_space<vmem>>) target_semaphore(%run_scoped3A : memref<!tpu.dma_semaphore, #tpu.memory_space<semaphore_mem>>)
        %dma_wait3A = arith.constant 0 : i32
        %dma_wait3A_120 = tpu.memref_slice %arg2[%select_n3A_69, %dma_wait3A] : memref<3x50176xf32, #tpu.memory_space<hbm>> -> memref<1x50176xf32, #tpu.memory_space<hbm>>
        %dma_wait3A_121 = tpu.memref_squeeze %dma_wait3A_120 : memref<1x50176xf32, #tpu.memory_space<hbm>> -> memref<50176xf32, #tpu.memory_space<hbm>>
        %dma_wait3A_122 = arith.constant 0 : i32
        %dma_wait3A_123 = tpu.memref_slice %arg2[%select_n3A_69, %dma_wait3A_122] : memref<3x50176xf32, #tpu.memory_space<hbm>> -> memref<1x50176xf32, #tpu.memory_space<hbm>>
        %dma_wait3A_124 = tpu.memref_squeeze %dma_wait3A_123 : memref<1x50176xf32, #tpu.memory_space<hbm>> -> memref<50176xf32, #tpu.memory_space<hbm>>
        tpu.wait_dma2 semaphore(%run_scoped3A : memref<!tpu.dma_semaphore, #tpu.memory_space<semaphore_mem>>) src(%dma_wait3A_124 : memref<50176xf32, #tpu.memory_space<hbm>>) dst(%arg5 : memref<50176xf32, #tpu.memory_space<vmem>>)
        tpu.yield
      }) : () -> ()
      %broadcast_in_dim3A_96 = arith.constant 0.000000e+00 : f32
      %broadcast_in_dim3A_97 = vector.broadcast %broadcast_in_dim3A_96 : f32 to vector<16xf32>
      %parallel_loop3A_98 = arith.constant 0 : i32
      %parallel_loop3A_99 = arith.constant 3136 : i32
      %parallel_loop3A_100 = arith.constant 1 : i32
      scf.for %parallel_loop3A_114 = %parallel_loop3A_98 to %parallel_loop3A_99 step %parallel_loop3A_100  : i32 {
        %parallel_loop3A_115 = arith.constant 16 : i32
        %parallel_loop3A_116 = arith.muli %parallel_loop3A_114, %parallel_loop3A_115 : i32
        %parallel_loop3A_117 = arith.index_cast %parallel_loop3A_116 : i32 to index
        %parallel_loop3A_118 = tpu.vector_load %arg6[%parallel_loop3A_117] {strides = array<i32>} : memref<50176xf32, #tpu.memory_space<vmem>>, vector<16xf32>,
        tpu.vector_store %arg6[%parallel_loop3A_117], %broadcast_in_dim3A_97 {strides = array<i32>} : memref<50176xf32, #tpu.memory_space<vmem>>, vector<16xf32>,
      } {sc.loop_unroll_factor = 8 : i64, sc.parallel_access}
      %add3A_101 = arith.constant 0 : i32
      %add3A_102 = arith.addi %mul3A_95, %add3A_101 : i32
      %dma_start3A_103 = tpu.memref_slice %arg3[%add3A_102] : memref<1600000xi32, #tpu.memory_space<hbm>> -> memref<4000xi32, #tpu.memory_space<hbm>>
      %dma_start3A_104 = tpu.memref_slice %arg3[%add3A_102] : memref<1600000xi32, #tpu.memory_space<hbm>> -> memref<4000xi32, #tpu.memory_space<hbm>>
      tpu.enqueue_dma source(%dma_start3A_104 : memref<4000xi32, #tpu.memory_space<hbm>>) target(%arg7 : memref<4000xi32, #tpu.memory_space<vmem>>) target_semaphore(%arg11 : memref<!tpu.dma_semaphore, #tpu.memory_space<semaphore_mem>>)
      %add3A_105 = arith.constant 800000 : i32
      %add3A_106 = arith.addi %add3A_105, %add3A_102 : i32
      %dma_start3A_107 = tpu.memref_slice %arg3[%add3A_106] : memref<1600000xi32, #tpu.memory_space<hbm>> -> memref<4000xi32, #tpu.memory_space<hbm>>
      %dma_start3A_108 = tpu.memref_slice %arg3[%add3A_106] : memref<1600000xi32, #tpu.memory_space<hbm>> -> memref<4000xi32, #tpu.memory_space<hbm>>
      tpu.enqueue_dma source(%dma_start3A_108 : memref<4000xi32, #tpu.memory_space<hbm>>) target(%arg9 : memref<4000xi32, #tpu.memory_space<vmem>>) target_semaphore(%arg12 : memref<!tpu.dma_semaphore, #tpu.memory_space<semaphore_mem>>)
      %scan3A_109 = arith.constant 0 : i32
      %scan3A_110 = arith.constant 5 : i32
      %scan3A_111 = arith.addi %scan3A_109, %scan3A_110 : i32
      %scan3A_112 = arith.constant 1 : i32
      scf.for %scan3A_114 = %scan3A_109 to %scan3A_111 step %scan3A_112  : i32 {
        %mul3A_115 = arith.constant 1 : i32
        %mul3A_116 = arith.muli %scan3A_114, %mul3A_115 : i32
        %add3A_117 = arith.constant 0 : i32
        %add3A_118 = arith.addi %add3A_117, %mul3A_116 : i32
        %mul3A_119 = arith.constant 2 : i32
        %mul3A_120 = arith.muli %add3A_118, %mul3A_119 : i32
        %dma_wait3A = arith.constant 0 : i32
        %dma_wait3A_121 = tpu.memref_slice %arg3[%dma_wait3A] : memref<1600000xi32, #tpu.memory_space<hbm>> -> memref<4000xi32, #tpu.memory_space<hbm>>
        %dma_wait3A_122 = arith.constant 0 : i32
        %dma_wait3A_123 = tpu.memref_slice %arg3[%dma_wait3A_122] : memref<1600000xi32, #tpu.memory_space<hbm>> -> memref<4000xi32, #tpu.memory_space<hbm>>
        tpu.wait_dma2 semaphore(%arg11 : memref<!tpu.dma_semaphore, #tpu.memory_space<semaphore_mem>>) src(%dma_wait3A_123 : memref<4000xi32, #tpu.memory_space<hbm>>) dst(%arg7 : memref<4000xi32, #tpu.memory_space<vmem>>)
        %dma_wait3A_124 = arith.constant 0 : i32
        %dma_wait3A_125 = tpu.memref_slice %arg3[%dma_wait3A_124] : memref<1600000xi32, #tpu.memory_space<hbm>> -> memref<4000xi32, #tpu.memory_space<hbm>>
        %dma_wait3A_126 = arith.constant 0 : i32
        %dma_wait3A_127 = tpu.memref_slice %arg3[%dma_wait3A_126] : memref<1600000xi32, #tpu.memory_space<hbm>> -> memref<4000xi32, #tpu.memory_space<hbm>>
        tpu.wait_dma2 semaphore(%arg12 : memref<!tpu.dma_semaphore, #tpu.memory_space<semaphore_mem>>) src(%dma_wait3A_127 : memref<4000xi32, #tpu.memory_space<hbm>>) dst(%arg9 : memref<4000xi32, #tpu.memory_space<vmem>>)
        %add3A_128 = arith.constant 1 : i32
        %add3A_129 = arith.addi %mul3A_120, %add3A_128 : i32
        %mul3A_130 = arith.constant 4000 : i32
        %mul3A_131 = arith.muli %add3A_129, %mul3A_130 : i32
        %add3A_132 = arith.addi %mul3A_95, %mul3A_131 : i32
        %dma_start3A_133 = tpu.memref_slice %arg3[%add3A_132] : memref<1600000xi32, #tpu.memory_space<hbm>> -> memref<4000xi32, #tpu.memory_space<hbm>>
        %dma_start3A_134 = tpu.memref_slice %arg3[%add3A_132] : memref<1600000xi32, #tpu.memory_space<hbm>> -> memref<4000xi32, #tpu.memory_space<hbm>>
        tpu.enqueue_dma source(%dma_start3A_134 : memref<4000xi32, #tpu.memory_space<hbm>>) target(%arg8 : memref<4000xi32, #tpu.memory_space<vmem>>) target_semaphore(%arg11 : memref<!tpu.dma_semaphore, #tpu.memory_space<semaphore_mem>>)
        %add3A_135 = arith.constant 800000 : i32
        %add3A_136 = arith.addi %add3A_135, %add3A_132 : i32
        %dma_start3A_137 = tpu.memref_slice %arg3[%add3A_136] : memref<1600000xi32, #tpu.memory_space<hbm>> -> memref<4000xi32, #tpu.memory_space<hbm>>
        %dma_start3A_138 = tpu.memref_slice %arg3[%add3A_136] : memref<1600000xi32, #tpu.memory_space<hbm>> -> memref<4000xi32, #tpu.memory_space<hbm>>
        tpu.enqueue_dma source(%dma_start3A_138 : memref<4000xi32, #tpu.memory_space<hbm>>) target(%arg10 : memref<4000xi32, #tpu.memory_space<vmem>>) target_semaphore(%arg12 : memref<!tpu.dma_semaphore, #tpu.memory_space<semaphore_mem>>)
        %parallel_loop3A_139 = arith.constant 0 : i32
        %parallel_loop3A_140 = arith.constant 250 : i32
        %parallel_loop3A_141 = arith.constant 1 : i32
        scf.for %parallel_loop3A_160 = %parallel_loop3A_139 to %parallel_loop3A_140 step %parallel_loop3A_141  : i32 {
          %parallel_loop3A_161 = arith.constant 16 : i32
          %parallel_loop3A_162 = arith.muli %parallel_loop3A_160, %parallel_loop3A_161 : i32
          %parallel_loop3A_163 = arith.index_cast %parallel_loop3A_162 : i32 to index
          %parallel_loop3A_164 = tpu.vector_load %arg7[%parallel_loop3A_163] {strides = array<i32>} : memref<4000xi32, #tpu.memory_space<vmem>>, vector<16xi32>,
          %parallel_loop3A_165 = arith.index_cast %parallel_loop3A_162 : i32 to index
          %parallel_loop3A_166 = tpu.vector_load %arg9[%parallel_loop3A_165] {strides = array<i32>} : memref<4000xi32, #tpu.memory_space<vmem>>, vector<16xi32>,
          %parallel_loop3A_167 = tpu.vector_load_idx %arg5[%parallel_loop3A_164] : memref<50176xf32, #tpu.memory_space<vmem>>[vector<16xi32>], vector<16xf32>,
          tpu.vector_store_idx %arg6[%parallel_loop3A_166], %parallel_loop3A_167 {add = true} : memref<50176xf32, #tpu.memory_space<vmem>>[vector<16xi32>], vector<16xf32>,
        } {sc.loop_unroll_factor = 8 : i64, sc.parallel_access}
        %dma_wait3A_142 = arith.constant 0 : i32
        %dma_wait3A_143 = tpu.memref_slice %arg3[%dma_wait3A_142] : memref<1600000xi32, #tpu.memory_space<hbm>> -> memref<4000xi32, #tpu.memory_space<hbm>>
        %dma_wait3A_144 = arith.constant 0 : i32
        %dma_wait3A_145 = tpu.memref_slice %arg3[%dma_wait3A_144] : memref<1600000xi32, #tpu.memory_space<hbm>> -> memref<4000xi32, #tpu.memory_space<hbm>>
        tpu.wait_dma2 semaphore(%arg11 : memref<!tpu.dma_semaphore, #tpu.memory_space<semaphore_mem>>) src(%dma_wait3A_145 : memref<4000xi32, #tpu.memory_space<hbm>>) dst(%arg8 : memref<4000xi32, #tpu.memory_space<vmem>>)
        %dma_wait3A_146 = arith.constant 0 : i32
        %dma_wait3A_147 = tpu.memref_slice %arg3[%dma_wait3A_146] : memref<1600000xi32, #tpu.memory_space<hbm>> -> memref<4000xi32, #tpu.memory_space<hbm>>
        %dma_wait3A_148 = arith.constant 0 : i32
        %dma_wait3A_149 = tpu.memref_slice %arg3[%dma_wait3A_148] : memref<1600000xi32, #tpu.memory_space<hbm>> -> memref<4000xi32, #tpu.memory_space<hbm>>
        tpu.wait_dma2 semaphore(%arg12 : memref<!tpu.dma_semaphore, #tpu.memory_space<semaphore_mem>>) src(%dma_wait3A_149 : memref<4000xi32, #tpu.memory_space<hbm>>) dst(%arg10 : memref<4000xi32, #tpu.memory_space<vmem>>)
        %add3A_150 = arith.constant 2 : i32
        %add3A_151 = arith.addi %mul3A_120, %add3A_150 : i32
        %lt3A_152 = arith.constant 10 : i32
        %lt3A_153 = arith.cmpi slt, %add3A_151, %lt3A_152 : i32
        %convert_element_type3A_154 = arith.extui %lt3A_153 : i1 to i32
        %cond3A_155 = arith.constant 0 : i32
        %cond3A_156 = arith.cmpi ne, %convert_element_type3A_154, %cond3A_155 : i32
        scf.if %cond3A_156 {
          %add3A_160 = arith.constant 2 : i32
          %add3A_161 = arith.addi %mul3A_120, %add3A_160 : i32
          %mul3A_162 = arith.constant 4000 : i32
          %mul3A_163 = arith.muli %add3A_161, %mul3A_162 : i32
          %add3A_164 = arith.addi %mul3A_95, %mul3A_163 : i32
          %dma_start3A_165 = tpu.memref_slice %arg3[%add3A_164] : memref<1600000xi32, #tpu.memory_space<hbm>> -> memref<4000xi32, #tpu.memory_space<hbm>>
          %dma_start3A_166 = tpu.memref_slice %arg3[%add3A_164] : memref<1600000xi32, #tpu.memory_space<hbm>> -> memref<4000xi32, #tpu.memory_space<hbm>>
          tpu.enqueue_dma source(%dma_start3A_166 : memref<4000xi32, #tpu.memory_space<hbm>>) target(%arg7 : memref<4000xi32, #tpu.memory_space<vmem>>) target_semaphore(%arg11 : memref<!tpu.dma_semaphore, #tpu.memory_space<semaphore_mem>>)
          %add3A_167 = arith.constant 800000 : i32
          %add3A_168 = arith.addi %add3A_167, %add3A_164 : i32
          %dma_start3A_169 = tpu.memref_slice %arg3[%add3A_168] : memref<1600000xi32, #tpu.memory_space<hbm>> -> memref<4000xi32, #tpu.memory_space<hbm>>
          %dma_start3A_170 = tpu.memref_slice %arg3[%add3A_168] : memref<1600000xi32, #tpu.memory_space<hbm>> -> memref<4000xi32, #tpu.memory_space<hbm>>
          tpu.enqueue_dma source(%dma_start3A_170 : memref<4000xi32, #tpu.memory_space<hbm>>) target(%arg9 : memref<4000xi32, #tpu.memory_space<vmem>>) target_semaphore(%arg12 : memref<!tpu.dma_semaphore, #tpu.memory_space<semaphore_mem>>)
        } else {
        }
        %parallel_loop3A_157 = arith.constant 0 : i32
        %parallel_loop3A_158 = arith.constant 250 : i32
        %parallel_loop3A_159 = arith.constant 1 : i32
        scf.for %parallel_loop3A_160 = %parallel_loop3A_157 to %parallel_loop3A_158 step %parallel_loop3A_159  : i32 {
          %parallel_loop3A_161 = arith.constant 16 : i32
          %parallel_loop3A_162 = arith.muli %parallel_loop3A_160, %parallel_loop3A_161 : i32
          %parallel_loop3A_163 = arith.index_cast %parallel_loop3A_162 : i32 to index
          %parallel_loop3A_164 = tpu.vector_load %arg8[%parallel_loop3A_163] {strides = array<i32>} : memref<4000xi32, #tpu.memory_space<vmem>>, vector<16xi32>,
          %parallel_loop3A_165 = arith.index_cast %parallel_loop3A_162 : i32 to index
          %parallel_loop3A_166 = tpu.vector_load %arg10[%parallel_loop3A_165] {strides = array<i32>} : memref<4000xi32, #tpu.memory_space<vmem>>, vector<16xi32>,
          %parallel_loop3A_167 = tpu.vector_load_idx %arg5[%parallel_loop3A_164] : memref<50176xf32, #tpu.memory_space<vmem>>[vector<16xi32>], vector<16xf32>,
          tpu.vector_store_idx %arg6[%parallel_loop3A_166], %parallel_loop3A_167 {add = true} : memref<50176xf32, #tpu.memory_space<vmem>>[vector<16xi32>], vector<16xf32>,
        } {sc.loop_unroll_factor = 8 : i64, sc.parallel_access}
      }
      %scan3A_113 = arith.constant 5 : i32
      "tpu.region"() ({
        %run_scoped3A = tpu.sem_alloc : memref<!tpu.dma_semaphore, #tpu.memory_space<semaphore_mem>>
        %dma_start3A_114 = arith.constant 0 : i32
        %dma_start3A_115 = tpu.memref_slice %arg4[%select_n3A_93, %select_n3A_69, %dma_start3A_114] : memref<20x3x50176xf32, #tpu.memory_space<hbm>> -> memref<1x1x50176xf32, #tpu.memory_space<hbm>>
        %dma_start3A_116 = tpu.memref_squeeze %dma_start3A_115 : memref<1x1x50176xf32, #tpu.memory_space<hbm>> -> memref<50176xf32, #tpu.memory_space<hbm>>
        %dma_start3A_117 = arith.constant 0 : i32
        %dma_start3A_118 = tpu.memref_slice %arg4[%select_n3A_93, %select_n3A_69, %dma_start3A_117] : memref<20x3x50176xf32, #tpu.memory_space<hbm>> -> memref<1x1x50176xf32, #tpu.memory_space<hbm>>
        %dma_start3A_119 = tpu.memref_squeeze %dma_start3A_118 : memref<1x1x50176xf32, #tpu.memory_space<hbm>> -> memref<50176xf32, #tpu.memory_space<hbm>>
        tpu.enqueue_dma source(%arg6 : memref<50176xf32, #tpu.memory_space<vmem>>) target(%dma_start3A_119 : memref<50176xf32, #tpu.memory_space<hbm>>) target_semaphore(%run_scoped3A : memref<!tpu.dma_semaphore, #tpu.memory_space<semaphore_mem>>)
        %dma_wait3A = arith.constant 0 : i32
        %dma_wait3A_120 = tpu.memref_slice %arg4[%select_n3A_93, %select_n3A_69, %dma_wait3A] : memref<20x3x50176xf32, #tpu.memory_space<hbm>> -> memref<1x1x50176xf32, #tpu.memory_space<hbm>>
        %dma_wait3A_121 = tpu.memref_squeeze %dma_wait3A_120 : memref<1x1x50176xf32, #tpu.memory_space<hbm>> -> memref<50176xf32, #tpu.memory_space<hbm>>
        %dma_wait3A_122 = arith.constant 0 : i32
        %dma_wait3A_123 = tpu.memref_slice %arg4[%select_n3A_93, %select_n3A_69, %dma_wait3A_122] : memref<20x3x50176xf32, #tpu.memory_space<hbm>> -> memref<1x1x50176xf32, #tpu.memory_space<hbm>>
        %dma_wait3A_124 = tpu.memref_squeeze %dma_wait3A_123 : memref<1x1x50176xf32, #tpu.memory_space<hbm>> -> memref<50176xf32, #tpu.memory_space<hbm>>
        tpu.wait_dma2 semaphore(%run_scoped3A : memref<!tpu.dma_semaphore, #tpu.memory_space<semaphore_mem>>) src(%arg6 : memref<50176xf32, #tpu.memory_space<vmem>>) dst(%dma_wait3A_124 : memref<50176xf32, #tpu.memory_space<hbm>>)
        tpu.yield
      }) : () -> ()
    } else {
    }
    return
  }
}

module attributes {stable_mosaic.version = 14 : i64} {
  func.func @body(%arg0: i32, %arg1: memref<6272x75xf32, #tpu.memory_space<vmem>>, %arg2: memref<25x1x6272xf32, #tpu.memory_space<vmem>>, %arg3: memref<48x75xf32, #tpu.memory_space<vmem>>, %arg4: memref<48x75xf32, #tpu.memory_space<vmem>>, %arg5: memref<48x1xf32, #tpu.memory_space<vmem>>, %arg6: memref<48x6272xf32, #tpu.memory_space<vmem>>, %arg7: memref<48x6272xf32, #tpu.memory_space<vmem>>, %arg8: memref<1x6272xf32, #tpu.memory_space<vmem>>) attributes {dimension_semantics = [#tpu.dimension_semantics<arbitrary>], iteration_bounds = array<i64: 8>, scalar_prefetch = 0 : i64, scratch_operands = 0 : i64, tpu.core_type = #tpu.core_type<tc>, window_params = [{transform_indices = @transform_0, window_bounds = array<i64: 6272, 75>}, {transform_indices = @transform_1, window_bounds = array<i64: 25, 1, 6272>}, {pipeline_mode = #tpu.pipeline_mode<synchronous>, transform_indices = @transform_2, window_bounds = array<i64: 48, 75>}, {pipeline_mode = #tpu.pipeline_mode<synchronous>, transform_indices = @transform_3, window_bounds = array<i64: 48, 75>}, {pipeline_mode = #tpu.pipeline_mode<synchronous>, transform_indices = @transform_4, window_bounds = array<i64: 48, 1>}, {transform_indices = @transform_5, window_bounds = array<i64: 48, 6272>}, {transform_indices = @transform_6, window_bounds = array<i64: 48, 6272>}, {transform_indices = @transform_7, window_bounds = array<i64: 1, 6272>}]} {
    %get3A = arith.constant 0 : index
    %get3A_0 = arith.constant 0 : index
    %get3A_1 = vector.load %arg1[%get3A, %get3A_0] : memref<6272x75xf32, #tpu.memory_space<vmem>>, vector<6272x75xf32>
    %get3A_2 = arith.constant 0 : index
    %get3A_3 = arith.constant 0 : index
    %get3A_4 = arith.constant 0 : index
    %get3A_5 = vector.load %arg2[%get3A_2, %get3A_3, %get3A_4] : memref<25x1x6272xf32, #tpu.memory_space<vmem>>, vector<25x1x6272xf32>
    %reduce_sum3A = arith.constant dense<0.000000e+00> : vector<1x6272xf32>
    %reduce_sum3A_6 = vector.multi_reduction <add>, %get3A_5, %reduce_sum3A [0] : vector<25x1x6272xf32> to vector<1x6272xf32>
    %gt3A = arith.constant 0.000000e+00 : f32
    %gt3A_7 = vector.broadcast %gt3A : f32 to vector<1x6272xf32>
    %gt3A_8 = arith.cmpf ogt, %reduce_sum3A_6, %gt3A_7 : vector<1x6272xf32>
    %rsqrt3A = math.rsqrt %reduce_sum3A_6 : vector<1x6272xf32>
    %jit3A = arith.constant 0.000000e+00 : f32
    %broadcast_in_dim3A = vector.broadcast %jit3A : f32 to vector<1x6272xf32>
    %select_n3A = arith.select %gt3A_8, %rsqrt3A, %broadcast_in_dim3A : vector<1x6272xi1>, vector<1x6272xf32>
    %get3A_9 = arith.constant 0 : index
    %get3A_10 = arith.constant 0 : index
    %get3A_11 = vector.load %arg3[%get3A_9, %get3A_10] : memref<48x75xf32, #tpu.memory_space<vmem>>, vector<48x75xf32>
    %dot_general3A = arith.constant dense<0.000000e+00> : vector<48x6272xf32>
    %dot_general3A_12 = tpu.matmul %get3A_11, %get3A_1, %dot_general3A {dimension_numbers = #tpu.dot_dimension_numbers<[1], [1], [0], [0], [0, 0, 1, 0], [], []>, transpose_lhs_hint = false} : vector<48x75xf32>, vector<6272x75xf32>, vector<48x6272xf32> -> vector<48x6272xf32>
    %mul3A = vector.broadcast %select_n3A : vector<1x6272xf32> to vector<48x6272xf32>
    %mul3A_13 = arith.mulf %dot_general3A_12, %mul3A : vector<48x6272xf32>
    %swap3A = arith.constant 0 : index
    %swap3A_14 = arith.constant 0 : index
    %swap3A_15 = vector.load %arg6[%swap3A, %swap3A_14] : memref<48x6272xf32, #tpu.memory_space<vmem>>, vector<48x6272xf32>
    tpu.vector_store %arg6[%swap3A, %swap3A_14], %mul3A_13 {strides = array<i32>} : memref<48x6272xf32, #tpu.memory_space<vmem>>, vector<48x6272xf32>,
    %get3A_16 = arith.constant 0 : index
    %get3A_17 = arith.constant 0 : index
    %get3A_18 = vector.load %arg4[%get3A_16, %get3A_17] : memref<48x75xf32, #tpu.memory_space<vmem>>, vector<48x75xf32>
    %dot_general3A_19 = arith.constant dense<0.000000e+00> : vector<48x6272xf32>
    %dot_general3A_20 = tpu.matmul %get3A_18, %get3A_1, %dot_general3A_19 {dimension_numbers = #tpu.dot_dimension_numbers<[1], [1], [0], [0], [0, 0, 1, 0], [], []>, transpose_lhs_hint = false} : vector<48x75xf32>, vector<6272x75xf32>, vector<48x6272xf32> -> vector<48x6272xf32>
    %get3A_21 = arith.constant 0 : index
    %get3A_22 = arith.constant 0 : index
    %get3A_23 = vector.load %arg5[%get3A_21, %get3A_22] : memref<48x1xf32, #tpu.memory_space<vmem>>, vector<48x1xf32>
    %add3A = vector.broadcast %get3A_23 : vector<48x1xf32> to vector<48x6272xf32>
    %add3A_24 = arith.addf %dot_general3A_20, %add3A : vector<48x6272xf32>
    %swap3A_25 = arith.constant 0 : index
    %swap3A_26 = arith.constant 0 : index
    %swap3A_27 = vector.load %arg7[%swap3A_25, %swap3A_26] : memref<48x6272xf32, #tpu.memory_space<vmem>>, vector<48x6272xf32>
    tpu.vector_store %arg7[%swap3A_25, %swap3A_26], %add3A_24 {strides = array<i32>} : memref<48x6272xf32, #tpu.memory_space<vmem>>, vector<48x6272xf32>,
    %swap3A_28 = arith.constant 0 : index
    %swap3A_29 = arith.constant 0 : index
    %swap3A_30 = vector.load %arg8[%swap3A_28, %swap3A_29] : memref<1x6272xf32, #tpu.memory_space<vmem>>, vector<1x6272xf32>
    tpu.vector_store %arg8[%swap3A_28, %swap3A_29], %select_n3A {strides = array<i32>} : memref<1x6272xf32, #tpu.memory_space<vmem>>, vector<1x6272xf32>,
    return
  }
  func.func @transform_0(%arg0: i32) -> (i32, i32) {
    %c0_i32 = arith.constant 0 : i32
    %c0_i32_0 = arith.constant 0 : i32
    return %arg0, %c0_i32 : i32, i32
  }
  func.func @transform_1(%arg0: i32) -> (i32, i32, i32) {
    %c0_i32 = arith.constant 0 : i32
    %c0_i32_0 = arith.constant 0 : i32
    %c0_i32_1 = arith.constant 0 : i32
    return %c0_i32, %c0_i32_0, %arg0 : i32, i32, i32
  }
  func.func @transform_2(%arg0: i32) -> (i32, i32) {
    %c0_i32 = arith.constant 0 : i32
    %c0_i32_0 = arith.constant 0 : i32
    %c0_i32_1 = arith.constant 0 : i32
    return %c0_i32, %c0_i32_0 : i32, i32
  }
  func.func @transform_3(%arg0: i32) -> (i32, i32) {
    %c0_i32 = arith.constant 0 : i32
    %c0_i32_0 = arith.constant 0 : i32
    %c0_i32_1 = arith.constant 0 : i32
    return %c0_i32, %c0_i32_0 : i32, i32
  }
  func.func @transform_4(%arg0: i32) -> (i32, i32) {
    %c0_i32 = arith.constant 0 : i32
    %c0_i32_0 = arith.constant 0 : i32
    %c0_i32_1 = arith.constant 0 : i32
    return %c0_i32, %c0_i32_0 : i32, i32
  }
  func.func @transform_5(%arg0: i32) -> (i32, i32) {
    %c0_i32 = arith.constant 0 : i32
    %c0_i32_0 = arith.constant 0 : i32
    return %c0_i32, %arg0 : i32, i32
  }
  func.func @transform_6(%arg0: i32) -> (i32, i32) {
    %c0_i32 = arith.constant 0 : i32
    %c0_i32_0 = arith.constant 0 : i32
    return %c0_i32, %arg0 : i32, i32
  }
  func.func @transform_7(%arg0: i32) -> (i32, i32) {
    %c0_i32 = arith.constant 0 : i32
    %c0_i32_0 = arith.constant 0 : i32
    return %c0_i32, %arg0 : i32, i32
  }
}

module attributes {stable_mosaic.version = 14 : i64} {
  func.func @body(%arg0: i32, %arg1: memref<2x48x6272xf32, #tpu.memory_space<vmem>>, %arg2: memref<48x6272xf32, #tpu.memory_space<vmem>>, %arg3: memref<1x6272xf32, #tpu.memory_space<vmem>>, %arg4: memref<3x16x16xf32, #tpu.memory_space<vmem>>, %arg5: memref<48x6272xf32, #tpu.memory_space<vmem>>) attributes {dimension_semantics = [#tpu.dimension_semantics<arbitrary>], iteration_bounds = array<i64: 8>, scalar_prefetch = 0 : i64, scratch_operands = 0 : i64, tpu.core_type = #tpu.core_type<tc>, window_params = [{transform_indices = @transform_0, window_bounds = array<i64: 2, 48, 6272>}, {transform_indices = @transform_1, window_bounds = array<i64: 48, 6272>}, {transform_indices = @transform_2, window_bounds = array<i64: 1, 6272>}, {pipeline_mode = #tpu.pipeline_mode<synchronous>, transform_indices = @transform_3, window_bounds = array<i64: 3, 16, 16>}, {transform_indices = @transform_4, window_bounds = array<i64: 48, 6272>}]} {
    %get3A = arith.constant 0 : index
    %get3A_0 = arith.constant 0 : index
    %get3A_1 = arith.constant 0 : index
    %get3A_2 = vector.load %arg1[%get3A, %get3A_0, %get3A_1] : memref<2x48x6272xf32, #tpu.memory_space<vmem>>, vector<2x48x6272xf32>
    %reduce_sum3A = arith.constant dense<0.000000e+00> : vector<48x6272xf32>
    %reduce_sum3A_3 = vector.multi_reduction <add>, %get3A_2, %reduce_sum3A [0] : vector<2x48x6272xf32> to vector<48x6272xf32>
    %get3A_4 = arith.constant 0 : index
    %get3A_5 = arith.constant 0 : index
    %get3A_6 = vector.load %arg3[%get3A_4, %get3A_5] : memref<1x6272xf32, #tpu.memory_space<vmem>>, vector<1x6272xf32>
    %mul3A = vector.broadcast %get3A_6 : vector<1x6272xf32> to vector<48x6272xf32>
    %mul3A_7 = arith.mulf %reduce_sum3A_3, %mul3A : vector<48x6272xf32>
    %get3A_8 = arith.constant 0 : index
    %get3A_9 = arith.constant 0 : index
    %get3A_10 = vector.load %arg2[%get3A_8, %get3A_9] : memref<48x6272xf32, #tpu.memory_space<vmem>>, vector<48x6272xf32>
    %add3A = arith.addf %mul3A_7, %get3A_10 : vector<48x6272xf32>
    %max3A = arith.constant 0.000000e+00 : f32
    %max3A_11 = vector.broadcast %max3A : f32 to vector<48x6272xf32>
    %max3A_12 = arith.maximumf %add3A, %max3A_11 : vector<48x6272xf32>
    %get3A_13 = arith.constant 0 : index
    %get3A_14 = arith.constant 0 : index
    %get3A_15 = arith.constant 0 : index
    %get3A_16 = vector.load %arg4[%get3A_13, %get3A_14, %get3A_15] : memref<3x16x16xf32, #tpu.memory_space<vmem>>, vector<3x16x16xf32>
    %slice3A = vector.extract_strided_slice %get3A_16 {offsets = [0, 0, 0], sizes = [1, 16, 16], strides = [1, 1, 1]} : vector<3x16x16xf32> to vector<1x16x16xf32>
    %squeeze3A = vector.shape_cast %slice3A : vector<1x16x16xf32> to vector<16x16xf32>
    %slice3A_17 = vector.extract_strided_slice %max3A_12 {offsets = [0, 0], sizes = [16, 6272], strides = [1, 1]} : vector<48x6272xf32> to vector<16x6272xf32>
    %dot_general3A = arith.constant dense<0.000000e+00> : vector<16x6272xf32>
    %dot_general3A_18 = tpu.matmul %squeeze3A, %slice3A_17, %dot_general3A {dimension_numbers = #tpu.dot_dimension_numbers<[1], [0], [0], [1], [0, 0, 1, 1], [], []>, transpose_lhs_hint = false} : vector<16x16xf32>, vector<16x6272xf32>, vector<16x6272xf32> -> vector<16x6272xf32>
    %slice3A_19 = vector.extract_strided_slice %get3A_16 {offsets = [1, 0, 0], sizes = [1, 16, 16], strides = [1, 1, 1]} : vector<3x16x16xf32> to vector<1x16x16xf32>
    %squeeze3A_20 = vector.shape_cast %slice3A_19 : vector<1x16x16xf32> to vector<16x16xf32>
    %slice3A_21 = vector.extract_strided_slice %max3A_12 {offsets = [16, 0], sizes = [16, 6272], strides = [1, 1]} : vector<48x6272xf32> to vector<16x6272xf32>
    %dot_general3A_22 = arith.constant dense<0.000000e+00> : vector<16x6272xf32>
    %dot_general3A_23 = tpu.matmul %squeeze3A_20, %slice3A_21, %dot_general3A_22 {dimension_numbers = #tpu.dot_dimension_numbers<[1], [0], [0], [1], [0, 0, 1, 1], [], []>, transpose_lhs_hint = false} : vector<16x16xf32>, vector<16x6272xf32>, vector<16x6272xf32> -> vector<16x6272xf32>
    %slice3A_24 = vector.extract_strided_slice %get3A_16 {offsets = [2, 0, 0], sizes = [1, 16, 16], strides = [1, 1, 1]} : vector<3x16x16xf32> to vector<1x16x16xf32>
    %squeeze3A_25 = vector.shape_cast %slice3A_24 : vector<1x16x16xf32> to vector<16x16xf32>
    %slice3A_26 = vector.extract_strided_slice %max3A_12 {offsets = [32, 0], sizes = [16, 6272], strides = [1, 1]} : vector<48x6272xf32> to vector<16x6272xf32>
    %dot_general3A_27 = arith.constant dense<0.000000e+00> : vector<16x6272xf32>
    %dot_general3A_28 = tpu.matmul %squeeze3A_25, %slice3A_26, %dot_general3A_27 {dimension_numbers = #tpu.dot_dimension_numbers<[1], [0], [0], [1], [0, 0, 1, 1], [], []>, transpose_lhs_hint = false} : vector<16x16xf32>, vector<16x6272xf32>, vector<16x6272xf32> -> vector<16x6272xf32>
    %concatenate3A = tpu.concatenate %dot_general3A_18, %dot_general3A_23, %dot_general3A_28 in 0 : vector<16x6272xf32>, vector<16x6272xf32>, vector<16x6272xf32> -> vector<48x6272xf32>
    %mul3A_29 = vector.broadcast %get3A_6 : vector<1x6272xf32> to vector<48x6272xf32>
    %mul3A_30 = arith.mulf %concatenate3A, %mul3A_29 : vector<48x6272xf32>
    %swap3A = arith.constant 0 : index
    %swap3A_31 = arith.constant 0 : index
    %swap3A_32 = vector.load %arg5[%swap3A, %swap3A_31] : memref<48x6272xf32, #tpu.memory_space<vmem>>, vector<48x6272xf32>
    tpu.vector_store %arg5[%swap3A, %swap3A_31], %mul3A_30 {strides = array<i32>} : memref<48x6272xf32, #tpu.memory_space<vmem>>, vector<48x6272xf32>,
    return
  }
  func.func @transform_0(%arg0: i32) -> (i32, i32, i32) {
    %c0_i32 = arith.constant 0 : i32
    %c0_i32_0 = arith.constant 0 : i32
    %c0_i32_1 = arith.constant 0 : i32
    return %c0_i32, %c0_i32_0, %arg0 : i32, i32, i32
  }
  func.func @transform_1(%arg0: i32) -> (i32, i32) {
    %c0_i32 = arith.constant 0 : i32
    %c0_i32_0 = arith.constant 0 : i32
    return %c0_i32, %arg0 : i32, i32
  }
  func.func @transform_2(%arg0: i32) -> (i32, i32) {
    %c0_i32 = arith.constant 0 : i32
    %c0_i32_0 = arith.constant 0 : i32
    return %c0_i32, %arg0 : i32, i32
  }
  func.func @transform_3(%arg0: i32) -> (i32, i32, i32) {
    %c0_i32 = arith.constant 0 : i32
    %c0_i32_0 = arith.constant 0 : i32
    %c0_i32_1 = arith.constant 0 : i32
    %c0_i32_2 = arith.constant 0 : i32
    return %c0_i32, %c0_i32_0, %c0_i32_1 : i32, i32, i32
  }
  func.func @transform_4(%arg0: i32) -> (i32, i32) {
    %c0_i32 = arith.constant 0 : i32
    %c0_i32_0 = arith.constant 0 : i32
    return %c0_i32, %arg0 : i32, i32
  }
}

module attributes {stable_mosaic.version = 14 : i64} {
  func.func @body(%arg0: i32, %arg1: memref<2x48x6272xf32, #tpu.memory_space<vmem>>, %arg2: memref<48x6272xf32, #tpu.memory_space<vmem>>, %arg3: memref<1x6272xf32, #tpu.memory_space<vmem>>, %arg4: memref<3x16xf32, #tpu.memory_space<vmem>>, %arg5: memref<3x6272xf32, #tpu.memory_space<vmem>>, %arg6: memref<16x6272xf32, #tpu.memory_space<vmem>>) attributes {dimension_semantics = [#tpu.dimension_semantics<arbitrary>], iteration_bounds = array<i64: 8>, scalar_prefetch = 0 : i64, scratch_operands = 0 : i64, tpu.core_type = #tpu.core_type<tc>, window_params = [{transform_indices = @transform_0, window_bounds = array<i64: 2, 48, 6272>}, {transform_indices = @transform_1, window_bounds = array<i64: 48, 6272>}, {transform_indices = @transform_2, window_bounds = array<i64: 1, 6272>}, {pipeline_mode = #tpu.pipeline_mode<synchronous>, transform_indices = @transform_3, window_bounds = array<i64: 3, 16>}, {transform_indices = @transform_4, window_bounds = array<i64: 3, 6272>}, {transform_indices = @transform_5, window_bounds = array<i64: 16, 6272>}]} {
    %get3A = arith.constant 0 : index
    %get3A_0 = arith.constant 0 : index
    %get3A_1 = arith.constant 0 : index
    %get3A_2 = vector.load %arg1[%get3A, %get3A_0, %get3A_1] : memref<2x48x6272xf32, #tpu.memory_space<vmem>>, vector<2x48x6272xf32>
    %reduce_sum3A = arith.constant dense<0.000000e+00> : vector<48x6272xf32>
    %reduce_sum3A_3 = vector.multi_reduction <add>, %get3A_2, %reduce_sum3A [0] : vector<2x48x6272xf32> to vector<48x6272xf32>
    %get3A_4 = arith.constant 0 : index
    %get3A_5 = arith.constant 0 : index
    %get3A_6 = vector.load %arg3[%get3A_4, %get3A_5] : memref<1x6272xf32, #tpu.memory_space<vmem>>, vector<1x6272xf32>
    %mul3A = vector.broadcast %get3A_6 : vector<1x6272xf32> to vector<48x6272xf32>
    %mul3A_7 = arith.mulf %reduce_sum3A_3, %mul3A : vector<48x6272xf32>
    %get3A_8 = arith.constant 0 : index
    %get3A_9 = arith.constant 0 : index
    %get3A_10 = vector.load %arg2[%get3A_8, %get3A_9] : memref<48x6272xf32, #tpu.memory_space<vmem>>, vector<48x6272xf32>
    %add3A = arith.addf %mul3A_7, %get3A_10 : vector<48x6272xf32>
    %max3A = arith.constant 0.000000e+00 : f32
    %max3A_11 = vector.broadcast %max3A : f32 to vector<48x6272xf32>
    %max3A_12 = arith.maximumf %add3A, %max3A_11 : vector<48x6272xf32>
    %slice3A = vector.extract_strided_slice %max3A_12 {offsets = [0, 0], sizes = [16, 6272], strides = [1, 1]} : vector<48x6272xf32> to vector<16x6272xf32>
    %slice3A_13 = vector.extract_strided_slice %max3A_12 {offsets = [16, 0], sizes = [16, 6272], strides = [1, 1]} : vector<48x6272xf32> to vector<16x6272xf32>
    %add3A_14 = arith.addf %slice3A, %slice3A_13 : vector<16x6272xf32>
    %slice3A_15 = vector.extract_strided_slice %max3A_12 {offsets = [32, 0], sizes = [16, 6272], strides = [1, 1]} : vector<48x6272xf32> to vector<16x6272xf32>
    %add3A_16 = arith.addf %add3A_14, %slice3A_15 : vector<16x6272xf32>
    %mul3A_17 = arith.constant 0.333333343 : f32
    %mul3A_18 = vector.broadcast %mul3A_17 : f32 to vector<16x6272xf32>
    %mul3A_19 = arith.mulf %add3A_16, %mul3A_18 : vector<16x6272xf32>
    %max3A_20 = arith.constant 0.000000e+00 : f32
    %max3A_21 = vector.broadcast %max3A_20 : f32 to vector<16x6272xf32>
    %max3A_22 = arith.maximumf %mul3A_19, %max3A_21 : vector<16x6272xf32>
    %get3A_23 = arith.constant 0 : index
    %get3A_24 = arith.constant 0 : index
    %get3A_25 = vector.load %arg4[%get3A_23, %get3A_24] : memref<3x16xf32, #tpu.memory_space<vmem>>, vector<3x16xf32>
    %dot_general3A = arith.constant dense<0.000000e+00> : vector<3x6272xf32>
    %dot_general3A_26 = tpu.matmul %get3A_25, %max3A_22, %dot_general3A {dimension_numbers = #tpu.dot_dimension_numbers<[1], [0], [0], [1], [0, 0, 1, 1], [], []>, transpose_lhs_hint = false} : vector<3x16xf32>, vector<16x6272xf32>, vector<3x6272xf32> -> vector<3x6272xf32>
    %mul3A_27 = vector.broadcast %get3A_6 : vector<1x6272xf32> to vector<3x6272xf32>
    %mul3A_28 = arith.mulf %dot_general3A_26, %mul3A_27 : vector<3x6272xf32>
    %swap3A = arith.constant 0 : index
    %swap3A_29 = arith.constant 0 : index
    %swap3A_30 = vector.load %arg5[%swap3A, %swap3A_29] : memref<3x6272xf32, #tpu.memory_space<vmem>>, vector<3x6272xf32>
    tpu.vector_store %arg5[%swap3A, %swap3A_29], %mul3A_28 {strides = array<i32>} : memref<3x6272xf32, #tpu.memory_space<vmem>>, vector<3x6272xf32>,
    %swap3A_31 = arith.constant 0 : index
    %swap3A_32 = arith.constant 0 : index
    %swap3A_33 = vector.load %arg6[%swap3A_31, %swap3A_32] : memref<16x6272xf32, #tpu.memory_space<vmem>>, vector<16x6272xf32>
    tpu.vector_store %arg6[%swap3A_31, %swap3A_32], %max3A_22 {strides = array<i32>} : memref<16x6272xf32, #tpu.memory_space<vmem>>, vector<16x6272xf32>,
    return
  }
  func.func @transform_0(%arg0: i32) -> (i32, i32, i32) {
    %c0_i32 = arith.constant 0 : i32
    %c0_i32_0 = arith.constant 0 : i32
    %c0_i32_1 = arith.constant 0 : i32
    return %c0_i32, %c0_i32_0, %arg0 : i32, i32, i32
  }
  func.func @transform_1(%arg0: i32) -> (i32, i32) {
    %c0_i32 = arith.constant 0 : i32
    %c0_i32_0 = arith.constant 0 : i32
    return %c0_i32, %arg0 : i32, i32
  }
  func.func @transform_2(%arg0: i32) -> (i32, i32) {
    %c0_i32 = arith.constant 0 : i32
    %c0_i32_0 = arith.constant 0 : i32
    return %c0_i32, %arg0 : i32, i32
  }
  func.func @transform_3(%arg0: i32) -> (i32, i32) {
    %c0_i32 = arith.constant 0 : i32
    %c0_i32_0 = arith.constant 0 : i32
    %c0_i32_1 = arith.constant 0 : i32
    return %c0_i32, %c0_i32_0 : i32, i32
  }
  func.func @transform_4(%arg0: i32) -> (i32, i32) {
    %c0_i32 = arith.constant 0 : i32
    %c0_i32_0 = arith.constant 0 : i32
    return %c0_i32, %arg0 : i32, i32
  }
  func.func @transform_5(%arg0: i32) -> (i32, i32) {
    %c0_i32 = arith.constant 0 : i32
    %c0_i32_0 = arith.constant 0 : i32
    return %c0_i32, %arg0 : i32, i32
  }
}

module attributes {stable_mosaic.version = 14 : i64} {
  func.func @body(%arg0: i32, %arg1: memref<20x3x6272xf32, #tpu.memory_space<vmem>>, %arg2: memref<16x6272xf32, #tpu.memory_space<vmem>>, %arg3: memref<1x6272xf32, #tpu.memory_space<vmem>>, %arg4: memref<3x16xf32, #tpu.memory_space<vmem>>, %arg5: memref<3x1xf32, #tpu.memory_space<vmem>>, %arg6: memref<3x6272xf32, #tpu.memory_space<vmem>>) attributes {dimension_semantics = [#tpu.dimension_semantics<arbitrary>], iteration_bounds = array<i64: 8>, scalar_prefetch = 0 : i64, scratch_operands = 0 : i64, tpu.core_type = #tpu.core_type<tc>, window_params = [{transform_indices = @transform_0, window_bounds = array<i64: 20, 3, 6272>}, {transform_indices = @transform_1, window_bounds = array<i64: 16, 6272>}, {transform_indices = @transform_2, window_bounds = array<i64: 1, 6272>}, {pipeline_mode = #tpu.pipeline_mode<synchronous>, transform_indices = @transform_3, window_bounds = array<i64: 3, 16>}, {pipeline_mode = #tpu.pipeline_mode<synchronous>, transform_indices = @transform_4, window_bounds = array<i64: 3, 1>}, {transform_indices = @transform_5, window_bounds = array<i64: 3, 6272>}]} {
    %get3A = arith.constant 0 : index
    %get3A_0 = arith.constant 0 : index
    %get3A_1 = arith.constant 0 : index
    %get3A_2 = vector.load %arg1[%get3A, %get3A_0, %get3A_1] : memref<20x3x6272xf32, #tpu.memory_space<vmem>>, vector<20x3x6272xf32>
    %reduce_sum3A = arith.constant dense<0.000000e+00> : vector<3x6272xf32>
    %reduce_sum3A_3 = vector.multi_reduction <add>, %get3A_2, %reduce_sum3A [0] : vector<20x3x6272xf32> to vector<3x6272xf32>
    %get3A_4 = arith.constant 0 : index
    %get3A_5 = arith.constant 0 : index
    %get3A_6 = vector.load %arg3[%get3A_4, %get3A_5] : memref<1x6272xf32, #tpu.memory_space<vmem>>, vector<1x6272xf32>
    %mul3A = vector.broadcast %get3A_6 : vector<1x6272xf32> to vector<3x6272xf32>
    %mul3A_7 = arith.mulf %reduce_sum3A_3, %mul3A : vector<3x6272xf32>
    %get3A_8 = arith.constant 0 : index
    %get3A_9 = arith.constant 0 : index
    %get3A_10 = vector.load %arg4[%get3A_8, %get3A_9] : memref<3x16xf32, #tpu.memory_space<vmem>>, vector<3x16xf32>
    %get3A_11 = arith.constant 0 : index
    %get3A_12 = arith.constant 0 : index
    %get3A_13 = vector.load %arg2[%get3A_11, %get3A_12] : memref<16x6272xf32, #tpu.memory_space<vmem>>, vector<16x6272xf32>
    %dot_general3A = arith.constant dense<0.000000e+00> : vector<3x6272xf32>
    %dot_general3A_14 = tpu.matmul %get3A_10, %get3A_13, %dot_general3A {dimension_numbers = #tpu.dot_dimension_numbers<[1], [0], [0], [1], [0, 0, 1, 1], [], []>, transpose_lhs_hint = false} : vector<3x16xf32>, vector<16x6272xf32>, vector<3x6272xf32> -> vector<3x6272xf32>
    %add3A = arith.addf %mul3A_7, %dot_general3A_14 : vector<3x6272xf32>
    %get3A_15 = arith.constant 0 : index
    %get3A_16 = arith.constant 0 : index
    %get3A_17 = vector.load %arg5[%get3A_15, %get3A_16] : memref<3x1xf32, #tpu.memory_space<vmem>>, vector<3x1xf32>
    %add3A_18 = vector.broadcast %get3A_17 : vector<3x1xf32> to vector<3x6272xf32>
    %add3A_19 = arith.addf %add3A, %add3A_18 : vector<3x6272xf32>
    %mul3A_20 = vector.broadcast %get3A_6 : vector<1x6272xf32> to vector<3x6272xf32>
    %mul3A_21 = arith.mulf %add3A_19, %mul3A_20 : vector<3x6272xf32>
    %swap3A = arith.constant 0 : index
    %swap3A_22 = arith.constant 0 : index
    %swap3A_23 = vector.load %arg6[%swap3A, %swap3A_22] : memref<3x6272xf32, #tpu.memory_space<vmem>>, vector<3x6272xf32>
    tpu.vector_store %arg6[%swap3A, %swap3A_22], %mul3A_21 {strides = array<i32>} : memref<3x6272xf32, #tpu.memory_space<vmem>>, vector<3x6272xf32>,
    return
  }
  func.func @transform_0(%arg0: i32) -> (i32, i32, i32) {
    %c0_i32 = arith.constant 0 : i32
    %c0_i32_0 = arith.constant 0 : i32
    %c0_i32_1 = arith.constant 0 : i32
    return %c0_i32, %c0_i32_0, %arg0 : i32, i32, i32
  }
  func.func @transform_1(%arg0: i32) -> (i32, i32) {
    %c0_i32 = arith.constant 0 : i32
    %c0_i32_0 = arith.constant 0 : i32
    return %c0_i32, %arg0 : i32, i32
  }
  func.func @transform_2(%arg0: i32) -> (i32, i32) {
    %c0_i32 = arith.constant 0 : i32
    %c0_i32_0 = arith.constant 0 : i32
    return %c0_i32, %arg0 : i32, i32
  }
  func.func @transform_3(%arg0: i32) -> (i32, i32) {
    %c0_i32 = arith.constant 0 : i32
    %c0_i32_0 = arith.constant 0 : i32
    %c0_i32_1 = arith.constant 0 : i32
    return %c0_i32, %c0_i32_0 : i32, i32
  }
  func.func @transform_4(%arg0: i32) -> (i32, i32) {
    %c0_i32 = arith.constant 0 : i32
    %c0_i32_0 = arith.constant 0 : i32
    %c0_i32_1 = arith.constant 0 : i32
    return %c0_i32, %c0_i32_0 : i32, i32
  }
  func.func @transform_5(%arg0: i32) -> (i32, i32) {
    %c0_i32 = arith.constant 0 : i32
    %c0_i32_0 = arith.constant 0 : i32
    return %c0_i32, %arg0 : i32, i32
  }
}

module attributes {stable_mosaic.version = 14 : i64} {
  func.func @body(%arg0: i32, %arg1: memref<20x3x6272xf32, #tpu.memory_space<vmem>>, %arg2: memref<16x6272xf32, #tpu.memory_space<vmem>>, %arg3: memref<1x6272xf32, #tpu.memory_space<vmem>>, %arg4: memref<3x16xf32, #tpu.memory_space<vmem>>, %arg5: memref<3x1xf32, #tpu.memory_space<vmem>>, %arg6: memref<1x6272xi32, #tpu.memory_space<vmem>>, %arg7: memref<1x1xf32, #tpu.memory_space<vmem>>, %arg8: memref<128x1xf32, #tpu.memory_space<vmem>>) attributes {dimension_semantics = [#tpu.dimension_semantics<arbitrary>], iteration_bounds = array<i64: 8>, scalar_prefetch = 0 : i64, scratch_operands = 0 : i64, tpu.core_type = #tpu.core_type<tc>, window_params = [{transform_indices = @transform_0, window_bounds = array<i64: 20, 3, 6272>}, {transform_indices = @transform_1, window_bounds = array<i64: 16, 6272>}, {transform_indices = @transform_2, window_bounds = array<i64: 1, 6272>}, {pipeline_mode = #tpu.pipeline_mode<synchronous>, transform_indices = @transform_3, window_bounds = array<i64: 3, 16>}, {pipeline_mode = #tpu.pipeline_mode<synchronous>, transform_indices = @transform_4, window_bounds = array<i64: 3, 1>}, {transform_indices = @transform_5, window_bounds = array<i64: 1, 6272>}, {pipeline_mode = #tpu.pipeline_mode<synchronous>, transform_indices = @transform_6, window_bounds = array<i64: 1, 1>}, {pipeline_mode = #tpu.pipeline_mode<synchronous>, transform_indices = @transform_7, window_bounds = array<i64: 128, 1>}]} {
    %get3A = arith.constant 0 : index
    %get3A_0 = arith.constant 0 : index
    %get3A_1 = arith.constant 0 : index
    %get3A_2 = vector.load %arg1[%get3A, %get3A_0, %get3A_1] : memref<20x3x6272xf32, #tpu.memory_space<vmem>>, vector<20x3x6272xf32>
    %reduce_sum3A = arith.constant dense<0.000000e+00> : vector<3x6272xf32>
    %reduce_sum3A_3 = vector.multi_reduction <add>, %get3A_2, %reduce_sum3A [0] : vector<20x3x6272xf32> to vector<3x6272xf32>
    %get3A_4 = arith.constant 0 : index
    %get3A_5 = arith.constant 0 : index
    %get3A_6 = vector.load %arg3[%get3A_4, %get3A_5] : memref<1x6272xf32, #tpu.memory_space<vmem>>, vector<1x6272xf32>
    %mul3A = vector.broadcast %get3A_6 : vector<1x6272xf32> to vector<3x6272xf32>
    %mul3A_7 = arith.mulf %reduce_sum3A_3, %mul3A : vector<3x6272xf32>
    %get3A_8 = arith.constant 0 : index
    %get3A_9 = arith.constant 0 : index
    %get3A_10 = vector.load %arg4[%get3A_8, %get3A_9] : memref<3x16xf32, #tpu.memory_space<vmem>>, vector<3x16xf32>
    %get3A_11 = arith.constant 0 : index
    %get3A_12 = arith.constant 0 : index
    %get3A_13 = vector.load %arg2[%get3A_11, %get3A_12] : memref<16x6272xf32, #tpu.memory_space<vmem>>, vector<16x6272xf32>
    %dot_general3A = arith.constant dense<0.000000e+00> : vector<3x6272xf32>
    %dot_general3A_14 = tpu.matmul %get3A_10, %get3A_13, %dot_general3A {dimension_numbers = #tpu.dot_dimension_numbers<[1], [0], [0], [1], [0, 0, 1, 1], [], []>, transpose_lhs_hint = false} : vector<3x16xf32>, vector<16x6272xf32>, vector<3x6272xf32> -> vector<3x6272xf32>
    %add3A = arith.addf %mul3A_7, %dot_general3A_14 : vector<3x6272xf32>
    %get3A_15 = arith.constant 0 : index
    %get3A_16 = arith.constant 0 : index
    %get3A_17 = vector.load %arg5[%get3A_15, %get3A_16] : memref<3x1xf32, #tpu.memory_space<vmem>>, vector<3x1xf32>
    %add3A_18 = vector.broadcast %get3A_17 : vector<3x1xf32> to vector<3x6272xf32>
    %add3A_19 = arith.addf %add3A, %add3A_18 : vector<3x6272xf32>
    %reduce_sum3A_20 = arith.constant dense<0.000000e+00> : vector<6272xf32>
    %reduce_sum3A_21 = vector.multi_reduction <add>, %add3A_19, %reduce_sum3A_20 [0] : vector<3x6272xf32> to vector<6272xf32>
    %broadcast_in_dim3A = vector.shape_cast %reduce_sum3A_21 : vector<6272xf32> to vector<1x6272xf32>
    %mul3A_22 = arith.constant 0.333333343 : f32
    %mul3A_23 = vector.broadcast %mul3A_22 : f32 to vector<1x6272xf32>
    %mul3A_24 = arith.mulf %broadcast_in_dim3A, %mul3A_23 : vector<1x6272xf32>
    %get3A_25 = arith.constant 0 : index
    %get3A_26 = arith.constant 0 : index
    %get3A_27 = vector.load %arg6[%get3A_25, %get3A_26] : memref<1x6272xi32, #tpu.memory_space<vmem>>, vector<1x6272xi32>
    %iota3A = tpu.iota {dimensions = array<i32: 0>} : vector<128x6272xi32>
    %eq3A = vector.broadcast %get3A_27 : vector<1x6272xi32> to vector<128x6272xi32>
    %eq3A_28 = arith.cmpi eq, %eq3A, %iota3A : vector<128x6272xi32>
    %convert_element_type3A = arith.extui %eq3A_28 : vector<128x6272xi1> to vector<128x6272xi32>
    %convert_element_type3A_29 = arith.sitofp %convert_element_type3A : vector<128x6272xi32> to vector<128x6272xf32>
    %dot_general3A_30 = arith.constant dense<0.000000e+00> : vector<128x1xf32>
    %dot_general3A_31 = tpu.matmul %convert_element_type3A_29, %mul3A_24, %dot_general3A_30 {dimension_numbers = #tpu.dot_dimension_numbers<[1], [1], [0], [0], [0, 0, 1, 0], [], []>, transpose_lhs_hint = false} : vector<128x6272xf32>, vector<1x6272xf32>, vector<128x1xf32> -> vector<128x1xf32>
    %eq3A_32 = arith.constant 0 : i32
    %eq3A_33 = arith.cmpi eq, %arg0, %eq3A_32 : i32
    %convert_element_type3A_34 = arith.extui %eq3A_33 : i1 to i32
    %cond3A = arith.constant 0 : i32
    %cond3A_35 = arith.cmpi ne, %convert_element_type3A_34, %cond3A : i32
    scf.if %cond3A_35 {
      %get3A_40 = arith.constant 0 : index
      %get3A_41 = arith.constant 0 : index
      %get3A_42 = vector.load %arg7[%get3A_40, %get3A_41] : memref<1x1xf32, #tpu.memory_space<vmem>>, vector<1x1xf32>
      %add3A_43 = vector.broadcast %get3A_42 : vector<1x1xf32> to vector<128x1xf32>
      %add3A_44 = arith.addf %add3A_43, %dot_general3A_31 : vector<128x1xf32>
      %swap3A = arith.constant 0 : index
      %swap3A_45 = arith.constant 0 : index
      %swap3A_46 = vector.load %arg8[%swap3A, %swap3A_45] : memref<128x1xf32, #tpu.memory_space<vmem>>, vector<128x1xf32>
      tpu.vector_store %arg8[%swap3A, %swap3A_45], %add3A_44 {strides = array<i32>} : memref<128x1xf32, #tpu.memory_space<vmem>>, vector<128x1xf32>,
    } else {
    }
    %ne3A = arith.constant 0 : i32
    %ne3A_36 = arith.cmpi ne, %arg0, %ne3A : i32
    %convert_element_type3A_37 = arith.extui %ne3A_36 : i1 to i32
    %cond3A_38 = arith.constant 0 : i32
    %cond3A_39 = arith.cmpi ne, %convert_element_type3A_37, %cond3A_38 : i32
    scf.if %cond3A_39 {
      %get3A_40 = arith.constant 0 : index
      %get3A_41 = arith.constant 0 : index
      %get3A_42 = vector.load %arg8[%get3A_40, %get3A_41] : memref<128x1xf32, #tpu.memory_space<vmem>>, vector<128x1xf32>
      %add3A_43 = arith.addf %get3A_42, %dot_general3A_31 : vector<128x1xf32>
      %swap3A = arith.constant 0 : index
      %swap3A_44 = arith.constant 0 : index
      %swap3A_45 = vector.load %arg8[%swap3A, %swap3A_44] : memref<128x1xf32, #tpu.memory_space<vmem>>, vector<128x1xf32>
      tpu.vector_store %arg8[%swap3A, %swap3A_44], %add3A_43 {strides = array<i32>} : memref<128x1xf32, #tpu.memory_space<vmem>>, vector<128x1xf32>,
    } else {
    }
    return
  }
  func.func @transform_0(%arg0: i32) -> (i32, i32, i32) {
    %c0_i32 = arith.constant 0 : i32
    %c0_i32_0 = arith.constant 0 : i32
    %c0_i32_1 = arith.constant 0 : i32
    return %c0_i32, %c0_i32_0, %arg0 : i32, i32, i32
  }
  func.func @transform_1(%arg0: i32) -> (i32, i32) {
    %c0_i32 = arith.constant 0 : i32
    %c0_i32_0 = arith.constant 0 : i32
    return %c0_i32, %arg0 : i32, i32
  }
  func.func @transform_2(%arg0: i32) -> (i32, i32) {
    %c0_i32 = arith.constant 0 : i32
    %c0_i32_0 = arith.constant 0 : i32
    return %c0_i32, %arg0 : i32, i32
  }
  func.func @transform_3(%arg0: i32) -> (i32, i32) {
    %c0_i32 = arith.constant 0 : i32
    %c0_i32_0 = arith.constant 0 : i32
    %c0_i32_1 = arith.constant 0 : i32
    return %c0_i32, %c0_i32_0 : i32, i32
  }
  func.func @transform_4(%arg0: i32) -> (i32, i32) {
    %c0_i32 = arith.constant 0 : i32
    %c0_i32_0 = arith.constant 0 : i32
    %c0_i32_1 = arith.constant 0 : i32
    return %c0_i32, %c0_i32_0 : i32, i32
  }
  func.func @transform_5(%arg0: i32) -> (i32, i32) {
    %c0_i32 = arith.constant 0 : i32
    %c0_i32_0 = arith.constant 0 : i32
    return %c0_i32, %arg0 : i32, i32
  }
  func.func @transform_6(%arg0: i32) -> (i32, i32) {
    %c0_i32 = arith.constant 0 : i32
    %c0_i32_0 = arith.constant 0 : i32
    %c0_i32_1 = arith.constant 0 : i32
    return %c0_i32, %c0_i32_0 : i32, i32
  }
  func.func @transform_7(%arg0: i32) -> (i32, i32) {
    %c0_i32 = arith.constant 0 : i32
    %c0_i32_0 = arith.constant 0 : i32
    %c0_i32_1 = arith.constant 0 : i32
    return %c0_i32, %c0_i32_0 : i32, i32
  }
}

</mosaic_0001>

<sc_bundles>
// kernel: kernel.12.cloned.1.call-start
scs
__scs_entry_jumppad:
0x0: {  	(pc) =	sbr.rel $0x88, $3  }
0x1: {  	(tag) =	ssettag $0x0;
	lr =	simm.s32 $0x1  }
0x2: {  	[smem:$0x3F94] =	sst lr;
	_ =	strace $0xD0000000  }
0x3: {  	_ = 	snop  }
0x4: {  	_ = 	snop  }
0x5: {  	_ = 	snop  }
0x6: {  	_ = 	snop  }
0x7: {  	_ = 	snop  }
__scs_overlays_trampoline_lowered:
0x8: {  	[smem:$0x3FA3] =	sst s0  }
0x9: {  	[smem:$0x3FA4] =	sst s1  }
0xa: {  	[smem:$0x3FA5] =	sst s2  }
0xb: {  	[smem:$0x3FA6] =	sst s3  }
0xc: {  	[smem:$0x3FA7] =	sst s4  }
0xd: {  	[smem:$0x3FA8] =	sst s5  }
0xe: {  	[smem:$0x3FA9] =	sst s6  }
0xf: {  	[smem:$0x3FAA] =	sst s7  }
0x10: {  	[smem:$0x3FAB] =	sst s8  }
0x11: {  	[smem:$0x3FAC] =	sst s9;
	s0 =	simm.s32 @!p0 $0x0  }
0x12: {  	s1 =	sld [smem:$0x3F92];
	s0 =	simm.s32 @p0 $0x1  }
0x13: {  	[smem:$0x3FAD] =	sst s0;
	s0 =	simm.s32 @!p1 $0x0  }
0x14: {  	s2 =	sld [smem:$0x3F91];
	s0 =	simm.s32 @p1 $0x1  }
0x15: {  	[smem:$0x3FAE] =	sst s0;
	s0 =	simm.s32 @!p2 $0x0  }
0x16: {  	s3 =	sld [smem:$0x3FDB];
	s0 =	simm.s32 @p2 $0x1  }
0x17: {  	s4 =	simm.s32 $0x1BF5;
	[smem:$0x3FB0] =	sst s0  }
0x18: {  	s0 =	sld [smem:$0x3F93];
	_ =	swait.ge [sflag:s4], $0x0  }
0x19: {  	s7 =	sld [smem:$0x3F94]  }
0x1a: {  	s8 =	sadd.s32 $0xFFFFE003, lr  }
0x1b: {  	s9 =	sadd.s32 $0xFFFFFEF7, lr;
	s5 =	simm.s32 $0xFFFFFFFF;
	p2 =	slt.u32 s8, $0xFFFFF086  }
0x1c: {  	p1 =	slt.u32 s9, $0xF7A;
	s5 =	simm.s32 @!p2 $0x0  }
0x1d: {  	s5 =	simm.s32 @p1 $0x1;
	p0 =	seq.s32 s7, s2  }
0x1e: {  	s7 =	smul.u32 @!p0 $0xF7A, s2;
	p2 =	seq.s32 @!p0 s5, $0x0  }
0x1f: {  	s9 =	smul.u32 $0xF7A, s1;
	s8 =	simm.s32 @!p0 $0x1BF5;
	p2 =	por !p2, p0  }
0x20: {  	[sflag:s8] =	ssyncset.s32 @!p0 $0xFFFFF086;
	s6 =	sadd.s32 @!p0 s3, s7;
	s7 =	simm.s32 @!p0 $0x108  }
0x21: {  	s3 =	sadd.s32 s3, s9;
	s6 =	sadd.s32 @!p0 $0x88, s6;
	s7 =	simm.s32 @p2 $0x1082  }
0x22: {  	[simem:s7], [sflag:s8] =	dma.local @!p0 [hbm:s6], $0xF7A  }
0x23: {  	s9 =	sor.u32 $0xD0000000, s2;
	s6 =	simm.s32 $0x108;
	_ =	swait.ge @!p0 [sflag:s8], $0x0  }
0x24: {  	s3 =	sadd.s32 $0x88, s3;
	s6 =	simm.s32 @!p1 $0x1082;
	[sflag:s4] =	ssyncset.s32 $0xFFFFF086  }
0x25: {  	[simem:s6], [sflag:s4] =	dma.local [hbm:s3], $0xF7A  }
0x26: {  	[smem:$0x3F94] =	sst s1;
	(tag) =	ssettag s2;
	_ =	strace s9  }
0x27: {  	s1 =	sld [smem:$0x3FA4]  }
0x28: {  	s2 =	sld [smem:$0x3FA5]  }
0x29: {  	s4 =	sld [smem:$0x3FA7]  }
0x2a: {  	p0 =	seq.s32 s5, $0x0;
	s5 =	sld [smem:$0x3FA8]  }
0x2b: {  	s6 =	sld [smem:$0x3FA9]  }
0x2c: {  	s7 =	sld [smem:$0x3FAA]  }
0x2d: {  	s3 =	simm.s32 $0x108;
	s8 =	sld [smem:$0x3FAB]  }
0x2e: {  	s3 =	simm.s32 @!p0 $0x1082;
	s9 =	sld [smem:$0x3FAC]  }
0x2f: {  	lr =	sadd.s32 s0, s3;
	s0 =	sld [smem:$0x3FA3]  }
0x30: {  	s3 =	sld [smem:$0x3FA6]  }
0x31: {  	[smem:$0x3FAF] =	sst s10  }
0x32: {  	s10 =	sld [smem:$0x3FAD];
	_ =	sdelay $0x3  }
0x33: {  	p0 =	seq.s32 s10, $0x1;
	s10 =	sld [smem:$0x3FAF];
	_ =	sdelay $0x3  }
0x34: {  	[smem:$0x3FAF] =	sst s10  }
0x35: {  	s10 =	sld [smem:$0x3FAE];
	_ =	sdelay $0x3  }
0x36: {  	p1 =	seq.s32 s10, $0x1;
	s10 =	sld [smem:$0x3FAF];
	_ =	sdelay $0x3  }
0x37: {  	[smem:$0x3FAF] =	sst s10  }
0x38: {  	s10 =	sld [smem:$0x3FB0]  }
0x39: {  	_ = 	snop;
	(pc) =	sbr.ind lr, $3  }
0x3a: {  	_ = 	snop  }
0x3b: {  	_ = 	snop  }
0x3c: {  	p2 =	seq.s32 s10, $0x1;
	s10 =	sld [smem:$0x3FAF]  }
0x3d: {  	_ =	shalt  }
0x3e: {  	_ =	shalt  }
0x3f: {  	_ =	shalt  }
0x40: {  	_ =	shalt  }
0x41: {  	_ =	shalt  }
0x42: {  	_ =	shalt  }
0x43: {  	_ =	shalt  }
0x44: {  	_ =	shalt  }
0x45: {  	_ =	shalt  }
0x46: {  	_ =	shalt  }
0x47: {  	_ =	shalt  }
0x48: {  	_ =	shalt  }
0x49: {  	_ =	shalt  }
0x4a: {  	_ =	shalt  }
0x4b: {  	_ =	shalt  }
0x4c: {  	_ =	shalt  }
0x4d: {  	_ =	shalt  }
0x4e: {  	_ =	shalt  }
0x4f: {  	_ =	shalt  }
0x50: {  	_ =	shalt  }
0x51: {  	_ =	shalt  }
0x52: {  	_ =	shalt  }
0x53: {  	_ =	shalt  }
0x54: {  	_ =	shalt  }
0x55: {  	_ =	shalt  }
0x56: {  	_ =	shalt  }
0x57: {  	_ =	shalt  }
0x58: {  	_ =	shalt  }
0x59: {  	_ =	shalt  }
0x5a: {  	_ =	shalt  }
0x5b: {  	_ =	shalt  }
0x5c: {  	_ =	shalt  }
0x5d: {  	_ =	shalt  }
0x5e: {  	_ =	shalt  }
0x5f: {  	_ =	shalt  }
0x60: {  	_ =	shalt  }
0x61: {  	_ =	shalt  }
0x62: {  	_ =	shalt  }
0x63: {  	_ =	shalt  }
0x64: {  	_ =	shalt  }
0x65: {  	_ =	shalt  }
0x66: {  	_ =	shalt  }
0x67: {  	_ =	shalt  }
0x68: {  	_ =	shalt  }
0x69: {  	_ =	shalt  }
0x6a: {  	_ =	shalt  }
0x6b: {  	_ =	shalt  }
0x6c: {  	_ =	shalt  }
0x6d: {  	_ =	shalt  }
0x6e: {  	_ =	shalt  }
0x6f: {  	_ =	shalt  }
0x70: {  	_ =	shalt  }
0x71: {  	_ =	shalt  }
0x72: {  	_ =	shalt  }
0x73: {  	_ =	shalt  }
0x74: {  	_ =	shalt  }
0x75: {  	_ =	shalt  }
0x76: {  	_ =	shalt  }
0x77: {  	_ =	shalt  }
0x78: {  	_ =	shalt  }
0x79: {  	_ =	shalt  }
0x7a: {  	_ =	shalt  }
0x7b: {  	_ =	shalt  }
0x7c: {  	_ =	shalt  }
0x7d: {  	_ =	shalt  }
0x7e: {  	_ =	shalt  }
0x7f: {  	_ =	shalt  }
0x80: {  	_ =	shalt  }
0x81: {  	_ =	shalt  }
0x82: {  	_ =	shalt  }
0x83: {  	_ =	shalt  }
0x84: {  	_ =	shalt  }
0x85: {  	_ =	shalt  }
0x86: {  	_ =	shalt  }
0x87: {  	_ =	shalt  }
.Lfunc_end0:
.L_simem_size_0:
called_computation_lowered:
.L_overlay_start_0:
0x88: {  	s2 =	sld [smem:$0x3FD9]  }
0x89: {  	s3 =	sld [smem:$0x3FFE];
	_ =	sdelay $0x1  }
0x8a: {  	s1 =	srdreg.scid  }
0x8b: {  	s0 =	sand.u32 $0x1, s1  }
0x8c: {  	s16 =	sshll.u32 s0, $0xA;
	s2 =	sadd.s32 s3, s2  }
0x8d: {  	s2 =	sadd.s32 s2, s16  }
0x8e: {  	[smem:$0x3FBB] =	sst s2  }
0x8f: {  	_ = 	snop  }
0x90: {  	(tm) =	ssettm $0x1  }
0x91: {  	s17 =	sld [smem:$0x3FFB];
	_ =	sdelay $0x3  }
0x92: {  	_ =	strace s17  }
0x93: {  	s2 =	sld [smem:$0x3FFC];
	_ =	sdelay $0x3  }
0x94: {  	_ =	strace s2  }
0x95: {  	s2 =	sld [smem:$0x3FFD];
	_ =	sdelay $0x3  }
0x96: {  	_ =	strace s2  }
0x97: {  	_ =	strace $0x8FFFFFFF  }
0x98: {  	s18 =	sld [smem:$0x3FDB];
	_ =	sdelay $0x1  }
0x99: {  	s19 =	simm.s32 $_scs_section_size  }
0x9a: {  	s4 =	simm.s32 $_size__tile_overlayer_lowered;
	s5 =	simm.s32 $_tile_overlayer_lowered  }
0x9b: {  	s22 =	simm.s32 $0x1BFF;
	s21 =	sshll.u32 s5, $0x1;
	s2 =	sadd.s32 s19, s18  }
0x9c: {  	s6 =	simm.s32 $0x0;
	s20 =	sshll.u32 s4, $0x1;
	s4 =	sadd.s32 s21, s2  }
0x9d: {  	[timem:s6], [sflag:s22] =	dma.local [hbm:s4], s20  }
0x9e: {  	_ =	swait.ge [sflag:s22], s20  }
0x9f: {  	s3 =	ssub.s32 $0x0, s20;
	[sflag:s22] =	ssyncset.done $0x0  }
0xa0: {  	[sflag:s22] =	ssyncadd.s32 s3;
	_ =	sdelay $0x1  }
0xa1: {  	s23 =	simm.s32 $0x1B8B  }
0xa2: {  	_ =	swait.ge [sflag:s23], $0x1  }
0xa3: {  	[sflag:s23] =	ssyncset.done $0x0  }
0xa4: {  	s25 =	simm.s32 $0x1B8E;
	s24 =	sld [smem:$0x3FFE];
	[sflag:s23] =	ssyncadd.s32 $0xFFFFFFFF  }
0xa5: {  	s26 =	simm.s32 $execute0_lowered;
	[smem:$0x3FD2] =	sst s25  }
0xa6: {  	s4 =	sshll.u32 s26, $0x1;
	_ =	strace $0x80000046;
	[dreg:$0x1] =	wrdreg $0xFFFFFFFF  }
0xa7: {  	s28 =	simm.s32 $_size_execute0_lowered;
	s2 =	sadd.s32 s2, s4;
	[dreg:$0x0] =	wrdreg $0x0  }
0xa8: {  	s4 =	sshll.u32 s28, $0x1;
	[dreg:$0x2] =	wrdreg s2  }
0xa9: {  	[dreg:$0x3] =	wrdreg s4  }
0xaa: {  	[dreg:$0x4] =	wrdreg $0xC0  }
0xab: {  	_ =	task [dreg:s6], $0x5FFFF  }
0xac: {  	[dreg:$0x1] =	wrdreg $0xFFFFFFFF  }
0xad: {  	[dreg:$0x0] =	wrdreg $0x60  }
0xae: {  	[dreg:$0x2] =	wrdreg s24  }
0xaf: {  	[dreg:$0x3] =	wrdreg $0x9  }
0xb0: {  	_ =	task.clear_ibuf [dreg:s6], $0x4FFFF;
	_ =	strace $0x90000046  }
0xb1: {  	s29 =	simm.s32 $0x9;
	_ =	strace $0x80000048  }
0xb2: {  	_ =	swait.ge [sflag:s29], $0x1  }
0xb3: {  	[sflag:s29] =	ssyncadd.s32 $0xFFFFFFFF  }
0xb4: {  	_ =	strace $0x90000048  }
0xb5: {  	_ =	sfence  }
0xb6: {  	s30 =	sld [smem:$0x0];
	_ =	sdelay $0x2  }
0xb7: {  	s31 =	sshll.u32 s1, $0xD;
	s1 =	sshrl.u32 s1, $0x2  }
0xb8: {  	s3 =	sand.u32 $0x4000, s31;
	s1 =	sadd.s32 s1, s30  }
0xb9: {  	s0 =	sor.u32 s3, s0;
	s1 =	sshll.u32 s1, $0x11  }
0xba: {  	s0 =	sor.u32 s1, s0  }
0xbb: {  	s0 =	sadd.s32 $0x8F2B, s0  }
0xbc: {  	[sflag:s0] =	ssyncadd.remote.s32 $0x1  }
0xbd: {  	_ =	sfence.sel $0xFFFF  }
0xbe: {  	[dreg:$0x0] =	wrdreg $0xFFFFFFFF;
	(pc) =	sbr.abs _section_cstart, $3  }
0xbf: {  	[dreg:$0x1] =	wrdreg $0xFFFFFFFF  }
0xc0: {  	_ =	task.clear_ibuf [dreg:s6], $0x2FFFF;
	_ =	strace $0x9FFFFFFF  }
0xc1: {  	(tm) =	ssettm $0x7FFFFFFF  }
tec
execute0_lowered:
.L_overlay_start_1:
0x0: {  	(tag) =	ssettag $0x1  }
0x1: {  	s1 =	srdreg.scid;
	s0 =	stileid.u32  }
0x2: {  	s5 =	sand.u32 $0x1, s1;
	s3 =	sshll.u32 s0, $0x1  }
0x3: {  	s3 =	sor.u32 s5, s3  }
0x4: {  	p0 =	sgt.u32 s3, $0x18  }
.Ltmp0:
0x5: {  	_ = 	snop;
	(pc) =	sbr.rel @p0 .LBB2_15-.Ltmp0, $4  }
0x6: {  	_ = 	snop  }
0x7: {  	s4 =	rddreg [dreg:$0x0];
	s2 =	simm.s32 $0x0  }
0x8: {  	[smem:$0x7FF] =	sst s2  }
0x9: {  	s1 =	rddreg [dreg:$0x1];
	_ =	strace $0x80000047  }
0xa: {  	s6 =	smul.u32 $0x1880, s3  }
0xb: {  	s7 =	smul.u32 $0x7D00, s3;
	s3 =	sadd.s32 $0x3200, s4;
	s8 =	ssub.s32 $0x2, s5  }
0xc: {  	s10 =	simm.s32 $0x1;
	s11 =	simm.s32 $0xD400;
	s12 =	simm.s32 $0x2  }
0xd: {  	s13 =	simm.s32 $0x0;
	s31 =	sshrl.u32 s8, $0x1;
	s6 =	sadd.s32 s6, s4  }
0xe: {  	s4 =	sadd.s32 $0xC44A0, s7;
	s9 =	sshrl.u32 s7, $0x3;
	s5 =	sadd.s32 $0xC5440, s7  }
0xf: {  	s8 =	ssub.s32 s8, s31;
	s9 =	sadd.s32 s3, s9;
	s6 =	sadd.s32 $0x34000, s6  }
0x10: {  	v0 =	vimm.f32 $0.0e+00;
	v1 =	vimm.f32 $1.000000000e+00;
	s8 =	smax.u32 s8, $0x1;
	s7 =	sadd.s32 $0x186A0, s9;
	s9 =	simm.s32 $0xC400  }
.LBB2_2:
0x11: {  	s14 =	simm.s32 $0x40  }
0x12: {  	[tilespmem:s14+$0xFFFFFFC0] =	vst v0  }
0x13: {  	[tilespmem:s14+$0x30] =	vst v0  }
0x14: {  	[tilespmem:s14+$0x20] =	vst v0  }
0x15: {  	[tilespmem:s14+$0x10] =	vst v0  }
0x16: {  	[tilespmem:s14+$0x0] =	vst v0  }
0x17: {  	[tilespmem:s14+$0xFFFFFFF0] =	vst v0  }
0x18: {  	s15 =	simm.s32 $0x0;
	[tilespmem:s14+$0xFFFFFFE0] =	vst v0  }
.LBB2_3:
0x19: {  	s15 =	sadd.s32 $0x8, s15;
	[tilespmem:s14+$0xFFFFFFD0] =	vst v0;
	s14 =	sadd.s32 $0x80, s14  }
0x1a: {  	[tilespmem:s14+$0xFFFFFFC0] =	vst v0;
	p0 =	slt.u32 s15, $0xC38  }
0x1b: {  	[tilespmem:s14+$0x30] =	vst v0  }
.Ltmp1:
0x1c: {  	[tilespmem:s14+$0x20] =	vst v0;
	(pc) =	sbr.rel @p0 .LBB2_3-.Ltmp1, $4  }
0x1d: {  	[tilespmem:s14+$0x10] =	vst v0  }
0x1e: {  	[tilespmem:s14+$0x0] =	vst v0  }
0x1f: {  	[tilespmem:s14+$0xFFFFFFF0] =	vst v0  }
0x20: {  	[tilespmem:s14+$0xFFFFFFE0] =	vst v0  }
0x21: {  	[tilespmem:s14+$0xFFFFFFD0] =	vst v0;
	s14 =	simm.s32 $0x0;
	s15 =	simm.s32 $0x0  }
0x22: {  	[tilespmem:s9], [sflag:$0x1] =	stream.linear.gather [hbm4b:s7+s14], $0xFA0, $0x38;
	[tilespmem:$0xE400] =	vst v63  }
.LBB2_5:
0x23: {  	s16 =	smul.u32 $0x1F40, s15;
	_ =	sdelay $0x1  }
0x24: {  	_ =	swait.ge [sflag:s10], $0xFA0;
	s17 =	sadd.s32 s16, s4  }
0x25: {  	[sflag:s10] =	ssyncset.done $0x0;
	s17 =	sshrl.u32 s17, $0x3  }
0x26: {  	[sflag:s10] =	ssyncadd.s32 $0xFFFFF060;
	s17 =	sadd.s32 s3, s17  }
0x27: {  	[tilespmem:s11], [sflag:$0x1] =	stream.linear.gather [hbm4b:s17+s2], $0xFA0, $0x38;
	[tilespmem:$0xE400] =	vst v63  }
0x28: {  	s17 =	simm.s32 $0xC440  }
0x29: {  	v3 =	vld [tilespmem:s17+$0xFFFFFFC0]  }
0x2a: {  	v4 =	vld [tilespmem:s17+$0x30]  }
0x2b: {  	v5 =	vld [tilespmem:s17+$0x20]  }
0x2c: {  	v6 =	vld [tilespmem:s17+$0x10]  }
0x2d: {  	v7 =	vld [tilespmem:s17+$0x0]  }
0x2e: {  	v8 =	vld [tilespmem:s17+$0xFFFFFFF0]  }
0x2f: {  	v9 =	vld [tilespmem:s17+$0xFFFFFFE0]  }
0x30: {  	v2 =	vld [tilespmem:s17+$0xFFFFFFD0]  }
0x31: {  	[tilespmem:v3+s14+$0x0] =	vst.idx.add.f32.msk $0xffff, v1  }
0x32: {  	[tilespmem:v4+s14+$0x0] =	vst.idx.add.f32.msk $0xffff, v1  }
0x33: {  	[tilespmem:v5+s14+$0x0] =	vst.idx.add.f32.msk $0xffff, v1  }
0x34: {  	[tilespmem:v6+s14+$0x0] =	vst.idx.add.f32.msk $0xffff, v1  }
0x35: {  	[tilespmem:v7+s14+$0x0] =	vst.idx.add.f32.msk $0xffff, v1  }
0x36: {  	[tilespmem:v8+s14+$0x0] =	vst.idx.add.f32.msk $0xffff, v1  }
0x37: {  	s18 =	simm.s32 $0x0;
	s19 =	simm.s32 $0x0;
	[tilespmem:v9+s14+$0x0] =	vst.idx.add.f32.msk $0xffff, v1  }
.LBB2_6:
0x38: {  	s18 =	sadd.s32 $0x8, s18;
	[tilespmem:v2+s19+$0x0] =	vst.idx.add.f32.msk $0xffff, v1;
	s17 =	sadd.s32 $0x80, s17  }
0x39: {  	v3 =	vld [tilespmem:s17+$0xFFFFFFC0];
	p0 =	slt.u32 s18, $0xF0  }
0x3a: {  	v4 =	vld [tilespmem:s17+$0x30]  }
0x3b: {  	v5 =	vld [tilespmem:s17+$0x20]  }
0x3c: {  	v6 =	vld [tilespmem:s17+$0x10]  }
0x3d: {  	v7 =	vld [tilespmem:s17+$0x0]  }
0x3e: {  	v8 =	vld [tilespmem:s17+$0xFFFFFFF0]  }
0x3f: {  	v9 =	vld [tilespmem:s17+$0xFFFFFFE0]  }
0x40: {  	s19 =	simm.s32 $0x0;
	v2 =	vld [tilespmem:s17+$0xFFFFFFD0]  }
0x41: {  	[tilespmem:v3+s19+$0x0] =	vst.idx.add.f32.msk $0xffff, v1  }
0x42: {  	[tilespmem:v4+s19+$0x0] =	vst.idx.add.f32.msk $0xffff, v1  }
.Ltmp2:
0x43: {  	[tilespmem:v5+s19+$0x0] =	vst.idx.add.f32.msk $0xffff, v1;
	(pc) =	sbr.rel @p0 .LBB2_6-.Ltmp2, $4  }
0x44: {  	[tilespmem:v6+s19+$0x0] =	vst.idx.add.f32.msk $0xffff, v1  }
0x45: {  	[tilespmem:v7+s19+$0x0] =	vst.idx.add.f32.msk $0xffff, v1  }
0x46: {  	[tilespmem:v8+s19+$0x0] =	vst.idx.add.f32.msk $0xffff, v1  }
0x47: {  	[tilespmem:v9+s19+$0x0] =	vst.idx.add.f32.msk $0xffff, v1  }
0x48: {  	_ =	sdelay $0x3  }
0x49: {  	[tilespmem:v2+s19+$0x0] =	vst.idx.add.f32.msk $0xffff, v1  }
.LBB2_8:
0x4a: {  	s17 =	sshra.s32 s19, $0x2  }
0x4b: {  	v2 =	vld [tilespmem:s17+$0xD380];
	_ =	sdelay $0x2  }
0x4c: {  	p0 =	sne.s32 s19, $0x40  }
.Ltmp3:
0x4d: {  	_ = 	snop;
	(pc) =	sbr.rel @p0 .LBB2_8-.Ltmp3, $2  }
0x4e: {  	_ =	sdelay $0x2  }
0x4f: {  	s19 =	sadd.s32 $0x40, s19;
	[tilespmem:v2+s2+$0x0] =	vst.idx.add.f32.msk $0xffff, v1  }
0x50: {  	p0 =	seq.s32 s15, $0x3  }
0x51: {  	_ =	swait.ge [sflag:s10], $0xFA0;
	s16 =	sadd.s32 @!p0 s16, s5  }
0x52: {  	[sflag:s10] =	ssyncset.done $0x0;
	s17 =	simm.s32 @!p0 $0x0;
	s16 =	sshrl.u32 @!p0 s16, $0x3  }
0x53: {  	s18 =	simm.s32 @!p0 $0xC400;
	[sflag:s10] =	ssyncadd.s32 $0xFFFFF060;
	s16 =	sadd.s32 @!p0 s3, s16  }
0x54: {  	[tilespmem:s18], [sflag:$0x1] =	stream.linear.gather @!p0 [hbm4b:s16+s17], $0xFA0, $0x38;
	[tilespmem:$0xE400] =	vst v63  }
0x55: {  	s17 =	simm.s32 $0xD440  }
0x56: {  	v3 =	vld [tilespmem:s17+$0xFFFFFFC0]  }
0x57: {  	v4 =	vld [tilespmem:s17+$0x30]  }
0x58: {  	v5 =	vld [tilespmem:s17+$0x20]  }
0x59: {  	v6 =	vld [tilespmem:s17+$0x10]  }
0x5a: {  	v7 =	vld [tilespmem:s17+$0x0]  }
0x5b: {  	v8 =	vld [tilespmem:s17+$0xFFFFFFF0]  }
0x5c: {  	v9 =	vld [tilespmem:s17+$0xFFFFFFE0]  }
0x5d: {  	s16 =	simm.s32 $0x0;
	v2 =	vld [tilespmem:s17+$0xFFFFFFD0]  }
0x5e: {  	[tilespmem:v3+s16+$0x0] =	vst.idx.add.f32.msk $0xffff, v1  }
0x5f: {  	[tilespmem:v4+s16+$0x0] =	vst.idx.add.f32.msk $0xffff, v1  }
0x60: {  	[tilespmem:v5+s16+$0x0] =	vst.idx.add.f32.msk $0xffff, v1  }
0x61: {  	[tilespmem:v6+s16+$0x0] =	vst.idx.add.f32.msk $0xffff, v1  }
0x62: {  	[tilespmem:v7+s16+$0x0] =	vst.idx.add.f32.msk $0xffff, v1  }
0x63: {  	[tilespmem:v8+s16+$0x0] =	vst.idx.add.f32.msk $0xffff, v1  }
0x64: {  	s18 =	simm.s32 $0x0;
	[tilespmem:v9+s16+$0x0] =	vst.idx.add.f32.msk $0xffff, v1  }
.LBB2_10:
0x65: {  	s18 =	sadd.s32 $0x8, s18;
	[tilespmem:v2+s16+$0x0] =	vst.idx.add.f32.msk $0xffff, v1;
	s17 =	sadd.s32 $0x80, s17  }
0x66: {  	v3 =	vld [tilespmem:s17+$0xFFFFFFC0];
	p0 =	slt.u32 s18, $0xF0  }
0x67: {  	v4 =	vld [tilespmem:s17+$0x30]  }
0x68: {  	v5 =	vld [tilespmem:s17+$0x20]  }
0x69: {  	v6 =	vld [tilespmem:s17+$0x10]  }
0x6a: {  	v7 =	vld [tilespmem:s17+$0x0]  }
0x6b: {  	v8 =	vld [tilespmem:s17+$0xFFFFFFF0]  }
0x6c: {  	v9 =	vld [tilespmem:s17+$0xFFFFFFE0]  }
0x6d: {  	v2 =	vld [tilespmem:s17+$0xFFFFFFD0]  }
0x6e: {  	[tilespmem:v3+s16+$0x0] =	vst.idx.add.f32.msk $0xffff, v1  }
0x6f: {  	[tilespmem:v4+s16+$0x0] =	vst.idx.add.f32.msk $0xffff, v1  }
.Ltmp4:
0x70: {  	[tilespmem:v5+s16+$0x0] =	vst.idx.add.f32.msk $0xffff, v1;
	(pc) =	sbr.rel @p0 .LBB2_10-.Ltmp4, $4  }
0x71: {  	[tilespmem:v6+s16+$0x0] =	vst.idx.add.f32.msk $0xffff, v1  }
0x72: {  	[tilespmem:v7+s16+$0x0] =	vst.idx.add.f32.msk $0xffff, v1  }
0x73: {  	[tilespmem:v8+s16+$0x0] =	vst.idx.add.f32.msk $0xffff, v1  }
0x74: {  	[tilespmem:v9+s16+$0x0] =	vst.idx.add.f32.msk $0xffff, v1  }
0x75: {  	_ =	sdelay $0x3  }
0x76: {  	[tilespmem:v2+s16+$0x0] =	vst.idx.add.f32.msk $0xffff, v1  }
.LBB2_12:
0x77: {  	s17 =	sshra.s32 s16, $0x2  }
0x78: {  	v2 =	vld [tilespmem:s17+$0xE380];
	_ =	sdelay $0x2  }
0x79: {  	p0 =	sne.s32 s16, $0x40  }
.Ltmp5:
0x7a: {  	_ = 	snop;
	(pc) =	sbr.rel @p0 .LBB2_12-.Ltmp5, $2  }
0x7b: {  	_ =	sdelay $0x2  }
0x7c: {  	s16 =	sadd.s32 $0x40, s16;
	[tilespmem:v2+s2+$0x0] =	vst.idx.add.f32.msk $0xffff, v1  }
0x7d: {  	s15 =	sadd.s32 $0x1, s15  }
0x7e: {  	p0 =	sne.s32 s15, $0x4  }
.Ltmp6:
0x7f: {  	_ = 	snop;
	(pc) =	sbr.rel @p0 .LBB2_5-.Ltmp6, $1  }
0x80: {  	_ =	sdelay $0x3  }
0x81: {  	s13 =	sadd.s32 $0x1, s13  }
0x82: {  	p0 =	sne.s32 s13, s8  }
.Ltmp7:
0x83: {  	_ = 	snop;
	(pc) =	sbr.rel @p0 .LBB2_2-.Ltmp7, $4  }
0x84: {  	[hbm4b:s6+s2] =	stream.linear.scatter [tilespmem:s2], [sflag:$0x2], $0xC400, $0x38;
	[tilespmem:$0xE400] =	vst v63  }
0x85: {  	_ =	swait.ge [sflag:s12], $0xC400  }
0x86: {  	[sflag:s12] =	ssyncset.done $0x0  }
0x87: {  	[sflag:s12] =	ssyncadd.s32 $0xFFFF3C00  }
.LBB2_15:
0x88: {  	_ =	sfence.sel $0x180000  }
0x89: {  	[bflag:$0x0] =	sbarrier.arrive $0xFFFF  }
0x8a: {  	p0 =	sne.s32 s0, $0x0;
	_ =	strace $0x90000047  }
0x8b: {  	s0 =	sadd.s32 @!p0 $0x100000, s1;
	[bflag:$0x2] =	sbarrier.arrive $0xFFFF  }
0x8c: {  	[sflag:s0] =	ssyncadd.tile.s32 @!p0 $0x1;
	_ =	shalt  }
.Lfunc_end2:
_tile_overlayer_lowered:
.L_overlay_start_2:
0x8d: {  	(tag) =	ssettag $0x2  }
0x8e: {  	s0 =	rddreg [dreg:$0x0];
	s2 =	stileid.u32  }
0x8f: {  	s1 =	rddreg [dreg:$0x1];
	p0 =	sne.s32 s2, $0x0  }
0x90: {  	s3 =	rddreg [dreg:$0x2];
	[bflag:$0x3] =	sbarrier.arrive $0xFFFF;
	s2 =	simm.s32 @!p0 $0x1C02  }
0x91: {  	[timem:s3], [sflag:s2] =	dma.local @!p0 [hbm:s0], s1  }
0x92: {  	s0 =	simm.s32 @!p0 $0x2  }
0x93: {  	_ =	swait.ge @!p0 [sflag:s0], s1  }
0x94: {  	s1 =	ssub.s32 @!p0 $0x0, s1;
	[sflag:s0] =	ssyncset.done @!p0 $0x0  }
0x95: {  	[sflag:s0] =	ssyncadd.s32 @!p0 s1  }
0x96: {  	[bflag:$0x3] =	sbarrier.arrive $0xFFFF  }
0x97: {  	_ =	shalt  }

// kernel: kernel.15.cloned.1.call-start
scs
__scs_entry_jumppad:
0x0: {  	(pc) =	sbr.rel $0x88, $3  }
0x1: {  	(tag) =	ssettag $0x0;
	lr =	simm.s32 $0x1  }
0x2: {  	[smem:$0x3F94] =	sst lr;
	_ =	strace $0xD0000000  }
0x3: {  	_ = 	snop  }
0x4: {  	_ = 	snop  }
0x5: {  	_ = 	snop  }
0x6: {  	_ = 	snop  }
0x7: {  	_ = 	snop  }
__scs_overlays_trampoline_lowered:
0x8: {  	[smem:$0x3FA3] =	sst s0  }
0x9: {  	[smem:$0x3FA4] =	sst s1  }
0xa: {  	[smem:$0x3FA5] =	sst s2  }
0xb: {  	[smem:$0x3FA6] =	sst s3  }
0xc: {  	[smem:$0x3FA7] =	sst s4  }
0xd: {  	[smem:$0x3FA8] =	sst s5  }
0xe: {  	[smem:$0x3FA9] =	sst s6  }
0xf: {  	[smem:$0x3FAA] =	sst s7  }
0x10: {  	[smem:$0x3FAB] =	sst s8  }
0x11: {  	[smem:$0x3FAC] =	sst s9;
	s0 =	simm.s32 @!p0 $0x0  }
0x12: {  	s1 =	sld [smem:$0x3F92];
	s0 =	simm.s32 @p0 $0x1  }
0x13: {  	[smem:$0x3FAD] =	sst s0;
	s0 =	simm.s32 @!p1 $0x0  }
0x14: {  	s2 =	sld [smem:$0x3F91];
	s0 =	simm.s32 @p1 $0x1  }
0x15: {  	[smem:$0x3FAE] =	sst s0;
	s0 =	simm.s32 @!p2 $0x0  }
0x16: {  	s3 =	sld [smem:$0x3FDB];
	s0 =	simm.s32 @p2 $0x1  }
0x17: {  	s4 =	simm.s32 $0x1BF5;
	[smem:$0x3FB0] =	sst s0  }
0x18: {  	s0 =	sld [smem:$0x3F93];
	_ =	swait.ge [sflag:s4], $0x0  }
0x19: {  	s7 =	sld [smem:$0x3F94]  }
0x1a: {  	s8 =	sadd.s32 $0xFFFFE003, lr  }
0x1b: {  	s9 =	sadd.s32 $0xFFFFFEF7, lr;
	s5 =	simm.s32 $0xFFFFFFFF;
	p2 =	slt.u32 s8, $0xFFFFF086  }
0x1c: {  	p1 =	slt.u32 s9, $0xF7A;
	s5 =	simm.s32 @!p2 $0x0  }
0x1d: {  	s5 =	simm.s32 @p1 $0x1;
	p0 =	seq.s32 s7, s2  }
0x1e: {  	s7 =	smul.u32 @!p0 $0xF7A, s2;
	p2 =	seq.s32 @!p0 s5, $0x0  }
0x1f: {  	s9 =	smul.u32 $0xF7A, s1;
	s8 =	simm.s32 @!p0 $0x1BF5;
	p2 =	por !p2, p0  }
0x20: {  	[sflag:s8] =	ssyncset.s32 @!p0 $0xFFFFF086;
	s6 =	sadd.s32 @!p0 s3, s7;
	s7 =	simm.s32 @!p0 $0x108  }
0x21: {  	s3 =	sadd.s32 s3, s9;
	s6 =	sadd.s32 @!p0 $0x88, s6;
	s7 =	simm.s32 @p2 $0x1082  }
0x22: {  	[simem:s7], [sflag:s8] =	dma.local @!p0 [hbm:s6], $0xF7A  }
0x23: {  	s9 =	sor.u32 $0xD0000000, s2;
	s6 =	simm.s32 $0x108;
	_ =	swait.ge @!p0 [sflag:s8], $0x0  }
0x24: {  	s3 =	sadd.s32 $0x88, s3;
	s6 =	simm.s32 @!p1 $0x1082;
	[sflag:s4] =	ssyncset.s32 $0xFFFFF086  }
0x25: {  	[simem:s6], [sflag:s4] =	dma.local [hbm:s3], $0xF7A  }
0x26: {  	[smem:$0x3F94] =	sst s1;
	(tag) =	ssettag s2;
	_ =	strace s9  }
0x27: {  	s1 =	sld [smem:$0x3FA4]  }
0x28: {  	s2 =	sld [smem:$0x3FA5]  }
0x29: {  	s4 =	sld [smem:$0x3FA7]  }
0x2a: {  	p0 =	seq.s32 s5, $0x0;
	s5 =	sld [smem:$0x3FA8]  }
0x2b: {  	s6 =	sld [smem:$0x3FA9]  }
0x2c: {  	s7 =	sld [smem:$0x3FAA]  }
0x2d: {  	s3 =	simm.s32 $0x108;
	s8 =	sld [smem:$0x3FAB]  }
0x2e: {  	s3 =	simm.s32 @!p0 $0x1082;
	s9 =	sld [smem:$0x3FAC]  }
0x2f: {  	lr =	sadd.s32 s0, s3;
	s0 =	sld [smem:$0x3FA3]  }
0x30: {  	s3 =	sld [smem:$0x3FA6]  }
0x31: {  	[smem:$0x3FAF] =	sst s10  }
0x32: {  	s10 =	sld [smem:$0x3FAD];
	_ =	sdelay $0x3  }
0x33: {  	p0 =	seq.s32 s10, $0x1;
	s10 =	sld [smem:$0x3FAF];
	_ =	sdelay $0x3  }
0x34: {  	[smem:$0x3FAF] =	sst s10  }
0x35: {  	s10 =	sld [smem:$0x3FAE];
	_ =	sdelay $0x3  }
0x36: {  	p1 =	seq.s32 s10, $0x1;
	s10 =	sld [smem:$0x3FAF];
	_ =	sdelay $0x3  }
0x37: {  	[smem:$0x3FAF] =	sst s10  }
0x38: {  	s10 =	sld [smem:$0x3FB0]  }
0x39: {  	_ = 	snop;
	(pc) =	sbr.ind lr, $3  }
0x3a: {  	_ = 	snop  }
0x3b: {  	_ = 	snop  }
0x3c: {  	p2 =	seq.s32 s10, $0x1;
	s10 =	sld [smem:$0x3FAF]  }
0x3d: {  	_ =	shalt  }
0x3e: {  	_ =	shalt  }
0x3f: {  	_ =	shalt  }
0x40: {  	_ =	shalt  }
0x41: {  	_ =	shalt  }
0x42: {  	_ =	shalt  }
0x43: {  	_ =	shalt  }
0x44: {  	_ =	shalt  }
0x45: {  	_ =	shalt  }
0x46: {  	_ =	shalt  }
0x47: {  	_ =	shalt  }
0x48: {  	_ =	shalt  }
0x49: {  	_ =	shalt  }
0x4a: {  	_ =	shalt  }
0x4b: {  	_ =	shalt  }
0x4c: {  	_ =	shalt  }
0x4d: {  	_ =	shalt  }
0x4e: {  	_ =	shalt  }
0x4f: {  	_ =	shalt  }
0x50: {  	_ =	shalt  }
0x51: {  	_ =	shalt  }
0x52: {  	_ =	shalt  }
0x53: {  	_ =	shalt  }
0x54: {  	_ =	shalt  }
0x55: {  	_ =	shalt  }
0x56: {  	_ =	shalt  }
0x57: {  	_ =	shalt  }
0x58: {  	_ =	shalt  }
0x59: {  	_ =	shalt  }
0x5a: {  	_ =	shalt  }
0x5b: {  	_ =	shalt  }
0x5c: {  	_ =	shalt  }
0x5d: {  	_ =	shalt  }
0x5e: {  	_ =	shalt  }
0x5f: {  	_ =	shalt  }
0x60: {  	_ =	shalt  }
0x61: {  	_ =	shalt  }
0x62: {  	_ =	shalt  }
0x63: {  	_ =	shalt  }
0x64: {  	_ =	shalt  }
0x65: {  	_ =	shalt  }
0x66: {  	_ =	shalt  }
0x67: {  	_ =	shalt  }
0x68: {  	_ =	shalt  }
0x69: {  	_ =	shalt  }
0x6a: {  	_ =	shalt  }
0x6b: {  	_ =	shalt  }
0x6c: {  	_ =	shalt  }
0x6d: {  	_ =	shalt  }
0x6e: {  	_ =	shalt  }
0x6f: {  	_ =	shalt  }
0x70: {  	_ =	shalt  }
0x71: {  	_ =	shalt  }
0x72: {  	_ =	shalt  }
0x73: {  	_ =	shalt  }
0x74: {  	_ =	shalt  }
0x75: {  	_ =	shalt  }
0x76: {  	_ =	shalt  }
0x77: {  	_ =	shalt  }
0x78: {  	_ =	shalt  }
0x79: {  	_ =	shalt  }
0x7a: {  	_ =	shalt  }
0x7b: {  	_ =	shalt  }
0x7c: {  	_ =	shalt  }
0x7d: {  	_ =	shalt  }
0x7e: {  	_ =	shalt  }
0x7f: {  	_ =	shalt  }
0x80: {  	_ =	shalt  }
0x81: {  	_ =	shalt  }
0x82: {  	_ =	shalt  }
0x83: {  	_ =	shalt  }
0x84: {  	_ =	shalt  }
0x85: {  	_ =	shalt  }
0x86: {  	_ =	shalt  }
0x87: {  	_ =	shalt  }
.Lfunc_end0:
.L_simem_size_0:
called_computation.1_lowered:
.L_overlay_start_0:
0x88: {  	s2 =	sld [smem:$0x3FD9]  }
0x89: {  	s3 =	sld [smem:$0x3FFE];
	_ =	sdelay $0x1  }
0x8a: {  	s1 =	srdreg.scid  }
0x8b: {  	s0 =	sand.u32 $0x1, s1  }
0x8c: {  	s16 =	sshll.u32 s0, $0xA;
	s2 =	sadd.s32 s3, s2  }
0x8d: {  	s2 =	sadd.s32 s2, s16  }
0x8e: {  	[smem:$0x3FBB] =	sst s2  }
0x8f: {  	_ = 	snop  }
0x90: {  	(tm) =	ssettm $0x1  }
0x91: {  	s17 =	sld [smem:$0x3FFB];
	_ =	sdelay $0x3  }
0x92: {  	_ =	strace s17  }
0x93: {  	s2 =	sld [smem:$0x3FFC];
	_ =	sdelay $0x3  }
0x94: {  	_ =	strace s2  }
0x95: {  	s2 =	sld [smem:$0x3FFD];
	_ =	sdelay $0x3  }
0x96: {  	_ =	strace s2  }
0x97: {  	_ =	strace $0x8FFFFFFF  }
0x98: {  	s18 =	sld [smem:$0x3FDB];
	_ =	sdelay $0x1  }
0x99: {  	s19 =	simm.s32 $_scs_section_size  }
0x9a: {  	s4 =	simm.s32 $_size__tile_overlayer_lowered;
	s5 =	simm.s32 $_tile_overlayer_lowered  }
0x9b: {  	s22 =	simm.s32 $0x1BFF;
	s21 =	sshll.u32 s5, $0x1;
	s2 =	sadd.s32 s19, s18  }
0x9c: {  	s6 =	simm.s32 $0x0;
	s20 =	sshll.u32 s4, $0x1;
	s4 =	sadd.s32 s21, s2  }
0x9d: {  	[timem:s6], [sflag:s22] =	dma.local [hbm:s4], s20  }
0x9e: {  	_ =	swait.ge [sflag:s22], s20  }
0x9f: {  	s3 =	ssub.s32 $0x0, s20;
	[sflag:s22] =	ssyncset.done $0x0  }
0xa0: {  	[sflag:s22] =	ssyncadd.s32 s3;
	_ =	sdelay $0x1  }
0xa1: {  	s23 =	simm.s32 $0x1B8B  }
0xa2: {  	_ =	swait.ge [sflag:s23], $0x1  }
0xa3: {  	[sflag:s23] =	ssyncset.done $0x0  }
0xa4: {  	s25 =	simm.s32 $0x1B8E;
	s24 =	sld [smem:$0x3FFE];
	[sflag:s23] =	ssyncadd.s32 $0xFFFFFFFF  }
0xa5: {  	s26 =	simm.s32 $execute0_lowered;
	[smem:$0x3FD2] =	sst s25  }
0xa6: {  	s4 =	sshll.u32 s26, $0x1;
	_ =	strace $0x80000049;
	[dreg:$0x1] =	wrdreg $0xFFFFFFFF  }
0xa7: {  	s28 =	simm.s32 $_size_execute0_lowered;
	s2 =	sadd.s32 s2, s4;
	[dreg:$0x0] =	wrdreg $0x0  }
0xa8: {  	s4 =	sshll.u32 s28, $0x1;
	[dreg:$0x2] =	wrdreg s2  }
0xa9: {  	[dreg:$0x3] =	wrdreg s4  }
0xaa: {  	[dreg:$0x4] =	wrdreg $0xC0  }
0xab: {  	_ =	task [dreg:s6], $0x5FFFF  }
0xac: {  	[dreg:$0x1] =	wrdreg $0xFFFFFFFF  }
0xad: {  	[dreg:$0x0] =	wrdreg $0x60  }
0xae: {  	[dreg:$0x2] =	wrdreg s24  }
0xaf: {  	[dreg:$0x3] =	wrdreg $0x9  }
0xb0: {  	_ =	task.clear_ibuf [dreg:s6], $0x4FFFF;
	_ =	strace $0x90000049  }
0xb1: {  	s29 =	simm.s32 $0x9;
	_ =	strace $0x8000004B  }
0xb2: {  	_ =	swait.ge [sflag:s29], $0x1  }
0xb3: {  	[sflag:s29] =	ssyncadd.s32 $0xFFFFFFFF  }
0xb4: {  	_ =	strace $0x9000004B  }
0xb5: {  	_ =	sfence  }
0xb6: {  	s30 =	sld [smem:$0x0];
	_ =	sdelay $0x2  }
0xb7: {  	s31 =	sshll.u32 s1, $0xD;
	s1 =	sshrl.u32 s1, $0x2  }
0xb8: {  	s3 =	sand.u32 $0x4000, s31;
	s1 =	sadd.s32 s1, s30  }
0xb9: {  	s0 =	sor.u32 s3, s0;
	s1 =	sshll.u32 s1, $0x11  }
0xba: {  	s0 =	sor.u32 s1, s0  }
0xbb: {  	s0 =	sadd.s32 $0x8F2B, s0  }
0xbc: {  	[sflag:s0] =	ssyncadd.remote.s32 $0x1  }
0xbd: {  	_ =	sfence.sel $0xFFFF  }
0xbe: {  	[dreg:$0x0] =	wrdreg $0xFFFFFFFF;
	(pc) =	sbr.abs _section_cstart, $3  }
0xbf: {  	[dreg:$0x1] =	wrdreg $0xFFFFFFFF  }
0xc0: {  	_ =	task.clear_ibuf [dreg:s6], $0x2FFFF;
	_ =	strace $0x9FFFFFFF  }
0xc1: {  	(tm) =	ssettm $0x7FFFFFFF  }
tec
execute0_lowered:
.L_overlay_start_1:
0x0: {  	(tag) =	ssettag $0x1  }
0x1: {  	s0 =	rddreg [dreg:$0x0]  }
0x2: {  	s1 =	simm.s32 $0x0;
	s4 =	srdreg.scid;
	s7 =	stileid.u32  }
0x3: {  	s12 =	simm.s32 $0x61A80;
	s14 =	simm.s32 $0x24C000;
	s28 =	simm.s32 $0xC400  }
0x4: {  	s29 =	simm.s32 $0x0;
	[smem:$0x7FF] =	sst s1;
	s2 =	sadd.s32 $0x34000, s0  }
0x5: {  	s3 =	sadd.s32 $0x3200, s0;
	s4 =	sand.u32 $0x1, s4;
	s5 =	sshll.u32 s7, $0x1  }
0x6: {  	s6 =	sadd.s32 $0x7D800, s0;
	s7 =	sshrl.u32 s7, $0x2;
	s21 =	sadd.s32 $0x1B8A0, s0  }
0x7: {  	_ =	strace $0x8000004A;
	s5 =	sor.u32 s4, s5;
	s7 =	smul.u32 $0x62000, s7  }
0x8: {  	s4 =	ssub.s32 $0x2, s4;
	[dreg:$0x3] =	wrdreg s21;
	s21 =	simm.s32 $0x18800  }
0x9: {  	s8 =	sshll.u32 s5, $0x7;
	s9 =	sor.u32 $0x20, s5;
	s11 =	sshrl.u32 s4, $0x1  }
0xa: {  	s5 =	sadd.s32 $0x10, s5;
	s8 =	sand.u32 $0x380, s8;
	s10 =	sadd.s32 $0xFFFFFFD0, s9  }
0xb: {  	s4 =	ssub.s32 s4, s11;
	p0 =	sgt.u32 s9, $0x2F;
	s25 =	sshrl.u32 s5, $0x3  }
0xc: {  	s5 =	sshll.u32 s5, $0x7;
	s7 =	sor.u32 s7, s8;
	s18 =	smin.u32 s9, s10  }
0xd: {  	s12 =	simm.s32 @!p0 $0x0;
	s14 =	simm.s32 @!p0 $0x0;
	s15 =	smul.u32 $0x62000, s25  }
0xe: {  	s5 =	sand.u32 $0x380, s5;
	s17 =	smax.u32 s4, $0x1;
	s25 =	simm.s32 $0x19800  }
0xf: {  	s7 =	sshrl.u32 s7, $0x3;
	s10 =	sshrl.u32 s18, $0x3;
	s8 =	sshll.u32 s18, $0x7  }
0x10: {  	s24 =	sshrl.u32 s12, $0x3;
	s11 =	sadd.s32 $0x1F40, s12;
	s18 =	simm.s32 $0x80  }
0x11: {  	s19 =	sadd.s32 s2, s7;
	s20 =	smul.u32 $0x62000, s10;
	s13 =	sand.u32 $0x380, s8  }
0x12: {  	s7 =	sadd.s32 s6, s7;
	s8 =	sadd.s32 s3, s24;
	s10 =	sadd.s32 $0xFA0, s12  }
0x13: {  	s5 =	sor.u32 s5, s15;
	s15 =	sadd.s32 $0x27BF0, s0;
	[dreg:$0x2] =	wrdreg s19  }
0x14: {  	s24 =	simm.s32 $0x2;
	[dreg:$0x4] =	wrdreg s7;
	s9 =	sadd.s32 $0x186A0, s8  }
0x15: {  	s30 =	sshrl.u32 s5, $0x3;
	s5 =	sadd.s32 $0x24C000, s5;
	s19 =	simm.s32 $0x400  }
0x16: {  	s22 =	sor.u32 s13, s20;
	s14 =	sadd.s32 s14, s20;
	s31 =	sshrl.u32 s5, $0x3  }
0x17: {  	s20 =	simm.s32 $0x3;
	s23 =	sshrl.u32 s22, $0x3;
	s26 =	sor.u32 s13, s14  }
0x18: {  	s13 =	sadd.s32 s2, s30;
	s14 =	sadd.s32 $0xF550, s0;
	s16 =	sadd.s32 s6, s31  }
0x19: {  	s22 =	simm.s32 $0x1A800;
	s7 =	sadd.s32 s2, s23;
	s12 =	sshrl.u32 s26, $0x3  }
0x1a: {  	v0 =	vimm.f32 $0.0e+00;
	s23 =	simm.s32 $0x1;
	s26 =	simm.s32 $0x1B800;
	s12 =	sadd.s32 s6, s12  }
.LBB2_1:
0x1b: {  	s0 =	rddreg [dreg:$0x2]  }
0x1c: {  	[tilespmem:s1], [sflag:$0x3] =	stream.strided.gather [hbm4b:s0+s18], $0xC400, s19, s18, $0x38;
	[tilespmem:$0x1C800] =	vst v63  }
0x1d: {  	_ =	swait.ge [sflag:s20], $0xC400  }
0x1e: {  	[sflag:s20] =	ssyncset.done $0x0  }
0x1f: {  	s0 =	simm.s32 $0xC440;
	[sflag:s20] =	ssyncadd.s32 $0xFFFF3C00  }
0x20: {  	[tilespmem:s0+$0xFFFFFFC0] =	vst v0  }
0x21: {  	[tilespmem:s0+$0x30] =	vst v0  }
0x22: {  	[tilespmem:s0+$0x20] =	vst v0  }
0x23: {  	[tilespmem:s0+$0x10] =	vst v0  }
0x24: {  	[tilespmem:s0+$0x0] =	vst v0  }
0x25: {  	[tilespmem:s0+$0xFFFFFFF0] =	vst v0  }
0x26: {  	s2 =	simm.s32 $0x0;
	[tilespmem:s0+$0xFFFFFFE0] =	vst v0  }
.LBB2_2:
0x27: {  	s2 =	sadd.s32 $0x8, s2;
	[tilespmem:s0+$0xFFFFFFD0] =	vst v0;
	s0 =	sadd.s32 $0x80, s0  }
0x28: {  	[tilespmem:s0+$0xFFFFFFC0] =	vst v0;
	p0 =	slt.u32 s2, $0xC38  }
0x29: {  	[tilespmem:s0+$0x30] =	vst v0  }
.Ltmp0:
0x2a: {  	[tilespmem:s0+$0x20] =	vst v0;
	(pc) =	sbr.rel @p0 .LBB2_2-.Ltmp0, $4  }
0x2b: {  	[tilespmem:s0+$0x10] =	vst v0  }
0x2c: {  	[tilespmem:s0+$0x0] =	vst v0  }
0x2d: {  	[tilespmem:s0+$0xFFFFFFF0] =	vst v0  }
0x2e: {  	[tilespmem:s0+$0xFFFFFFE0] =	vst v0  }
0x2f: {  	[tilespmem:s0+$0xFFFFFFD0] =	vst v0;
	s30 =	simm.s32 $0x0  }
0x30: {  	[tilespmem:s21], [sflag:$0x1] =	stream.linear.gather [hbm4b:s3+s30], $0xFA0, $0x38;
	[tilespmem:$0x1C800] =	vst v63  }
0x31: {  	s31 =	simm.s32 $0x0;
	s0 =	rddreg [dreg:$0x3]  }
0x32: {  	[tilespmem:s22], [sflag:$0x2] =	stream.linear.gather [hbm4b:s0+s30], $0xFA0, $0x38;
	[tilespmem:$0x1C800] =	vst v63  }
.LBB2_4:
0x33: {  	_ =	swait.ge [sflag:s23], $0xFA0  }
0x34: {  	s0 =	smul.u32 $0x1F40, s31;
	[sflag:s23] =	ssyncset.done $0x0  }
0x35: {  	[sflag:s23] =	ssyncadd.s32 $0xFFFFF060  }
0x36: {  	s2 =	sshrl.u32 s0, $0x3;
	_ =	swait.ge [sflag:s24], $0xFA0  }
0x37: {  	s2 =	sadd.s32 s3, s2;
	[sflag:s24] =	ssyncset.done $0x0  }
0x38: {  	s4 =	sadd.s32 $0x1F4, s2;
	[sflag:s24] =	ssyncadd.s32 $0xFFFFF060  }
0x39: {  	[tilespmem:s25], [sflag:$0x1] =	stream.linear.gather [hbm4b:s4+s1], $0xFA0, $0x38;
	[tilespmem:$0x1C800] =	vst v63  }
0x3a: {  	s6 =	simm.s32 $0x18840;
	s2 =	sadd.s32 $0x18894, s2  }
0x3b: {  	[tilespmem:s26], [sflag:$0x2] =	stream.linear.gather [hbm4b:s2+s1], $0xFA0, $0x38;
	[tilespmem:$0x1C800] =	vst v63  }
0x3c: {  	v1 =	vld [tilespmem:s6+$0x30]  }
0x3d: {  	v2 =	vld [tilespmem:s6+$0xFFFFFFD0]  }
0x3e: {  	v3 =	vld [tilespmem:s6+$0xFFFFFFE0]  }
0x3f: {  	v4 =	vld [tilespmem:s6+$0xFFFFFFF0]  }
0x40: {  	v5 =	vld [tilespmem:s6+$0x0]  }
0x41: {  	s2 =	simm.s32 $0x1A840;
	v6 =	vld [tilespmem:s6+$0x10]  }
0x42: {  	v7 =	vld [tilespmem:s2+$0x30]  }
0x43: {  	v8 =	vld [tilespmem:s6+$0x20]  }
0x44: {  	v9 =	vld [tilespmem:s6+$0xFFFFFFC0]  }
0x45: {  	v63 =	vld [tilespmem:s2+$0xFFFFFFC0]  }
0x46: {  	v11 =	vld [tilespmem:s2+$0xFFFFFFD0]  }
0x47: {  	v12 =	vld [tilespmem:s2+$0xFFFFFFE0]  }
0x48: {  	v13 =	vld [tilespmem:s2+$0xFFFFFFF0]  }
0x49: {  	v14 =	vld [tilespmem:s2+$0x0]  }
0x4a: {  	v15 =	vld [tilespmem:s2+$0x10]  }
0x4b: {  	v1 =	vld.idx.msk [tilespmem:v1+s30+$0x0], $0xffff  }
0x4c: {  	v10 =	vld.idx.msk [tilespmem:v2+s30+$0x0], $0xffff  }
0x4d: {  	v3 =	vld.idx.msk [tilespmem:v3+s30+$0x0], $0xffff  }
0x4e: {  	v4 =	vld.idx.msk [tilespmem:v4+s30+$0x0], $0xffff  }
0x4f: {  	v5 =	vld.idx.msk [tilespmem:v5+s30+$0x0], $0xffff  }
0x50: {  	v62 =	vld.idx.msk [tilespmem:v9+s30+$0x0], $0xffff  }
0x51: {  	v6 =	vld.idx.msk [tilespmem:v6+s30+$0x0], $0xffff  }
0x52: {  	v2 =	vld [tilespmem:s2+$0x20]  }
0x53: {  	[tilespmem:v7+s28+$0x0] =	vst.idx.add.f32.msk $0xffff, v1  }
0x54: {  	v1 =	vld.idx.msk [tilespmem:v8+s30+$0x0], $0xffff  }
0x55: {  	[tilespmem:v63+s28+$0x0] =	vst.idx.add.f32.msk $0xffff, v62  }
0x56: {  	[tilespmem:v11+s28+$0x0] =	vst.idx.add.f32.msk $0xffff, v10  }
0x57: {  	[tilespmem:v12+s28+$0x0] =	vst.idx.add.f32.msk $0xffff, v3  }
0x58: {  	[tilespmem:v13+s28+$0x0] =	vst.idx.add.f32.msk $0xffff, v4  }
0x59: {  	[tilespmem:v14+s28+$0x0] =	vst.idx.add.f32.msk $0xffff, v5  }
0x5a: {  	s5 =	simm.s32 $0x188C0;
	s4 =	simm.s32 $0x0;
	[tilespmem:v15+s28+$0x0] =	vst.idx.add.f32.msk $0xffff, v6  }
.LBB2_5:
0x5b: {  	v3 =	vld [tilespmem:s5+$0x30];
	s4 =	sadd.s32 $0x8, s4  }
0x5c: {  	v4 =	vld [tilespmem:s5+$0xFFFFFFD0];
	p0 =	slt.u32 s4, $0xF0  }
0x5d: {  	v5 =	vld [tilespmem:s5+$0xFFFFFFE0]  }
0x5e: {  	v6 =	vld [tilespmem:s5+$0xFFFFFFF0]  }
0x5f: {  	v7 =	vld [tilespmem:s5+$0x0]  }
0x60: {  	s2 =	sadd.s32 $0x80, s2;
	v8 =	vld [tilespmem:s5+$0x10]  }
0x61: {  	v9 =	vld [tilespmem:s2+$0x30]  }
0x62: {  	s6 =	simm.s32 $0x0;
	v10 =	vld [tilespmem:s5+$0x20]  }
0x63: {  	v3 =	vld.idx.msk [tilespmem:v3+s6+$0x0], $0xffff  }
0x64: {  	v11 =	vld [tilespmem:s5+$0xFFFFFFC0]  }
0x65: {  	v4 =	vld.idx.msk [tilespmem:v4+s6+$0x0], $0xffff  }
0x66: {  	v5 =	vld.idx.msk [tilespmem:v5+s6+$0x0], $0xffff  }
0x67: {  	v6 =	vld.idx.msk [tilespmem:v6+s6+$0x0], $0xffff  }
0x68: {  	v7 =	vld.idx.msk [tilespmem:v7+s6+$0x0], $0xffff  }
0x69: {  	[tilespmem:v9+s28+$0x0] =	vst.idx.add.f32.msk $0xffff, v3  }
0x6a: {  	v3 =	vld.idx.msk [tilespmem:v8+s6+$0x0], $0xffff  }
0x6b: {  	v8 =	vld.idx.msk [tilespmem:v10+s6+$0x0], $0xffff  }
0x6c: {  	v9 =	vld.idx.msk [tilespmem:v11+s6+$0x0], $0xffff  }
0x6d: {  	v10 =	vld [tilespmem:s2+$0xFFFFFFC0]  }
0x6e: {  	v11 =	vld [tilespmem:s2+$0xFFFFFFD0]  }
0x6f: {  	v12 =	vld [tilespmem:s2+$0xFFFFFFE0]  }
0x70: {  	v13 =	vld [tilespmem:s2+$0xFFFFFFF0]  }
0x71: {  	v14 =	vld [tilespmem:s2+$0x0]  }
0x72: {  	v15 =	vld [tilespmem:s2+$0x10]  }
0x73: {  	v16 =	vld [tilespmem:s2+$0x20]  }
0x74: {  	[tilespmem:v2+s28+$0x0] =	vst.idx.add.f32.msk $0xffff, v1;
	v1 =	vmov v8  }
0x75: {  	[tilespmem:v10+s28+$0x0] =	vst.idx.add.f32.msk $0xffff, v9  }
.Ltmp1:
0x76: {  	[tilespmem:v11+s28+$0x0] =	vst.idx.add.f32.msk $0xffff, v4;
	(pc) =	sbr.rel @p0 .LBB2_5-.Ltmp1, $4  }
0x77: {  	[tilespmem:v12+s28+$0x0] =	vst.idx.add.f32.msk $0xffff, v5  }
0x78: {  	[tilespmem:v13+s28+$0x0] =	vst.idx.add.f32.msk $0xffff, v6;
	v2 =	vmov v16  }
0x79: {  	[tilespmem:v14+s28+$0x0] =	vst.idx.add.f32.msk $0xffff, v7  }
0x7a: {  	s5 =	sadd.s32 $0x80, s5;
	[tilespmem:v15+s28+$0x0] =	vst.idx.add.f32.msk $0xffff, v3  }
0x7b: {  	_ =	sdelay $0x3  }
0x7c: {  	[tilespmem:v2+s28+$0x0] =	vst.idx.add.f32.msk $0xffff, v1  }
.LBB2_7:
0x7d: {  	s2 =	sshra.s32 s6, $0x2  }
0x7e: {  	v1 =	vld [tilespmem:s2+$0x19780];
	_ =	sdelay $0x4  }
0x7f: {  	v2 =	vld [tilespmem:s2+$0x1B780];
	_ =	sdelay $0x2  }
0x80: {  	p0 =	sne.s32 s6, $0x40;
	v1 =	vld.idx.msk [tilespmem:v1+s1+$0x0], $0xffff  }
.Ltmp2:
0x81: {  	_ = 	snop;
	(pc) =	sbr.rel @p0 .LBB2_7-.Ltmp2, $2  }
0x82: {  	_ =	sdelay $0x2  }
0x83: {  	s6 =	sadd.s32 $0x40, s6;
	[tilespmem:v2+s28+$0x0] =	vst.idx.add.f32.msk $0xffff, v1  }
0x84: {  	_ =	swait.ge [sflag:s23], $0xFA0  }
0x85: {  	[sflag:s23] =	ssyncset.done $0x0  }
0x86: {  	p0 =	seq.s32 s31, $0x31;
	[sflag:s23] =	ssyncadd.s32 $0xFFFFF060  }
0x87: {  	s0 =	sshrl.u32 @!p0 s0, $0x3;
	_ =	swait.ge [sflag:s24], $0xFA0  }
0x88: {  	s4 =	simm.s32 @!p0 $0x0;
	s0 =	sadd.s32 @!p0 s3, s0;
	[sflag:s24] =	ssyncset.done $0x0  }
0x89: {  	s5 =	simm.s32 @!p0 $0x18800;
	s2 =	sadd.s32 @!p0 $0x3E8, s0;
	[sflag:s24] =	ssyncadd.s32 $0xFFFFF060  }
0x8a: {  	[tilespmem:s5], [sflag:$0x1] =	stream.linear.gather @!p0 [hbm4b:s2+s4], $0xFA0, $0x38;
	[tilespmem:$0x1C800] =	vst v63  }
0x8b: {  	s6 =	simm.s32 $0x19840;
	s0 =	sadd.s32 @!p0 $0x18A88, s0;
	s2 =	simm.s32 @!p0 $0x1A800  }
0x8c: {  	[tilespmem:s2], [sflag:$0x2] =	stream.linear.gather @!p0 [hbm4b:s0+s4], $0xFA0, $0x38;
	[tilespmem:$0x1C800] =	vst v63  }
0x8d: {  	v1 =	vld [tilespmem:s6+$0x30]  }
0x8e: {  	v2 =	vld [tilespmem:s6+$0xFFFFFFD0]  }
0x8f: {  	v3 =	vld [tilespmem:s6+$0xFFFFFFE0]  }
0x90: {  	v4 =	vld [tilespmem:s6+$0xFFFFFFF0]  }
0x91: {  	v5 =	vld [tilespmem:s6+$0x0]  }
0x92: {  	s2 =	simm.s32 $0x1B840;
	v6 =	vld [tilespmem:s6+$0x10]  }
0x93: {  	v7 =	vld [tilespmem:s2+$0x30]  }
0x94: {  	v8 =	vld [tilespmem:s6+$0x20]  }
0x95: {  	v9 =	vld [tilespmem:s6+$0xFFFFFFC0]  }
0x96: {  	v63 =	vld [tilespmem:s2+$0xFFFFFFC0]  }
0x97: {  	v11 =	vld [tilespmem:s2+$0xFFFFFFD0]  }
0x98: {  	v12 =	vld [tilespmem:s2+$0xFFFFFFE0]  }
0x99: {  	v13 =	vld [tilespmem:s2+$0xFFFFFFF0]  }
0x9a: {  	v14 =	vld [tilespmem:s2+$0x0]  }
0x9b: {  	s0 =	simm.s32 $0x0;
	v15 =	vld [tilespmem:s2+$0x10]  }
0x9c: {  	v1 =	vld.idx.msk [tilespmem:v1+s0+$0x0], $0xffff  }
0x9d: {  	v10 =	vld.idx.msk [tilespmem:v2+s0+$0x0], $0xffff  }
0x9e: {  	v3 =	vld.idx.msk [tilespmem:v3+s0+$0x0], $0xffff  }
0x9f: {  	v4 =	vld.idx.msk [tilespmem:v4+s0+$0x0], $0xffff  }
0xa0: {  	v5 =	vld.idx.msk [tilespmem:v5+s0+$0x0], $0xffff  }
0xa1: {  	v62 =	vld.idx.msk [tilespmem:v9+s0+$0x0], $0xffff  }
0xa2: {  	v6 =	vld.idx.msk [tilespmem:v6+s0+$0x0], $0xffff  }
0xa3: {  	v2 =	vld [tilespmem:s2+$0x20]  }
0xa4: {  	[tilespmem:v7+s28+$0x0] =	vst.idx.add.f32.msk $0xffff, v1  }
0xa5: {  	v1 =	vld.idx.msk [tilespmem:v8+s0+$0x0], $0xffff  }
0xa6: {  	[tilespmem:v63+s28+$0x0] =	vst.idx.add.f32.msk $0xffff, v62  }
0xa7: {  	[tilespmem:v11+s28+$0x0] =	vst.idx.add.f32.msk $0xffff, v10  }
0xa8: {  	[tilespmem:v12+s28+$0x0] =	vst.idx.add.f32.msk $0xffff, v3  }
0xa9: {  	[tilespmem:v13+s28+$0x0] =	vst.idx.add.f32.msk $0xffff, v4  }
0xaa: {  	[tilespmem:v14+s28+$0x0] =	vst.idx.add.f32.msk $0xffff, v5  }
0xab: {  	s5 =	simm.s32 $0x198C0;
	s4 =	simm.s32 $0x0;
	[tilespmem:v15+s28+$0x0] =	vst.idx.add.f32.msk $0xffff, v6  }
.LBB2_9:
0xac: {  	v3 =	vld [tilespmem:s5+$0x30];
	s4 =	sadd.s32 $0x8, s4  }
0xad: {  	v4 =	vld [tilespmem:s5+$0xFFFFFFD0];
	p0 =	slt.u32 s4, $0xF0  }
0xae: {  	v5 =	vld [tilespmem:s5+$0xFFFFFFE0]  }
0xaf: {  	v6 =	vld [tilespmem:s5+$0xFFFFFFF0]  }
0xb0: {  	v7 =	vld [tilespmem:s5+$0x0]  }
0xb1: {  	s2 =	sadd.s32 $0x80, s2;
	v8 =	vld [tilespmem:s5+$0x10]  }
0xb2: {  	v9 =	vld [tilespmem:s2+$0x30]  }
0xb3: {  	v10 =	vld [tilespmem:s5+$0x20]  }
0xb4: {  	v3 =	vld.idx.msk [tilespmem:v3+s0+$0x0], $0xffff  }
0xb5: {  	v11 =	vld [tilespmem:s5+$0xFFFFFFC0]  }
0xb6: {  	v4 =	vld.idx.msk [tilespmem:v4+s0+$0x0], $0xffff  }
0xb7: {  	v5 =	vld.idx.msk [tilespmem:v5+s0+$0x0], $0xffff  }
0xb8: {  	v6 =	vld.idx.msk [tilespmem:v6+s0+$0x0], $0xffff  }
0xb9: {  	v7 =	vld.idx.msk [tilespmem:v7+s0+$0x0], $0xffff  }
0xba: {  	[tilespmem:v9+s28+$0x0] =	vst.idx.add.f32.msk $0xffff, v3  }
0xbb: {  	v3 =	vld.idx.msk [tilespmem:v8+s0+$0x0], $0xffff  }
0xbc: {  	v8 =	vld.idx.msk [tilespmem:v10+s0+$0x0], $0xffff  }
0xbd: {  	v9 =	vld.idx.msk [tilespmem:v11+s0+$0x0], $0xffff  }
0xbe: {  	v10 =	vld [tilespmem:s2+$0xFFFFFFC0]  }
0xbf: {  	v11 =	vld [tilespmem:s2+$0xFFFFFFD0]  }
0xc0: {  	v12 =	vld [tilespmem:s2+$0xFFFFFFE0]  }
0xc1: {  	v13 =	vld [tilespmem:s2+$0xFFFFFFF0]  }
0xc2: {  	v14 =	vld [tilespmem:s2+$0x0]  }
0xc3: {  	v15 =	vld [tilespmem:s2+$0x10]  }
0xc4: {  	v16 =	vld [tilespmem:s2+$0x20]  }
0xc5: {  	[tilespmem:v2+s28+$0x0] =	vst.idx.add.f32.msk $0xffff, v1;
	v1 =	vmov v8  }
0xc6: {  	[tilespmem:v10+s28+$0x0] =	vst.idx.add.f32.msk $0xffff, v9  }
.Ltmp3:
0xc7: {  	[tilespmem:v11+s28+$0x0] =	vst.idx.add.f32.msk $0xffff, v4;
	(pc) =	sbr.rel @p0 .LBB2_9-.Ltmp3, $4  }
0xc8: {  	[tilespmem:v12+s28+$0x0] =	vst.idx.add.f32.msk $0xffff, v5  }
0xc9: {  	[tilespmem:v13+s28+$0x0] =	vst.idx.add.f32.msk $0xffff, v6;
	v2 =	vmov v16  }
0xca: {  	[tilespmem:v14+s28+$0x0] =	vst.idx.add.f32.msk $0xffff, v7  }
0xcb: {  	s5 =	sadd.s32 $0x80, s5;
	[tilespmem:v15+s28+$0x0] =	vst.idx.add.f32.msk $0xffff, v3  }
0xcc: {  	_ =	sdelay $0x3  }
0xcd: {  	[tilespmem:v2+s28+$0x0] =	vst.idx.add.f32.msk $0xffff, v1  }
.LBB2_11:
0xce: {  	s2 =	sshra.s32 s0, $0x2  }
0xcf: {  	v1 =	vld [tilespmem:s2+$0x1A780];
	_ =	sdelay $0x4  }
0xd0: {  	v2 =	vld [tilespmem:s2+$0x1C780];
	_ =	sdelay $0x2  }
0xd1: {  	p0 =	sne.s32 s0, $0x40;
	v1 =	vld.idx.msk [tilespmem:v1+s1+$0x0], $0xffff  }
.Ltmp4:
0xd2: {  	_ = 	snop;
	(pc) =	sbr.rel @p0 .LBB2_11-.Ltmp4, $2  }
0xd3: {  	_ =	sdelay $0x2  }
0xd4: {  	s0 =	sadd.s32 $0x40, s0;
	[tilespmem:v2+s28+$0x0] =	vst.idx.add.f32.msk $0xffff, v1  }
0xd5: {  	s31 =	sadd.s32 $0x1, s31  }
0xd6: {  	p0 =	sne.s32 s31, $0x32  }
.Ltmp5:
0xd7: {  	_ = 	snop;
	(pc) =	sbr.rel @p0 .LBB2_4-.Ltmp5, $1  }
0xd8: {  	_ =	sdelay $0x3  }
0xd9: {  	s0 =	rddreg [dreg:$0x4]  }
0xda: {  	[hbm4b:s0+s18] =	stream.strided.scatter [tilespmem:s28], [sflag:$0x3], $0xC400, s19, s18, $0x38;
	[tilespmem:$0x1C800] =	vst v63  }
0xdb: {  	_ =	swait.ge [sflag:s20], $0xC400  }
0xdc: {  	[sflag:s20] =	ssyncset.done $0x0  }
0xdd: {  	[sflag:s20] =	ssyncadd.s32 $0xFFFF3C00  }
0xde: {  	[tilespmem:s1], [sflag:$0x3] =	stream.strided.gather [hbm4b:s7+s18], $0xC400, s19, s18, $0x38;
	[tilespmem:$0x1C800] =	vst v63  }
0xdf: {  	_ =	swait.ge [sflag:s20], $0xC400  }
0xe0: {  	[sflag:s20] =	ssyncset.done $0x0  }
0xe1: {  	s0 =	simm.s32 $0xC440;
	[sflag:s20] =	ssyncadd.s32 $0xFFFF3C00  }
0xe2: {  	[tilespmem:s0+$0xFFFFFFC0] =	vst v0  }
0xe3: {  	[tilespmem:s0+$0x30] =	vst v0  }
0xe4: {  	[tilespmem:s0+$0x20] =	vst v0  }
0xe5: {  	[tilespmem:s0+$0x10] =	vst v0  }
0xe6: {  	[tilespmem:s0+$0x0] =	vst v0  }
0xe7: {  	[tilespmem:s0+$0xFFFFFFF0] =	vst v0  }
0xe8: {  	s2 =	simm.s32 $0x0;
	[tilespmem:s0+$0xFFFFFFE0] =	vst v0  }
.LBB2_14:
0xe9: {  	s2 =	sadd.s32 $0x8, s2;
	[tilespmem:s0+$0xFFFFFFD0] =	vst v0;
	s0 =	sadd.s32 $0x80, s0  }
0xea: {  	[tilespmem:s0+$0xFFFFFFC0] =	vst v0;
	p0 =	slt.u32 s2, $0xC38  }
0xeb: {  	[tilespmem:s0+$0x30] =	vst v0  }
.Ltmp6:
0xec: {  	[tilespmem:s0+$0x20] =	vst v0;
	(pc) =	sbr.rel @p0 .LBB2_14-.Ltmp6, $4  }
0xed: {  	[tilespmem:s0+$0x10] =	vst v0  }
0xee: {  	[tilespmem:s0+$0x0] =	vst v0  }
0xef: {  	[tilespmem:s0+$0xFFFFFFF0] =	vst v0  }
0xf0: {  	[tilespmem:s0+$0xFFFFFFE0] =	vst v0  }
0xf1: {  	[tilespmem:s0+$0xFFFFFFD0] =	vst v0;
	s30 =	simm.s32 $0x0  }
0xf2: {  	[tilespmem:s21], [sflag:$0x1] =	stream.linear.gather [hbm4b:s8+s30], $0xFA0, $0x38;
	[tilespmem:$0x1C800] =	vst v63  }
0xf3: {  	s31 =	simm.s32 $0x0  }
0xf4: {  	[tilespmem:s22], [sflag:$0x2] =	stream.linear.gather [hbm4b:s9+s30], $0xFA0, $0x38;
	[tilespmem:$0x1C800] =	vst v63  }
.LBB2_16:
0xf5: {  	_ =	swait.ge [sflag:s23], $0xFA0  }
0xf6: {  	s0 =	smul.u32 $0x1F40, s31;
	[sflag:s23] =	ssyncset.done $0x0  }
0xf7: {  	[sflag:s23] =	ssyncadd.s32 $0xFFFFF060  }
0xf8: {  	s2 =	sadd.s32 s0, s10;
	_ =	swait.ge [sflag:s24], $0xFA0  }
0xf9: {  	s2 =	sshrl.u32 s2, $0x3;
	[sflag:s24] =	ssyncset.done $0x0  }
0xfa: {  	s2 =	sadd.s32 s3, s2;
	[sflag:s24] =	ssyncadd.s32 $0xFFFFF060  }
0xfb: {  	[tilespmem:s25], [sflag:$0x1] =	stream.linear.gather [hbm4b:s2+s1], $0xFA0, $0x38;
	[tilespmem:$0x1C800] =	vst v63  }
0xfc: {  	s4 =	simm.s32 $0x18840;
	s2 =	sadd.s32 $0x186A0, s2  }
0xfd: {  	[tilespmem:s26], [sflag:$0x2] =	stream.linear.gather [hbm4b:s2+s1], $0xFA0, $0x38;
	[tilespmem:$0x1C800] =	vst v63  }
0xfe: {  	v1 =	vld [tilespmem:s4+$0x30]  }
0xff: {  	v2 =	vld [tilespmem:s4+$0xFFFFFFD0]  }
0x100: {  	v3 =	vld [tilespmem:s4+$0xFFFFFFE0]  }
0x101: {  	v4 =	vld [tilespmem:s4+$0xFFFFFFF0]  }
0x102: {  	v5 =	vld [tilespmem:s4+$0x0]  }
0x103: {  	s2 =	simm.s32 $0x1A840;
	v6 =	vld [tilespmem:s4+$0x10]  }
0x104: {  	v7 =	vld [tilespmem:s2+$0x30]  }
0x105: {  	v8 =	vld [tilespmem:s4+$0x20]  }
0x106: {  	v9 =	vld [tilespmem:s4+$0xFFFFFFC0]  }
0x107: {  	v63 =	vld [tilespmem:s2+$0xFFFFFFC0]  }
0x108: {  	v11 =	vld [tilespmem:s2+$0xFFFFFFD0]  }
0x109: {  	v12 =	vld [tilespmem:s2+$0xFFFFFFE0]  }
0x10a: {  	v13 =	vld [tilespmem:s2+$0xFFFFFFF0]  }
0x10b: {  	v14 =	vld [tilespmem:s2+$0x0]  }
0x10c: {  	v15 =	vld [tilespmem:s2+$0x10]  }
0x10d: {  	v1 =	vld.idx.msk [tilespmem:v1+s30+$0x0], $0xffff  }
0x10e: {  	v10 =	vld.idx.msk [tilespmem:v2+s30+$0x0], $0xffff  }
0x10f: {  	v3 =	vld.idx.msk [tilespmem:v3+s30+$0x0], $0xffff  }
0x110: {  	v4 =	vld.idx.msk [tilespmem:v4+s30+$0x0], $0xffff  }
0x111: {  	v5 =	vld.idx.msk [tilespmem:v5+s30+$0x0], $0xffff  }
0x112: {  	v62 =	vld.idx.msk [tilespmem:v9+s30+$0x0], $0xffff  }
0x113: {  	v6 =	vld.idx.msk [tilespmem:v6+s30+$0x0], $0xffff  }
0x114: {  	v2 =	vld [tilespmem:s2+$0x20]  }
0x115: {  	[tilespmem:v7+s28+$0x0] =	vst.idx.add.f32.msk $0xffff, v1  }
0x116: {  	v1 =	vld.idx.msk [tilespmem:v8+s30+$0x0], $0xffff  }
0x117: {  	[tilespmem:v63+s28+$0x0] =	vst.idx.add.f32.msk $0xffff, v62  }
0x118: {  	[tilespmem:v11+s28+$0x0] =	vst.idx.add.f32.msk $0xffff, v10  }
0x119: {  	[tilespmem:v12+s28+$0x0] =	vst.idx.add.f32.msk $0xffff, v3  }
0x11a: {  	[tilespmem:v13+s28+$0x0] =	vst.idx.add.f32.msk $0xffff, v4  }
0x11b: {  	[tilespmem:v14+s28+$0x0] =	vst.idx.add.f32.msk $0xffff, v5  }
0x11c: {  	s5 =	simm.s32 $0x188C0;
	s4 =	simm.s32 $0x0;
	[tilespmem:v15+s28+$0x0] =	vst.idx.add.f32.msk $0xffff, v6  }
.LBB2_17:
0x11d: {  	v3 =	vld [tilespmem:s5+$0x30];
	s4 =	sadd.s32 $0x8, s4  }
0x11e: {  	v4 =	vld [tilespmem:s5+$0xFFFFFFD0];
	p0 =	slt.u32 s4, $0xF0  }
0x11f: {  	v5 =	vld [tilespmem:s5+$0xFFFFFFE0]  }
0x120: {  	v6 =	vld [tilespmem:s5+$0xFFFFFFF0]  }
0x121: {  	v7 =	vld [tilespmem:s5+$0x0]  }
0x122: {  	s2 =	sadd.s32 $0x80, s2;
	v8 =	vld [tilespmem:s5+$0x10]  }
0x123: {  	v9 =	vld [tilespmem:s2+$0x30]  }
0x124: {  	s6 =	simm.s32 $0x0;
	v10 =	vld [tilespmem:s5+$0x20]  }
0x125: {  	v3 =	vld.idx.msk [tilespmem:v3+s6+$0x0], $0xffff  }
0x126: {  	v11 =	vld [tilespmem:s5+$0xFFFFFFC0]  }
0x127: {  	v4 =	vld.idx.msk [tilespmem:v4+s6+$0x0], $0xffff  }
0x128: {  	v5 =	vld.idx.msk [tilespmem:v5+s6+$0x0], $0xffff  }
0x129: {  	v6 =	vld.idx.msk [tilespmem:v6+s6+$0x0], $0xffff  }
0x12a: {  	v7 =	vld.idx.msk [tilespmem:v7+s6+$0x0], $0xffff  }
0x12b: {  	[tilespmem:v9+s28+$0x0] =	vst.idx.add.f32.msk $0xffff, v3  }
0x12c: {  	v3 =	vld.idx.msk [tilespmem:v8+s6+$0x0], $0xffff  }
0x12d: {  	v8 =	vld.idx.msk [tilespmem:v10+s6+$0x0], $0xffff  }
0x12e: {  	v9 =	vld.idx.msk [tilespmem:v11+s6+$0x0], $0xffff  }
0x12f: {  	v10 =	vld [tilespmem:s2+$0xFFFFFFC0]  }
0x130: {  	v11 =	vld [tilespmem:s2+$0xFFFFFFD0]  }
0x131: {  	v12 =	vld [tilespmem:s2+$0xFFFFFFE0]  }
0x132: {  	v13 =	vld [tilespmem:s2+$0xFFFFFFF0]  }
0x133: {  	v14 =	vld [tilespmem:s2+$0x0]  }
0x134: {  	v15 =	vld [tilespmem:s2+$0x10]  }
0x135: {  	v16 =	vld [tilespmem:s2+$0x20]  }
0x136: {  	[tilespmem:v2+s28+$0x0] =	vst.idx.add.f32.msk $0xffff, v1;
	v1 =	vmov v8  }
0x137: {  	[tilespmem:v10+s28+$0x0] =	vst.idx.add.f32.msk $0xffff, v9  }
.Ltmp7:
0x138: {  	[tilespmem:v11+s28+$0x0] =	vst.idx.add.f32.msk $0xffff, v4;
	(pc) =	sbr.rel @p0 .LBB2_17-.Ltmp7, $4  }
0x139: {  	[tilespmem:v12+s28+$0x0] =	vst.idx.add.f32.msk $0xffff, v5  }
0x13a: {  	[tilespmem:v13+s28+$0x0] =	vst.idx.add.f32.msk $0xffff, v6;
	v2 =	vmov v16  }
0x13b: {  	[tilespmem:v14+s28+$0x0] =	vst.idx.add.f32.msk $0xffff, v7  }
0x13c: {  	s5 =	sadd.s32 $0x80, s5;
	[tilespmem:v15+s28+$0x0] =	vst.idx.add.f32.msk $0xffff, v3  }
0x13d: {  	_ =	sdelay $0x3  }
0x13e: {  	[tilespmem:v2+s28+$0x0] =	vst.idx.add.f32.msk $0xffff, v1  }
.LBB2_19:
0x13f: {  	s2 =	sshra.s32 s6, $0x2  }
0x140: {  	v1 =	vld [tilespmem:s2+$0x19780];
	_ =	sdelay $0x4  }
0x141: {  	v2 =	vld [tilespmem:s2+$0x1B780];
	_ =	sdelay $0x2  }
0x142: {  	p0 =	sne.s32 s6, $0x40;
	v1 =	vld.idx.msk [tilespmem:v1+s1+$0x0], $0xffff  }
.Ltmp8:
0x143: {  	_ = 	snop;
	(pc) =	sbr.rel @p0 .LBB2_19-.Ltmp8, $2  }
0x144: {  	_ =	sdelay $0x2  }
0x145: {  	s6 =	sadd.s32 $0x40, s6;
	[tilespmem:v2+s28+$0x0] =	vst.idx.add.f32.msk $0xffff, v1  }
0x146: {  	_ =	swait.ge [sflag:s23], $0xFA0  }
0x147: {  	[sflag:s23] =	ssyncset.done $0x0  }
0x148: {  	p0 =	seq.s32 s31, $0x31;
	[sflag:s23] =	ssyncadd.s32 $0xFFFFF060  }
0x149: {  	s0 =	sadd.s32 @!p0 s0, s11;
	_ =	swait.ge [sflag:s24], $0xFA0  }
0x14a: {  	s2 =	simm.s32 @!p0 $0x0;
	s0 =	sshrl.u32 @!p0 s0, $0x3;
	[sflag:s24] =	ssyncset.done $0x0  }
0x14b: {  	s4 =	simm.s32 @!p0 $0x18800;
	s0 =	sadd.s32 @!p0 s3, s0;
	[sflag:s24] =	ssyncadd.s32 $0xFFFFF060  }
0x14c: {  	[tilespmem:s4], [sflag:$0x1] =	stream.linear.gather @!p0 [hbm4b:s0+s2], $0xFA0, $0x38;
	[tilespmem:$0x1C800] =	vst v63  }
0x14d: {  	s6 =	simm.s32 $0x19840;
	s0 =	sadd.s32 @!p0 $0x186A0, s0;
	s4 =	simm.s32 @!p0 $0x1A800  }
0x14e: {  	[tilespmem:s4], [sflag:$0x2] =	stream.linear.gather @!p0 [hbm4b:s0+s2], $0xFA0, $0x38;
	[tilespmem:$0x1C800] =	vst v63  }
0x14f: {  	v1 =	vld [tilespmem:s6+$0x30]  }
0x150: {  	v2 =	vld [tilespmem:s6+$0xFFFFFFD0]  }
0x151: {  	v3 =	vld [tilespmem:s6+$0xFFFFFFE0]  }
0x152: {  	v4 =	vld [tilespmem:s6+$0xFFFFFFF0]  }
0x153: {  	v5 =	vld [tilespmem:s6+$0x0]  }
0x154: {  	s2 =	simm.s32 $0x1B840;
	v6 =	vld [tilespmem:s6+$0x10]  }
0x155: {  	v7 =	vld [tilespmem:s2+$0x30]  }
0x156: {  	v8 =	vld [tilespmem:s6+$0x20]  }
0x157: {  	v9 =	vld [tilespmem:s6+$0xFFFFFFC0]  }
0x158: {  	v63 =	vld [tilespmem:s2+$0xFFFFFFC0]  }
0x159: {  	v11 =	vld [tilespmem:s2+$0xFFFFFFD0]  }
0x15a: {  	v12 =	vld [tilespmem:s2+$0xFFFFFFE0]  }
0x15b: {  	v13 =	vld [tilespmem:s2+$0xFFFFFFF0]  }
0x15c: {  	v14 =	vld [tilespmem:s2+$0x0]  }
0x15d: {  	s0 =	simm.s32 $0x0;
	v15 =	vld [tilespmem:s2+$0x10]  }
0x15e: {  	v1 =	vld.idx.msk [tilespmem:v1+s0+$0x0], $0xffff  }
0x15f: {  	v10 =	vld.idx.msk [tilespmem:v2+s0+$0x0], $0xffff  }
0x160: {  	v3 =	vld.idx.msk [tilespmem:v3+s0+$0x0], $0xffff  }
0x161: {  	v4 =	vld.idx.msk [tilespmem:v4+s0+$0x0], $0xffff  }
0x162: {  	v5 =	vld.idx.msk [tilespmem:v5+s0+$0x0], $0xffff  }
0x163: {  	v62 =	vld.idx.msk [tilespmem:v9+s0+$0x0], $0xffff  }
0x164: {  	v6 =	vld.idx.msk [tilespmem:v6+s0+$0x0], $0xffff  }
0x165: {  	v2 =	vld [tilespmem:s2+$0x20]  }
0x166: {  	[tilespmem:v7+s28+$0x0] =	vst.idx.add.f32.msk $0xffff, v1  }
0x167: {  	v1 =	vld.idx.msk [tilespmem:v8+s0+$0x0], $0xffff  }
0x168: {  	[tilespmem:v63+s28+$0x0] =	vst.idx.add.f32.msk $0xffff, v62  }
0x169: {  	[tilespmem:v11+s28+$0x0] =	vst.idx.add.f32.msk $0xffff, v10  }
0x16a: {  	[tilespmem:v12+s28+$0x0] =	vst.idx.add.f32.msk $0xffff, v3  }
0x16b: {  	[tilespmem:v13+s28+$0x0] =	vst.idx.add.f32.msk $0xffff, v4  }
0x16c: {  	[tilespmem:v14+s28+$0x0] =	vst.idx.add.f32.msk $0xffff, v5  }
0x16d: {  	s5 =	simm.s32 $0x198C0;
	s4 =	simm.s32 $0x0;
	[tilespmem:v15+s28+$0x0] =	vst.idx.add.f32.msk $0xffff, v6  }
.LBB2_21:
0x16e: {  	v3 =	vld [tilespmem:s5+$0x30];
	s4 =	sadd.s32 $0x8, s4  }
0x16f: {  	v4 =	vld [tilespmem:s5+$0xFFFFFFD0];
	p0 =	slt.u32 s4, $0xF0  }
0x170: {  	v5 =	vld [tilespmem:s5+$0xFFFFFFE0]  }
0x171: {  	v6 =	vld [tilespmem:s5+$0xFFFFFFF0]  }
0x172: {  	v7 =	vld [tilespmem:s5+$0x0]  }
0x173: {  	s2 =	sadd.s32 $0x80, s2;
	v8 =	vld [tilespmem:s5+$0x10]  }
0x174: {  	v9 =	vld [tilespmem:s2+$0x30]  }
0x175: {  	v10 =	vld [tilespmem:s5+$0x20]  }
0x176: {  	v3 =	vld.idx.msk [tilespmem:v3+s0+$0x0], $0xffff  }
0x177: {  	v11 =	vld [tilespmem:s5+$0xFFFFFFC0]  }
0x178: {  	v4 =	vld.idx.msk [tilespmem:v4+s0+$0x0], $0xffff  }
0x179: {  	v5 =	vld.idx.msk [tilespmem:v5+s0+$0x0], $0xffff  }
0x17a: {  	v6 =	vld.idx.msk [tilespmem:v6+s0+$0x0], $0xffff  }
0x17b: {  	v7 =	vld.idx.msk [tilespmem:v7+s0+$0x0], $0xffff  }
0x17c: {  	[tilespmem:v9+s28+$0x0] =	vst.idx.add.f32.msk $0xffff, v3  }
0x17d: {  	v3 =	vld.idx.msk [tilespmem:v8+s0+$0x0], $0xffff  }
0x17e: {  	v8 =	vld.idx.msk [tilespmem:v10+s0+$0x0], $0xffff  }
0x17f: {  	v9 =	vld.idx.msk [tilespmem:v11+s0+$0x0], $0xffff  }
0x180: {  	v10 =	vld [tilespmem:s2+$0xFFFFFFC0]  }
0x181: {  	v11 =	vld [tilespmem:s2+$0xFFFFFFD0]  }
0x182: {  	v12 =	vld [tilespmem:s2+$0xFFFFFFE0]  }
0x183: {  	v13 =	vld [tilespmem:s2+$0xFFFFFFF0]  }
0x184: {  	v14 =	vld [tilespmem:s2+$0x0]  }
0x185: {  	v15 =	vld [tilespmem:s2+$0x10]  }
0x186: {  	v16 =	vld [tilespmem:s2+$0x20]  }
0x187: {  	[tilespmem:v2+s28+$0x0] =	vst.idx.add.f32.msk $0xffff, v1;
	v1 =	vmov v8  }
0x188: {  	[tilespmem:v10+s28+$0x0] =	vst.idx.add.f32.msk $0xffff, v9  }
.Ltmp9:
0x189: {  	[tilespmem:v11+s28+$0x0] =	vst.idx.add.f32.msk $0xffff, v4;
	(pc) =	sbr.rel @p0 .LBB2_21-.Ltmp9, $4  }
0x18a: {  	[tilespmem:v12+s28+$0x0] =	vst.idx.add.f32.msk $0xffff, v5  }
0x18b: {  	[tilespmem:v13+s28+$0x0] =	vst.idx.add.f32.msk $0xffff, v6;
	v2 =	vmov v16  }
0x18c: {  	[tilespmem:v14+s28+$0x0] =	vst.idx.add.f32.msk $0xffff, v7  }
0x18d: {  	s5 =	sadd.s32 $0x80, s5;
	[tilespmem:v15+s28+$0x0] =	vst.idx.add.f32.msk $0xffff, v3  }
0x18e: {  	_ =	sdelay $0x3  }
0x18f: {  	[tilespmem:v2+s28+$0x0] =	vst.idx.add.f32.msk $0xffff, v1  }
.LBB2_23:
0x190: {  	s2 =	sshra.s32 s0, $0x2  }
0x191: {  	v1 =	vld [tilespmem:s2+$0x1A780];
	_ =	sdelay $0x4  }
0x192: {  	v2 =	vld [tilespmem:s2+$0x1C780];
	_ =	sdelay $0x2  }
0x193: {  	p0 =	sne.s32 s0, $0x40;
	v1 =	vld.idx.msk [tilespmem:v1+s1+$0x0], $0xffff  }
.Ltmp10:
0x194: {  	_ = 	snop;
	(pc) =	sbr.rel @p0 .LBB2_23-.Ltmp10, $2  }
0x195: {  	_ =	sdelay $0x2  }
0x196: {  	s0 =	sadd.s32 $0x40, s0;
	[tilespmem:v2+s28+$0x0] =	vst.idx.add.f32.msk $0xffff, v1  }
0x197: {  	s31 =	sadd.s32 $0x1, s31  }
0x198: {  	p0 =	sne.s32 s31, $0x32  }
.Ltmp11:
0x199: {  	_ = 	snop;
	(pc) =	sbr.rel @p0 .LBB2_16-.Ltmp11, $1  }
0x19a: {  	_ =	sdelay $0x3  }
0x19b: {  	[hbm4b:s12+s18] =	stream.strided.scatter [tilespmem:s28], [sflag:$0x3], $0xC400, s19, s18, $0x38;
	[tilespmem:$0x1C800] =	vst v63  }
0x19c: {  	_ =	swait.ge [sflag:s20], $0xC400  }
0x19d: {  	[sflag:s20] =	ssyncset.done $0x0  }
0x19e: {  	[sflag:s20] =	ssyncadd.s32 $0xFFFF3C00  }
0x19f: {  	[tilespmem:s1], [sflag:$0x3] =	stream.strided.gather [hbm4b:s13+s18], $0xC400, s19, s18, $0x38;
	[tilespmem:$0x1C800] =	vst v63  }
0x1a0: {  	_ =	swait.ge [sflag:s20], $0xC400  }
0x1a1: {  	[sflag:s20] =	ssyncset.done $0x0  }
0x1a2: {  	s0 =	simm.s32 $0xC440;
	[sflag:s20] =	ssyncadd.s32 $0xFFFF3C00  }
0x1a3: {  	[tilespmem:s0+$0xFFFFFFC0] =	vst v0  }
0x1a4: {  	[tilespmem:s0+$0x30] =	vst v0  }
0x1a5: {  	[tilespmem:s0+$0x20] =	vst v0  }
0x1a6: {  	[tilespmem:s0+$0x10] =	vst v0  }
0x1a7: {  	[tilespmem:s0+$0x0] =	vst v0  }
0x1a8: {  	[tilespmem:s0+$0xFFFFFFF0] =	vst v0  }
0x1a9: {  	s2 =	simm.s32 $0x0;
	[tilespmem:s0+$0xFFFFFFE0] =	vst v0  }
.LBB2_26:
0x1aa: {  	s2 =	sadd.s32 $0x8, s2;
	[tilespmem:s0+$0xFFFFFFD0] =	vst v0;
	s0 =	sadd.s32 $0x80, s0  }
0x1ab: {  	[tilespmem:s0+$0xFFFFFFC0] =	vst v0;
	p0 =	slt.u32 s2, $0xC38  }
0x1ac: {  	[tilespmem:s0+$0x30] =	vst v0  }
.Ltmp12:
0x1ad: {  	[tilespmem:s0+$0x20] =	vst v0;
	(pc) =	sbr.rel @p0 .LBB2_26-.Ltmp12, $4  }
0x1ae: {  	[tilespmem:s0+$0x10] =	vst v0  }
0x1af: {  	[tilespmem:s0+$0x0] =	vst v0  }
0x1b0: {  	[tilespmem:s0+$0xFFFFFFF0] =	vst v0  }
0x1b1: {  	[tilespmem:s0+$0xFFFFFFE0] =	vst v0  }
0x1b2: {  	[tilespmem:s0+$0xFFFFFFD0] =	vst v0;
	s30 =	simm.s32 $0x0  }
0x1b3: {  	[tilespmem:s21], [sflag:$0x1] =	stream.linear.gather [hbm4b:s14+s30], $0xFA0, $0x38;
	[tilespmem:$0x1C800] =	vst v63  }
0x1b4: {  	s31 =	simm.s32 $0x0  }
0x1b5: {  	[tilespmem:s22], [sflag:$0x2] =	stream.linear.gather [hbm4b:s15+s30], $0xFA0, $0x38;
	[tilespmem:$0x1C800] =	vst v63  }
.LBB2_28:
0x1b6: {  	_ =	swait.ge [sflag:s23], $0xFA0  }
0x1b7: {  	s0 =	smul.u32 $0x1F40, s31;
	[sflag:s23] =	ssyncset.done $0x0  }
0x1b8: {  	[sflag:s23] =	ssyncadd.s32 $0xFFFFF060  }
0x1b9: {  	s2 =	sshrl.u32 s0, $0x3;
	_ =	swait.ge [sflag:s24], $0xFA0  }
0x1ba: {  	s2 =	sadd.s32 s3, s2;
	[sflag:s24] =	ssyncset.done $0x0  }
0x1bb: {  	s4 =	sadd.s32 $0xC544, s2;
	[sflag:s24] =	ssyncadd.s32 $0xFFFFF060  }
0x1bc: {  	[tilespmem:s25], [sflag:$0x1] =	stream.linear.gather [hbm4b:s4+s1], $0xFA0, $0x38;
	[tilespmem:$0x1C800] =	vst v63  }
0x1bd: {  	s6 =	simm.s32 $0x18840;
	s2 =	sadd.s32 $0x24BE4, s2  }
0x1be: {  	[tilespmem:s26], [sflag:$0x2] =	stream.linear.gather [hbm4b:s2+s1], $0xFA0, $0x38;
	[tilespmem:$0x1C800] =	vst v63  }
0x1bf: {  	v1 =	vld [tilespmem:s6+$0x30]  }
0x1c0: {  	v2 =	vld [tilespmem:s6+$0xFFFFFFD0]  }
0x1c1: {  	v3 =	vld [tilespmem:s6+$0xFFFFFFE0]  }
0x1c2: {  	v4 =	vld [tilespmem:s6+$0xFFFFFFF0]  }
0x1c3: {  	v5 =	vld [tilespmem:s6+$0x0]  }
0x1c4: {  	s2 =	simm.s32 $0x1A840;
	v6 =	vld [tilespmem:s6+$0x10]  }
0x1c5: {  	v7 =	vld [tilespmem:s2+$0x30]  }
0x1c6: {  	v8 =	vld [tilespmem:s6+$0x20]  }
0x1c7: {  	v9 =	vld [tilespmem:s6+$0xFFFFFFC0]  }
0x1c8: {  	v63 =	vld [tilespmem:s2+$0xFFFFFFC0]  }
0x1c9: {  	v11 =	vld [tilespmem:s2+$0xFFFFFFD0]  }
0x1ca: {  	v12 =	vld [tilespmem:s2+$0xFFFFFFE0]  }
0x1cb: {  	v13 =	vld [tilespmem:s2+$0xFFFFFFF0]  }
0x1cc: {  	v14 =	vld [tilespmem:s2+$0x0]  }
0x1cd: {  	v15 =	vld [tilespmem:s2+$0x10]  }
0x1ce: {  	v1 =	vld.idx.msk [tilespmem:v1+s30+$0x0], $0xffff  }
0x1cf: {  	v10 =	vld.idx.msk [tilespmem:v2+s30+$0x0], $0xffff  }
0x1d0: {  	v3 =	vld.idx.msk [tilespmem:v3+s30+$0x0], $0xffff  }
0x1d1: {  	v4 =	vld.idx.msk [tilespmem:v4+s30+$0x0], $0xffff  }
0x1d2: {  	v5 =	vld.idx.msk [tilespmem:v5+s30+$0x0], $0xffff  }
0x1d3: {  	v62 =	vld.idx.msk [tilespmem:v9+s30+$0x0], $0xffff  }
0x1d4: {  	v6 =	vld.idx.msk [tilespmem:v6+s30+$0x0], $0xffff  }
0x1d5: {  	v2 =	vld [tilespmem:s2+$0x20]  }
0x1d6: {  	[tilespmem:v7+s28+$0x0] =	vst.idx.add.f32.msk $0xffff, v1  }
0x1d7: {  	v1 =	vld.idx.msk [tilespmem:v8+s30+$0x0], $0xffff  }
0x1d8: {  	[tilespmem:v63+s28+$0x0] =	vst.idx.add.f32.msk $0xffff, v62  }
0x1d9: {  	[tilespmem:v11+s28+$0x0] =	vst.idx.add.f32.msk $0xffff, v10  }
0x1da: {  	[tilespmem:v12+s28+$0x0] =	vst.idx.add.f32.msk $0xffff, v3  }
0x1db: {  	[tilespmem:v13+s28+$0x0] =	vst.idx.add.f32.msk $0xffff, v4  }
0x1dc: {  	[tilespmem:v14+s28+$0x0] =	vst.idx.add.f32.msk $0xffff, v5  }
0x1dd: {  	s5 =	simm.s32 $0x188C0;
	s4 =	simm.s32 $0x0;
	[tilespmem:v15+s28+$0x0] =	vst.idx.add.f32.msk $0xffff, v6  }
.LBB2_29:
0x1de: {  	v3 =	vld [tilespmem:s5+$0x30];
	s4 =	sadd.s32 $0x8, s4  }
0x1df: {  	v4 =	vld [tilespmem:s5+$0xFFFFFFD0];
	p0 =	slt.u32 s4, $0xF0  }
0x1e0: {  	v5 =	vld [tilespmem:s5+$0xFFFFFFE0]  }
0x1e1: {  	v6 =	vld [tilespmem:s5+$0xFFFFFFF0]  }
0x1e2: {  	v7 =	vld [tilespmem:s5+$0x0]  }
0x1e3: {  	s2 =	sadd.s32 $0x80, s2;
	v8 =	vld [tilespmem:s5+$0x10]  }
0x1e4: {  	v9 =	vld [tilespmem:s2+$0x30]  }
0x1e5: {  	s6 =	simm.s32 $0x0;
	v10 =	vld [tilespmem:s5+$0x20]  }
0x1e6: {  	v3 =	vld.idx.msk [tilespmem:v3+s6+$0x0], $0xffff  }
0x1e7: {  	v11 =	vld [tilespmem:s5+$0xFFFFFFC0]  }
0x1e8: {  	v4 =	vld.idx.msk [tilespmem:v4+s6+$0x0], $0xffff  }
0x1e9: {  	v5 =	vld.idx.msk [tilespmem:v5+s6+$0x0], $0xffff  }
0x1ea: {  	v6 =	vld.idx.msk [tilespmem:v6+s6+$0x0], $0xffff  }
0x1eb: {  	v7 =	vld.idx.msk [tilespmem:v7+s6+$0x0], $0xffff  }
0x1ec: {  	[tilespmem:v9+s28+$0x0] =	vst.idx.add.f32.msk $0xffff, v3  }
0x1ed: {  	v3 =	vld.idx.msk [tilespmem:v8+s6+$0x0], $0xffff  }
0x1ee: {  	v8 =	vld.idx.msk [tilespmem:v10+s6+$0x0], $0xffff  }
0x1ef: {  	v9 =	vld.idx.msk [tilespmem:v11+s6+$0x0], $0xffff  }
0x1f0: {  	v10 =	vld [tilespmem:s2+$0xFFFFFFC0]  }
0x1f1: {  	v11 =	vld [tilespmem:s2+$0xFFFFFFD0]  }
0x1f2: {  	v12 =	vld [tilespmem:s2+$0xFFFFFFE0]  }
0x1f3: {  	v13 =	vld [tilespmem:s2+$0xFFFFFFF0]  }
0x1f4: {  	v14 =	vld [tilespmem:s2+$0x0]  }
0x1f5: {  	v15 =	vld [tilespmem:s2+$0x10]  }
0x1f6: {  	v16 =	vld [tilespmem:s2+$0x20]  }
0x1f7: {  	[tilespmem:v2+s28+$0x0] =	vst.idx.add.f32.msk $0xffff, v1;
	v1 =	vmov v8  }
0x1f8: {  	[tilespmem:v10+s28+$0x0] =	vst.idx.add.f32.msk $0xffff, v9  }
.Ltmp13:
0x1f9: {  	[tilespmem:v11+s28+$0x0] =	vst.idx.add.f32.msk $0xffff, v4;
	(pc) =	sbr.rel @p0 .LBB2_29-.Ltmp13, $4  }
0x1fa: {  	[tilespmem:v12+s28+$0x0] =	vst.idx.add.f32.msk $0xffff, v5  }
0x1fb: {  	[tilespmem:v13+s28+$0x0] =	vst.idx.add.f32.msk $0xffff, v6;
	v2 =	vmov v16  }
0x1fc: {  	[tilespmem:v14+s28+$0x0] =	vst.idx.add.f32.msk $0xffff, v7  }
0x1fd: {  	s5 =	sadd.s32 $0x80, s5;
	[tilespmem:v15+s28+$0x0] =	vst.idx.add.f32.msk $0xffff, v3  }
0x1fe: {  	_ =	sdelay $0x3  }
0x1ff: {  	[tilespmem:v2+s28+$0x0] =	vst.idx.add.f32.msk $0xffff, v1  }
.LBB2_31:
0x200: {  	s2 =	sshra.s32 s6, $0x2  }
0x201: {  	v1 =	vld [tilespmem:s2+$0x19780];
	_ =	sdelay $0x4  }
0x202: {  	v2 =	vld [tilespmem:s2+$0x1B780];
	_ =	sdelay $0x2  }
0x203: {  	p0 =	sne.s32 s6, $0x40;
	v1 =	vld.idx.msk [tilespmem:v1+s1+$0x0], $0xffff  }
.Ltmp14:
0x204: {  	_ = 	snop;
	(pc) =	sbr.rel @p0 .LBB2_31-.Ltmp14, $2  }
0x205: {  	_ =	sdelay $0x2  }
0x206: {  	s6 =	sadd.s32 $0x40, s6;
	[tilespmem:v2+s28+$0x0] =	vst.idx.add.f32.msk $0xffff, v1  }
0x207: {  	_ =	swait.ge [sflag:s23], $0xFA0  }
0x208: {  	[sflag:s23] =	ssyncset.done $0x0  }
0x209: {  	p0 =	seq.s32 s31, $0x31;
	[sflag:s23] =	ssyncadd.s32 $0xFFFFF060  }
0x20a: {  	s0 =	sshrl.u32 @!p0 s0, $0x3;
	_ =	swait.ge [sflag:s24], $0xFA0  }
0x20b: {  	s4 =	simm.s32 @!p0 $0x0;
	s0 =	sadd.s32 @!p0 s3, s0;
	[sflag:s24] =	ssyncset.done $0x0  }
0x20c: {  	s5 =	simm.s32 @!p0 $0x18800;
	s2 =	sadd.s32 @!p0 $0xC738, s0;
	[sflag:s24] =	ssyncadd.s32 $0xFFFFF060  }
0x20d: {  	[tilespmem:s5], [sflag:$0x1] =	stream.linear.gather @!p0 [hbm4b:s2+s4], $0xFA0, $0x38;
	[tilespmem:$0x1C800] =	vst v63  }
0x20e: {  	s6 =	simm.s32 $0x19840;
	s0 =	sadd.s32 @!p0 $0x24DD8, s0;
	s2 =	simm.s32 @!p0 $0x1A800  }
0x20f: {  	[tilespmem:s2], [sflag:$0x2] =	stream.linear.gather @!p0 [hbm4b:s0+s4], $0xFA0, $0x38;
	[tilespmem:$0x1C800] =	vst v63  }
0x210: {  	v1 =	vld [tilespmem:s6+$0x30]  }
0x211: {  	v2 =	vld [tilespmem:s6+$0xFFFFFFD0]  }
0x212: {  	v3 =	vld [tilespmem:s6+$0xFFFFFFE0]  }
0x213: {  	v4 =	vld [tilespmem:s6+$0xFFFFFFF0]  }
0x214: {  	v5 =	vld [tilespmem:s6+$0x0]  }
0x215: {  	s2 =	simm.s32 $0x1B840;
	v6 =	vld [tilespmem:s6+$0x10]  }
0x216: {  	v7 =	vld [tilespmem:s2+$0x30]  }
0x217: {  	v8 =	vld [tilespmem:s6+$0x20]  }
0x218: {  	v9 =	vld [tilespmem:s6+$0xFFFFFFC0]  }
0x219: {  	v63 =	vld [tilespmem:s2+$0xFFFFFFC0]  }
0x21a: {  	v11 =	vld [tilespmem:s2+$0xFFFFFFD0]  }
0x21b: {  	v12 =	vld [tilespmem:s2+$0xFFFFFFE0]  }
0x21c: {  	v13 =	vld [tilespmem:s2+$0xFFFFFFF0]  }
0x21d: {  	v14 =	vld [tilespmem:s2+$0x0]  }
0x21e: {  	s0 =	simm.s32 $0x0;
	v15 =	vld [tilespmem:s2+$0x10]  }
0x21f: {  	v1 =	vld.idx.msk [tilespmem:v1+s0+$0x0], $0xffff  }
0x220: {  	v10 =	vld.idx.msk [tilespmem:v2+s0+$0x0], $0xffff  }
0x221: {  	v3 =	vld.idx.msk [tilespmem:v3+s0+$0x0], $0xffff  }
0x222: {  	v4 =	vld.idx.msk [tilespmem:v4+s0+$0x0], $0xffff  }
0x223: {  	v5 =	vld.idx.msk [tilespmem:v5+s0+$0x0], $0xffff  }
0x224: {  	v62 =	vld.idx.msk [tilespmem:v9+s0+$0x0], $0xffff  }
0x225: {  	v6 =	vld.idx.msk [tilespmem:v6+s0+$0x0], $0xffff  }
0x226: {  	v2 =	vld [tilespmem:s2+$0x20]  }
0x227: {  	[tilespmem:v7+s28+$0x0] =	vst.idx.add.f32.msk $0xffff, v1  }
0x228: {  	v1 =	vld.idx.msk [tilespmem:v8+s0+$0x0], $0xffff  }
0x229: {  	[tilespmem:v63+s28+$0x0] =	vst.idx.add.f32.msk $0xffff, v62  }
0x22a: {  	[tilespmem:v11+s28+$0x0] =	vst.idx.add.f32.msk $0xffff, v10  }
0x22b: {  	[tilespmem:v12+s28+$0x0] =	vst.idx.add.f32.msk $0xffff, v3  }
0x22c: {  	[tilespmem:v13+s28+$0x0] =	vst.idx.add.f32.msk $0xffff, v4  }
0x22d: {  	[tilespmem:v14+s28+$0x0] =	vst.idx.add.f32.msk $0xffff, v5  }
0x22e: {  	s5 =	simm.s32 $0x198C0;
	s4 =	simm.s32 $0x0;
	[tilespmem:v15+s28+$0x0] =	vst.idx.add.f32.msk $0xffff, v6  }
.LBB2_33:
0x22f: {  	v3 =	vld [tilespmem:s5+$0x30];
	s4 =	sadd.s32 $0x8, s4  }
0x230: {  	v4 =	vld [tilespmem:s5+$0xFFFFFFD0];
	p0 =	slt.u32 s4, $0xF0  }
0x231: {  	v5 =	vld [tilespmem:s5+$0xFFFFFFE0]  }
0x232: {  	v6 =	vld [tilespmem:s5+$0xFFFFFFF0]  }
0x233: {  	v7 =	vld [tilespmem:s5+$0x0]  }
0x234: {  	s2 =	sadd.s32 $0x80, s2;
	v8 =	vld [tilespmem:s5+$0x10]  }
0x235: {  	v9 =	vld [tilespmem:s2+$0x30]  }
0x236: {  	v10 =	vld [tilespmem:s5+$0x20]  }
0x237: {  	v3 =	vld.idx.msk [tilespmem:v3+s0+$0x0], $0xffff  }
0x238: {  	v11 =	vld [tilespmem:s5+$0xFFFFFFC0]  }
0x239: {  	v4 =	vld.idx.msk [tilespmem:v4+s0+$0x0], $0xffff  }
0x23a: {  	v5 =	vld.idx.msk [tilespmem:v5+s0+$0x0], $0xffff  }
0x23b: {  	v6 =	vld.idx.msk [tilespmem:v6+s0+$0x0], $0xffff  }
0x23c: {  	v7 =	vld.idx.msk [tilespmem:v7+s0+$0x0], $0xffff  }
0x23d: {  	[tilespmem:v9+s28+$0x0] =	vst.idx.add.f32.msk $0xffff, v3  }
0x23e: {  	v3 =	vld.idx.msk [tilespmem:v8+s0+$0x0], $0xffff  }
0x23f: {  	v8 =	vld.idx.msk [tilespmem:v10+s0+$0x0], $0xffff  }
0x240: {  	v9 =	vld.idx.msk [tilespmem:v11+s0+$0x0], $0xffff  }
0x241: {  	v10 =	vld [tilespmem:s2+$0xFFFFFFC0]  }
0x242: {  	v11 =	vld [tilespmem:s2+$0xFFFFFFD0]  }
0x243: {  	v12 =	vld [tilespmem:s2+$0xFFFFFFE0]  }
0x244: {  	v13 =	vld [tilespmem:s2+$0xFFFFFFF0]  }
0x245: {  	v14 =	vld [tilespmem:s2+$0x0]  }
0x246: {  	v15 =	vld [tilespmem:s2+$0x10]  }
0x247: {  	v16 =	vld [tilespmem:s2+$0x20]  }
0x248: {  	[tilespmem:v2+s28+$0x0] =	vst.idx.add.f32.msk $0xffff, v1;
	v1 =	vmov v8  }
0x249: {  	[tilespmem:v10+s28+$0x0] =	vst.idx.add.f32.msk $0xffff, v9  }
.Ltmp15:
0x24a: {  	[tilespmem:v11+s28+$0x0] =	vst.idx.add.f32.msk $0xffff, v4;
	(pc) =	sbr.rel @p0 .LBB2_33-.Ltmp15, $4  }
0x24b: {  	[tilespmem:v12+s28+$0x0] =	vst.idx.add.f32.msk $0xffff, v5  }
0x24c: {  	[tilespmem:v13+s28+$0x0] =	vst.idx.add.f32.msk $0xffff, v6;
	v2 =	vmov v16  }
0x24d: {  	[tilespmem:v14+s28+$0x0] =	vst.idx.add.f32.msk $0xffff, v7  }
0x24e: {  	s5 =	sadd.s32 $0x80, s5;
	[tilespmem:v15+s28+$0x0] =	vst.idx.add.f32.msk $0xffff, v3  }
0x24f: {  	_ =	sdelay $0x3  }
0x250: {  	[tilespmem:v2+s28+$0x0] =	vst.idx.add.f32.msk $0xffff, v1  }
.LBB2_35:
0x251: {  	s2 =	sshra.s32 s0, $0x2  }
0x252: {  	v1 =	vld [tilespmem:s2+$0x1A780];
	_ =	sdelay $0x4  }
0x253: {  	v2 =	vld [tilespmem:s2+$0x1C780];
	_ =	sdelay $0x2  }
0x254: {  	p0 =	sne.s32 s0, $0x40;
	v1 =	vld.idx.msk [tilespmem:v1+s1+$0x0], $0xffff  }
.Ltmp16:
0x255: {  	_ = 	snop;
	(pc) =	sbr.rel @p0 .LBB2_35-.Ltmp16, $2  }
0x256: {  	_ =	sdelay $0x2  }
0x257: {  	s0 =	sadd.s32 $0x40, s0;
	[tilespmem:v2+s28+$0x0] =	vst.idx.add.f32.msk $0xffff, v1  }
0x258: {  	s31 =	sadd.s32 $0x1, s31  }
0x259: {  	p0 =	sne.s32 s31, $0x32  }
.Ltmp17:
0x25a: {  	_ = 	snop;
	(pc) =	sbr.rel @p0 .LBB2_28-.Ltmp17, $1  }
0x25b: {  	_ =	sdelay $0x3  }
0x25c: {  	s29 =	sadd.s32 $0x1, s29  }
0x25d: {  	p0 =	sne.s32 s29, s17  }
.Ltmp18:
0x25e: {  	_ = 	snop;
	(pc) =	sbr.rel @p0 .LBB2_1-.Ltmp18, $4  }
0x25f: {  	[hbm4b:s16+s18] =	stream.strided.scatter [tilespmem:s28], [sflag:$0x3], $0xC400, s19, s18, $0x38;
	[tilespmem:$0x1C800] =	vst v63  }
0x260: {  	_ =	swait.ge [sflag:s20], $0xC400  }
0x261: {  	[sflag:s20] =	ssyncset.done $0x0  }
0x262: {  	[sflag:s20] =	ssyncadd.s32 $0xFFFF3C00  }
0x263: {  	_ =	sfence.sel $0x180000  }
0x264: {  	[bflag:$0x0] =	sbarrier.arrive $0xFFFF  }
0x265: {  	_ =	strace $0x9000004A  }
0x266: {  	s0 =	stileid.u32;
	[bflag:$0x2] =	sbarrier.arrive $0xFFFF  }
0x267: {  	p0 =	sne.s32 s0, $0x0;
	s0 =	rddreg [dreg:$0x1]  }
0x268: {  	s0 =	sadd.s32 @!p0 $0x100000, s0  }
0x269: {  	[sflag:s0] =	ssyncadd.tile.s32 @!p0 $0x1;
	_ =	shalt  }
.Lfunc_end2:
_tile_overlayer_lowered:
.L_overlay_start_2:
0x26a: {  	(tag) =	ssettag $0x2  }
0x26b: {  	s0 =	rddreg [dreg:$0x0];
	s2 =	stileid.u32  }
0x26c: {  	s1 =	rddreg [dreg:$0x1];
	p0 =	sne.s32 s2, $0x0  }
0x26d: {  	s3 =	rddreg [dreg:$0x2];
	[bflag:$0x3] =	sbarrier.arrive $0xFFFF;
	s2 =	simm.s32 @!p0 $0x1C03  }
0x26e: {  	[timem:s3], [sflag:s2] =	dma.local @!p0 [hbm:s0], s1  }
0x26f: {  	s0 =	simm.s32 @!p0 $0x3  }
0x270: {  	_ =	swait.ge @!p0 [sflag:s0], s1  }
0x271: {  	s1 =	ssub.s32 @!p0 $0x0, s1;
	[sflag:s0] =	ssyncset.done @!p0 $0x0  }
0x272: {  	[sflag:s0] =	ssyncadd.s32 @!p0 s1  }
0x273: {  	[bflag:$0x3] =	sbarrier.arrive $0xFFFF  }
0x274: {  	_ =	shalt  }

// kernel: kernel.18.cloned.1.call-start
scs
__scs_entry_jumppad:
0x0: {  	(pc) =	sbr.rel $0x88, $3  }
0x1: {  	(tag) =	ssettag $0x0;
	lr =	simm.s32 $0x1  }
0x2: {  	[smem:$0x3F94] =	sst lr;
	_ =	strace $0xD0000000  }
0x3: {  	_ = 	snop  }
0x4: {  	_ = 	snop  }
0x5: {  	_ = 	snop  }
0x6: {  	_ = 	snop  }
0x7: {  	_ = 	snop  }
__scs_overlays_trampoline_lowered:
0x8: {  	[smem:$0x3FA3] =	sst s0  }
0x9: {  	[smem:$0x3FA4] =	sst s1  }
0xa: {  	[smem:$0x3FA5] =	sst s2  }
0xb: {  	[smem:$0x3FA6] =	sst s3  }
0xc: {  	[smem:$0x3FA7] =	sst s4  }
0xd: {  	[smem:$0x3FA8] =	sst s5  }
0xe: {  	[smem:$0x3FA9] =	sst s6  }
0xf: {  	[smem:$0x3FAA] =	sst s7  }
0x10: {  	[smem:$0x3FAB] =	sst s8  }
0x11: {  	[smem:$0x3FAC] =	sst s9;
	s0 =	simm.s32 @!p0 $0x0  }
0x12: {  	s1 =	sld [smem:$0x3F92];
	s0 =	simm.s32 @p0 $0x1  }
0x13: {  	[smem:$0x3FAD] =	sst s0;
	s0 =	simm.s32 @!p1 $0x0  }
0x14: {  	s2 =	sld [smem:$0x3F91];
	s0 =	simm.s32 @p1 $0x1  }
0x15: {  	[smem:$0x3FAE] =	sst s0;
	s0 =	simm.s32 @!p2 $0x0  }
0x16: {  	s3 =	sld [smem:$0x3FDB];
	s0 =	simm.s32 @p2 $0x1  }
0x17: {  	s4 =	simm.s32 $0x1BF5;
	[smem:$0x3FB0] =	sst s0  }
0x18: {  	s0 =	sld [smem:$0x3F93];
	_ =	swait.ge [sflag:s4], $0x0  }
0x19: {  	s7 =	sld [smem:$0x3F94]  }
0x1a: {  	s8 =	sadd.s32 $0xFFFFE003, lr  }
0x1b: {  	s9 =	sadd.s32 $0xFFFFFEF7, lr;
	s5 =	simm.s32 $0xFFFFFFFF;
	p2 =	slt.u32 s8, $0xFFFFF086  }
0x1c: {  	p1 =	slt.u32 s9, $0xF7A;
	s5 =	simm.s32 @!p2 $0x0  }
0x1d: {  	s5 =	simm.s32 @p1 $0x1;
	p0 =	seq.s32 s7, s2  }
0x1e: {  	s7 =	smul.u32 @!p0 $0xF7A, s2;
	p2 =	seq.s32 @!p0 s5, $0x0  }
0x1f: {  	s9 =	smul.u32 $0xF7A, s1;
	s8 =	simm.s32 @!p0 $0x1BF5;
	p2 =	por !p2, p0  }
0x20: {  	[sflag:s8] =	ssyncset.s32 @!p0 $0xFFFFF086;
	s6 =	sadd.s32 @!p0 s3, s7;
	s7 =	simm.s32 @!p0 $0x108  }
0x21: {  	s3 =	sadd.s32 s3, s9;
	s6 =	sadd.s32 @!p0 $0x88, s6;
	s7 =	simm.s32 @p2 $0x1082  }
0x22: {  	[simem:s7], [sflag:s8] =	dma.local @!p0 [hbm:s6], $0xF7A  }
0x23: {  	s9 =	sor.u32 $0xD0000000, s2;
	s6 =	simm.s32 $0x108;
	_ =	swait.ge @!p0 [sflag:s8], $0x0  }
0x24: {  	s3 =	sadd.s32 $0x88, s3;
	s6 =	simm.s32 @!p1 $0x1082;
	[sflag:s4] =	ssyncset.s32 $0xFFFFF086  }
0x25: {  	[simem:s6], [sflag:s4] =	dma.local [hbm:s3], $0xF7A  }
0x26: {  	[smem:$0x3F94] =	sst s1;
	(tag) =	ssettag s2;
	_ =	strace s9  }
0x27: {  	s1 =	sld [smem:$0x3FA4]  }
0x28: {  	s2 =	sld [smem:$0x3FA5]  }
0x29: {  	s4 =	sld [smem:$0x3FA7]  }
0x2a: {  	p0 =	seq.s32 s5, $0x0;
	s5 =	sld [smem:$0x3FA8]  }
0x2b: {  	s6 =	sld [smem:$0x3FA9]  }
0x2c: {  	s7 =	sld [smem:$0x3FAA]  }
0x2d: {  	s3 =	simm.s32 $0x108;
	s8 =	sld [smem:$0x3FAB]  }
0x2e: {  	s3 =	simm.s32 @!p0 $0x1082;
	s9 =	sld [smem:$0x3FAC]  }
0x2f: {  	lr =	sadd.s32 s0, s3;
	s0 =	sld [smem:$0x3FA3]  }
0x30: {  	s3 =	sld [smem:$0x3FA6]  }
0x31: {  	[smem:$0x3FAF] =	sst s10  }
0x32: {  	s10 =	sld [smem:$0x3FAD];
	_ =	sdelay $0x3  }
0x33: {  	p0 =	seq.s32 s10, $0x1;
	s10 =	sld [smem:$0x3FAF];
	_ =	sdelay $0x3  }
0x34: {  	[smem:$0x3FAF] =	sst s10  }
0x35: {  	s10 =	sld [smem:$0x3FAE];
	_ =	sdelay $0x3  }
0x36: {  	p1 =	seq.s32 s10, $0x1;
	s10 =	sld [smem:$0x3FAF];
	_ =	sdelay $0x3  }
0x37: {  	[smem:$0x3FAF] =	sst s10  }
0x38: {  	s10 =	sld [smem:$0x3FB0]  }
0x39: {  	_ = 	snop;
	(pc) =	sbr.ind lr, $3  }
0x3a: {  	_ = 	snop  }
0x3b: {  	_ = 	snop  }
0x3c: {  	p2 =	seq.s32 s10, $0x1;
	s10 =	sld [smem:$0x3FAF]  }
0x3d: {  	_ =	shalt  }
0x3e: {  	_ =	shalt  }
0x3f: {  	_ =	shalt  }
0x40: {  	_ =	shalt  }
0x41: {  	_ =	shalt  }
0x42: {  	_ =	shalt  }
0x43: {  	_ =	shalt  }
0x44: {  	_ =	shalt  }
0x45: {  	_ =	shalt  }
0x46: {  	_ =	shalt  }
0x47: {  	_ =	shalt  }
0x48: {  	_ =	shalt  }
0x49: {  	_ =	shalt  }
0x4a: {  	_ =	shalt  }
0x4b: {  	_ =	shalt  }
0x4c: {  	_ =	shalt  }
0x4d: {  	_ =	shalt  }
0x4e: {  	_ =	shalt  }
0x4f: {  	_ =	shalt  }
0x50: {  	_ =	shalt  }
0x51: {  	_ =	shalt  }
0x52: {  	_ =	shalt  }
0x53: {  	_ =	shalt  }
0x54: {  	_ =	shalt  }
0x55: {  	_ =	shalt  }
0x56: {  	_ =	shalt  }
0x57: {  	_ =	shalt  }
0x58: {  	_ =	shalt  }
0x59: {  	_ =	shalt  }
0x5a: {  	_ =	shalt  }
0x5b: {  	_ =	shalt  }
0x5c: {  	_ =	shalt  }
0x5d: {  	_ =	shalt  }
0x5e: {  	_ =	shalt  }
0x5f: {  	_ =	shalt  }
0x60: {  	_ =	shalt  }
0x61: {  	_ =	shalt  }
0x62: {  	_ =	shalt  }
0x63: {  	_ =	shalt  }
0x64: {  	_ =	shalt  }
0x65: {  	_ =	shalt  }
0x66: {  	_ =	shalt  }
0x67: {  	_ =	shalt  }
0x68: {  	_ =	shalt  }
0x69: {  	_ =	shalt  }
0x6a: {  	_ =	shalt  }
0x6b: {  	_ =	shalt  }
0x6c: {  	_ =	shalt  }
0x6d: {  	_ =	shalt  }
0x6e: {  	_ =	shalt  }
0x6f: {  	_ =	shalt  }
0x70: {  	_ =	shalt  }
0x71: {  	_ =	shalt  }
0x72: {  	_ =	shalt  }
0x73: {  	_ =	shalt  }
0x74: {  	_ =	shalt  }
0x75: {  	_ =	shalt  }
0x76: {  	_ =	shalt  }
0x77: {  	_ =	shalt  }
0x78: {  	_ =	shalt  }
0x79: {  	_ =	shalt  }
0x7a: {  	_ =	shalt  }
0x7b: {  	_ =	shalt  }
0x7c: {  	_ =	shalt  }
0x7d: {  	_ =	shalt  }
0x7e: {  	_ =	shalt  }
0x7f: {  	_ =	shalt  }
0x80: {  	_ =	shalt  }
0x81: {  	_ =	shalt  }
0x82: {  	_ =	shalt  }
0x83: {  	_ =	shalt  }
0x84: {  	_ =	shalt  }
0x85: {  	_ =	shalt  }
0x86: {  	_ =	shalt  }
0x87: {  	_ =	shalt  }
.Lfunc_end0:
.L_simem_size_0:
called_computation.2_lowered:
.L_overlay_start_0:
0x88: {  	s2 =	sld [smem:$0x3FD9]  }
0x89: {  	s3 =	sld [smem:$0x3FFE];
	_ =	sdelay $0x1  }
0x8a: {  	s1 =	srdreg.scid  }
0x8b: {  	s0 =	sand.u32 $0x1, s1  }
0x8c: {  	s16 =	sshll.u32 s0, $0xA;
	s2 =	sadd.s32 s3, s2  }
0x8d: {  	s2 =	sadd.s32 s2, s16  }
0x8e: {  	[smem:$0x3FBB] =	sst s2  }
0x8f: {  	_ = 	snop  }
0x90: {  	(tm) =	ssettm $0x1  }
0x91: {  	s17 =	sld [smem:$0x3FFB];
	_ =	sdelay $0x3  }
0x92: {  	_ =	strace s17  }
0x93: {  	s2 =	sld [smem:$0x3FFC];
	_ =	sdelay $0x3  }
0x94: {  	_ =	strace s2  }
0x95: {  	s2 =	sld [smem:$0x3FFD];
	_ =	sdelay $0x3  }
0x96: {  	_ =	strace s2  }
0x97: {  	_ =	strace $0x8FFFFFFF  }
0x98: {  	s18 =	sld [smem:$0x3FDB];
	_ =	sdelay $0x1  }
0x99: {  	s19 =	simm.s32 $_scs_section_size  }
0x9a: {  	s4 =	simm.s32 $_size__tile_overlayer_lowered;
	s5 =	simm.s32 $_tile_overlayer_lowered  }
0x9b: {  	s22 =	simm.s32 $0x1BFF;
	s21 =	sshll.u32 s5, $0x1;
	s2 =	sadd.s32 s19, s18  }
0x9c: {  	s6 =	simm.s32 $0x0;
	s20 =	sshll.u32 s4, $0x1;
	s4 =	sadd.s32 s21, s2  }
0x9d: {  	[timem:s6], [sflag:s22] =	dma.local [hbm:s4], s20  }
0x9e: {  	_ =	swait.ge [sflag:s22], s20  }
0x9f: {  	s3 =	ssub.s32 $0x0, s20;
	[sflag:s22] =	ssyncset.done $0x0  }
0xa0: {  	[sflag:s22] =	ssyncadd.s32 s3;
	_ =	sdelay $0x1  }
0xa1: {  	s23 =	simm.s32 $0x1B8B  }
0xa2: {  	_ =	swait.ge [sflag:s23], $0x1  }
0xa3: {  	[sflag:s23] =	ssyncset.done $0x0  }
0xa4: {  	s25 =	simm.s32 $0x1B8E;
	s24 =	sld [smem:$0x3FFE];
	[sflag:s23] =	ssyncadd.s32 $0xFFFFFFFF  }
0xa5: {  	s26 =	simm.s32 $execute0_lowered;
	[smem:$0x3FD2] =	sst s25  }
0xa6: {  	s4 =	sshll.u32 s26, $0x1;
	_ =	strace $0x8000004C;
	[dreg:$0x1] =	wrdreg $0xFFFFFFFF  }
0xa7: {  	s28 =	simm.s32 $_size_execute0_lowered;
	s2 =	sadd.s32 s2, s4;
	[dreg:$0x0] =	wrdreg $0x0  }
0xa8: {  	s4 =	sshll.u32 s28, $0x1;
	[dreg:$0x2] =	wrdreg s2  }
0xa9: {  	[dreg:$0x3] =	wrdreg s4  }
0xaa: {  	[dreg:$0x4] =	wrdreg $0xC0  }
0xab: {  	_ =	task [dreg:s6], $0x5FFFF  }
0xac: {  	[dreg:$0x1] =	wrdreg $0xFFFFFFFF  }
0xad: {  	[dreg:$0x0] =	wrdreg $0x60  }
0xae: {  	[dreg:$0x2] =	wrdreg s24  }
0xaf: {  	[dreg:$0x3] =	wrdreg $0x9  }
0xb0: {  	_ =	task.clear_ibuf [dreg:s6], $0x4FFFF;
	_ =	strace $0x9000004C  }
0xb1: {  	s29 =	simm.s32 $0x9;
	_ =	strace $0x8000004E  }
0xb2: {  	_ =	swait.ge [sflag:s29], $0x1  }
0xb3: {  	[sflag:s29] =	ssyncadd.s32 $0xFFFFFFFF  }
0xb4: {  	_ =	strace $0x9000004E  }
0xb5: {  	_ =	sfence  }
0xb6: {  	s30 =	sld [smem:$0x0];
	_ =	sdelay $0x2  }
0xb7: {  	s31 =	sshll.u32 s1, $0xD;
	s1 =	sshrl.u32 s1, $0x2  }
0xb8: {  	s3 =	sand.u32 $0x4000, s31;
	s1 =	sadd.s32 s1, s30  }
0xb9: {  	s0 =	sor.u32 s3, s0;
	s1 =	sshll.u32 s1, $0x11  }
0xba: {  	s0 =	sor.u32 s1, s0  }
0xbb: {  	s0 =	sadd.s32 $0x8F2B, s0  }
0xbc: {  	[sflag:s0] =	ssyncadd.remote.s32 $0x1  }
0xbd: {  	_ =	sfence.sel $0xFFFF  }
0xbe: {  	[dreg:$0x0] =	wrdreg $0xFFFFFFFF;
	(pc) =	sbr.abs _section_cstart, $3  }
0xbf: {  	[dreg:$0x1] =	wrdreg $0xFFFFFFFF  }
0xc0: {  	_ =	task.clear_ibuf [dreg:s6], $0x2FFFF;
	_ =	strace $0x9FFFFFFF  }
0xc1: {  	(tm) =	ssettm $0x7FFFFFFF  }
tec
execute0_lowered:
.L_overlay_start_1:
0x0: {  	(tag) =	ssettag $0x1  }
0x1: {  	s0 =	rddreg [dreg:$0x0]  }
0x2: {  	s1 =	simm.s32 $0x0;
	s4 =	srdreg.scid;
	s7 =	stileid.u32  }
0x3: {  	s12 =	simm.s32 $0x61A80;
	s14 =	simm.s32 $0x24C000;
	s28 =	simm.s32 $0xC400  }
0x4: {  	s29 =	simm.s32 $0x0;
	[smem:$0x7FF] =	sst s1;
	s2 =	sadd.s32 $0x34000, s0  }
0x5: {  	s3 =	sadd.s32 $0x3200, s0;
	s4 =	sand.u32 $0x1, s4;
	s5 =	sshll.u32 s7, $0x1  }
0x6: {  	s6 =	sadd.s32 $0x7D800, s0;
	s7 =	sshrl.u32 s7, $0x2;
	s21 =	sadd.s32 $0x1B8A0, s0  }
0x7: {  	_ =	strace $0x8000004D;
	s5 =	sor.u32 s4, s5;
	s7 =	smul.u32 $0x62000, s7  }
0x8: {  	s4 =	ssub.s32 $0x2, s4;
	[dreg:$0x3] =	wrdreg s21;
	s21 =	simm.s32 $0x18800  }
0x9: {  	s8 =	sshll.u32 s5, $0x7;
	s9 =	sor.u32 $0x20, s5;
	s11 =	sshrl.u32 s4, $0x1  }
0xa: {  	s5 =	sadd.s32 $0x10, s5;
	s8 =	sand.u32 $0x380, s8;
	s10 =	sadd.s32 $0xFFFFFFD0, s9  }
0xb: {  	s4 =	ssub.s32 s4, s11;
	p0 =	sgt.u32 s9, $0x2F;
	s25 =	sshrl.u32 s5, $0x3  }
0xc: {  	s5 =	sshll.u32 s5, $0x7;
	s7 =	sor.u32 s7, s8;
	s18 =	smin.u32 s9, s10  }
0xd: {  	s12 =	simm.s32 @!p0 $0x0;
	s14 =	simm.s32 @!p0 $0x0;
	s15 =	smul.u32 $0x62000, s25  }
0xe: {  	s5 =	sand.u32 $0x380, s5;
	s17 =	smax.u32 s4, $0x1;
	s25 =	simm.s32 $0x19800  }
0xf: {  	s7 =	sshrl.u32 s7, $0x3;
	s10 =	sshrl.u32 s18, $0x3;
	s8 =	sshll.u32 s18, $0x7  }
0x10: {  	s24 =	sshrl.u32 s12, $0x3;
	s11 =	sadd.s32 $0x1F40, s12;
	s18 =	simm.s32 $0x80  }
0x11: {  	s19 =	sadd.s32 s2, s7;
	s20 =	smul.u32 $0x62000, s10;
	s13 =	sand.u32 $0x380, s8  }
0x12: {  	s7 =	sadd.s32 s6, s7;
	s8 =	sadd.s32 s3, s24;
	s10 =	sadd.s32 $0xFA0, s12  }
0x13: {  	s5 =	sor.u32 s5, s15;
	s15 =	sadd.s32 $0x27BF0, s0;
	[dreg:$0x2] =	wrdreg s19  }
0x14: {  	s24 =	simm.s32 $0x2;
	[dreg:$0x4] =	wrdreg s7;
	s9 =	sadd.s32 $0x186A0, s8  }
0x15: {  	s30 =	sshrl.u32 s5, $0x3;
	s5 =	sadd.s32 $0x24C000, s5;
	s19 =	simm.s32 $0x400  }
0x16: {  	s22 =	sor.u32 s13, s20;
	s14 =	sadd.s32 s14, s20;
	s31 =	sshrl.u32 s5, $0x3  }
0x17: {  	s20 =	simm.s32 $0x3;
	s23 =	sshrl.u32 s22, $0x3;
	s26 =	sor.u32 s13, s14  }
0x18: {  	s13 =	sadd.s32 s2, s30;
	s14 =	sadd.s32 $0xF550, s0;
	s16 =	sadd.s32 s6, s31  }
0x19: {  	s22 =	simm.s32 $0x1A800;
	s7 =	sadd.s32 s2, s23;
	s12 =	sshrl.u32 s26, $0x3  }
0x1a: {  	v0 =	vimm.f32 $0.0e+00;
	s23 =	simm.s32 $0x1;
	s26 =	simm.s32 $0x1B800;
	s12 =	sadd.s32 s6, s12  }
.LBB2_1:
0x1b: {  	s0 =	rddreg [dreg:$0x2]  }
0x1c: {  	[tilespmem:s1], [sflag:$0x3] =	stream.strided.gather [hbm4b:s0+s18], $0xC400, s19, s18, $0x38;
	[tilespmem:$0x1C800] =	vst v63  }
0x1d: {  	_ =	swait.ge [sflag:s20], $0xC400  }
0x1e: {  	[sflag:s20] =	ssyncset.done $0x0  }
0x1f: {  	s0 =	simm.s32 $0xC440;
	[sflag:s20] =	ssyncadd.s32 $0xFFFF3C00  }
0x20: {  	[tilespmem:s0+$0xFFFFFFC0] =	vst v0  }
0x21: {  	[tilespmem:s0+$0x30] =	vst v0  }
0x22: {  	[tilespmem:s0+$0x20] =	vst v0  }
0x23: {  	[tilespmem:s0+$0x10] =	vst v0  }
0x24: {  	[tilespmem:s0+$0x0] =	vst v0  }
0x25: {  	[tilespmem:s0+$0xFFFFFFF0] =	vst v0  }
0x26: {  	s2 =	simm.s32 $0x0;
	[tilespmem:s0+$0xFFFFFFE0] =	vst v0  }
.LBB2_2:
0x27: {  	s2 =	sadd.s32 $0x8, s2;
	[tilespmem:s0+$0xFFFFFFD0] =	vst v0;
	s0 =	sadd.s32 $0x80, s0  }
0x28: {  	[tilespmem:s0+$0xFFFFFFC0] =	vst v0;
	p0 =	slt.u32 s2, $0xC38  }
0x29: {  	[tilespmem:s0+$0x30] =	vst v0  }
.Ltmp0:
0x2a: {  	[tilespmem:s0+$0x20] =	vst v0;
	(pc) =	sbr.rel @p0 .LBB2_2-.Ltmp0, $4  }
0x2b: {  	[tilespmem:s0+$0x10] =	vst v0  }
0x2c: {  	[tilespmem:s0+$0x0] =	vst v0  }
0x2d: {  	[tilespmem:s0+$0xFFFFFFF0] =	vst v0  }
0x2e: {  	[tilespmem:s0+$0xFFFFFFE0] =	vst v0  }
0x2f: {  	[tilespmem:s0+$0xFFFFFFD0] =	vst v0;
	s30 =	simm.s32 $0x0  }
0x30: {  	[tilespmem:s21], [sflag:$0x1] =	stream.linear.gather [hbm4b:s3+s30], $0xFA0, $0x38;
	[tilespmem:$0x1C800] =	vst v63  }
0x31: {  	s31 =	simm.s32 $0x0;
	s0 =	rddreg [dreg:$0x3]  }
0x32: {  	[tilespmem:s22], [sflag:$0x2] =	stream.linear.gather [hbm4b:s0+s30], $0xFA0, $0x38;
	[tilespmem:$0x1C800] =	vst v63  }
.LBB2_4:
0x33: {  	_ =	swait.ge [sflag:s23], $0xFA0  }
0x34: {  	s0 =	smul.u32 $0x1F40, s31;
	[sflag:s23] =	ssyncset.done $0x0  }
0x35: {  	[sflag:s23] =	ssyncadd.s32 $0xFFFFF060  }
0x36: {  	s2 =	sshrl.u32 s0, $0x3;
	_ =	swait.ge [sflag:s24], $0xFA0  }
0x37: {  	s2 =	sadd.s32 s3, s2;
	[sflag:s24] =	ssyncset.done $0x0  }
0x38: {  	s4 =	sadd.s32 $0x1F4, s2;
	[sflag:s24] =	ssyncadd.s32 $0xFFFFF060  }
0x39: {  	[tilespmem:s25], [sflag:$0x1] =	stream.linear.gather [hbm4b:s4+s1], $0xFA0, $0x38;
	[tilespmem:$0x1C800] =	vst v63  }
0x3a: {  	s6 =	simm.s32 $0x18840;
	s2 =	sadd.s32 $0x18894, s2  }
0x3b: {  	[tilespmem:s26], [sflag:$0x2] =	stream.linear.gather [hbm4b:s2+s1], $0xFA0, $0x38;
	[tilespmem:$0x1C800] =	vst v63  }
0x3c: {  	v1 =	vld [tilespmem:s6+$0x30]  }
0x3d: {  	v2 =	vld [tilespmem:s6+$0xFFFFFFD0]  }
0x3e: {  	v3 =	vld [tilespmem:s6+$0xFFFFFFE0]  }
0x3f: {  	v4 =	vld [tilespmem:s6+$0xFFFFFFF0]  }
0x40: {  	v5 =	vld [tilespmem:s6+$0x0]  }
0x41: {  	s2 =	simm.s32 $0x1A840;
	v6 =	vld [tilespmem:s6+$0x10]  }
0x42: {  	v7 =	vld [tilespmem:s2+$0x30]  }
0x43: {  	v8 =	vld [tilespmem:s6+$0x20]  }
0x44: {  	v9 =	vld [tilespmem:s6+$0xFFFFFFC0]  }
0x45: {  	v63 =	vld [tilespmem:s2+$0xFFFFFFC0]  }
0x46: {  	v11 =	vld [tilespmem:s2+$0xFFFFFFD0]  }
0x47: {  	v12 =	vld [tilespmem:s2+$0xFFFFFFE0]  }
0x48: {  	v13 =	vld [tilespmem:s2+$0xFFFFFFF0]  }
0x49: {  	v14 =	vld [tilespmem:s2+$0x0]  }
0x4a: {  	v15 =	vld [tilespmem:s2+$0x10]  }
0x4b: {  	v1 =	vld.idx.msk [tilespmem:v1+s30+$0x0], $0xffff  }
0x4c: {  	v10 =	vld.idx.msk [tilespmem:v2+s30+$0x0], $0xffff  }
0x4d: {  	v3 =	vld.idx.msk [tilespmem:v3+s30+$0x0], $0xffff  }
0x4e: {  	v4 =	vld.idx.msk [tilespmem:v4+s30+$0x0], $0xffff  }
0x4f: {  	v5 =	vld.idx.msk [tilespmem:v5+s30+$0x0], $0xffff  }
0x50: {  	v62 =	vld.idx.msk [tilespmem:v9+s30+$0x0], $0xffff  }
0x51: {  	v6 =	vld.idx.msk [tilespmem:v6+s30+$0x0], $0xffff  }
0x52: {  	v2 =	vld [tilespmem:s2+$0x20]  }
0x53: {  	[tilespmem:v7+s28+$0x0] =	vst.idx.add.f32.msk $0xffff, v1  }
0x54: {  	v1 =	vld.idx.msk [tilespmem:v8+s30+$0x0], $0xffff  }
0x55: {  	[tilespmem:v63+s28+$0x0] =	vst.idx.add.f32.msk $0xffff, v62  }
0x56: {  	[tilespmem:v11+s28+$0x0] =	vst.idx.add.f32.msk $0xffff, v10  }
0x57: {  	[tilespmem:v12+s28+$0x0] =	vst.idx.add.f32.msk $0xffff, v3  }
0x58: {  	[tilespmem:v13+s28+$0x0] =	vst.idx.add.f32.msk $0xffff, v4  }
0x59: {  	[tilespmem:v14+s28+$0x0] =	vst.idx.add.f32.msk $0xffff, v5  }
0x5a: {  	s5 =	simm.s32 $0x188C0;
	s4 =	simm.s32 $0x0;
	[tilespmem:v15+s28+$0x0] =	vst.idx.add.f32.msk $0xffff, v6  }
.LBB2_5:
0x5b: {  	v3 =	vld [tilespmem:s5+$0x30];
	s4 =	sadd.s32 $0x8, s4  }
0x5c: {  	v4 =	vld [tilespmem:s5+$0xFFFFFFD0];
	p0 =	slt.u32 s4, $0xF0  }
0x5d: {  	v5 =	vld [tilespmem:s5+$0xFFFFFFE0]  }
0x5e: {  	v6 =	vld [tilespmem:s5+$0xFFFFFFF0]  }
0x5f: {  	v7 =	vld [tilespmem:s5+$0x0]  }
0x60: {  	s2 =	sadd.s32 $0x80, s2;
	v8 =	vld [tilespmem:s5+$0x10]  }
0x61: {  	v9 =	vld [tilespmem:s2+$0x30]  }
0x62: {  	s6 =	simm.s32 $0x0;
	v10 =	vld [tilespmem:s5+$0x20]  }
0x63: {  	v3 =	vld.idx.msk [tilespmem:v3+s6+$0x0], $0xffff  }
0x64: {  	v11 =	vld [tilespmem:s5+$0xFFFFFFC0]  }
0x65: {  	v4 =	vld.idx.msk [tilespmem:v4+s6+$0x0], $0xffff  }
0x66: {  	v5 =	vld.idx.msk [tilespmem:v5+s6+$0x0], $0xffff  }
0x67: {  	v6 =	vld.idx.msk [tilespmem:v6+s6+$0x0], $0xffff  }
0x68: {  	v7 =	vld.idx.msk [tilespmem:v7+s6+$0x0], $0xffff  }
0x69: {  	[tilespmem:v9+s28+$0x0] =	vst.idx.add.f32.msk $0xffff, v3  }
0x6a: {  	v3 =	vld.idx.msk [tilespmem:v8+s6+$0x0], $0xffff  }
0x6b: {  	v8 =	vld.idx.msk [tilespmem:v10+s6+$0x0], $0xffff  }
0x6c: {  	v9 =	vld.idx.msk [tilespmem:v11+s6+$0x0], $0xffff  }
0x6d: {  	v10 =	vld [tilespmem:s2+$0xFFFFFFC0]  }
0x6e: {  	v11 =	vld [tilespmem:s2+$0xFFFFFFD0]  }
0x6f: {  	v12 =	vld [tilespmem:s2+$0xFFFFFFE0]  }
0x70: {  	v13 =	vld [tilespmem:s2+$0xFFFFFFF0]  }
0x71: {  	v14 =	vld [tilespmem:s2+$0x0]  }
0x72: {  	v15 =	vld [tilespmem:s2+$0x10]  }
0x73: {  	v16 =	vld [tilespmem:s2+$0x20]  }
0x74: {  	[tilespmem:v2+s28+$0x0] =	vst.idx.add.f32.msk $0xffff, v1;
	v1 =	vmov v8  }
0x75: {  	[tilespmem:v10+s28+$0x0] =	vst.idx.add.f32.msk $0xffff, v9  }
.Ltmp1:
0x76: {  	[tilespmem:v11+s28+$0x0] =	vst.idx.add.f32.msk $0xffff, v4;
	(pc) =	sbr.rel @p0 .LBB2_5-.Ltmp1, $4  }
0x77: {  	[tilespmem:v12+s28+$0x0] =	vst.idx.add.f32.msk $0xffff, v5  }
0x78: {  	[tilespmem:v13+s28+$0x0] =	vst.idx.add.f32.msk $0xffff, v6;
	v2 =	vmov v16  }
0x79: {  	[tilespmem:v14+s28+$0x0] =	vst.idx.add.f32.msk $0xffff, v7  }
0x7a: {  	s5 =	sadd.s32 $0x80, s5;
	[tilespmem:v15+s28+$0x0] =	vst.idx.add.f32.msk $0xffff, v3  }
0x7b: {  	_ =	sdelay $0x3  }
0x7c: {  	[tilespmem:v2+s28+$0x0] =	vst.idx.add.f32.msk $0xffff, v1  }
.LBB2_7:
0x7d: {  	s2 =	sshra.s32 s6, $0x2  }
0x7e: {  	v1 =	vld [tilespmem:s2+$0x19780];
	_ =	sdelay $0x4  }
0x7f: {  	v2 =	vld [tilespmem:s2+$0x1B780];
	_ =	sdelay $0x2  }
0x80: {  	p0 =	sne.s32 s6, $0x40;
	v1 =	vld.idx.msk [tilespmem:v1+s1+$0x0], $0xffff  }
.Ltmp2:
0x81: {  	_ = 	snop;
	(pc) =	sbr.rel @p0 .LBB2_7-.Ltmp2, $2  }
0x82: {  	_ =	sdelay $0x2  }
0x83: {  	s6 =	sadd.s32 $0x40, s6;
	[tilespmem:v2+s28+$0x0] =	vst.idx.add.f32.msk $0xffff, v1  }
0x84: {  	_ =	swait.ge [sflag:s23], $0xFA0  }
0x85: {  	[sflag:s23] =	ssyncset.done $0x0  }
0x86: {  	p0 =	seq.s32 s31, $0x31;
	[sflag:s23] =	ssyncadd.s32 $0xFFFFF060  }
0x87: {  	s0 =	sshrl.u32 @!p0 s0, $0x3;
	_ =	swait.ge [sflag:s24], $0xFA0  }
0x88: {  	s4 =	simm.s32 @!p0 $0x0;
	s0 =	sadd.s32 @!p0 s3, s0;
	[sflag:s24] =	ssyncset.done $0x0  }
0x89: {  	s5 =	simm.s32 @!p0 $0x18800;
	s2 =	sadd.s32 @!p0 $0x3E8, s0;
	[sflag:s24] =	ssyncadd.s32 $0xFFFFF060  }
0x8a: {  	[tilespmem:s5], [sflag:$0x1] =	stream.linear.gather @!p0 [hbm4b:s2+s4], $0xFA0, $0x38;
	[tilespmem:$0x1C800] =	vst v63  }
0x8b: {  	s6 =	simm.s32 $0x19840;
	s0 =	sadd.s32 @!p0 $0x18A88, s0;
	s2 =	simm.s32 @!p0 $0x1A800  }
0x8c: {  	[tilespmem:s2], [sflag:$0x2] =	stream.linear.gather @!p0 [hbm4b:s0+s4], $0xFA0, $0x38;
	[tilespmem:$0x1C800] =	vst v63  }
0x8d: {  	v1 =	vld [tilespmem:s6+$0x30]  }
0x8e: {  	v2 =	vld [tilespmem:s6+$0xFFFFFFD0]  }
0x8f: {  	v3 =	vld [tilespmem:s6+$0xFFFFFFE0]  }
0x90: {  	v4 =	vld [tilespmem:s6+$0xFFFFFFF0]  }
0x91: {  	v5 =	vld [tilespmem:s6+$0x0]  }
0x92: {  	s2 =	simm.s32 $0x1B840;
	v6 =	vld [tilespmem:s6+$0x10]  }
0x93: {  	v7 =	vld [tilespmem:s2+$0x30]  }
0x94: {  	v8 =	vld [tilespmem:s6+$0x20]  }
0x95: {  	v9 =	vld [tilespmem:s6+$0xFFFFFFC0]  }
0x96: {  	v63 =	vld [tilespmem:s2+$0xFFFFFFC0]  }
0x97: {  	v11 =	vld [tilespmem:s2+$0xFFFFFFD0]  }
0x98: {  	v12 =	vld [tilespmem:s2+$0xFFFFFFE0]  }
0x99: {  	v13 =	vld [tilespmem:s2+$0xFFFFFFF0]  }
0x9a: {  	v14 =	vld [tilespmem:s2+$0x0]  }
0x9b: {  	s0 =	simm.s32 $0x0;
	v15 =	vld [tilespmem:s2+$0x10]  }
0x9c: {  	v1 =	vld.idx.msk [tilespmem:v1+s0+$0x0], $0xffff  }
0x9d: {  	v10 =	vld.idx.msk [tilespmem:v2+s0+$0x0], $0xffff  }
0x9e: {  	v3 =	vld.idx.msk [tilespmem:v3+s0+$0x0], $0xffff  }
0x9f: {  	v4 =	vld.idx.msk [tilespmem:v4+s0+$0x0], $0xffff  }
0xa0: {  	v5 =	vld.idx.msk [tilespmem:v5+s0+$0x0], $0xffff  }
0xa1: {  	v62 =	vld.idx.msk [tilespmem:v9+s0+$0x0], $0xffff  }
0xa2: {  	v6 =	vld.idx.msk [tilespmem:v6+s0+$0x0], $0xffff  }
0xa3: {  	v2 =	vld [tilespmem:s2+$0x20]  }
0xa4: {  	[tilespmem:v7+s28+$0x0] =	vst.idx.add.f32.msk $0xffff, v1  }
0xa5: {  	v1 =	vld.idx.msk [tilespmem:v8+s0+$0x0], $0xffff  }
0xa6: {  	[tilespmem:v63+s28+$0x0] =	vst.idx.add.f32.msk $0xffff, v62  }
0xa7: {  	[tilespmem:v11+s28+$0x0] =	vst.idx.add.f32.msk $0xffff, v10  }
0xa8: {  	[tilespmem:v12+s28+$0x0] =	vst.idx.add.f32.msk $0xffff, v3  }
0xa9: {  	[tilespmem:v13+s28+$0x0] =	vst.idx.add.f32.msk $0xffff, v4  }
0xaa: {  	[tilespmem:v14+s28+$0x0] =	vst.idx.add.f32.msk $0xffff, v5  }
0xab: {  	s5 =	simm.s32 $0x198C0;
	s4 =	simm.s32 $0x0;
	[tilespmem:v15+s28+$0x0] =	vst.idx.add.f32.msk $0xffff, v6  }
.LBB2_9:
0xac: {  	v3 =	vld [tilespmem:s5+$0x30];
	s4 =	sadd.s32 $0x8, s4  }
0xad: {  	v4 =	vld [tilespmem:s5+$0xFFFFFFD0];
	p0 =	slt.u32 s4, $0xF0  }
0xae: {  	v5 =	vld [tilespmem:s5+$0xFFFFFFE0]  }
0xaf: {  	v6 =	vld [tilespmem:s5+$0xFFFFFFF0]  }
0xb0: {  	v7 =	vld [tilespmem:s5+$0x0]  }
0xb1: {  	s2 =	sadd.s32 $0x80, s2;
	v8 =	vld [tilespmem:s5+$0x10]  }
0xb2: {  	v9 =	vld [tilespmem:s2+$0x30]  }
0xb3: {  	v10 =	vld [tilespmem:s5+$0x20]  }
0xb4: {  	v3 =	vld.idx.msk [tilespmem:v3+s0+$0x0], $0xffff  }
0xb5: {  	v11 =	vld [tilespmem:s5+$0xFFFFFFC0]  }
0xb6: {  	v4 =	vld.idx.msk [tilespmem:v4+s0+$0x0], $0xffff  }
0xb7: {  	v5 =	vld.idx.msk [tilespmem:v5+s0+$0x0], $0xffff  }
0xb8: {  	v6 =	vld.idx.msk [tilespmem:v6+s0+$0x0], $0xffff  }
0xb9: {  	v7 =	vld.idx.msk [tilespmem:v7+s0+$0x0], $0xffff  }
0xba: {  	[tilespmem:v9+s28+$0x0] =	vst.idx.add.f32.msk $0xffff, v3  }
0xbb: {  	v3 =	vld.idx.msk [tilespmem:v8+s0+$0x0], $0xffff  }
0xbc: {  	v8 =	vld.idx.msk [tilespmem:v10+s0+$0x0], $0xffff  }
0xbd: {  	v9 =	vld.idx.msk [tilespmem:v11+s0+$0x0], $0xffff  }
0xbe: {  	v10 =	vld [tilespmem:s2+$0xFFFFFFC0]  }
0xbf: {  	v11 =	vld [tilespmem:s2+$0xFFFFFFD0]  }
0xc0: {  	v12 =	vld [tilespmem:s2+$0xFFFFFFE0]  }
0xc1: {  	v13 =	vld [tilespmem:s2+$0xFFFFFFF0]  }
0xc2: {  	v14 =	vld [tilespmem:s2+$0x0]  }
0xc3: {  	v15 =	vld [tilespmem:s2+$0x10]  }
0xc4: {  	v16 =	vld [tilespmem:s2+$0x20]  }
0xc5: {  	[tilespmem:v2+s28+$0x0] =	vst.idx.add.f32.msk $0xffff, v1;
	v1 =	vmov v8  }
0xc6: {  	[tilespmem:v10+s28+$0x0] =	vst.idx.add.f32.msk $0xffff, v9  }
.Ltmp3:
0xc7: {  	[tilespmem:v11+s28+$0x0] =	vst.idx.add.f32.msk $0xffff, v4;
	(pc) =	sbr.rel @p0 .LBB2_9-.Ltmp3, $4  }
0xc8: {  	[tilespmem:v12+s28+$0x0] =	vst.idx.add.f32.msk $0xffff, v5  }
0xc9: {  	[tilespmem:v13+s28+$0x0] =	vst.idx.add.f32.msk $0xffff, v6;
	v2 =	vmov v16  }
0xca: {  	[tilespmem:v14+s28+$0x0] =	vst.idx.add.f32.msk $0xffff, v7  }
0xcb: {  	s5 =	sadd.s32 $0x80, s5;
	[tilespmem:v15+s28+$0x0] =	vst.idx.add.f32.msk $0xffff, v3  }
0xcc: {  	_ =	sdelay $0x3  }
0xcd: {  	[tilespmem:v2+s28+$0x0] =	vst.idx.add.f32.msk $0xffff, v1  }
.LBB2_11:
0xce: {  	s2 =	sshra.s32 s0, $0x2  }
0xcf: {  	v1 =	vld [tilespmem:s2+$0x1A780];
	_ =	sdelay $0x4  }
0xd0: {  	v2 =	vld [tilespmem:s2+$0x1C780];
	_ =	sdelay $0x2  }
0xd1: {  	p0 =	sne.s32 s0, $0x40;
	v1 =	vld.idx.msk [tilespmem:v1+s1+$0x0], $0xffff  }
.Ltmp4:
0xd2: {  	_ = 	snop;
	(pc) =	sbr.rel @p0 .LBB2_11-.Ltmp4, $2  }
0xd3: {  	_ =	sdelay $0x2  }
0xd4: {  	s0 =	sadd.s32 $0x40, s0;
	[tilespmem:v2+s28+$0x0] =	vst.idx.add.f32.msk $0xffff, v1  }
0xd5: {  	s31 =	sadd.s32 $0x1, s31  }
0xd6: {  	p0 =	sne.s32 s31, $0x32  }
.Ltmp5:
0xd7: {  	_ = 	snop;
	(pc) =	sbr.rel @p0 .LBB2_4-.Ltmp5, $1  }
0xd8: {  	_ =	sdelay $0x3  }
0xd9: {  	s0 =	rddreg [dreg:$0x4]  }
0xda: {  	[hbm4b:s0+s18] =	stream.strided.scatter [tilespmem:s28], [sflag:$0x3], $0xC400, s19, s18, $0x38;
	[tilespmem:$0x1C800] =	vst v63  }
0xdb: {  	_ =	swait.ge [sflag:s20], $0xC400  }
0xdc: {  	[sflag:s20] =	ssyncset.done $0x0  }
0xdd: {  	[sflag:s20] =	ssyncadd.s32 $0xFFFF3C00  }
0xde: {  	[tilespmem:s1], [sflag:$0x3] =	stream.strided.gather [hbm4b:s7+s18], $0xC400, s19, s18, $0x38;
	[tilespmem:$0x1C800] =	vst v63  }
0xdf: {  	_ =	swait.ge [sflag:s20], $0xC400  }
0xe0: {  	[sflag:s20] =	ssyncset.done $0x0  }
0xe1: {  	s0 =	simm.s32 $0xC440;
	[sflag:s20] =	ssyncadd.s32 $0xFFFF3C00  }
0xe2: {  	[tilespmem:s0+$0xFFFFFFC0] =	vst v0  }
0xe3: {  	[tilespmem:s0+$0x30] =	vst v0  }
0xe4: {  	[tilespmem:s0+$0x20] =	vst v0  }
0xe5: {  	[tilespmem:s0+$0x10] =	vst v0  }
0xe6: {  	[tilespmem:s0+$0x0] =	vst v0  }
0xe7: {  	[tilespmem:s0+$0xFFFFFFF0] =	vst v0  }
0xe8: {  	s2 =	simm.s32 $0x0;
	[tilespmem:s0+$0xFFFFFFE0] =	vst v0  }
.LBB2_14:
0xe9: {  	s2 =	sadd.s32 $0x8, s2;
	[tilespmem:s0+$0xFFFFFFD0] =	vst v0;
	s0 =	sadd.s32 $0x80, s0  }
0xea: {  	[tilespmem:s0+$0xFFFFFFC0] =	vst v0;
	p0 =	slt.u32 s2, $0xC38  }
0xeb: {  	[tilespmem:s0+$0x30] =	vst v0  }
.Ltmp6:
0xec: {  	[tilespmem:s0+$0x20] =	vst v0;
	(pc) =	sbr.rel @p0 .LBB2_14-.Ltmp6, $4  }
0xed: {  	[tilespmem:s0+$0x10] =	vst v0  }
0xee: {  	[tilespmem:s0+$0x0] =	vst v0  }
0xef: {  	[tilespmem:s0+$0xFFFFFFF0] =	vst v0  }
0xf0: {  	[tilespmem:s0+$0xFFFFFFE0] =	vst v0  }
0xf1: {  	[tilespmem:s0+$0xFFFFFFD0] =	vst v0;
	s30 =	simm.s32 $0x0  }
0xf2: {  	[tilespmem:s21], [sflag:$0x1] =	stream.linear.gather [hbm4b:s8+s30], $0xFA0, $0x38;
	[tilespmem:$0x1C800] =	vst v63  }
0xf3: {  	s31 =	simm.s32 $0x0  }
0xf4: {  	[tilespmem:s22], [sflag:$0x2] =	stream.linear.gather [hbm4b:s9+s30], $0xFA0, $0x38;
	[tilespmem:$0x1C800] =	vst v63  }
.LBB2_16:
0xf5: {  	_ =	swait.ge [sflag:s23], $0xFA0  }
0xf6: {  	s0 =	smul.u32 $0x1F40, s31;
	[sflag:s23] =	ssyncset.done $0x0  }
0xf7: {  	[sflag:s23] =	ssyncadd.s32 $0xFFFFF060  }
0xf8: {  	s2 =	sadd.s32 s0, s10;
	_ =	swait.ge [sflag:s24], $0xFA0  }
0xf9: {  	s2 =	sshrl.u32 s2, $0x3;
	[sflag:s24] =	ssyncset.done $0x0  }
0xfa: {  	s2 =	sadd.s32 s3, s2;
	[sflag:s24] =	ssyncadd.s32 $0xFFFFF060  }
0xfb: {  	[tilespmem:s25], [sflag:$0x1] =	stream.linear.gather [hbm4b:s2+s1], $0xFA0, $0x38;
	[tilespmem:$0x1C800] =	vst v63  }
0xfc: {  	s4 =	simm.s32 $0x18840;
	s2 =	sadd.s32 $0x186A0, s2  }
0xfd: {  	[tilespmem:s26], [sflag:$0x2] =	stream.linear.gather [hbm4b:s2+s1], $0xFA0, $0x38;
	[tilespmem:$0x1C800] =	vst v63  }
0xfe: {  	v1 =	vld [tilespmem:s4+$0x30]  }
0xff: {  	v2 =	vld [tilespmem:s4+$0xFFFFFFD0]  }
0x100: {  	v3 =	vld [tilespmem:s4+$0xFFFFFFE0]  }
0x101: {  	v4 =	vld [tilespmem:s4+$0xFFFFFFF0]  }
0x102: {  	v5 =	vld [tilespmem:s4+$0x0]  }
0x103: {  	s2 =	simm.s32 $0x1A840;
	v6 =	vld [tilespmem:s4+$0x10]  }
0x104: {  	v7 =	vld [tilespmem:s2+$0x30]  }
0x105: {  	v8 =	vld [tilespmem:s4+$0x20]  }
0x106: {  	v9 =	vld [tilespmem:s4+$0xFFFFFFC0]  }
0x107: {  	v63 =	vld [tilespmem:s2+$0xFFFFFFC0]  }
0x108: {  	v11 =	vld [tilespmem:s2+$0xFFFFFFD0]  }
0x109: {  	v12 =	vld [tilespmem:s2+$0xFFFFFFE0]  }
0x10a: {  	v13 =	vld [tilespmem:s2+$0xFFFFFFF0]  }
0x10b: {  	v14 =	vld [tilespmem:s2+$0x0]  }
0x10c: {  	v15 =	vld [tilespmem:s2+$0x10]  }
0x10d: {  	v1 =	vld.idx.msk [tilespmem:v1+s30+$0x0], $0xffff  }
0x10e: {  	v10 =	vld.idx.msk [tilespmem:v2+s30+$0x0], $0xffff  }
0x10f: {  	v3 =	vld.idx.msk [tilespmem:v3+s30+$0x0], $0xffff  }
0x110: {  	v4 =	vld.idx.msk [tilespmem:v4+s30+$0x0], $0xffff  }
0x111: {  	v5 =	vld.idx.msk [tilespmem:v5+s30+$0x0], $0xffff  }
0x112: {  	v62 =	vld.idx.msk [tilespmem:v9+s30+$0x0], $0xffff  }
0x113: {  	v6 =	vld.idx.msk [tilespmem:v6+s30+$0x0], $0xffff  }
0x114: {  	v2 =	vld [tilespmem:s2+$0x20]  }
0x115: {  	[tilespmem:v7+s28+$0x0] =	vst.idx.add.f32.msk $0xffff, v1  }
0x116: {  	v1 =	vld.idx.msk [tilespmem:v8+s30+$0x0], $0xffff  }
0x117: {  	[tilespmem:v63+s28+$0x0] =	vst.idx.add.f32.msk $0xffff, v62  }
0x118: {  	[tilespmem:v11+s28+$0x0] =	vst.idx.add.f32.msk $0xffff, v10  }
0x119: {  	[tilespmem:v12+s28+$0x0] =	vst.idx.add.f32.msk $0xffff, v3  }
0x11a: {  	[tilespmem:v13+s28+$0x0] =	vst.idx.add.f32.msk $0xffff, v4  }
0x11b: {  	[tilespmem:v14+s28+$0x0] =	vst.idx.add.f32.msk $0xffff, v5  }
0x11c: {  	s5 =	simm.s32 $0x188C0;
	s4 =	simm.s32 $0x0;
	[tilespmem:v15+s28+$0x0] =	vst.idx.add.f32.msk $0xffff, v6  }
.LBB2_17:
0x11d: {  	v3 =	vld [tilespmem:s5+$0x30];
	s4 =	sadd.s32 $0x8, s4  }
0x11e: {  	v4 =	vld [tilespmem:s5+$0xFFFFFFD0];
	p0 =	slt.u32 s4, $0xF0  }
0x11f: {  	v5 =	vld [tilespmem:s5+$0xFFFFFFE0]  }
0x120: {  	v6 =	vld [tilespmem:s5+$0xFFFFFFF0]  }
0x121: {  	v7 =	vld [tilespmem:s5+$0x0]  }
0x122: {  	s2 =	sadd.s32 $0x80, s2;
	v8 =	vld [tilespmem:s5+$0x10]  }
0x123: {  	v9 =	vld [tilespmem:s2+$0x30]  }
0x124: {  	s6 =	simm.s32 $0x0;
	v10 =	vld [tilespmem:s5+$0x20]  }
0x125: {  	v3 =	vld.idx.msk [tilespmem:v3+s6+$0x0], $0xffff  }
0x126: {  	v11 =	vld [tilespmem:s5+$0xFFFFFFC0]  }
0x127: {  	v4 =	vld.idx.msk [tilespmem:v4+s6+$0x0], $0xffff  }
0x128: {  	v5 =	vld.idx.msk [tilespmem:v5+s6+$0x0], $0xffff  }
0x129: {  	v6 =	vld.idx.msk [tilespmem:v6+s6+$0x0], $0xffff  }
0x12a: {  	v7 =	vld.idx.msk [tilespmem:v7+s6+$0x0], $0xffff  }
0x12b: {  	[tilespmem:v9+s28+$0x0] =	vst.idx.add.f32.msk $0xffff, v3  }
0x12c: {  	v3 =	vld.idx.msk [tilespmem:v8+s6+$0x0], $0xffff  }
0x12d: {  	v8 =	vld.idx.msk [tilespmem:v10+s6+$0x0], $0xffff  }
0x12e: {  	v9 =	vld.idx.msk [tilespmem:v11+s6+$0x0], $0xffff  }
0x12f: {  	v10 =	vld [tilespmem:s2+$0xFFFFFFC0]  }
0x130: {  	v11 =	vld [tilespmem:s2+$0xFFFFFFD0]  }
0x131: {  	v12 =	vld [tilespmem:s2+$0xFFFFFFE0]  }
0x132: {  	v13 =	vld [tilespmem:s2+$0xFFFFFFF0]  }
0x133: {  	v14 =	vld [tilespmem:s2+$0x0]  }
0x134: {  	v15 =	vld [tilespmem:s2+$0x10]  }
0x135: {  	v16 =	vld [tilespmem:s2+$0x20]  }
0x136: {  	[tilespmem:v2+s28+$0x0] =	vst.idx.add.f32.msk $0xffff, v1;
	v1 =	vmov v8  }
0x137: {  	[tilespmem:v10+s28+$0x0] =	vst.idx.add.f32.msk $0xffff, v9  }
.Ltmp7:
0x138: {  	[tilespmem:v11+s28+$0x0] =	vst.idx.add.f32.msk $0xffff, v4;
	(pc) =	sbr.rel @p0 .LBB2_17-.Ltmp7, $4  }
0x139: {  	[tilespmem:v12+s28+$0x0] =	vst.idx.add.f32.msk $0xffff, v5  }
0x13a: {  	[tilespmem:v13+s28+$0x0] =	vst.idx.add.f32.msk $0xffff, v6;
	v2 =	vmov v16  }
0x13b: {  	[tilespmem:v14+s28+$0x0] =	vst.idx.add.f32.msk $0xffff, v7  }
0x13c: {  	s5 =	sadd.s32 $0x80, s5;
	[tilespmem:v15+s28+$0x0] =	vst.idx.add.f32.msk $0xffff, v3  }
0x13d: {  	_ =	sdelay $0x3  }
0x13e: {  	[tilespmem:v2+s28+$0x0] =	vst.idx.add.f32.msk $0xffff, v1  }
.LBB2_19:
0x13f: {  	s2 =	sshra.s32 s6, $0x2  }
0x140: {  	v1 =	vld [tilespmem:s2+$0x19780];
	_ =	sdelay $0x4  }
0x141: {  	v2 =	vld [tilespmem:s2+$0x1B780];
	_ =	sdelay $0x2  }
0x142: {  	p0 =	sne.s32 s6, $0x40;
	v1 =	vld.idx.msk [tilespmem:v1+s1+$0x0], $0xffff  }
.Ltmp8:
0x143: {  	_ = 	snop;
	(pc) =	sbr.rel @p0 .LBB2_19-.Ltmp8, $2  }
0x144: {  	_ =	sdelay $0x2  }
0x145: {  	s6 =	sadd.s32 $0x40, s6;
	[tilespmem:v2+s28+$0x0] =	vst.idx.add.f32.msk $0xffff, v1  }
0x146: {  	_ =	swait.ge [sflag:s23], $0xFA0  }
0x147: {  	[sflag:s23] =	ssyncset.done $0x0  }
0x148: {  	p0 =	seq.s32 s31, $0x31;
	[sflag:s23] =	ssyncadd.s32 $0xFFFFF060  }
0x149: {  	s0 =	sadd.s32 @!p0 s0, s11;
	_ =	swait.ge [sflag:s24], $0xFA0  }
0x14a: {  	s2 =	simm.s32 @!p0 $0x0;
	s0 =	sshrl.u32 @!p0 s0, $0x3;
	[sflag:s24] =	ssyncset.done $0x0  }
0x14b: {  	s4 =	simm.s32 @!p0 $0x18800;
	s0 =	sadd.s32 @!p0 s3, s0;
	[sflag:s24] =	ssyncadd.s32 $0xFFFFF060  }
0x14c: {  	[tilespmem:s4], [sflag:$0x1] =	stream.linear.gather @!p0 [hbm4b:s0+s2], $0xFA0, $0x38;
	[tilespmem:$0x1C800] =	vst v63  }
0x14d: {  	s6 =	simm.s32 $0x19840;
	s0 =	sadd.s32 @!p0 $0x186A0, s0;
	s4 =	simm.s32 @!p0 $0x1A800  }
0x14e: {  	[tilespmem:s4], [sflag:$0x2] =	stream.linear.gather @!p0 [hbm4b:s0+s2], $0xFA0, $0x38;
	[tilespmem:$0x1C800] =	vst v63  }
0x14f: {  	v1 =	vld [tilespmem:s6+$0x30]  }
0x150: {  	v2 =	vld [tilespmem:s6+$0xFFFFFFD0]  }
0x151: {  	v3 =	vld [tilespmem:s6+$0xFFFFFFE0]  }
0x152: {  	v4 =	vld [tilespmem:s6+$0xFFFFFFF0]  }
0x153: {  	v5 =	vld [tilespmem:s6+$0x0]  }
0x154: {  	s2 =	simm.s32 $0x1B840;
	v6 =	vld [tilespmem:s6+$0x10]  }
0x155: {  	v7 =	vld [tilespmem:s2+$0x30]  }
0x156: {  	v8 =	vld [tilespmem:s6+$0x20]  }
0x157: {  	v9 =	vld [tilespmem:s6+$0xFFFFFFC0]  }
0x158: {  	v63 =	vld [tilespmem:s2+$0xFFFFFFC0]  }
0x159: {  	v11 =	vld [tilespmem:s2+$0xFFFFFFD0]  }
0x15a: {  	v12 =	vld [tilespmem:s2+$0xFFFFFFE0]  }
0x15b: {  	v13 =	vld [tilespmem:s2+$0xFFFFFFF0]  }
0x15c: {  	v14 =	vld [tilespmem:s2+$0x0]  }
0x15d: {  	s0 =	simm.s32 $0x0;
	v15 =	vld [tilespmem:s2+$0x10]  }
0x15e: {  	v1 =	vld.idx.msk [tilespmem:v1+s0+$0x0], $0xffff  }
0x15f: {  	v10 =	vld.idx.msk [tilespmem:v2+s0+$0x0], $0xffff  }
0x160: {  	v3 =	vld.idx.msk [tilespmem:v3+s0+$0x0], $0xffff  }
0x161: {  	v4 =	vld.idx.msk [tilespmem:v4+s0+$0x0], $0xffff  }
0x162: {  	v5 =	vld.idx.msk [tilespmem:v5+s0+$0x0], $0xffff  }
0x163: {  	v62 =	vld.idx.msk [tilespmem:v9+s0+$0x0], $0xffff  }
0x164: {  	v6 =	vld.idx.msk [tilespmem:v6+s0+$0x0], $0xffff  }
0x165: {  	v2 =	vld [tilespmem:s2+$0x20]  }
0x166: {  	[tilespmem:v7+s28+$0x0] =	vst.idx.add.f32.msk $0xffff, v1  }
0x167: {  	v1 =	vld.idx.msk [tilespmem:v8+s0+$0x0], $0xffff  }
0x168: {  	[tilespmem:v63+s28+$0x0] =	vst.idx.add.f32.msk $0xffff, v62  }
0x169: {  	[tilespmem:v11+s28+$0x0] =	vst.idx.add.f32.msk $0xffff, v10  }
0x16a: {  	[tilespmem:v12+s28+$0x0] =	vst.idx.add.f32.msk $0xffff, v3  }
0x16b: {  	[tilespmem:v13+s28+$0x0] =	vst.idx.add.f32.msk $0xffff, v4  }
0x16c: {  	[tilespmem:v14+s28+$0x0] =	vst.idx.add.f32.msk $0xffff, v5  }
0x16d: {  	s5 =	simm.s32 $0x198C0;
	s4 =	simm.s32 $0x0;
	[tilespmem:v15+s28+$0x0] =	vst.idx.add.f32.msk $0xffff, v6  }
.LBB2_21:
0x16e: {  	v3 =	vld [tilespmem:s5+$0x30];
	s4 =	sadd.s32 $0x8, s4  }
0x16f: {  	v4 =	vld [tilespmem:s5+$0xFFFFFFD0];
	p0 =	slt.u32 s4, $0xF0  }
0x170: {  	v5 =	vld [tilespmem:s5+$0xFFFFFFE0]  }
0x171: {  	v6 =	vld [tilespmem:s5+$0xFFFFFFF0]  }
0x172: {  	v7 =	vld [tilespmem:s5+$0x0]  }
0x173: {  	s2 =	sadd.s32 $0x80, s2;
	v8 =	vld [tilespmem:s5+$0x10]  }
0x174: {  	v9 =	vld [tilespmem:s2+$0x30]  }
0x175: {  	v10 =	vld [tilespmem:s5+$0x20]  }
0x176: {  	v3 =	vld.idx.msk [tilespmem:v3+s0+$0x0], $0xffff  }
0x177: {  	v11 =	vld [tilespmem:s5+$0xFFFFFFC0]  }
0x178: {  	v4 =	vld.idx.msk [tilespmem:v4+s0+$0x0], $0xffff  }
0x179: {  	v5 =	vld.idx.msk [tilespmem:v5+s0+$0x0], $0xffff  }
0x17a: {  	v6 =	vld.idx.msk [tilespmem:v6+s0+$0x0], $0xffff  }
0x17b: {  	v7 =	vld.idx.msk [tilespmem:v7+s0+$0x0], $0xffff  }
0x17c: {  	[tilespmem:v9+s28+$0x0] =	vst.idx.add.f32.msk $0xffff, v3  }
0x17d: {  	v3 =	vld.idx.msk [tilespmem:v8+s0+$0x0], $0xffff  }
0x17e: {  	v8 =	vld.idx.msk [tilespmem:v10+s0+$0x0], $0xffff  }
0x17f: {  	v9 =	vld.idx.msk [tilespmem:v11+s0+$0x0], $0xffff  }
0x180: {  	v10 =	vld [tilespmem:s2+$0xFFFFFFC0]  }
0x181: {  	v11 =	vld [tilespmem:s2+$0xFFFFFFD0]  }
0x182: {  	v12 =	vld [tilespmem:s2+$0xFFFFFFE0]  }
0x183: {  	v13 =	vld [tilespmem:s2+$0xFFFFFFF0]  }
0x184: {  	v14 =	vld [tilespmem:s2+$0x0]  }
0x185: {  	v15 =	vld [tilespmem:s2+$0x10]  }
0x186: {  	v16 =	vld [tilespmem:s2+$0x20]  }
0x187: {  	[tilespmem:v2+s28+$0x0] =	vst.idx.add.f32.msk $0xffff, v1;
	v1 =	vmov v8  }
0x188: {  	[tilespmem:v10+s28+$0x0] =	vst.idx.add.f32.msk $0xffff, v9  }
.Ltmp9:
0x189: {  	[tilespmem:v11+s28+$0x0] =	vst.idx.add.f32.msk $0xffff, v4;
	(pc) =	sbr.rel @p0 .LBB2_21-.Ltmp9, $4  }
0x18a: {  	[tilespmem:v12+s28+$0x0] =	vst.idx.add.f32.msk $0xffff, v5  }
0x18b: {  	[tilespmem:v13+s28+$0x0] =	vst.idx.add.f32.msk $0xffff, v6;
	v2 =	vmov v16  }
0x18c: {  	[tilespmem:v14+s28+$0x0] =	vst.idx.add.f32.msk $0xffff, v7  }
0x18d: {  	s5 =	sadd.s32 $0x80, s5;
	[tilespmem:v15+s28+$0x0] =	vst.idx.add.f32.msk $0xffff, v3  }
0x18e: {  	_ =	sdelay $0x3  }
0x18f: {  	[tilespmem:v2+s28+$0x0] =	vst.idx.add.f32.msk $0xffff, v1  }
.LBB2_23:
0x190: {  	s2 =	sshra.s32 s0, $0x2  }
0x191: {  	v1 =	vld [tilespmem:s2+$0x1A780];
	_ =	sdelay $0x4  }
0x192: {  	v2 =	vld [tilespmem:s2+$0x1C780];
	_ =	sdelay $0x2  }
0x193: {  	p0 =	sne.s32 s0, $0x40;
	v1 =	vld.idx.msk [tilespmem:v1+s1+$0x0], $0xffff  }
.Ltmp10:
0x194: {  	_ = 	snop;
	(pc) =	sbr.rel @p0 .LBB2_23-.Ltmp10, $2  }
0x195: {  	_ =	sdelay $0x2  }
0x196: {  	s0 =	sadd.s32 $0x40, s0;
	[tilespmem:v2+s28+$0x0] =	vst.idx.add.f32.msk $0xffff, v1  }
0x197: {  	s31 =	sadd.s32 $0x1, s31  }
0x198: {  	p0 =	sne.s32 s31, $0x32  }
.Ltmp11:
0x199: {  	_ = 	snop;
	(pc) =	sbr.rel @p0 .LBB2_16-.Ltmp11, $1  }
0x19a: {  	_ =	sdelay $0x3  }
0x19b: {  	[hbm4b:s12+s18] =	stream.strided.scatter [tilespmem:s28], [sflag:$0x3], $0xC400, s19, s18, $0x38;
	[tilespmem:$0x1C800] =	vst v63  }
0x19c: {  	_ =	swait.ge [sflag:s20], $0xC400  }
0x19d: {  	[sflag:s20] =	ssyncset.done $0x0  }
0x19e: {  	[sflag:s20] =	ssyncadd.s32 $0xFFFF3C00  }
0x19f: {  	[tilespmem:s1], [sflag:$0x3] =	stream.strided.gather [hbm4b:s13+s18], $0xC400, s19, s18, $0x38;
	[tilespmem:$0x1C800] =	vst v63  }
0x1a0: {  	_ =	swait.ge [sflag:s20], $0xC400  }
0x1a1: {  	[sflag:s20] =	ssyncset.done $0x0  }
0x1a2: {  	s0 =	simm.s32 $0xC440;
	[sflag:s20] =	ssyncadd.s32 $0xFFFF3C00  }
0x1a3: {  	[tilespmem:s0+$0xFFFFFFC0] =	vst v0  }
0x1a4: {  	[tilespmem:s0+$0x30] =	vst v0  }
0x1a5: {  	[tilespmem:s0+$0x20] =	vst v0  }
0x1a6: {  	[tilespmem:s0+$0x10] =	vst v0  }
0x1a7: {  	[tilespmem:s0+$0x0] =	vst v0  }
0x1a8: {  	[tilespmem:s0+$0xFFFFFFF0] =	vst v0  }
0x1a9: {  	s2 =	simm.s32 $0x0;
	[tilespmem:s0+$0xFFFFFFE0] =	vst v0  }
.LBB2_26:
0x1aa: {  	s2 =	sadd.s32 $0x8, s2;
	[tilespmem:s0+$0xFFFFFFD0] =	vst v0;
	s0 =	sadd.s32 $0x80, s0  }
0x1ab: {  	[tilespmem:s0+$0xFFFFFFC0] =	vst v0;
	p0 =	slt.u32 s2, $0xC38  }
0x1ac: {  	[tilespmem:s0+$0x30] =	vst v0  }
.Ltmp12:
0x1ad: {  	[tilespmem:s0+$0x20] =	vst v0;
	(pc) =	sbr.rel @p0 .LBB2_26-.Ltmp12, $4  }
0x1ae: {  	[tilespmem:s0+$0x10] =	vst v0  }
0x1af: {  	[tilespmem:s0+$0x0] =	vst v0  }
0x1b0: {  	[tilespmem:s0+$0xFFFFFFF0] =	vst v0  }
0x1b1: {  	[tilespmem:s0+$0xFFFFFFE0] =	vst v0  }
0x1b2: {  	[tilespmem:s0+$0xFFFFFFD0] =	vst v0;
	s30 =	simm.s32 $0x0  }
0x1b3: {  	[tilespmem:s21], [sflag:$0x1] =	stream.linear.gather [hbm4b:s14+s30], $0xFA0, $0x38;
	[tilespmem:$0x1C800] =	vst v63  }
0x1b4: {  	s31 =	simm.s32 $0x0  }
0x1b5: {  	[tilespmem:s22], [sflag:$0x2] =	stream.linear.gather [hbm4b:s15+s30], $0xFA0, $0x38;
	[tilespmem:$0x1C800] =	vst v63  }
.LBB2_28:
0x1b6: {  	_ =	swait.ge [sflag:s23], $0xFA0  }
0x1b7: {  	s0 =	smul.u32 $0x1F40, s31;
	[sflag:s23] =	ssyncset.done $0x0  }
0x1b8: {  	[sflag:s23] =	ssyncadd.s32 $0xFFFFF060  }
0x1b9: {  	s2 =	sshrl.u32 s0, $0x3;
	_ =	swait.ge [sflag:s24], $0xFA0  }
0x1ba: {  	s2 =	sadd.s32 s3, s2;
	[sflag:s24] =	ssyncset.done $0x0  }
0x1bb: {  	s4 =	sadd.s32 $0xC544, s2;
	[sflag:s24] =	ssyncadd.s32 $0xFFFFF060  }
0x1bc: {  	[tilespmem:s25], [sflag:$0x1] =	stream.linear.gather [hbm4b:s4+s1], $0xFA0, $0x38;
	[tilespmem:$0x1C800] =	vst v63  }
0x1bd: {  	s6 =	simm.s32 $0x18840;
	s2 =	sadd.s32 $0x24BE4, s2  }
0x1be: {  	[tilespmem:s26], [sflag:$0x2] =	stream.linear.gather [hbm4b:s2+s1], $0xFA0, $0x38;
	[tilespmem:$0x1C800] =	vst v63  }
0x1bf: {  	v1 =	vld [tilespmem:s6+$0x30]  }
0x1c0: {  	v2 =	vld [tilespmem:s6+$0xFFFFFFD0]  }
0x1c1: {  	v3 =	vld [tilespmem:s6+$0xFFFFFFE0]  }
0x1c2: {  	v4 =	vld [tilespmem:s6+$0xFFFFFFF0]  }
0x1c3: {  	v5 =	vld [tilespmem:s6+$0x0]  }
0x1c4: {  	s2 =	simm.s32 $0x1A840;
	v6 =	vld [tilespmem:s6+$0x10]  }
0x1c5: {  	v7 =	vld [tilespmem:s2+$0x30]  }
0x1c6: {  	v8 =	vld [tilespmem:s6+$0x20]  }
0x1c7: {  	v9 =	vld [tilespmem:s6+$0xFFFFFFC0]  }
0x1c8: {  	v63 =	vld [tilespmem:s2+$0xFFFFFFC0]  }
0x1c9: {  	v11 =	vld [tilespmem:s2+$0xFFFFFFD0]  }
0x1ca: {  	v12 =	vld [tilespmem:s2+$0xFFFFFFE0]  }
0x1cb: {  	v13 =	vld [tilespmem:s2+$0xFFFFFFF0]  }
0x1cc: {  	v14 =	vld [tilespmem:s2+$0x0]  }
0x1cd: {  	v15 =	vld [tilespmem:s2+$0x10]  }
0x1ce: {  	v1 =	vld.idx.msk [tilespmem:v1+s30+$0x0], $0xffff  }
0x1cf: {  	v10 =	vld.idx.msk [tilespmem:v2+s30+$0x0], $0xffff  }
0x1d0: {  	v3 =	vld.idx.msk [tilespmem:v3+s30+$0x0], $0xffff  }
0x1d1: {  	v4 =	vld.idx.msk [tilespmem:v4+s30+$0x0], $0xffff  }
0x1d2: {  	v5 =	vld.idx.msk [tilespmem:v5+s30+$0x0], $0xffff  }
0x1d3: {  	v62 =	vld.idx.msk [tilespmem:v9+s30+$0x0], $0xffff  }
0x1d4: {  	v6 =	vld.idx.msk [tilespmem:v6+s30+$0x0], $0xffff  }
0x1d5: {  	v2 =	vld [tilespmem:s2+$0x20]  }
0x1d6: {  	[tilespmem:v7+s28+$0x0] =	vst.idx.add.f32.msk $0xffff, v1  }
0x1d7: {  	v1 =	vld.idx.msk [tilespmem:v8+s30+$0x0], $0xffff  }
0x1d8: {  	[tilespmem:v63+s28+$0x0] =	vst.idx.add.f32.msk $0xffff, v62  }
0x1d9: {  	[tilespmem:v11+s28+$0x0] =	vst.idx.add.f32.msk $0xffff, v10  }
0x1da: {  	[tilespmem:v12+s28+$0x0] =	vst.idx.add.f32.msk $0xffff, v3  }
0x1db: {  	[tilespmem:v13+s28+$0x0] =	vst.idx.add.f32.msk $0xffff, v4  }
0x1dc: {  	[tilespmem:v14+s28+$0x0] =	vst.idx.add.f32.msk $0xffff, v5  }
0x1dd: {  	s5 =	simm.s32 $0x188C0;
	s4 =	simm.s32 $0x0;
	[tilespmem:v15+s28+$0x0] =	vst.idx.add.f32.msk $0xffff, v6  }
.LBB2_29:
0x1de: {  	v3 =	vld [tilespmem:s5+$0x30];
	s4 =	sadd.s32 $0x8, s4  }
0x1df: {  	v4 =	vld [tilespmem:s5+$0xFFFFFFD0];
	p0 =	slt.u32 s4, $0xF0  }
0x1e0: {  	v5 =	vld [tilespmem:s5+$0xFFFFFFE0]  }
0x1e1: {  	v6 =	vld [tilespmem:s5+$0xFFFFFFF0]  }
0x1e2: {  	v7 =	vld [tilespmem:s5+$0x0]  }
0x1e3: {  	s2 =	sadd.s32 $0x80, s2;
	v8 =	vld [tilespmem:s5+$0x10]  }
0x1e4: {  	v9 =	vld [tilespmem:s2+$0x30]  }
0x1e5: {  	s6 =	simm.s32 $0x0;
	v10 =	vld [tilespmem:s5+$0x20]  }
0x1e6: {  	v3 =	vld.idx.msk [tilespmem:v3+s6+$0x0], $0xffff  }
0x1e7: {  	v11 =	vld [tilespmem:s5+$0xFFFFFFC0]  }
0x1e8: {  	v4 =	vld.idx.msk [tilespmem:v4+s6+$0x0], $0xffff  }
0x1e9: {  	v5 =	vld.idx.msk [tilespmem:v5+s6+$0x0], $0xffff  }
0x1ea: {  	v6 =	vld.idx.msk [tilespmem:v6+s6+$0x0], $0xffff  }
0x1eb: {  	v7 =	vld.idx.msk [tilespmem:v7+s6+$0x0], $0xffff  }
0x1ec: {  	[tilespmem:v9+s28+$0x0] =	vst.idx.add.f32.msk $0xffff, v3  }
0x1ed: {  	v3 =	vld.idx.msk [tilespmem:v8+s6+$0x0], $0xffff  }
0x1ee: {  	v8 =	vld.idx.msk [tilespmem:v10+s6+$0x0], $0xffff  }
0x1ef: {  	v9 =	vld.idx.msk [tilespmem:v11+s6+$0x0], $0xffff  }
0x1f0: {  	v10 =	vld [tilespmem:s2+$0xFFFFFFC0]  }
0x1f1: {  	v11 =	vld [tilespmem:s2+$0xFFFFFFD0]  }
0x1f2: {  	v12 =	vld [tilespmem:s2+$0xFFFFFFE0]  }
0x1f3: {  	v13 =	vld [tilespmem:s2+$0xFFFFFFF0]  }
0x1f4: {  	v14 =	vld [tilespmem:s2+$0x0]  }
0x1f5: {  	v15 =	vld [tilespmem:s2+$0x10]  }
0x1f6: {  	v16 =	vld [tilespmem:s2+$0x20]  }
0x1f7: {  	[tilespmem:v2+s28+$0x0] =	vst.idx.add.f32.msk $0xffff, v1;
	v1 =	vmov v8  }
0x1f8: {  	[tilespmem:v10+s28+$0x0] =	vst.idx.add.f32.msk $0xffff, v9  }
.Ltmp13:
0x1f9: {  	[tilespmem:v11+s28+$0x0] =	vst.idx.add.f32.msk $0xffff, v4;
	(pc) =	sbr.rel @p0 .LBB2_29-.Ltmp13, $4  }
0x1fa: {  	[tilespmem:v12+s28+$0x0] =	vst.idx.add.f32.msk $0xffff, v5  }
0x1fb: {  	[tilespmem:v13+s28+$0x0] =	vst.idx.add.f32.msk $0xffff, v6;
	v2 =	vmov v16  }
0x1fc: {  	[tilespmem:v14+s28+$0x0] =	vst.idx.add.f32.msk $0xffff, v7  }
0x1fd: {  	s5 =	sadd.s32 $0x80, s5;
	[tilespmem:v15+s28+$0x0] =	vst.idx.add.f32.msk $0xffff, v3  }
0x1fe: {  	_ =	sdelay $0x3  }
0x1ff: {  	[tilespmem:v2+s28+$0x0] =	vst.idx.add.f32.msk $0xffff, v1  }
.LBB2_31:
0x200: {  	s2 =	sshra.s32 s6, $0x2  }
0x201: {  	v1 =	vld [tilespmem:s2+$0x19780];
	_ =	sdelay $0x4  }
0x202: {  	v2 =	vld [tilespmem:s2+$0x1B780];
	_ =	sdelay $0x2  }
0x203: {  	p0 =	sne.s32 s6, $0x40;
	v1 =	vld.idx.msk [tilespmem:v1+s1+$0x0], $0xffff  }
.Ltmp14:
0x204: {  	_ = 	snop;
	(pc) =	sbr.rel @p0 .LBB2_31-.Ltmp14, $2  }
0x205: {  	_ =	sdelay $0x2  }
0x206: {  	s6 =	sadd.s32 $0x40, s6;
	[tilespmem:v2+s28+$0x0] =	vst.idx.add.f32.msk $0xffff, v1  }
0x207: {  	_ =	swait.ge [sflag:s23], $0xFA0  }
0x208: {  	[sflag:s23] =	ssyncset.done $0x0  }
0x209: {  	p0 =	seq.s32 s31, $0x31;
	[sflag:s23] =	ssyncadd.s32 $0xFFFFF060  }
0x20a: {  	s0 =	sshrl.u32 @!p0 s0, $0x3;
	_ =	swait.ge [sflag:s24], $0xFA0  }
0x20b: {  	s4 =	simm.s32 @!p0 $0x0;
	s0 =	sadd.s32 @!p0 s3, s0;
	[sflag:s24] =	ssyncset.done $0x0  }
0x20c: {  	s5 =	simm.s32 @!p0 $0x18800;
	s2 =	sadd.s32 @!p0 $0xC738, s0;
	[sflag:s24] =	ssyncadd.s32 $0xFFFFF060  }
0x20d: {  	[tilespmem:s5], [sflag:$0x1] =	stream.linear.gather @!p0 [hbm4b:s2+s4], $0xFA0, $0x38;
	[tilespmem:$0x1C800] =	vst v63  }
0x20e: {  	s6 =	simm.s32 $0x19840;
	s0 =	sadd.s32 @!p0 $0x24DD8, s0;
	s2 =	simm.s32 @!p0 $0x1A800  }
0x20f: {  	[tilespmem:s2], [sflag:$0x2] =	stream.linear.gather @!p0 [hbm4b:s0+s4], $0xFA0, $0x38;
	[tilespmem:$0x1C800] =	vst v63  }
0x210: {  	v1 =	vld [tilespmem:s6+$0x30]  }
0x211: {  	v2 =	vld [tilespmem:s6+$0xFFFFFFD0]  }
0x212: {  	v3 =	vld [tilespmem:s6+$0xFFFFFFE0]  }
0x213: {  	v4 =	vld [tilespmem:s6+$0xFFFFFFF0]  }
0x214: {  	v5 =	vld [tilespmem:s6+$0x0]  }
0x215: {  	s2 =	simm.s32 $0x1B840;
	v6 =	vld [tilespmem:s6+$0x10]  }
0x216: {  	v7 =	vld [tilespmem:s2+$0x30]  }
0x217: {  	v8 =	vld [tilespmem:s6+$0x20]  }
0x218: {  	v9 =	vld [tilespmem:s6+$0xFFFFFFC0]  }
0x219: {  	v63 =	vld [tilespmem:s2+$0xFFFFFFC0]  }
0x21a: {  	v11 =	vld [tilespmem:s2+$0xFFFFFFD0]  }
0x21b: {  	v12 =	vld [tilespmem:s2+$0xFFFFFFE0]  }
0x21c: {  	v13 =	vld [tilespmem:s2+$0xFFFFFFF0]  }
0x21d: {  	v14 =	vld [tilespmem:s2+$0x0]  }
0x21e: {  	s0 =	simm.s32 $0x0;
	v15 =	vld [tilespmem:s2+$0x10]  }
0x21f: {  	v1 =	vld.idx.msk [tilespmem:v1+s0+$0x0], $0xffff  }
0x220: {  	v10 =	vld.idx.msk [tilespmem:v2+s0+$0x0], $0xffff  }
0x221: {  	v3 =	vld.idx.msk [tilespmem:v3+s0+$0x0], $0xffff  }
0x222: {  	v4 =	vld.idx.msk [tilespmem:v4+s0+$0x0], $0xffff  }
0x223: {  	v5 =	vld.idx.msk [tilespmem:v5+s0+$0x0], $0xffff  }
0x224: {  	v62 =	vld.idx.msk [tilespmem:v9+s0+$0x0], $0xffff  }
0x225: {  	v6 =	vld.idx.msk [tilespmem:v6+s0+$0x0], $0xffff  }
0x226: {  	v2 =	vld [tilespmem:s2+$0x20]  }
0x227: {  	[tilespmem:v7+s28+$0x0] =	vst.idx.add.f32.msk $0xffff, v1  }
0x228: {  	v1 =	vld.idx.msk [tilespmem:v8+s0+$0x0], $0xffff  }
0x229: {  	[tilespmem:v63+s28+$0x0] =	vst.idx.add.f32.msk $0xffff, v62  }
0x22a: {  	[tilespmem:v11+s28+$0x0] =	vst.idx.add.f32.msk $0xffff, v10  }
0x22b: {  	[tilespmem:v12+s28+$0x0] =	vst.idx.add.f32.msk $0xffff, v3  }
0x22c: {  	[tilespmem:v13+s28+$0x0] =	vst.idx.add.f32.msk $0xffff, v4  }
0x22d: {  	[tilespmem:v14+s28+$0x0] =	vst.idx.add.f32.msk $0xffff, v5  }
0x22e: {  	s5 =	simm.s32 $0x198C0;
	s4 =	simm.s32 $0x0;
	[tilespmem:v15+s28+$0x0] =	vst.idx.add.f32.msk $0xffff, v6  }
.LBB2_33:
0x22f: {  	v3 =	vld [tilespmem:s5+$0x30];
	s4 =	sadd.s32 $0x8, s4  }
0x230: {  	v4 =	vld [tilespmem:s5+$0xFFFFFFD0];
	p0 =	slt.u32 s4, $0xF0  }
0x231: {  	v5 =	vld [tilespmem:s5+$0xFFFFFFE0]  }
0x232: {  	v6 =	vld [tilespmem:s5+$0xFFFFFFF0]  }
0x233: {  	v7 =	vld [tilespmem:s5+$0x0]  }
0x234: {  	s2 =	sadd.s32 $0x80, s2;
	v8 =	vld [tilespmem:s5+$0x10]  }
0x235: {  	v9 =	vld [tilespmem:s2+$0x30]  }
0x236: {  	v10 =	vld [tilespmem:s5+$0x20]  }
0x237: {  	v3 =	vld.idx.msk [tilespmem:v3+s0+$0x0], $0xffff  }
0x238: {  	v11 =	vld [tilespmem:s5+$0xFFFFFFC0]  }
0x239: {  	v4 =	vld.idx.msk [tilespmem:v4+s0+$0x0], $0xffff  }
0x23a: {  	v5 =	vld.idx.msk [tilespmem:v5+s0+$0x0], $0xffff  }
0x23b: {  	v6 =	vld.idx.msk [tilespmem:v6+s0+$0x0], $0xffff  }
0x23c: {  	v7 =	vld.idx.msk [tilespmem:v7+s0+$0x0], $0xffff  }
0x23d: {  	[tilespmem:v9+s28+$0x0] =	vst.idx.add.f32.msk $0xffff, v3  }
0x23e: {  	v3 =	vld.idx.msk [tilespmem:v8+s0+$0x0], $0xffff  }
0x23f: {  	v8 =	vld.idx.msk [tilespmem:v10+s0+$0x0], $0xffff  }
0x240: {  	v9 =	vld.idx.msk [tilespmem:v11+s0+$0x0], $0xffff  }
0x241: {  	v10 =	vld [tilespmem:s2+$0xFFFFFFC0]  }
0x242: {  	v11 =	vld [tilespmem:s2+$0xFFFFFFD0]  }
0x243: {  	v12 =	vld [tilespmem:s2+$0xFFFFFFE0]  }
0x244: {  	v13 =	vld [tilespmem:s2+$0xFFFFFFF0]  }
0x245: {  	v14 =	vld [tilespmem:s2+$0x0]  }
0x246: {  	v15 =	vld [tilespmem:s2+$0x10]  }
0x247: {  	v16 =	vld [tilespmem:s2+$0x20]  }
0x248: {  	[tilespmem:v2+s28+$0x0] =	vst.idx.add.f32.msk $0xffff, v1;
	v1 =	vmov v8  }
0x249: {  	[tilespmem:v10+s28+$0x0] =	vst.idx.add.f32.msk $0xffff, v9  }
.Ltmp15:
0x24a: {  	[tilespmem:v11+s28+$0x0] =	vst.idx.add.f32.msk $0xffff, v4;
	(pc) =	sbr.rel @p0 .LBB2_33-.Ltmp15, $4  }
0x24b: {  	[tilespmem:v12+s28+$0x0] =	vst.idx.add.f32.msk $0xffff, v5  }
0x24c: {  	[tilespmem:v13+s28+$0x0] =	vst.idx.add.f32.msk $0xffff, v6;
	v2 =	vmov v16  }
0x24d: {  	[tilespmem:v14+s28+$0x0] =	vst.idx.add.f32.msk $0xffff, v7  }
0x24e: {  	s5 =	sadd.s32 $0x80, s5;
	[tilespmem:v15+s28+$0x0] =	vst.idx.add.f32.msk $0xffff, v3  }
0x24f: {  	_ =	sdelay $0x3  }
0x250: {  	[tilespmem:v2+s28+$0x0] =	vst.idx.add.f32.msk $0xffff, v1  }
.LBB2_35:
0x251: {  	s2 =	sshra.s32 s0, $0x2  }
0x252: {  	v1 =	vld [tilespmem:s2+$0x1A780];
	_ =	sdelay $0x4  }
0x253: {  	v2 =	vld [tilespmem:s2+$0x1C780];
	_ =	sdelay $0x2  }
0x254: {  	p0 =	sne.s32 s0, $0x40;
	v1 =	vld.idx.msk [tilespmem:v1+s1+$0x0], $0xffff  }
.Ltmp16:
0x255: {  	_ = 	snop;
	(pc) =	sbr.rel @p0 .LBB2_35-.Ltmp16, $2  }
0x256: {  	_ =	sdelay $0x2  }
0x257: {  	s0 =	sadd.s32 $0x40, s0;
	[tilespmem:v2+s28+$0x0] =	vst.idx.add.f32.msk $0xffff, v1  }
0x258: {  	s31 =	sadd.s32 $0x1, s31  }
0x259: {  	p0 =	sne.s32 s31, $0x32  }
.Ltmp17:
0x25a: {  	_ = 	snop;
	(pc) =	sbr.rel @p0 .LBB2_28-.Ltmp17, $1  }
0x25b: {  	_ =	sdelay $0x3  }
0x25c: {  	s29 =	sadd.s32 $0x1, s29  }
0x25d: {  	p0 =	sne.s32 s29, s17  }
.Ltmp18:
0x25e: {  	_ = 	snop;
	(pc) =	sbr.rel @p0 .LBB2_1-.Ltmp18, $4  }
0x25f: {  	[hbm4b:s16+s18] =	stream.strided.scatter [tilespmem:s28], [sflag:$0x3], $0xC400, s19, s18, $0x38;
	[tilespmem:$0x1C800] =	vst v63  }
0x260: {  	_ =	swait.ge [sflag:s20], $0xC400  }
0x261: {  	[sflag:s20] =	ssyncset.done $0x0  }
0x262: {  	[sflag:s20] =	ssyncadd.s32 $0xFFFF3C00  }
0x263: {  	_ =	sfence.sel $0x180000  }
0x264: {  	[bflag:$0x0] =	sbarrier.arrive $0xFFFF  }
0x265: {  	_ =	strace $0x9000004D  }
0x266: {  	s0 =	stileid.u32;
	[bflag:$0x2] =	sbarrier.arrive $0xFFFF  }
0x267: {  	p0 =	sne.s32 s0, $0x0;
	s0 =	rddreg [dreg:$0x1]  }
0x268: {  	s0 =	sadd.s32 @!p0 $0x100000, s0  }
0x269: {  	[sflag:s0] =	ssyncadd.tile.s32 @!p0 $0x1;
	_ =	shalt  }
.Lfunc_end2:
_tile_overlayer_lowered:
.L_overlay_start_2:
0x26a: {  	(tag) =	ssettag $0x2  }
0x26b: {  	s0 =	rddreg [dreg:$0x0];
	s2 =	stileid.u32  }
0x26c: {  	s1 =	rddreg [dreg:$0x1];
	p0 =	sne.s32 s2, $0x0  }
0x26d: {  	s3 =	rddreg [dreg:$0x2];
	[bflag:$0x3] =	sbarrier.arrive $0xFFFF;
	s2 =	simm.s32 @!p0 $0x1C03  }
0x26e: {  	[timem:s3], [sflag:s2] =	dma.local @!p0 [hbm:s0], s1  }
0x26f: {  	s0 =	simm.s32 @!p0 $0x3  }
0x270: {  	_ =	swait.ge @!p0 [sflag:s0], s1  }
0x271: {  	s1 =	ssub.s32 @!p0 $0x0, s1;
	[sflag:s0] =	ssyncset.done @!p0 $0x0  }
0x272: {  	[sflag:s0] =	ssyncadd.s32 @!p0 s1  }
0x273: {  	[bflag:$0x3] =	sbarrier.arrive $0xFFFF  }
0x274: {  	_ =	shalt  }

// kernel: kernel.21.cloned.1.call-start
scs
__scs_entry_jumppad:
0x0: {  	(pc) =	sbr.rel $0x88, $3  }
0x1: {  	(tag) =	ssettag $0x0;
	lr =	simm.s32 $0x1  }
0x2: {  	[smem:$0x3F94] =	sst lr;
	_ =	strace $0xD0000000  }
0x3: {  	_ = 	snop  }
0x4: {  	_ = 	snop  }
0x5: {  	_ = 	snop  }
0x6: {  	_ = 	snop  }
0x7: {  	_ = 	snop  }
__scs_overlays_trampoline_lowered:
0x8: {  	[smem:$0x3FA3] =	sst s0  }
0x9: {  	[smem:$0x3FA4] =	sst s1  }
0xa: {  	[smem:$0x3FA5] =	sst s2  }
0xb: {  	[smem:$0x3FA6] =	sst s3  }
0xc: {  	[smem:$0x3FA7] =	sst s4  }
0xd: {  	[smem:$0x3FA8] =	sst s5  }
0xe: {  	[smem:$0x3FA9] =	sst s6  }
0xf: {  	[smem:$0x3FAA] =	sst s7  }
0x10: {  	[smem:$0x3FAB] =	sst s8  }
0x11: {  	[smem:$0x3FAC] =	sst s9;
	s0 =	simm.s32 @!p0 $0x0  }
0x12: {  	s1 =	sld [smem:$0x3F92];
	s0 =	simm.s32 @p0 $0x1  }
0x13: {  	[smem:$0x3FAD] =	sst s0;
	s0 =	simm.s32 @!p1 $0x0  }
0x14: {  	s2 =	sld [smem:$0x3F91];
	s0 =	simm.s32 @p1 $0x1  }
0x15: {  	[smem:$0x3FAE] =	sst s0;
	s0 =	simm.s32 @!p2 $0x0  }
0x16: {  	s3 =	sld [smem:$0x3FDB];
	s0 =	simm.s32 @p2 $0x1  }
0x17: {  	s4 =	simm.s32 $0x1BF5;
	[smem:$0x3FB0] =	sst s0  }
0x18: {  	s0 =	sld [smem:$0x3F93];
	_ =	swait.ge [sflag:s4], $0x0  }
0x19: {  	s7 =	sld [smem:$0x3F94]  }
0x1a: {  	s8 =	sadd.s32 $0xFFFFE003, lr  }
0x1b: {  	s9 =	sadd.s32 $0xFFFFFEF7, lr;
	s5 =	simm.s32 $0xFFFFFFFF;
	p2 =	slt.u32 s8, $0xFFFFF086  }
0x1c: {  	p1 =	slt.u32 s9, $0xF7A;
	s5 =	simm.s32 @!p2 $0x0  }
0x1d: {  	s5 =	simm.s32 @p1 $0x1;
	p0 =	seq.s32 s7, s2  }
0x1e: {  	s7 =	smul.u32 @!p0 $0xF7A, s2;
	p2 =	seq.s32 @!p0 s5, $0x0  }
0x1f: {  	s9 =	smul.u32 $0xF7A, s1;
	s8 =	simm.s32 @!p0 $0x1BF5;
	p2 =	por !p2, p0  }
0x20: {  	[sflag:s8] =	ssyncset.s32 @!p0 $0xFFFFF086;
	s6 =	sadd.s32 @!p0 s3, s7;
	s7 =	simm.s32 @!p0 $0x108  }
0x21: {  	s3 =	sadd.s32 s3, s9;
	s6 =	sadd.s32 @!p0 $0x88, s6;
	s7 =	simm.s32 @p2 $0x1082  }
0x22: {  	[simem:s7], [sflag:s8] =	dma.local @!p0 [hbm:s6], $0xF7A  }
0x23: {  	s9 =	sor.u32 $0xD0000000, s2;
	s6 =	simm.s32 $0x108;
	_ =	swait.ge @!p0 [sflag:s8], $0x0  }
0x24: {  	s3 =	sadd.s32 $0x88, s3;
	s6 =	simm.s32 @!p1 $0x1082;
	[sflag:s4] =	ssyncset.s32 $0xFFFFF086  }
0x25: {  	[simem:s6], [sflag:s4] =	dma.local [hbm:s3], $0xF7A  }
0x26: {  	[smem:$0x3F94] =	sst s1;
	(tag) =	ssettag s2;
	_ =	strace s9  }
0x27: {  	s1 =	sld [smem:$0x3FA4]  }
0x28: {  	s2 =	sld [smem:$0x3FA5]  }
0x29: {  	s4 =	sld [smem:$0x3FA7]  }
0x2a: {  	p0 =	seq.s32 s5, $0x0;
	s5 =	sld [smem:$0x3FA8]  }
0x2b: {  	s6 =	sld [smem:$0x3FA9]  }
0x2c: {  	s7 =	sld [smem:$0x3FAA]  }
0x2d: {  	s3 =	simm.s32 $0x108;
	s8 =	sld [smem:$0x3FAB]  }
0x2e: {  	s3 =	simm.s32 @!p0 $0x1082;
	s9 =	sld [smem:$0x3FAC]  }
0x2f: {  	lr =	sadd.s32 s0, s3;
	s0 =	sld [smem:$0x3FA3]  }
0x30: {  	s3 =	sld [smem:$0x3FA6]  }
0x31: {  	[smem:$0x3FAF] =	sst s10  }
0x32: {  	s10 =	sld [smem:$0x3FAD];
	_ =	sdelay $0x3  }
0x33: {  	p0 =	seq.s32 s10, $0x1;
	s10 =	sld [smem:$0x3FAF];
	_ =	sdelay $0x3  }
0x34: {  	[smem:$0x3FAF] =	sst s10  }
0x35: {  	s10 =	sld [smem:$0x3FAE];
	_ =	sdelay $0x3  }
0x36: {  	p1 =	seq.s32 s10, $0x1;
	s10 =	sld [smem:$0x3FAF];
	_ =	sdelay $0x3  }
0x37: {  	[smem:$0x3FAF] =	sst s10  }
0x38: {  	s10 =	sld [smem:$0x3FB0]  }
0x39: {  	_ = 	snop;
	(pc) =	sbr.ind lr, $3  }
0x3a: {  	_ = 	snop  }
0x3b: {  	_ = 	snop  }
0x3c: {  	p2 =	seq.s32 s10, $0x1;
	s10 =	sld [smem:$0x3FAF]  }
0x3d: {  	_ =	shalt  }
0x3e: {  	_ =	shalt  }
0x3f: {  	_ =	shalt  }
0x40: {  	_ =	shalt  }
0x41: {  	_ =	shalt  }
0x42: {  	_ =	shalt  }
0x43: {  	_ =	shalt  }
0x44: {  	_ =	shalt  }
0x45: {  	_ =	shalt  }
0x46: {  	_ =	shalt  }
0x47: {  	_ =	shalt  }
0x48: {  	_ =	shalt  }
0x49: {  	_ =	shalt  }
0x4a: {  	_ =	shalt  }
0x4b: {  	_ =	shalt  }
0x4c: {  	_ =	shalt  }
0x4d: {  	_ =	shalt  }
0x4e: {  	_ =	shalt  }
0x4f: {  	_ =	shalt  }
0x50: {  	_ =	shalt  }
0x51: {  	_ =	shalt  }
0x52: {  	_ =	shalt  }
0x53: {  	_ =	shalt  }
0x54: {  	_ =	shalt  }
0x55: {  	_ =	shalt  }
0x56: {  	_ =	shalt  }
0x57: {  	_ =	shalt  }
0x58: {  	_ =	shalt  }
0x59: {  	_ =	shalt  }
0x5a: {  	_ =	shalt  }
0x5b: {  	_ =	shalt  }
0x5c: {  	_ =	shalt  }
0x5d: {  	_ =	shalt  }
0x5e: {  	_ =	shalt  }
0x5f: {  	_ =	shalt  }
0x60: {  	_ =	shalt  }
0x61: {  	_ =	shalt  }
0x62: {  	_ =	shalt  }
0x63: {  	_ =	shalt  }
0x64: {  	_ =	shalt  }
0x65: {  	_ =	shalt  }
0x66: {  	_ =	shalt  }
0x67: {  	_ =	shalt  }
0x68: {  	_ =	shalt  }
0x69: {  	_ =	shalt  }
0x6a: {  	_ =	shalt  }
0x6b: {  	_ =	shalt  }
0x6c: {  	_ =	shalt  }
0x6d: {  	_ =	shalt  }
0x6e: {  	_ =	shalt  }
0x6f: {  	_ =	shalt  }
0x70: {  	_ =	shalt  }
0x71: {  	_ =	shalt  }
0x72: {  	_ =	shalt  }
0x73: {  	_ =	shalt  }
0x74: {  	_ =	shalt  }
0x75: {  	_ =	shalt  }
0x76: {  	_ =	shalt  }
0x77: {  	_ =	shalt  }
0x78: {  	_ =	shalt  }
0x79: {  	_ =	shalt  }
0x7a: {  	_ =	shalt  }
0x7b: {  	_ =	shalt  }
0x7c: {  	_ =	shalt  }
0x7d: {  	_ =	shalt  }
0x7e: {  	_ =	shalt  }
0x7f: {  	_ =	shalt  }
0x80: {  	_ =	shalt  }
0x81: {  	_ =	shalt  }
0x82: {  	_ =	shalt  }
0x83: {  	_ =	shalt  }
0x84: {  	_ =	shalt  }
0x85: {  	_ =	shalt  }
0x86: {  	_ =	shalt  }
0x87: {  	_ =	shalt  }
.Lfunc_end0:
.L_simem_size_0:
called_computation.3_lowered:
.L_overlay_start_0:
0x88: {  	s2 =	sld [smem:$0x3FD9]  }
0x89: {  	s3 =	sld [smem:$0x3FFE];
	_ =	sdelay $0x1  }
0x8a: {  	s1 =	srdreg.scid  }
0x8b: {  	s0 =	sand.u32 $0x1, s1  }
0x8c: {  	s16 =	sshll.u32 s0, $0xA;
	s2 =	sadd.s32 s3, s2  }
0x8d: {  	s2 =	sadd.s32 s2, s16  }
0x8e: {  	[smem:$0x3FBB] =	sst s2  }
0x8f: {  	_ = 	snop  }
0x90: {  	(tm) =	ssettm $0x1  }
0x91: {  	s17 =	sld [smem:$0x3FFB];
	_ =	sdelay $0x3  }
0x92: {  	_ =	strace s17  }
0x93: {  	s2 =	sld [smem:$0x3FFC];
	_ =	sdelay $0x3  }
0x94: {  	_ =	strace s2  }
0x95: {  	s2 =	sld [smem:$0x3FFD];
	_ =	sdelay $0x3  }
0x96: {  	_ =	strace s2  }
0x97: {  	_ =	strace $0x8FFFFFFF  }
0x98: {  	s18 =	sld [smem:$0x3FDB];
	_ =	sdelay $0x1  }
0x99: {  	s19 =	simm.s32 $_scs_section_size  }
0x9a: {  	s4 =	simm.s32 $_size__tile_overlayer_lowered;
	s5 =	simm.s32 $_tile_overlayer_lowered  }
0x9b: {  	s22 =	simm.s32 $0x1BFF;
	s21 =	sshll.u32 s5, $0x1;
	s2 =	sadd.s32 s19, s18  }
0x9c: {  	s6 =	simm.s32 $0x0;
	s20 =	sshll.u32 s4, $0x1;
	s4 =	sadd.s32 s21, s2  }
0x9d: {  	[timem:s6], [sflag:s22] =	dma.local [hbm:s4], s20  }
0x9e: {  	_ =	swait.ge [sflag:s22], s20  }
0x9f: {  	s3 =	ssub.s32 $0x0, s20;
	[sflag:s22] =	ssyncset.done $0x0  }
0xa0: {  	[sflag:s22] =	ssyncadd.s32 s3;
	_ =	sdelay $0x1  }
0xa1: {  	s23 =	simm.s32 $0x1B8B  }
0xa2: {  	_ =	swait.ge [sflag:s23], $0x1  }
0xa3: {  	[sflag:s23] =	ssyncset.done $0x0  }
0xa4: {  	s25 =	simm.s32 $0x1B8E;
	s24 =	sld [smem:$0x3FFE];
	[sflag:s23] =	ssyncadd.s32 $0xFFFFFFFF  }
0xa5: {  	s26 =	simm.s32 $execute0_lowered;
	[smem:$0x3FD2] =	sst s25  }
0xa6: {  	s4 =	sshll.u32 s26, $0x1;
	_ =	strace $0x8000004F;
	[dreg:$0x1] =	wrdreg $0xFFFFFFFF  }
0xa7: {  	s28 =	simm.s32 $_size_execute0_lowered;
	s2 =	sadd.s32 s2, s4;
	[dreg:$0x0] =	wrdreg $0x0  }
0xa8: {  	s4 =	sshll.u32 s28, $0x1;
	[dreg:$0x2] =	wrdreg s2  }
0xa9: {  	[dreg:$0x3] =	wrdreg s4  }
0xaa: {  	[dreg:$0x4] =	wrdreg $0xC0  }
0xab: {  	_ =	task [dreg:s6], $0x5FFFF  }
0xac: {  	[dreg:$0x1] =	wrdreg $0xFFFFFFFF  }
0xad: {  	[dreg:$0x0] =	wrdreg $0x60  }
0xae: {  	[dreg:$0x2] =	wrdreg s24  }
0xaf: {  	[dreg:$0x3] =	wrdreg $0x9  }
0xb0: {  	_ =	task.clear_ibuf [dreg:s6], $0x4FFFF;
	_ =	strace $0x9000004F  }
0xb1: {  	s29 =	simm.s32 $0x9;
	_ =	strace $0x80000051  }
0xb2: {  	_ =	swait.ge [sflag:s29], $0x1  }
0xb3: {  	[sflag:s29] =	ssyncadd.s32 $0xFFFFFFFF  }
0xb4: {  	_ =	strace $0x90000051  }
0xb5: {  	_ =	sfence  }
0xb6: {  	s30 =	sld [smem:$0x0];
	_ =	sdelay $0x2  }
0xb7: {  	s31 =	sshll.u32 s1, $0xD;
	s1 =	sshrl.u32 s1, $0x2  }
0xb8: {  	s3 =	sand.u32 $0x4000, s31;
	s1 =	sadd.s32 s1, s30  }
0xb9: {  	s0 =	sor.u32 s3, s0;
	s1 =	sshll.u32 s1, $0x11  }
0xba: {  	s0 =	sor.u32 s1, s0  }
0xbb: {  	s0 =	sadd.s32 $0x8F2B, s0  }
0xbc: {  	[sflag:s0] =	ssyncadd.remote.s32 $0x1  }
0xbd: {  	_ =	sfence.sel $0xFFFF  }
0xbe: {  	[dreg:$0x0] =	wrdreg $0xFFFFFFFF;
	(pc) =	sbr.abs _section_cstart, $3  }
0xbf: {  	[dreg:$0x1] =	wrdreg $0xFFFFFFFF  }
0xc0: {  	_ =	task.clear_ibuf [dreg:s6], $0x2FFFF;
	_ =	strace $0x9FFFFFFF  }
0xc1: {  	(tm) =	ssettm $0x7FFFFFFF  }
tec
execute0_lowered:
.L_overlay_start_1:
0x0: {  	(tag) =	ssettag $0x1  }
0x1: {  	s0 =	srdreg.scid;
	s26 =	stileid.u32  }
0x2: {  	s4 =	rddreg [dreg:$0x0];
	s2 =	simm.s32 $0x0;
	s17 =	simm.s32 $0x80  }
0x3: {  	s18 =	simm.s32 $0x200;
	s0 =	sand.u32 $0x1, s0;
	s1 =	sshll.u32 s26, $0x1  }
0x4: {  	s19 =	simm.s32 $0x3;
	s20 =	simm.s32 $0x18800;
	s1 =	sor.u32 s0, s1  }
0x5: {  	s28 =	simm.s32 $0x0;
	[smem:$0x7FF] =	sst s2;
	s3 =	smul.u32 $0x56, s1  }
0x6: {  	s10 =	sadd.s32 $0x34000, s4;
	s12 =	sadd.s32 $0x3A200, s4;
	p0 =	sgt.u32 s26, $0xD  }
0x7: {  	s26 =	simm.s32 $0xC400;
	s0 =	ssub.s32 $0x2, s0;
	s5 =	sshrl.u32 s3, $0x8  }
0x8: {  	_ =	strace $0x80000050;
	s21 =	sshrl.u32 s0, $0x1;
	s6 =	smul.u32 $0x3, s5  }
0x9: {  	s0 =	ssub.s32 s0, s21;
	s21 =	simm.s32 $0x1A800;
	s8 =	smul.u32 $0x9C40, s5  }
0xa: {  	s3 =	sadd.s32 $0x3200, s4;
	s16 =	smax.u32 s0, $0x1;
	s11 =	smul.u32 $0x31000, s5  }
0xb: {  	s6 =	ssub.s32 s1, s6;
	s1 =	sor.u32 $0x20, s1;
	s24 =	sshrl.u32 s8, $0x3  }
0xc: {  	s22 =	sand.u32 $0xFF, s6;
	s23 =	smul.u32 $0x56, s1;
	s4 =	sadd.s32 s3, s24  }
0xd: {  	s24 =	simm.s32 $0x19800;
	s9 =	sshll.u32 s22, $0x7;
	s7 =	sshll.u32 s22, $0x4  }
0xe: {  	s6 =	sadd.s32 $0x186A0, s4;
	s22 =	simm.s32 $0x1;
	s13 =	sshrl.u32 s23, $0x8  }
0xf: {  	s5 =	sadd.s32 s10, s7;
	s7 =	sadd.s32 $0xFA0, s8;
	s14 =	smul.u32 $0x3, s13  }
0x10: {  	s8 =	sadd.s32 $0x1F40, s8;
	s9 =	sor.u32 s9, s11;
	s25 =	smul.u32 $0x9C40, s13  }
0x11: {  	s23 =	simm.s32 $0x2;
	s9 =	sshrl.u32 s9, $0x3;
	s13 =	smul.u32 $0x31000, s13  }
0x12: {  	s9 =	sadd.s32 s12, s9;
	s1 =	ssub.s32 s1, s14;
	s29 =	sshrl.u32 s25, $0x3  }
.Ltmp0:
0x13: {  	s1 =	sand.u32 $0xFF, s1;
	s11 =	sadd.s32 s3, s29;
	(pc) =	sbr.rel .LBB2_1-.Ltmp0, $4  }
0x14: {  	s15 =	sshll.u32 s1, $0x7;
	s1 =	sshll.u32 s1, $0x4;
	s31 =	sadd.s32 $0x186A0, s11  }
0x15: {  	s1 =	sadd.s32 s10, s1;
	s30 =	sor.u32 s15, s13;
	[dreg:$0x3] =	wrdreg s31  }
0x16: {  	s14 =	sadd.s32 $0x1F40, s25;
	[dreg:$0x2] =	wrdreg s1;
	s1 =	sshrl.u32 s30, $0x3  }
0x17: {  	v0 =	vimm.f32 $0.0e+00;
	s13 =	sadd.s32 $0xFA0, s25;
	s25 =	simm.s32 $0x1B800;
	s15 =	sadd.s32 s12, s1  }
.LBB2_27:
0x18: {  	s28 =	sadd.s32 $0x1, s28  }
0x19: {  	p1 =	sne.s32 s28, s16  }
.Ltmp1:
0x1a: {  	_ = 	snop;
	(pc) =	sbr.rel @!p1 .LBB2_28-.Ltmp1, $1  }
0x1b: {  	_ =	sdelay $0x3  }
.LBB2_1:
0x1c: {  	[tilespmem:s2], [sflag:$0x3] =	stream.strided.gather [hbm4b:s5+s17], $0xC400, s18, s17, $0x38;
	[tilespmem:$0x1C800] =	vst v63  }
0x1d: {  	_ =	swait.ge [sflag:s19], $0xC400  }
0x1e: {  	[sflag:s19] =	ssyncset.done $0x0  }
0x1f: {  	s0 =	simm.s32 $0xC440;
	[sflag:s19] =	ssyncadd.s32 $0xFFFF3C00  }
0x20: {  	[tilespmem:s0+$0xFFFFFFC0] =	vst v0  }
0x21: {  	[tilespmem:s0+$0x30] =	vst v0  }
0x22: {  	[tilespmem:s0+$0x20] =	vst v0  }
0x23: {  	[tilespmem:s0+$0x10] =	vst v0  }
0x24: {  	[tilespmem:s0+$0x0] =	vst v0  }
0x25: {  	[tilespmem:s0+$0xFFFFFFF0] =	vst v0  }
0x26: {  	s1 =	simm.s32 $0x0;
	[tilespmem:s0+$0xFFFFFFE0] =	vst v0  }
.LBB2_2:
0x27: {  	s1 =	sadd.s32 $0x8, s1;
	[tilespmem:s0+$0xFFFFFFD0] =	vst v0;
	s0 =	sadd.s32 $0x80, s0  }
0x28: {  	[tilespmem:s0+$0xFFFFFFC0] =	vst v0;
	p1 =	slt.u32 s1, $0xC38  }
0x29: {  	[tilespmem:s0+$0x30] =	vst v0  }
.Ltmp2:
0x2a: {  	[tilespmem:s0+$0x20] =	vst v0;
	(pc) =	sbr.rel @p1 .LBB2_2-.Ltmp2, $4  }
0x2b: {  	[tilespmem:s0+$0x10] =	vst v0  }
0x2c: {  	[tilespmem:s0+$0x0] =	vst v0  }
0x2d: {  	[tilespmem:s0+$0xFFFFFFF0] =	vst v0  }
0x2e: {  	[tilespmem:s0+$0xFFFFFFE0] =	vst v0  }
0x2f: {  	[tilespmem:s0+$0xFFFFFFD0] =	vst v0;
	s29 =	simm.s32 $0x0  }
0x30: {  	[tilespmem:s20], [sflag:$0x1] =	stream.linear.gather [hbm4b:s4+s29], $0xFA0, $0x38;
	[tilespmem:$0x1C800] =	vst v63  }
0x31: {  	s30 =	simm.s32 $0x0  }
0x32: {  	[tilespmem:s21], [sflag:$0x2] =	stream.linear.gather [hbm4b:s6+s29], $0xFA0, $0x38;
	[tilespmem:$0x1C800] =	vst v63  }
.LBB2_4:
0x33: {  	_ =	swait.ge [sflag:s22], $0xFA0  }
0x34: {  	s31 =	smul.u32 $0x1F40, s30;
	[sflag:s22] =	ssyncset.done $0x0  }
0x35: {  	[sflag:s22] =	ssyncadd.s32 $0xFFFFF060  }
0x36: {  	s0 =	sadd.s32 s31, s7;
	_ =	swait.ge [sflag:s23], $0xFA0  }
0x37: {  	s0 =	sshrl.u32 s0, $0x3;
	[sflag:s23] =	ssyncset.done $0x0  }
0x38: {  	s0 =	sadd.s32 s3, s0;
	[sflag:s23] =	ssyncadd.s32 $0xFFFFF060  }
0x39: {  	[tilespmem:s24], [sflag:$0x1] =	stream.linear.gather [hbm4b:s0+s2], $0xFA0, $0x38;
	[tilespmem:$0x1C800] =	vst v63  }
0x3a: {  	s12 =	simm.s32 $0x18840;
	s0 =	sadd.s32 $0x186A0, s0  }
0x3b: {  	[tilespmem:s25], [sflag:$0x2] =	stream.linear.gather [hbm4b:s0+s2], $0xFA0, $0x38;
	[tilespmem:$0x1C800] =	vst v63  }
0x3c: {  	v1 =	vld [tilespmem:s12+$0x30]  }
0x3d: {  	v2 =	vld [tilespmem:s12+$0xFFFFFFD0]  }
0x3e: {  	v3 =	vld [tilespmem:s12+$0xFFFFFFE0]  }
0x3f: {  	v4 =	vld [tilespmem:s12+$0xFFFFFFF0]  }
0x40: {  	v5 =	vld [tilespmem:s12+$0x0]  }
0x41: {  	s1 =	simm.s32 $0x1A840;
	v6 =	vld [tilespmem:s12+$0x10]  }
0x42: {  	v7 =	vld [tilespmem:s1+$0x30]  }
0x43: {  	v8 =	vld [tilespmem:s12+$0x20]  }
0x44: {  	v9 =	vld [tilespmem:s12+$0xFFFFFFC0]  }
0x45: {  	v63 =	vld [tilespmem:s1+$0xFFFFFFC0]  }
0x46: {  	v11 =	vld [tilespmem:s1+$0xFFFFFFD0]  }
0x47: {  	v12 =	vld [tilespmem:s1+$0xFFFFFFE0]  }
0x48: {  	v13 =	vld [tilespmem:s1+$0xFFFFFFF0]  }
0x49: {  	v14 =	vld [tilespmem:s1+$0x0]  }
0x4a: {  	v15 =	vld [tilespmem:s1+$0x10]  }
0x4b: {  	v1 =	vld.idx.msk [tilespmem:v1+s29+$0x0], $0xffff  }
0x4c: {  	v10 =	vld.idx.msk [tilespmem:v2+s29+$0x0], $0xffff  }
0x4d: {  	v3 =	vld.idx.msk [tilespmem:v3+s29+$0x0], $0xffff  }
0x4e: {  	v4 =	vld.idx.msk [tilespmem:v4+s29+$0x0], $0xffff  }
0x4f: {  	v5 =	vld.idx.msk [tilespmem:v5+s29+$0x0], $0xffff  }
0x50: {  	v62 =	vld.idx.msk [tilespmem:v9+s29+$0x0], $0xffff  }
0x51: {  	v6 =	vld.idx.msk [tilespmem:v6+s29+$0x0], $0xffff  }
0x52: {  	v2 =	vld [tilespmem:s1+$0x20]  }
0x53: {  	[tilespmem:v7+s26+$0x0] =	vst.idx.add.f32.msk $0xffff, v1  }
0x54: {  	v1 =	vld.idx.msk [tilespmem:v8+s29+$0x0], $0xffff  }
0x55: {  	[tilespmem:v63+s26+$0x0] =	vst.idx.add.f32.msk $0xffff, v62  }
0x56: {  	[tilespmem:v11+s26+$0x0] =	vst.idx.add.f32.msk $0xffff, v10  }
0x57: {  	[tilespmem:v12+s26+$0x0] =	vst.idx.add.f32.msk $0xffff, v3  }
0x58: {  	[tilespmem:v13+s26+$0x0] =	vst.idx.add.f32.msk $0xffff, v4  }
0x59: {  	[tilespmem:v14+s26+$0x0] =	vst.idx.add.f32.msk $0xffff, v5  }
0x5a: {  	s10 =	simm.s32 $0x188C0;
	s0 =	simm.s32 $0x0;
	[tilespmem:v15+s26+$0x0] =	vst.idx.add.f32.msk $0xffff, v6  }
.LBB2_5:
0x5b: {  	v3 =	vld [tilespmem:s10+$0x30];
	s0 =	sadd.s32 $0x8, s0  }
0x5c: {  	v4 =	vld [tilespmem:s10+$0xFFFFFFD0];
	p1 =	slt.u32 s0, $0xF0  }
0x5d: {  	v5 =	vld [tilespmem:s10+$0xFFFFFFE0]  }
0x5e: {  	v6 =	vld [tilespmem:s10+$0xFFFFFFF0]  }
0x5f: {  	v7 =	vld [tilespmem:s10+$0x0]  }
0x60: {  	s1 =	sadd.s32 $0x80, s1;
	v8 =	vld [tilespmem:s10+$0x10]  }
0x61: {  	v9 =	vld [tilespmem:s1+$0x30]  }
0x62: {  	s12 =	simm.s32 $0x0;
	v10 =	vld [tilespmem:s10+$0x20]  }
0x63: {  	v3 =	vld.idx.msk [tilespmem:v3+s12+$0x0], $0xffff  }
0x64: {  	v11 =	vld [tilespmem:s10+$0xFFFFFFC0]  }
0x65: {  	v4 =	vld.idx.msk [tilespmem:v4+s12+$0x0], $0xffff  }
0x66: {  	v5 =	vld.idx.msk [tilespmem:v5+s12+$0x0], $0xffff  }
0x67: {  	v6 =	vld.idx.msk [tilespmem:v6+s12+$0x0], $0xffff  }
0x68: {  	v7 =	vld.idx.msk [tilespmem:v7+s12+$0x0], $0xffff  }
0x69: {  	[tilespmem:v9+s26+$0x0] =	vst.idx.add.f32.msk $0xffff, v3  }
0x6a: {  	v3 =	vld.idx.msk [tilespmem:v8+s12+$0x0], $0xffff  }
0x6b: {  	v8 =	vld.idx.msk [tilespmem:v10+s12+$0x0], $0xffff  }
0x6c: {  	v9 =	vld.idx.msk [tilespmem:v11+s12+$0x0], $0xffff  }
0x6d: {  	v10 =	vld [tilespmem:s1+$0xFFFFFFC0]  }
0x6e: {  	v11 =	vld [tilespmem:s1+$0xFFFFFFD0]  }
0x6f: {  	v12 =	vld [tilespmem:s1+$0xFFFFFFE0]  }
0x70: {  	v13 =	vld [tilespmem:s1+$0xFFFFFFF0]  }
0x71: {  	v14 =	vld [tilespmem:s1+$0x0]  }
0x72: {  	v15 =	vld [tilespmem:s1+$0x10]  }
0x73: {  	v16 =	vld [tilespmem:s1+$0x20]  }
0x74: {  	[tilespmem:v2+s26+$0x0] =	vst.idx.add.f32.msk $0xffff, v1;
	v1 =	vmov v8  }
0x75: {  	[tilespmem:v10+s26+$0x0] =	vst.idx.add.f32.msk $0xffff, v9  }
.Ltmp3:
0x76: {  	[tilespmem:v11+s26+$0x0] =	vst.idx.add.f32.msk $0xffff, v4;
	(pc) =	sbr.rel @p1 .LBB2_5-.Ltmp3, $4  }
0x77: {  	[tilespmem:v12+s26+$0x0] =	vst.idx.add.f32.msk $0xffff, v5  }
0x78: {  	[tilespmem:v13+s26+$0x0] =	vst.idx.add.f32.msk $0xffff, v6;
	v2 =	vmov v16  }
0x79: {  	[tilespmem:v14+s26+$0x0] =	vst.idx.add.f32.msk $0xffff, v7  }
0x7a: {  	s10 =	sadd.s32 $0x80, s10;
	[tilespmem:v15+s26+$0x0] =	vst.idx.add.f32.msk $0xffff, v3  }
0x7b: {  	_ =	sdelay $0x3  }
0x7c: {  	[tilespmem:v2+s26+$0x0] =	vst.idx.add.f32.msk $0xffff, v1  }
.LBB2_7:
0x7d: {  	s0 =	sshra.s32 s12, $0x2  }
0x7e: {  	v1 =	vld [tilespmem:s0+$0x19780];
	_ =	sdelay $0x4  }
0x7f: {  	v2 =	vld [tilespmem:s0+$0x1B780];
	_ =	sdelay $0x2  }
0x80: {  	p1 =	sne.s32 s12, $0x40;
	v1 =	vld.idx.msk [tilespmem:v1+s2+$0x0], $0xffff  }
.Ltmp4:
0x81: {  	_ = 	snop;
	(pc) =	sbr.rel @p1 .LBB2_7-.Ltmp4, $2  }
0x82: {  	_ =	sdelay $0x2  }
0x83: {  	s12 =	sadd.s32 $0x40, s12;
	[tilespmem:v2+s26+$0x0] =	vst.idx.add.f32.msk $0xffff, v1  }
0x84: {  	_ =	swait.ge [sflag:s22], $0xFA0  }
0x85: {  	[sflag:s22] =	ssyncset.done $0x0  }
0x86: {  	p1 =	seq.s32 s30, $0x4;
	[sflag:s22] =	ssyncadd.s32 $0xFFFFF060  }
0x87: {  	s0 =	sadd.s32 @!p1 s31, s8;
	_ =	swait.ge [sflag:s23], $0xFA0  }
0x88: {  	s1 =	simm.s32 @!p1 $0x0;
	s0 =	sshrl.u32 @!p1 s0, $0x3;
	[sflag:s23] =	ssyncset.done $0x0  }
0x89: {  	s10 =	simm.s32 @!p1 $0x18800;
	s0 =	sadd.s32 @!p1 s3, s0;
	[sflag:s23] =	ssyncadd.s32 $0xFFFFF060  }
0x8a: {  	[tilespmem:s10], [sflag:$0x1] =	stream.linear.gather @!p1 [hbm4b:s0+s1], $0xFA0, $0x38;
	[tilespmem:$0x1C800] =	vst v63  }
0x8b: {  	s12 =	simm.s32 $0x19840;
	s0 =	sadd.s32 @!p1 $0x186A0, s0;
	s10 =	simm.s32 @!p1 $0x1A800  }
0x8c: {  	[tilespmem:s10], [sflag:$0x2] =	stream.linear.gather @!p1 [hbm4b:s0+s1], $0xFA0, $0x38;
	[tilespmem:$0x1C800] =	vst v63  }
0x8d: {  	v1 =	vld [tilespmem:s12+$0x30]  }
0x8e: {  	v2 =	vld [tilespmem:s12+$0xFFFFFFD0]  }
0x8f: {  	v3 =	vld [tilespmem:s12+$0xFFFFFFE0]  }
0x90: {  	v4 =	vld [tilespmem:s12+$0xFFFFFFF0]  }
0x91: {  	v5 =	vld [tilespmem:s12+$0x0]  }
0x92: {  	s1 =	simm.s32 $0x1B840;
	v6 =	vld [tilespmem:s12+$0x10]  }
0x93: {  	v7 =	vld [tilespmem:s1+$0x30]  }
0x94: {  	v8 =	vld [tilespmem:s12+$0x20]  }
0x95: {  	v9 =	vld [tilespmem:s12+$0xFFFFFFC0]  }
0x96: {  	v63 =	vld [tilespmem:s1+$0xFFFFFFC0]  }
0x97: {  	v11 =	vld [tilespmem:s1+$0xFFFFFFD0]  }
0x98: {  	v12 =	vld [tilespmem:s1+$0xFFFFFFE0]  }
0x99: {  	v13 =	vld [tilespmem:s1+$0xFFFFFFF0]  }
0x9a: {  	v14 =	vld [tilespmem:s1+$0x0]  }
0x9b: {  	s31 =	simm.s32 $0x0;
	v15 =	vld [tilespmem:s1+$0x10]  }
0x9c: {  	v1 =	vld.idx.msk [tilespmem:v1+s31+$0x0], $0xffff  }
0x9d: {  	v10 =	vld.idx.msk [tilespmem:v2+s31+$0x0], $0xffff  }
0x9e: {  	v3 =	vld.idx.msk [tilespmem:v3+s31+$0x0], $0xffff  }
0x9f: {  	v4 =	vld.idx.msk [tilespmem:v4+s31+$0x0], $0xffff  }
0xa0: {  	v5 =	vld.idx.msk [tilespmem:v5+s31+$0x0], $0xffff  }
0xa1: {  	v62 =	vld.idx.msk [tilespmem:v9+s31+$0x0], $0xffff  }
0xa2: {  	v6 =	vld.idx.msk [tilespmem:v6+s31+$0x0], $0xffff  }
0xa3: {  	v2 =	vld [tilespmem:s1+$0x20]  }
0xa4: {  	[tilespmem:v7+s26+$0x0] =	vst.idx.add.f32.msk $0xffff, v1  }
0xa5: {  	v1 =	vld.idx.msk [tilespmem:v8+s31+$0x0], $0xffff  }
0xa6: {  	[tilespmem:v63+s26+$0x0] =	vst.idx.add.f32.msk $0xffff, v62  }
0xa7: {  	[tilespmem:v11+s26+$0x0] =	vst.idx.add.f32.msk $0xffff, v10  }
0xa8: {  	[tilespmem:v12+s26+$0x0] =	vst.idx.add.f32.msk $0xffff, v3  }
0xa9: {  	[tilespmem:v13+s26+$0x0] =	vst.idx.add.f32.msk $0xffff, v4  }
0xaa: {  	[tilespmem:v14+s26+$0x0] =	vst.idx.add.f32.msk $0xffff, v5  }
0xab: {  	s0 =	simm.s32 $0x0;
	s10 =	simm.s32 $0x198C0;
	[tilespmem:v15+s26+$0x0] =	vst.idx.add.f32.msk $0xffff, v6  }
.LBB2_9:
0xac: {  	v3 =	vld [tilespmem:s10+$0x30];
	s0 =	sadd.s32 $0x8, s0  }
0xad: {  	v4 =	vld [tilespmem:s10+$0xFFFFFFD0];
	p1 =	slt.u32 s0, $0xF0  }
0xae: {  	v5 =	vld [tilespmem:s10+$0xFFFFFFE0]  }
0xaf: {  	v6 =	vld [tilespmem:s10+$0xFFFFFFF0]  }
0xb0: {  	v7 =	vld [tilespmem:s10+$0x0]  }
0xb1: {  	s1 =	sadd.s32 $0x80, s1;
	v8 =	vld [tilespmem:s10+$0x10]  }
0xb2: {  	v9 =	vld [tilespmem:s1+$0x30]  }
0xb3: {  	v10 =	vld [tilespmem:s10+$0x20]  }
0xb4: {  	v3 =	vld.idx.msk [tilespmem:v3+s31+$0x0], $0xffff  }
0xb5: {  	v11 =	vld [tilespmem:s10+$0xFFFFFFC0]  }
0xb6: {  	v4 =	vld.idx.msk [tilespmem:v4+s31+$0x0], $0xffff  }
0xb7: {  	v5 =	vld.idx.msk [tilespmem:v5+s31+$0x0], $0xffff  }
0xb8: {  	v6 =	vld.idx.msk [tilespmem:v6+s31+$0x0], $0xffff  }
0xb9: {  	v7 =	vld.idx.msk [tilespmem:v7+s31+$0x0], $0xffff  }
0xba: {  	[tilespmem:v9+s26+$0x0] =	vst.idx.add.f32.msk $0xffff, v3  }
0xbb: {  	v3 =	vld.idx.msk [tilespmem:v8+s31+$0x0], $0xffff  }
0xbc: {  	v8 =	vld.idx.msk [tilespmem:v10+s31+$0x0], $0xffff  }
0xbd: {  	v9 =	vld.idx.msk [tilespmem:v11+s31+$0x0], $0xffff  }
0xbe: {  	v10 =	vld [tilespmem:s1+$0xFFFFFFC0]  }
0xbf: {  	v11 =	vld [tilespmem:s1+$0xFFFFFFD0]  }
0xc0: {  	v12 =	vld [tilespmem:s1+$0xFFFFFFE0]  }
0xc1: {  	v13 =	vld [tilespmem:s1+$0xFFFFFFF0]  }
0xc2: {  	v14 =	vld [tilespmem:s1+$0x0]  }
0xc3: {  	v15 =	vld [tilespmem:s1+$0x10]  }
0xc4: {  	v16 =	vld [tilespmem:s1+$0x20]  }
0xc5: {  	[tilespmem:v2+s26+$0x0] =	vst.idx.add.f32.msk $0xffff, v1;
	v1 =	vmov v8  }
0xc6: {  	[tilespmem:v10+s26+$0x0] =	vst.idx.add.f32.msk $0xffff, v9  }
.Ltmp5:
0xc7: {  	[tilespmem:v11+s26+$0x0] =	vst.idx.add.f32.msk $0xffff, v4;
	(pc) =	sbr.rel @p1 .LBB2_9-.Ltmp5, $4  }
0xc8: {  	[tilespmem:v12+s26+$0x0] =	vst.idx.add.f32.msk $0xffff, v5  }
0xc9: {  	[tilespmem:v13+s26+$0x0] =	vst.idx.add.f32.msk $0xffff, v6;
	v2 =	vmov v16  }
0xca: {  	[tilespmem:v14+s26+$0x0] =	vst.idx.add.f32.msk $0xffff, v7  }
0xcb: {  	s10 =	sadd.s32 $0x80, s10;
	[tilespmem:v15+s26+$0x0] =	vst.idx.add.f32.msk $0xffff, v3  }
0xcc: {  	_ =	sdelay $0x3  }
0xcd: {  	[tilespmem:v2+s26+$0x0] =	vst.idx.add.f32.msk $0xffff, v1  }
.LBB2_11:
0xce: {  	s0 =	sshra.s32 s31, $0x2  }
0xcf: {  	v1 =	vld [tilespmem:s0+$0x1A780];
	_ =	sdelay $0x4  }
0xd0: {  	v2 =	vld [tilespmem:s0+$0x1C780];
	_ =	sdelay $0x2  }
0xd1: {  	p1 =	sne.s32 s31, $0x40;
	v1 =	vld.idx.msk [tilespmem:v1+s2+$0x0], $0xffff  }
.Ltmp6:
0xd2: {  	_ = 	snop;
	(pc) =	sbr.rel @p1 .LBB2_11-.Ltmp6, $2  }
0xd3: {  	_ =	sdelay $0x2  }
0xd4: {  	s31 =	sadd.s32 $0x40, s31;
	[tilespmem:v2+s26+$0x0] =	vst.idx.add.f32.msk $0xffff, v1  }
0xd5: {  	s30 =	sadd.s32 $0x1, s30  }
0xd6: {  	p1 =	sne.s32 s30, $0x5  }
.Ltmp7:
0xd7: {  	_ = 	snop;
	(pc) =	sbr.rel @p1 .LBB2_4-.Ltmp7, $1  }
0xd8: {  	_ =	sdelay $0x3  }
.Ltmp8:
0xd9: {  	(pc) =	sbr.rel @p0 .LBB2_27-.Ltmp8, $4  }
0xda: {  	[hbm4b:s9+s17] =	stream.strided.scatter [tilespmem:s26], [sflag:$0x3], $0xC400, s18, s17, $0x38;
	[tilespmem:$0x1C800] =	vst v63  }
0xdb: {  	_ =	swait.ge [sflag:s19], $0xC400  }
0xdc: {  	[sflag:s19] =	ssyncset.done $0x0  }
0xdd: {  	[sflag:s19] =	ssyncadd.s32 $0xFFFF3C00  }
0xde: {  	s0 =	rddreg [dreg:$0x2]  }
0xdf: {  	[tilespmem:s2], [sflag:$0x3] =	stream.strided.gather [hbm4b:s0+s17], $0xC400, s18, s17, $0x38;
	[tilespmem:$0x1C800] =	vst v63  }
0xe0: {  	_ =	swait.ge [sflag:s19], $0xC400  }
0xe1: {  	[sflag:s19] =	ssyncset.done $0x0  }
0xe2: {  	s0 =	simm.s32 $0xC440;
	[sflag:s19] =	ssyncadd.s32 $0xFFFF3C00  }
0xe3: {  	[tilespmem:s0+$0xFFFFFFC0] =	vst v0  }
0xe4: {  	[tilespmem:s0+$0x30] =	vst v0  }
0xe5: {  	[tilespmem:s0+$0x20] =	vst v0  }
0xe6: {  	[tilespmem:s0+$0x10] =	vst v0  }
0xe7: {  	[tilespmem:s0+$0x0] =	vst v0  }
0xe8: {  	[tilespmem:s0+$0xFFFFFFF0] =	vst v0  }
0xe9: {  	s1 =	simm.s32 $0x0;
	[tilespmem:s0+$0xFFFFFFE0] =	vst v0  }
.LBB2_15:
0xea: {  	s1 =	sadd.s32 $0x8, s1;
	[tilespmem:s0+$0xFFFFFFD0] =	vst v0;
	s0 =	sadd.s32 $0x80, s0  }
0xeb: {  	[tilespmem:s0+$0xFFFFFFC0] =	vst v0;
	p1 =	slt.u32 s1, $0xC38  }
0xec: {  	[tilespmem:s0+$0x30] =	vst v0  }
.Ltmp9:
0xed: {  	[tilespmem:s0+$0x20] =	vst v0;
	(pc) =	sbr.rel @p1 .LBB2_15-.Ltmp9, $4  }
0xee: {  	[tilespmem:s0+$0x10] =	vst v0  }
0xef: {  	[tilespmem:s0+$0x0] =	vst v0  }
0xf0: {  	[tilespmem:s0+$0xFFFFFFF0] =	vst v0  }
0xf1: {  	[tilespmem:s0+$0xFFFFFFE0] =	vst v0  }
0xf2: {  	[tilespmem:s0+$0xFFFFFFD0] =	vst v0;
	s29 =	simm.s32 $0x0  }
0xf3: {  	[tilespmem:s20], [sflag:$0x1] =	stream.linear.gather [hbm4b:s11+s29], $0xFA0, $0x38;
	[tilespmem:$0x1C800] =	vst v63  }
0xf4: {  	s30 =	simm.s32 $0x0;
	s0 =	rddreg [dreg:$0x3]  }
0xf5: {  	[tilespmem:s21], [sflag:$0x2] =	stream.linear.gather [hbm4b:s0+s29], $0xFA0, $0x38;
	[tilespmem:$0x1C800] =	vst v63  }
.LBB2_17:
0xf6: {  	_ =	swait.ge [sflag:s22], $0xFA0  }
0xf7: {  	s31 =	smul.u32 $0x1F40, s30;
	[sflag:s22] =	ssyncset.done $0x0  }
0xf8: {  	[sflag:s22] =	ssyncadd.s32 $0xFFFFF060  }
0xf9: {  	s0 =	sadd.s32 s31, s13;
	_ =	swait.ge [sflag:s23], $0xFA0  }
0xfa: {  	s0 =	sshrl.u32 s0, $0x3;
	[sflag:s23] =	ssyncset.done $0x0  }
0xfb: {  	s0 =	sadd.s32 s3, s0;
	[sflag:s23] =	ssyncadd.s32 $0xFFFFF060  }
0xfc: {  	[tilespmem:s24], [sflag:$0x1] =	stream.linear.gather [hbm4b:s0+s2], $0xFA0, $0x38;
	[tilespmem:$0x1C800] =	vst v63  }
0xfd: {  	s12 =	simm.s32 $0x18840;
	s0 =	sadd.s32 $0x186A0, s0  }
0xfe: {  	[tilespmem:s25], [sflag:$0x2] =	stream.linear.gather [hbm4b:s0+s2], $0xFA0, $0x38;
	[tilespmem:$0x1C800] =	vst v63  }
0xff: {  	v1 =	vld [tilespmem:s12+$0x30]  }
0x100: {  	v2 =	vld [tilespmem:s12+$0xFFFFFFD0]  }
0x101: {  	v3 =	vld [tilespmem:s12+$0xFFFFFFE0]  }
0x102: {  	v4 =	vld [tilespmem:s12+$0xFFFFFFF0]  }
0x103: {  	v5 =	vld [tilespmem:s12+$0x0]  }
0x104: {  	s1 =	simm.s32 $0x1A840;
	v6 =	vld [tilespmem:s12+$0x10]  }
0x105: {  	v7 =	vld [tilespmem:s1+$0x30]  }
0x106: {  	v8 =	vld [tilespmem:s12+$0x20]  }
0x107: {  	v9 =	vld [tilespmem:s12+$0xFFFFFFC0]  }
0x108: {  	v63 =	vld [tilespmem:s1+$0xFFFFFFC0]  }
0x109: {  	v11 =	vld [tilespmem:s1+$0xFFFFFFD0]  }
0x10a: {  	v12 =	vld [tilespmem:s1+$0xFFFFFFE0]  }
0x10b: {  	v13 =	vld [tilespmem:s1+$0xFFFFFFF0]  }
0x10c: {  	v14 =	vld [tilespmem:s1+$0x0]  }
0x10d: {  	v15 =	vld [tilespmem:s1+$0x10]  }
0x10e: {  	v1 =	vld.idx.msk [tilespmem:v1+s29+$0x0], $0xffff  }
0x10f: {  	v10 =	vld.idx.msk [tilespmem:v2+s29+$0x0], $0xffff  }
0x110: {  	v3 =	vld.idx.msk [tilespmem:v3+s29+$0x0], $0xffff  }
0x111: {  	v4 =	vld.idx.msk [tilespmem:v4+s29+$0x0], $0xffff  }
0x112: {  	v5 =	vld.idx.msk [tilespmem:v5+s29+$0x0], $0xffff  }
0x113: {  	v62 =	vld.idx.msk [tilespmem:v9+s29+$0x0], $0xffff  }
0x114: {  	v6 =	vld.idx.msk [tilespmem:v6+s29+$0x0], $0xffff  }
0x115: {  	v2 =	vld [tilespmem:s1+$0x20]  }
0x116: {  	[tilespmem:v7+s26+$0x0] =	vst.idx.add.f32.msk $0xffff, v1  }
0x117: {  	v1 =	vld.idx.msk [tilespmem:v8+s29+$0x0], $0xffff  }
0x118: {  	[tilespmem:v63+s26+$0x0] =	vst.idx.add.f32.msk $0xffff, v62  }
0x119: {  	[tilespmem:v11+s26+$0x0] =	vst.idx.add.f32.msk $0xffff, v10  }
0x11a: {  	[tilespmem:v12+s26+$0x0] =	vst.idx.add.f32.msk $0xffff, v3  }
0x11b: {  	[tilespmem:v13+s26+$0x0] =	vst.idx.add.f32.msk $0xffff, v4  }
0x11c: {  	[tilespmem:v14+s26+$0x0] =	vst.idx.add.f32.msk $0xffff, v5  }
0x11d: {  	s10 =	simm.s32 $0x188C0;
	s0 =	simm.s32 $0x0;
	[tilespmem:v15+s26+$0x0] =	vst.idx.add.f32.msk $0xffff, v6  }
.LBB2_18:
0x11e: {  	v3 =	vld [tilespmem:s10+$0x30];
	s0 =	sadd.s32 $0x8, s0  }
0x11f: {  	v4 =	vld [tilespmem:s10+$0xFFFFFFD0];
	p1 =	slt.u32 s0, $0xF0  }
0x120: {  	v5 =	vld [tilespmem:s10+$0xFFFFFFE0]  }
0x121: {  	v6 =	vld [tilespmem:s10+$0xFFFFFFF0]  }
0x122: {  	v7 =	vld [tilespmem:s10+$0x0]  }
0x123: {  	s1 =	sadd.s32 $0x80, s1;
	v8 =	vld [tilespmem:s10+$0x10]  }
0x124: {  	v9 =	vld [tilespmem:s1+$0x30]  }
0x125: {  	s12 =	simm.s32 $0x0;
	v10 =	vld [tilespmem:s10+$0x20]  }
0x126: {  	v3 =	vld.idx.msk [tilespmem:v3+s12+$0x0], $0xffff  }
0x127: {  	v11 =	vld [tilespmem:s10+$0xFFFFFFC0]  }
0x128: {  	v4 =	vld.idx.msk [tilespmem:v4+s12+$0x0], $0xffff  }
0x129: {  	v5 =	vld.idx.msk [tilespmem:v5+s12+$0x0], $0xffff  }
0x12a: {  	v6 =	vld.idx.msk [tilespmem:v6+s12+$0x0], $0xffff  }
0x12b: {  	v7 =	vld.idx.msk [tilespmem:v7+s12+$0x0], $0xffff  }
0x12c: {  	[tilespmem:v9+s26+$0x0] =	vst.idx.add.f32.msk $0xffff, v3  }
0x12d: {  	v3 =	vld.idx.msk [tilespmem:v8+s12+$0x0], $0xffff  }
0x12e: {  	v8 =	vld.idx.msk [tilespmem:v10+s12+$0x0], $0xffff  }
0x12f: {  	v9 =	vld.idx.msk [tilespmem:v11+s12+$0x0], $0xffff  }
0x130: {  	v10 =	vld [tilespmem:s1+$0xFFFFFFC0]  }
0x131: {  	v11 =	vld [tilespmem:s1+$0xFFFFFFD0]  }
0x132: {  	v12 =	vld [tilespmem:s1+$0xFFFFFFE0]  }
0x133: {  	v13 =	vld [tilespmem:s1+$0xFFFFFFF0]  }
0x134: {  	v14 =	vld [tilespmem:s1+$0x0]  }
0x135: {  	v15 =	vld [tilespmem:s1+$0x10]  }
0x136: {  	v16 =	vld [tilespmem:s1+$0x20]  }
0x137: {  	[tilespmem:v2+s26+$0x0] =	vst.idx.add.f32.msk $0xffff, v1;
	v1 =	vmov v8  }
0x138: {  	[tilespmem:v10+s26+$0x0] =	vst.idx.add.f32.msk $0xffff, v9  }
.Ltmp10:
0x139: {  	[tilespmem:v11+s26+$0x0] =	vst.idx.add.f32.msk $0xffff, v4;
	(pc) =	sbr.rel @p1 .LBB2_18-.Ltmp10, $4  }
0x13a: {  	[tilespmem:v12+s26+$0x0] =	vst.idx.add.f32.msk $0xffff, v5  }
0x13b: {  	[tilespmem:v13+s26+$0x0] =	vst.idx.add.f32.msk $0xffff, v6;
	v2 =	vmov v16  }
0x13c: {  	[tilespmem:v14+s26+$0x0] =	vst.idx.add.f32.msk $0xffff, v7  }
0x13d: {  	s10 =	sadd.s32 $0x80, s10;
	[tilespmem:v15+s26+$0x0] =	vst.idx.add.f32.msk $0xffff, v3  }
0x13e: {  	_ =	sdelay $0x3  }
0x13f: {  	[tilespmem:v2+s26+$0x0] =	vst.idx.add.f32.msk $0xffff, v1  }
.LBB2_20:
0x140: {  	s0 =	sshra.s32 s12, $0x2  }
0x141: {  	v1 =	vld [tilespmem:s0+$0x19780];
	_ =	sdelay $0x4  }
0x142: {  	v2 =	vld [tilespmem:s0+$0x1B780];
	_ =	sdelay $0x2  }
0x143: {  	p1 =	sne.s32 s12, $0x40;
	v1 =	vld.idx.msk [tilespmem:v1+s2+$0x0], $0xffff  }
.Ltmp11:
0x144: {  	_ = 	snop;
	(pc) =	sbr.rel @p1 .LBB2_20-.Ltmp11, $2  }
0x145: {  	_ =	sdelay $0x2  }
0x146: {  	s12 =	sadd.s32 $0x40, s12;
	[tilespmem:v2+s26+$0x0] =	vst.idx.add.f32.msk $0xffff, v1  }
0x147: {  	_ =	swait.ge [sflag:s22], $0xFA0  }
0x148: {  	[sflag:s22] =	ssyncset.done $0x0  }
0x149: {  	p1 =	seq.s32 s30, $0x4;
	[sflag:s22] =	ssyncadd.s32 $0xFFFFF060  }
0x14a: {  	s0 =	sadd.s32 @!p1 s31, s14;
	_ =	swait.ge [sflag:s23], $0xFA0  }
0x14b: {  	s1 =	simm.s32 @!p1 $0x0;
	s0 =	sshrl.u32 @!p1 s0, $0x3;
	[sflag:s23] =	ssyncset.done $0x0  }
0x14c: {  	s10 =	simm.s32 @!p1 $0x18800;
	s0 =	sadd.s32 @!p1 s3, s0;
	[sflag:s23] =	ssyncadd.s32 $0xFFFFF060  }
0x14d: {  	[tilespmem:s10], [sflag:$0x1] =	stream.linear.gather @!p1 [hbm4b:s0+s1], $0xFA0, $0x38;
	[tilespmem:$0x1C800] =	vst v63  }
0x14e: {  	s12 =	simm.s32 $0x19840;
	s0 =	sadd.s32 @!p1 $0x186A0, s0;
	s10 =	simm.s32 @!p1 $0x1A800  }
0x14f: {  	[tilespmem:s10], [sflag:$0x2] =	stream.linear.gather @!p1 [hbm4b:s0+s1], $0xFA0, $0x38;
	[tilespmem:$0x1C800] =	vst v63  }
0x150: {  	v1 =	vld [tilespmem:s12+$0x30]  }
0x151: {  	v2 =	vld [tilespmem:s12+$0xFFFFFFD0]  }
0x152: {  	v3 =	vld [tilespmem:s12+$0xFFFFFFE0]  }
0x153: {  	v4 =	vld [tilespmem:s12+$0xFFFFFFF0]  }
0x154: {  	v5 =	vld [tilespmem:s12+$0x0]  }
0x155: {  	s1 =	simm.s32 $0x1B840;
	v6 =	vld [tilespmem:s12+$0x10]  }
0x156: {  	v7 =	vld [tilespmem:s1+$0x30]  }
0x157: {  	v8 =	vld [tilespmem:s12+$0x20]  }
0x158: {  	v9 =	vld [tilespmem:s12+$0xFFFFFFC0]  }
0x159: {  	v63 =	vld [tilespmem:s1+$0xFFFFFFC0]  }
0x15a: {  	v11 =	vld [tilespmem:s1+$0xFFFFFFD0]  }
0x15b: {  	v12 =	vld [tilespmem:s1+$0xFFFFFFE0]  }
0x15c: {  	v13 =	vld [tilespmem:s1+$0xFFFFFFF0]  }
0x15d: {  	v14 =	vld [tilespmem:s1+$0x0]  }
0x15e: {  	s31 =	simm.s32 $0x0;
	v15 =	vld [tilespmem:s1+$0x10]  }
0x15f: {  	v1 =	vld.idx.msk [tilespmem:v1+s31+$0x0], $0xffff  }
0x160: {  	v10 =	vld.idx.msk [tilespmem:v2+s31+$0x0], $0xffff  }
0x161: {  	v3 =	vld.idx.msk [tilespmem:v3+s31+$0x0], $0xffff  }
0x162: {  	v4 =	vld.idx.msk [tilespmem:v4+s31+$0x0], $0xffff  }
0x163: {  	v5 =	vld.idx.msk [tilespmem:v5+s31+$0x0], $0xffff  }
0x164: {  	v62 =	vld.idx.msk [tilespmem:v9+s31+$0x0], $0xffff  }
0x165: {  	v6 =	vld.idx.msk [tilespmem:v6+s31+$0x0], $0xffff  }
0x166: {  	v2 =	vld [tilespmem:s1+$0x20]  }
0x167: {  	[tilespmem:v7+s26+$0x0] =	vst.idx.add.f32.msk $0xffff, v1  }
0x168: {  	v1 =	vld.idx.msk [tilespmem:v8+s31+$0x0], $0xffff  }
0x169: {  	[tilespmem:v63+s26+$0x0] =	vst.idx.add.f32.msk $0xffff, v62  }
0x16a: {  	[tilespmem:v11+s26+$0x0] =	vst.idx.add.f32.msk $0xffff, v10  }
0x16b: {  	[tilespmem:v12+s26+$0x0] =	vst.idx.add.f32.msk $0xffff, v3  }
0x16c: {  	[tilespmem:v13+s26+$0x0] =	vst.idx.add.f32.msk $0xffff, v4  }
0x16d: {  	[tilespmem:v14+s26+$0x0] =	vst.idx.add.f32.msk $0xffff, v5  }
0x16e: {  	s0 =	simm.s32 $0x0;
	s10 =	simm.s32 $0x198C0;
	[tilespmem:v15+s26+$0x0] =	vst.idx.add.f32.msk $0xffff, v6  }
.LBB2_22:
0x16f: {  	v3 =	vld [tilespmem:s10+$0x30];
	s0 =	sadd.s32 $0x8, s0  }
0x170: {  	v4 =	vld [tilespmem:s10+$0xFFFFFFD0];
	p1 =	slt.u32 s0, $0xF0  }
0x171: {  	v5 =	vld [tilespmem:s10+$0xFFFFFFE0]  }
0x172: {  	v6 =	vld [tilespmem:s10+$0xFFFFFFF0]  }
0x173: {  	v7 =	vld [tilespmem:s10+$0x0]  }
0x174: {  	s1 =	sadd.s32 $0x80, s1;
	v8 =	vld [tilespmem:s10+$0x10]  }
0x175: {  	v9 =	vld [tilespmem:s1+$0x30]  }
0x176: {  	v10 =	vld [tilespmem:s10+$0x20]  }
0x177: {  	v3 =	vld.idx.msk [tilespmem:v3+s31+$0x0], $0xffff  }
0x178: {  	v11 =	vld [tilespmem:s10+$0xFFFFFFC0]  }
0x179: {  	v4 =	vld.idx.msk [tilespmem:v4+s31+$0x0], $0xffff  }
0x17a: {  	v5 =	vld.idx.msk [tilespmem:v5+s31+$0x0], $0xffff  }
0x17b: {  	v6 =	vld.idx.msk [tilespmem:v6+s31+$0x0], $0xffff  }
0x17c: {  	v7 =	vld.idx.msk [tilespmem:v7+s31+$0x0], $0xffff  }
0x17d: {  	[tilespmem:v9+s26+$0x0] =	vst.idx.add.f32.msk $0xffff, v3  }
0x17e: {  	v3 =	vld.idx.msk [tilespmem:v8+s31+$0x0], $0xffff  }
0x17f: {  	v8 =	vld.idx.msk [tilespmem:v10+s31+$0x0], $0xffff  }
0x180: {  	v9 =	vld.idx.msk [tilespmem:v11+s31+$0x0], $0xffff  }
0x181: {  	v10 =	vld [tilespmem:s1+$0xFFFFFFC0]  }
0x182: {  	v11 =	vld [tilespmem:s1+$0xFFFFFFD0]  }
0x183: {  	v12 =	vld [tilespmem:s1+$0xFFFFFFE0]  }
0x184: {  	v13 =	vld [tilespmem:s1+$0xFFFFFFF0]  }
0x185: {  	v14 =	vld [tilespmem:s1+$0x0]  }
0x186: {  	v15 =	vld [tilespmem:s1+$0x10]  }
0x187: {  	v16 =	vld [tilespmem:s1+$0x20]  }
0x188: {  	[tilespmem:v2+s26+$0x0] =	vst.idx.add.f32.msk $0xffff, v1;
	v1 =	vmov v8  }
0x189: {  	[tilespmem:v10+s26+$0x0] =	vst.idx.add.f32.msk $0xffff, v9  }
.Ltmp12:
0x18a: {  	[tilespmem:v11+s26+$0x0] =	vst.idx.add.f32.msk $0xffff, v4;
	(pc) =	sbr.rel @p1 .LBB2_22-.Ltmp12, $4  }
0x18b: {  	[tilespmem:v12+s26+$0x0] =	vst.idx.add.f32.msk $0xffff, v5  }
0x18c: {  	[tilespmem:v13+s26+$0x0] =	vst.idx.add.f32.msk $0xffff, v6;
	v2 =	vmov v16  }
0x18d: {  	[tilespmem:v14+s26+$0x0] =	vst.idx.add.f32.msk $0xffff, v7  }
0x18e: {  	s10 =	sadd.s32 $0x80, s10;
	[tilespmem:v15+s26+$0x0] =	vst.idx.add.f32.msk $0xffff, v3  }
0x18f: {  	_ =	sdelay $0x3  }
0x190: {  	[tilespmem:v2+s26+$0x0] =	vst.idx.add.f32.msk $0xffff, v1  }
.LBB2_24:
0x191: {  	s0 =	sshra.s32 s31, $0x2  }
0x192: {  	v1 =	vld [tilespmem:s0+$0x1A780];
	_ =	sdelay $0x4  }
0x193: {  	v2 =	vld [tilespmem:s0+$0x1C780];
	_ =	sdelay $0x2  }
0x194: {  	p1 =	sne.s32 s31, $0x40;
	v1 =	vld.idx.msk [tilespmem:v1+s2+$0x0], $0xffff  }
.Ltmp13:
0x195: {  	_ = 	snop;
	(pc) =	sbr.rel @p1 .LBB2_24-.Ltmp13, $2  }
0x196: {  	_ =	sdelay $0x2  }
0x197: {  	s31 =	sadd.s32 $0x40, s31;
	[tilespmem:v2+s26+$0x0] =	vst.idx.add.f32.msk $0xffff, v1  }
0x198: {  	s30 =	sadd.s32 $0x1, s30  }
0x199: {  	p1 =	sne.s32 s30, $0x5  }
.Ltmp14:
0x19a: {  	_ = 	snop;
	(pc) =	sbr.rel @p1 .LBB2_17-.Ltmp14, $1  }
0x19b: {  	_ =	sdelay $0x3  }
.Ltmp15:
0x19c: {  	(pc) =	sbr.rel .LBB2_27-.Ltmp15, $4  }
0x19d: {  	[hbm4b:s15+s17] =	stream.strided.scatter [tilespmem:s26], [sflag:$0x3], $0xC400, s18, s17, $0x38;
	[tilespmem:$0x1C800] =	vst v63  }
0x19e: {  	_ =	swait.ge [sflag:s19], $0xC400  }
0x19f: {  	[sflag:s19] =	ssyncset.done $0x0  }
0x1a0: {  	[sflag:s19] =	ssyncadd.s32 $0xFFFF3C00  }
.LBB2_28:
0x1a1: {  	_ =	sfence.sel $0x180000  }
0x1a2: {  	[bflag:$0x0] =	sbarrier.arrive $0xFFFF  }
0x1a3: {  	_ =	strace $0x90000050  }
0x1a4: {  	s0 =	stileid.u32;
	[bflag:$0x2] =	sbarrier.arrive $0xFFFF  }
0x1a5: {  	p0 =	sne.s32 s0, $0x0;
	s0 =	rddreg [dreg:$0x1]  }
0x1a6: {  	s0 =	sadd.s32 @!p0 $0x100000, s0  }
0x1a7: {  	[sflag:s0] =	ssyncadd.tile.s32 @!p0 $0x1;
	_ =	shalt  }
.Lfunc_end2:
_tile_overlayer_lowered:
.L_overlay_start_2:
0x1a8: {  	(tag) =	ssettag $0x2  }
0x1a9: {  	s0 =	rddreg [dreg:$0x0];
	s2 =	stileid.u32  }
0x1aa: {  	s1 =	rddreg [dreg:$0x1];
	p0 =	sne.s32 s2, $0x0  }
0x1ab: {  	s3 =	rddreg [dreg:$0x2];
	[bflag:$0x3] =	sbarrier.arrive $0xFFFF;
	s2 =	simm.s32 @!p0 $0x1C03  }
0x1ac: {  	[timem:s3], [sflag:s2] =	dma.local @!p0 [hbm:s0], s1  }
0x1ad: {  	s0 =	simm.s32 @!p0 $0x3  }
0x1ae: {  	_ =	swait.ge @!p0 [sflag:s0], s1  }
0x1af: {  	s1 =	ssub.s32 @!p0 $0x0, s1;
	[sflag:s0] =	ssyncset.done @!p0 $0x0  }
0x1b0: {  	[sflag:s0] =	ssyncadd.s32 @!p0 s1  }
0x1b1: {  	[bflag:$0x3] =	sbarrier.arrive $0xFFFF  }
0x1b2: {  	_ =	shalt  }

// kernel: kernel.24.cloned.1.call-start
scs
__scs_entry_jumppad:
0x0: {  	(pc) =	sbr.rel $0x88, $3  }
0x1: {  	(tag) =	ssettag $0x0;
	lr =	simm.s32 $0x1  }
0x2: {  	[smem:$0x3F94] =	sst lr;
	_ =	strace $0xD0000000  }
0x3: {  	_ = 	snop  }
0x4: {  	_ = 	snop  }
0x5: {  	_ = 	snop  }
0x6: {  	_ = 	snop  }
0x7: {  	_ = 	snop  }
__scs_overlays_trampoline_lowered:
0x8: {  	[smem:$0x3FA3] =	sst s0  }
0x9: {  	[smem:$0x3FA4] =	sst s1  }
0xa: {  	[smem:$0x3FA5] =	sst s2  }
0xb: {  	[smem:$0x3FA6] =	sst s3  }
0xc: {  	[smem:$0x3FA7] =	sst s4  }
0xd: {  	[smem:$0x3FA8] =	sst s5  }
0xe: {  	[smem:$0x3FA9] =	sst s6  }
0xf: {  	[smem:$0x3FAA] =	sst s7  }
0x10: {  	[smem:$0x3FAB] =	sst s8  }
0x11: {  	[smem:$0x3FAC] =	sst s9;
	s0 =	simm.s32 @!p0 $0x0  }
0x12: {  	s1 =	sld [smem:$0x3F92];
	s0 =	simm.s32 @p0 $0x1  }
0x13: {  	[smem:$0x3FAD] =	sst s0;
	s0 =	simm.s32 @!p1 $0x0  }
0x14: {  	s2 =	sld [smem:$0x3F91];
	s0 =	simm.s32 @p1 $0x1  }
0x15: {  	[smem:$0x3FAE] =	sst s0;
	s0 =	simm.s32 @!p2 $0x0  }
0x16: {  	s3 =	sld [smem:$0x3FDB];
	s0 =	simm.s32 @p2 $0x1  }
0x17: {  	s4 =	simm.s32 $0x1BF5;
	[smem:$0x3FB0] =	sst s0  }
0x18: {  	s0 =	sld [smem:$0x3F93];
	_ =	swait.ge [sflag:s4], $0x0  }
0x19: {  	s7 =	sld [smem:$0x3F94]  }
0x1a: {  	s8 =	sadd.s32 $0xFFFFE003, lr  }
0x1b: {  	s9 =	sadd.s32 $0xFFFFFEF7, lr;
	s5 =	simm.s32 $0xFFFFFFFF;
	p2 =	slt.u32 s8, $0xFFFFF086  }
0x1c: {  	p1 =	slt.u32 s9, $0xF7A;
	s5 =	simm.s32 @!p2 $0x0  }
0x1d: {  	s5 =	simm.s32 @p1 $0x1;
	p0 =	seq.s32 s7, s2  }
0x1e: {  	s7 =	smul.u32 @!p0 $0xF7A, s2;
	p2 =	seq.s32 @!p0 s5, $0x0  }
0x1f: {  	s9 =	smul.u32 $0xF7A, s1;
	s8 =	simm.s32 @!p0 $0x1BF5;
	p2 =	por !p2, p0  }
0x20: {  	[sflag:s8] =	ssyncset.s32 @!p0 $0xFFFFF086;
	s6 =	sadd.s32 @!p0 s3, s7;
	s7 =	simm.s32 @!p0 $0x108  }
0x21: {  	s3 =	sadd.s32 s3, s9;
	s6 =	sadd.s32 @!p0 $0x88, s6;
	s7 =	simm.s32 @p2 $0x1082  }
0x22: {  	[simem:s7], [sflag:s8] =	dma.local @!p0 [hbm:s6], $0xF7A  }
0x23: {  	s9 =	sor.u32 $0xD0000000, s2;
	s6 =	simm.s32 $0x108;
	_ =	swait.ge @!p0 [sflag:s8], $0x0  }
0x24: {  	s3 =	sadd.s32 $0x88, s3;
	s6 =	simm.s32 @!p1 $0x1082;
	[sflag:s4] =	ssyncset.s32 $0xFFFFF086  }
0x25: {  	[simem:s6], [sflag:s4] =	dma.local [hbm:s3], $0xF7A  }
0x26: {  	[smem:$0x3F94] =	sst s1;
	(tag) =	ssettag s2;
	_ =	strace s9  }
0x27: {  	s1 =	sld [smem:$0x3FA4]  }
0x28: {  	s2 =	sld [smem:$0x3FA5]  }
0x29: {  	s4 =	sld [smem:$0x3FA7]  }
0x2a: {  	p0 =	seq.s32 s5, $0x0;
	s5 =	sld [smem:$0x3FA8]  }
0x2b: {  	s6 =	sld [smem:$0x3FA9]  }
0x2c: {  	s7 =	sld [smem:$0x3FAA]  }
0x2d: {  	s3 =	simm.s32 $0x108;
	s8 =	sld [smem:$0x3FAB]  }
0x2e: {  	s3 =	simm.s32 @!p0 $0x1082;
	s9 =	sld [smem:$0x3FAC]  }
0x2f: {  	lr =	sadd.s32 s0, s3;
	s0 =	sld [smem:$0x3FA3]  }
0x30: {  	s3 =	sld [smem:$0x3FA6]  }
0x31: {  	[smem:$0x3FAF] =	sst s10  }
0x32: {  	s10 =	sld [smem:$0x3FAD];
	_ =	sdelay $0x3  }
0x33: {  	p0 =	seq.s32 s10, $0x1;
	s10 =	sld [smem:$0x3FAF];
	_ =	sdelay $0x3  }
0x34: {  	[smem:$0x3FAF] =	sst s10  }
0x35: {  	s10 =	sld [smem:$0x3FAE];
	_ =	sdelay $0x3  }
0x36: {  	p1 =	seq.s32 s10, $0x1;
	s10 =	sld [smem:$0x3FAF];
	_ =	sdelay $0x3  }
0x37: {  	[smem:$0x3FAF] =	sst s10  }
0x38: {  	s10 =	sld [smem:$0x3FB0]  }
0x39: {  	_ = 	snop;
	(pc) =	sbr.ind lr, $3  }
0x3a: {  	_ = 	snop  }
0x3b: {  	_ = 	snop  }
0x3c: {  	p2 =	seq.s32 s10, $0x1;
	s10 =	sld [smem:$0x3FAF]  }
0x3d: {  	_ =	shalt  }
0x3e: {  	_ =	shalt  }
0x3f: {  	_ =	shalt  }
0x40: {  	_ =	shalt  }
0x41: {  	_ =	shalt  }
0x42: {  	_ =	shalt  }
0x43: {  	_ =	shalt  }
0x44: {  	_ =	shalt  }
0x45: {  	_ =	shalt  }
0x46: {  	_ =	shalt  }
0x47: {  	_ =	shalt  }
0x48: {  	_ =	shalt  }
0x49: {  	_ =	shalt  }
0x4a: {  	_ =	shalt  }
0x4b: {  	_ =	shalt  }
0x4c: {  	_ =	shalt  }
0x4d: {  	_ =	shalt  }
0x4e: {  	_ =	shalt  }
0x4f: {  	_ =	shalt  }
0x50: {  	_ =	shalt  }
0x51: {  	_ =	shalt  }
0x52: {  	_ =	shalt  }
0x53: {  	_ =	shalt  }
0x54: {  	_ =	shalt  }
0x55: {  	_ =	shalt  }
0x56: {  	_ =	shalt  }
0x57: {  	_ =	shalt  }
0x58: {  	_ =	shalt  }
0x59: {  	_ =	shalt  }
0x5a: {  	_ =	shalt  }
0x5b: {  	_ =	shalt  }
0x5c: {  	_ =	shalt  }
0x5d: {  	_ =	shalt  }
0x5e: {  	_ =	shalt  }
0x5f: {  	_ =	shalt  }
0x60: {  	_ =	shalt  }
0x61: {  	_ =	shalt  }
0x62: {  	_ =	shalt  }
0x63: {  	_ =	shalt  }
0x64: {  	_ =	shalt  }
0x65: {  	_ =	shalt  }
0x66: {  	_ =	shalt  }
0x67: {  	_ =	shalt  }
0x68: {  	_ =	shalt  }
0x69: {  	_ =	shalt  }
0x6a: {  	_ =	shalt  }
0x6b: {  	_ =	shalt  }
0x6c: {  	_ =	shalt  }
0x6d: {  	_ =	shalt  }
0x6e: {  	_ =	shalt  }
0x6f: {  	_ =	shalt  }
0x70: {  	_ =	shalt  }
0x71: {  	_ =	shalt  }
0x72: {  	_ =	shalt  }
0x73: {  	_ =	shalt  }
0x74: {  	_ =	shalt  }
0x75: {  	_ =	shalt  }
0x76: {  	_ =	shalt  }
0x77: {  	_ =	shalt  }
0x78: {  	_ =	shalt  }
0x79: {  	_ =	shalt  }
0x7a: {  	_ =	shalt  }
0x7b: {  	_ =	shalt  }
0x7c: {  	_ =	shalt  }
0x7d: {  	_ =	shalt  }
0x7e: {  	_ =	shalt  }
0x7f: {  	_ =	shalt  }
0x80: {  	_ =	shalt  }
0x81: {  	_ =	shalt  }
0x82: {  	_ =	shalt  }
0x83: {  	_ =	shalt  }
0x84: {  	_ =	shalt  }
0x85: {  	_ =	shalt  }
0x86: {  	_ =	shalt  }
0x87: {  	_ =	shalt  }
.Lfunc_end0:
.L_simem_size_0:
called_computation.4_lowered:
.L_overlay_start_0:
0x88: {  	s2 =	sld [smem:$0x3FD9]  }
0x89: {  	s3 =	sld [smem:$0x3FFE];
	_ =	sdelay $0x1  }
0x8a: {  	s1 =	srdreg.scid  }
0x8b: {  	s0 =	sand.u32 $0x1, s1  }
0x8c: {  	s16 =	sshll.u32 s0, $0xA;
	s2 =	sadd.s32 s3, s2  }
0x8d: {  	s2 =	sadd.s32 s2, s16  }
0x8e: {  	[smem:$0x3FBB] =	sst s2  }
0x8f: {  	_ = 	snop  }
0x90: {  	(tm) =	ssettm $0x1  }
0x91: {  	s17 =	sld [smem:$0x3FFB];
	_ =	sdelay $0x3  }
0x92: {  	_ =	strace s17  }
0x93: {  	s2 =	sld [smem:$0x3FFC];
	_ =	sdelay $0x3  }
0x94: {  	_ =	strace s2  }
0x95: {  	s2 =	sld [smem:$0x3FFD];
	_ =	sdelay $0x3  }
0x96: {  	_ =	strace s2  }
0x97: {  	_ =	strace $0x8FFFFFFF  }
0x98: {  	s18 =	sld [smem:$0x3FDB];
	_ =	sdelay $0x1  }
0x99: {  	s19 =	simm.s32 $_scs_section_size  }
0x9a: {  	s4 =	simm.s32 $_size__tile_overlayer_lowered;
	s5 =	simm.s32 $_tile_overlayer_lowered  }
0x9b: {  	s22 =	simm.s32 $0x1BFF;
	s21 =	sshll.u32 s5, $0x1;
	s2 =	sadd.s32 s19, s18  }
0x9c: {  	s6 =	simm.s32 $0x0;
	s20 =	sshll.u32 s4, $0x1;
	s4 =	sadd.s32 s21, s2  }
0x9d: {  	[timem:s6], [sflag:s22] =	dma.local [hbm:s4], s20  }
0x9e: {  	_ =	swait.ge [sflag:s22], s20  }
0x9f: {  	s3 =	ssub.s32 $0x0, s20;
	[sflag:s22] =	ssyncset.done $0x0  }
0xa0: {  	[sflag:s22] =	ssyncadd.s32 s3;
	_ =	sdelay $0x1  }
0xa1: {  	s23 =	simm.s32 $0x1B8B  }
0xa2: {  	_ =	swait.ge [sflag:s23], $0x1  }
0xa3: {  	[sflag:s23] =	ssyncset.done $0x0  }
0xa4: {  	s25 =	simm.s32 $0x1B8E;
	s24 =	sld [smem:$0x3FFE];
	[sflag:s23] =	ssyncadd.s32 $0xFFFFFFFF  }
0xa5: {  	s26 =	simm.s32 $execute0_lowered;
	[smem:$0x3FD2] =	sst s25  }
0xa6: {  	s4 =	sshll.u32 s26, $0x1;
	_ =	strace $0x80000052;
	[dreg:$0x1] =	wrdreg $0xFFFFFFFF  }
0xa7: {  	s28 =	simm.s32 $_size_execute0_lowered;
	s2 =	sadd.s32 s2, s4;
	[dreg:$0x0] =	wrdreg $0x0  }
0xa8: {  	s4 =	sshll.u32 s28, $0x1;
	[dreg:$0x2] =	wrdreg s2  }
0xa9: {  	[dreg:$0x3] =	wrdreg s4  }
0xaa: {  	[dreg:$0x4] =	wrdreg $0xC0  }
0xab: {  	_ =	task [dreg:s6], $0x5FFFF  }
0xac: {  	[dreg:$0x1] =	wrdreg $0xFFFFFFFF  }
0xad: {  	[dreg:$0x0] =	wrdreg $0x60  }
0xae: {  	[dreg:$0x2] =	wrdreg s24  }
0xaf: {  	[dreg:$0x3] =	wrdreg $0x9  }
0xb0: {  	_ =	task.clear_ibuf [dreg:s6], $0x4FFFF;
	_ =	strace $0x90000052  }
0xb1: {  	s29 =	simm.s32 $0x9;
	_ =	strace $0x80000054  }
0xb2: {  	_ =	swait.ge [sflag:s29], $0x1  }
0xb3: {  	[sflag:s29] =	ssyncadd.s32 $0xFFFFFFFF  }
0xb4: {  	_ =	strace $0x90000054  }
0xb5: {  	_ =	sfence  }
0xb6: {  	s30 =	sld [smem:$0x0];
	_ =	sdelay $0x2  }
0xb7: {  	s31 =	sshll.u32 s1, $0xD;
	s1 =	sshrl.u32 s1, $0x2  }
0xb8: {  	s3 =	sand.u32 $0x4000, s31;
	s1 =	sadd.s32 s1, s30  }
0xb9: {  	s0 =	sor.u32 s3, s0;
	s1 =	sshll.u32 s1, $0x11  }
0xba: {  	s0 =	sor.u32 s1, s0  }
0xbb: {  	s0 =	sadd.s32 $0x8F2B, s0  }
0xbc: {  	[sflag:s0] =	ssyncadd.remote.s32 $0x1  }
0xbd: {  	_ =	sfence.sel $0xFFFF  }
0xbe: {  	[dreg:$0x0] =	wrdreg $0xFFFFFFFF;
	(pc) =	sbr.abs _section_cstart, $3  }
0xbf: {  	[dreg:$0x1] =	wrdreg $0xFFFFFFFF  }
0xc0: {  	_ =	task.clear_ibuf [dreg:s6], $0x2FFFF;
	_ =	strace $0x9FFFFFFF  }
0xc1: {  	(tm) =	ssettm $0x7FFFFFFF  }
tec
execute0_lowered:
.L_overlay_start_1:
0x0: {  	(tag) =	ssettag $0x1  }
0x1: {  	s0 =	srdreg.scid;
	s26 =	stileid.u32  }
0x2: {  	s4 =	rddreg [dreg:$0x0];
	s2 =	simm.s32 $0x0;
	s17 =	simm.s32 $0x80  }
0x3: {  	s18 =	simm.s32 $0x200;
	s0 =	sand.u32 $0x1, s0;
	s1 =	sshll.u32 s26, $0x1  }
0x4: {  	s19 =	simm.s32 $0x3;
	s20 =	simm.s32 $0x18800;
	s1 =	sor.u32 s0, s1  }
0x5: {  	s28 =	simm.s32 $0x0;
	[smem:$0x7FF] =	sst s2;
	s3 =	smul.u32 $0x56, s1  }
0x6: {  	s10 =	sadd.s32 $0x34000, s4;
	s12 =	sadd.s32 $0x3A200, s4;
	p0 =	sgt.u32 s26, $0xD  }
0x7: {  	s26 =	simm.s32 $0xC400;
	s0 =	ssub.s32 $0x2, s0;
	s5 =	sshrl.u32 s3, $0x8  }
0x8: {  	_ =	strace $0x80000053;
	s21 =	sshrl.u32 s0, $0x1;
	s6 =	smul.u32 $0x3, s5  }
0x9: {  	s0 =	ssub.s32 s0, s21;
	s21 =	simm.s32 $0x1A800;
	s8 =	smul.u32 $0x9C40, s5  }
0xa: {  	s3 =	sadd.s32 $0x3200, s4;
	s16 =	smax.u32 s0, $0x1;
	s11 =	smul.u32 $0x31000, s5  }
0xb: {  	s6 =	ssub.s32 s1, s6;
	s1 =	sor.u32 $0x20, s1;
	s24 =	sshrl.u32 s8, $0x3  }
0xc: {  	s22 =	sand.u32 $0xFF, s6;
	s23 =	smul.u32 $0x56, s1;
	s4 =	sadd.s32 s3, s24  }
0xd: {  	s24 =	simm.s32 $0x19800;
	s9 =	sshll.u32 s22, $0x7;
	s7 =	sshll.u32 s22, $0x4  }
0xe: {  	s6 =	sadd.s32 $0x186A0, s4;
	s22 =	simm.s32 $0x1;
	s13 =	sshrl.u32 s23, $0x8  }
0xf: {  	s5 =	sadd.s32 s10, s7;
	s7 =	sadd.s32 $0xFA0, s8;
	s14 =	smul.u32 $0x3, s13  }
0x10: {  	s8 =	sadd.s32 $0x1F40, s8;
	s9 =	sor.u32 s9, s11;
	s25 =	smul.u32 $0x9C40, s13  }
0x11: {  	s23 =	simm.s32 $0x2;
	s9 =	sshrl.u32 s9, $0x3;
	s13 =	smul.u32 $0x31000, s13  }
0x12: {  	s9 =	sadd.s32 s12, s9;
	s1 =	ssub.s32 s1, s14;
	s29 =	sshrl.u32 s25, $0x3  }
.Ltmp0:
0x13: {  	s1 =	sand.u32 $0xFF, s1;
	s11 =	sadd.s32 s3, s29;
	(pc) =	sbr.rel .LBB2_1-.Ltmp0, $4  }
0x14: {  	s15 =	sshll.u32 s1, $0x7;
	s1 =	sshll.u32 s1, $0x4;
	s31 =	sadd.s32 $0x186A0, s11  }
0x15: {  	s1 =	sadd.s32 s10, s1;
	s30 =	sor.u32 s15, s13;
	[dreg:$0x3] =	wrdreg s31  }
0x16: {  	s14 =	sadd.s32 $0x1F40, s25;
	[dreg:$0x2] =	wrdreg s1;
	s1 =	sshrl.u32 s30, $0x3  }
0x17: {  	v0 =	vimm.f32 $0.0e+00;
	s13 =	sadd.s32 $0xFA0, s25;
	s25 =	simm.s32 $0x1B800;
	s15 =	sadd.s32 s12, s1  }
.LBB2_27:
0x18: {  	s28 =	sadd.s32 $0x1, s28  }
0x19: {  	p1 =	sne.s32 s28, s16  }
.Ltmp1:
0x1a: {  	_ = 	snop;
	(pc) =	sbr.rel @!p1 .LBB2_28-.Ltmp1, $1  }
0x1b: {  	_ =	sdelay $0x3  }
.LBB2_1:
0x1c: {  	[tilespmem:s2], [sflag:$0x3] =	stream.strided.gather [hbm4b:s5+s17], $0xC400, s18, s17, $0x38;
	[tilespmem:$0x1C800] =	vst v63  }
0x1d: {  	_ =	swait.ge [sflag:s19], $0xC400  }
0x1e: {  	[sflag:s19] =	ssyncset.done $0x0  }
0x1f: {  	s0 =	simm.s32 $0xC440;
	[sflag:s19] =	ssyncadd.s32 $0xFFFF3C00  }
0x20: {  	[tilespmem:s0+$0xFFFFFFC0] =	vst v0  }
0x21: {  	[tilespmem:s0+$0x30] =	vst v0  }
0x22: {  	[tilespmem:s0+$0x20] =	vst v0  }
0x23: {  	[tilespmem:s0+$0x10] =	vst v0  }
0x24: {  	[tilespmem:s0+$0x0] =	vst v0  }
0x25: {  	[tilespmem:s0+$0xFFFFFFF0] =	vst v0  }
0x26: {  	s1 =	simm.s32 $0x0;
	[tilespmem:s0+$0xFFFFFFE0] =	vst v0  }
.LBB2_2:
0x27: {  	s1 =	sadd.s32 $0x8, s1;
	[tilespmem:s0+$0xFFFFFFD0] =	vst v0;
	s0 =	sadd.s32 $0x80, s0  }
0x28: {  	[tilespmem:s0+$0xFFFFFFC0] =	vst v0;
	p1 =	slt.u32 s1, $0xC38  }
0x29: {  	[tilespmem:s0+$0x30] =	vst v0  }
.Ltmp2:
0x2a: {  	[tilespmem:s0+$0x20] =	vst v0;
	(pc) =	sbr.rel @p1 .LBB2_2-.Ltmp2, $4  }
0x2b: {  	[tilespmem:s0+$0x10] =	vst v0  }
0x2c: {  	[tilespmem:s0+$0x0] =	vst v0  }
0x2d: {  	[tilespmem:s0+$0xFFFFFFF0] =	vst v0  }
0x2e: {  	[tilespmem:s0+$0xFFFFFFE0] =	vst v0  }
0x2f: {  	[tilespmem:s0+$0xFFFFFFD0] =	vst v0;
	s29 =	simm.s32 $0x0  }
0x30: {  	[tilespmem:s20], [sflag:$0x1] =	stream.linear.gather [hbm4b:s4+s29], $0xFA0, $0x38;
	[tilespmem:$0x1C800] =	vst v63  }
0x31: {  	s30 =	simm.s32 $0x0  }
0x32: {  	[tilespmem:s21], [sflag:$0x2] =	stream.linear.gather [hbm4b:s6+s29], $0xFA0, $0x38;
	[tilespmem:$0x1C800] =	vst v63  }
.LBB2_4:
0x33: {  	_ =	swait.ge [sflag:s22], $0xFA0  }
0x34: {  	s31 =	smul.u32 $0x1F40, s30;
	[sflag:s22] =	ssyncset.done $0x0  }
0x35: {  	[sflag:s22] =	ssyncadd.s32 $0xFFFFF060  }
0x36: {  	s0 =	sadd.s32 s31, s7;
	_ =	swait.ge [sflag:s23], $0xFA0  }
0x37: {  	s0 =	sshrl.u32 s0, $0x3;
	[sflag:s23] =	ssyncset.done $0x0  }
0x38: {  	s0 =	sadd.s32 s3, s0;
	[sflag:s23] =	ssyncadd.s32 $0xFFFFF060  }
0x39: {  	[tilespmem:s24], [sflag:$0x1] =	stream.linear.gather [hbm4b:s0+s2], $0xFA0, $0x38;
	[tilespmem:$0x1C800] =	vst v63  }
0x3a: {  	s12 =	simm.s32 $0x18840;
	s0 =	sadd.s32 $0x186A0, s0  }
0x3b: {  	[tilespmem:s25], [sflag:$0x2] =	stream.linear.gather [hbm4b:s0+s2], $0xFA0, $0x38;
	[tilespmem:$0x1C800] =	vst v63  }
0x3c: {  	v1 =	vld [tilespmem:s12+$0x30]  }
0x3d: {  	v2 =	vld [tilespmem:s12+$0xFFFFFFD0]  }
0x3e: {  	v3 =	vld [tilespmem:s12+$0xFFFFFFE0]  }
0x3f: {  	v4 =	vld [tilespmem:s12+$0xFFFFFFF0]  }
0x40: {  	v5 =	vld [tilespmem:s12+$0x0]  }
0x41: {  	s1 =	simm.s32 $0x1A840;
	v6 =	vld [tilespmem:s12+$0x10]  }
0x42: {  	v7 =	vld [tilespmem:s1+$0x30]  }
0x43: {  	v8 =	vld [tilespmem:s12+$0x20]  }
0x44: {  	v9 =	vld [tilespmem:s12+$0xFFFFFFC0]  }
0x45: {  	v63 =	vld [tilespmem:s1+$0xFFFFFFC0]  }
0x46: {  	v11 =	vld [tilespmem:s1+$0xFFFFFFD0]  }
0x47: {  	v12 =	vld [tilespmem:s1+$0xFFFFFFE0]  }
0x48: {  	v13 =	vld [tilespmem:s1+$0xFFFFFFF0]  }
0x49: {  	v14 =	vld [tilespmem:s1+$0x0]  }
0x4a: {  	v15 =	vld [tilespmem:s1+$0x10]  }
0x4b: {  	v1 =	vld.idx.msk [tilespmem:v1+s29+$0x0], $0xffff  }
0x4c: {  	v10 =	vld.idx.msk [tilespmem:v2+s29+$0x0], $0xffff  }
0x4d: {  	v3 =	vld.idx.msk [tilespmem:v3+s29+$0x0], $0xffff  }
0x4e: {  	v4 =	vld.idx.msk [tilespmem:v4+s29+$0x0], $0xffff  }
0x4f: {  	v5 =	vld.idx.msk [tilespmem:v5+s29+$0x0], $0xffff  }
0x50: {  	v62 =	vld.idx.msk [tilespmem:v9+s29+$0x0], $0xffff  }
0x51: {  	v6 =	vld.idx.msk [tilespmem:v6+s29+$0x0], $0xffff  }
0x52: {  	v2 =	vld [tilespmem:s1+$0x20]  }
0x53: {  	[tilespmem:v7+s26+$0x0] =	vst.idx.add.f32.msk $0xffff, v1  }
0x54: {  	v1 =	vld.idx.msk [tilespmem:v8+s29+$0x0], $0xffff  }
0x55: {  	[tilespmem:v63+s26+$0x0] =	vst.idx.add.f32.msk $0xffff, v62  }
0x56: {  	[tilespmem:v11+s26+$0x0] =	vst.idx.add.f32.msk $0xffff, v10  }
0x57: {  	[tilespmem:v12+s26+$0x0] =	vst.idx.add.f32.msk $0xffff, v3  }
0x58: {  	[tilespmem:v13+s26+$0x0] =	vst.idx.add.f32.msk $0xffff, v4  }
0x59: {  	[tilespmem:v14+s26+$0x0] =	vst.idx.add.f32.msk $0xffff, v5  }
0x5a: {  	s10 =	simm.s32 $0x188C0;
	s0 =	simm.s32 $0x0;
	[tilespmem:v15+s26+$0x0] =	vst.idx.add.f32.msk $0xffff, v6  }
.LBB2_5:
0x5b: {  	v3 =	vld [tilespmem:s10+$0x30];
	s0 =	sadd.s32 $0x8, s0  }
0x5c: {  	v4 =	vld [tilespmem:s10+$0xFFFFFFD0];
	p1 =	slt.u32 s0, $0xF0  }
0x5d: {  	v5 =	vld [tilespmem:s10+$0xFFFFFFE0]  }
0x5e: {  	v6 =	vld [tilespmem:s10+$0xFFFFFFF0]  }
0x5f: {  	v7 =	vld [tilespmem:s10+$0x0]  }
0x60: {  	s1 =	sadd.s32 $0x80, s1;
	v8 =	vld [tilespmem:s10+$0x10]  }
0x61: {  	v9 =	vld [tilespmem:s1+$0x30]  }
0x62: {  	s12 =	simm.s32 $0x0;
	v10 =	vld [tilespmem:s10+$0x20]  }
0x63: {  	v3 =	vld.idx.msk [tilespmem:v3+s12+$0x0], $0xffff  }
0x64: {  	v11 =	vld [tilespmem:s10+$0xFFFFFFC0]  }
0x65: {  	v4 =	vld.idx.msk [tilespmem:v4+s12+$0x0], $0xffff  }
0x66: {  	v5 =	vld.idx.msk [tilespmem:v5+s12+$0x0], $0xffff  }
0x67: {  	v6 =	vld.idx.msk [tilespmem:v6+s12+$0x0], $0xffff  }
0x68: {  	v7 =	vld.idx.msk [tilespmem:v7+s12+$0x0], $0xffff  }
0x69: {  	[tilespmem:v9+s26+$0x0] =	vst.idx.add.f32.msk $0xffff, v3  }
0x6a: {  	v3 =	vld.idx.msk [tilespmem:v8+s12+$0x0], $0xffff  }
0x6b: {  	v8 =	vld.idx.msk [tilespmem:v10+s12+$0x0], $0xffff  }
0x6c: {  	v9 =	vld.idx.msk [tilespmem:v11+s12+$0x0], $0xffff  }
0x6d: {  	v10 =	vld [tilespmem:s1+$0xFFFFFFC0]  }
0x6e: {  	v11 =	vld [tilespmem:s1+$0xFFFFFFD0]  }
0x6f: {  	v12 =	vld [tilespmem:s1+$0xFFFFFFE0]  }
0x70: {  	v13 =	vld [tilespmem:s1+$0xFFFFFFF0]  }
0x71: {  	v14 =	vld [tilespmem:s1+$0x0]  }
0x72: {  	v15 =	vld [tilespmem:s1+$0x10]  }
0x73: {  	v16 =	vld [tilespmem:s1+$0x20]  }
0x74: {  	[tilespmem:v2+s26+$0x0] =	vst.idx.add.f32.msk $0xffff, v1;
	v1 =	vmov v8  }
0x75: {  	[tilespmem:v10+s26+$0x0] =	vst.idx.add.f32.msk $0xffff, v9  }
.Ltmp3:
0x76: {  	[tilespmem:v11+s26+$0x0] =	vst.idx.add.f32.msk $0xffff, v4;
	(pc) =	sbr.rel @p1 .LBB2_5-.Ltmp3, $4  }
0x77: {  	[tilespmem:v12+s26+$0x0] =	vst.idx.add.f32.msk $0xffff, v5  }
0x78: {  	[tilespmem:v13+s26+$0x0] =	vst.idx.add.f32.msk $0xffff, v6;
	v2 =	vmov v16  }
0x79: {  	[tilespmem:v14+s26+$0x0] =	vst.idx.add.f32.msk $0xffff, v7  }
0x7a: {  	s10 =	sadd.s32 $0x80, s10;
	[tilespmem:v15+s26+$0x0] =	vst.idx.add.f32.msk $0xffff, v3  }
0x7b: {  	_ =	sdelay $0x3  }
0x7c: {  	[tilespmem:v2+s26+$0x0] =	vst.idx.add.f32.msk $0xffff, v1  }
.LBB2_7:
0x7d: {  	s0 =	sshra.s32 s12, $0x2  }
0x7e: {  	v1 =	vld [tilespmem:s0+$0x19780];
	_ =	sdelay $0x4  }
0x7f: {  	v2 =	vld [tilespmem:s0+$0x1B780];
	_ =	sdelay $0x2  }
0x80: {  	p1 =	sne.s32 s12, $0x40;
	v1 =	vld.idx.msk [tilespmem:v1+s2+$0x0], $0xffff  }
.Ltmp4:
0x81: {  	_ = 	snop;
	(pc) =	sbr.rel @p1 .LBB2_7-.Ltmp4, $2  }
0x82: {  	_ =	sdelay $0x2  }
0x83: {  	s12 =	sadd.s32 $0x40, s12;
	[tilespmem:v2+s26+$0x0] =	vst.idx.add.f32.msk $0xffff, v1  }
0x84: {  	_ =	swait.ge [sflag:s22], $0xFA0  }
0x85: {  	[sflag:s22] =	ssyncset.done $0x0  }
0x86: {  	p1 =	seq.s32 s30, $0x4;
	[sflag:s22] =	ssyncadd.s32 $0xFFFFF060  }
0x87: {  	s0 =	sadd.s32 @!p1 s31, s8;
	_ =	swait.ge [sflag:s23], $0xFA0  }
0x88: {  	s1 =	simm.s32 @!p1 $0x0;
	s0 =	sshrl.u32 @!p1 s0, $0x3;
	[sflag:s23] =	ssyncset.done $0x0  }
0x89: {  	s10 =	simm.s32 @!p1 $0x18800;
	s0 =	sadd.s32 @!p1 s3, s0;
	[sflag:s23] =	ssyncadd.s32 $0xFFFFF060  }
0x8a: {  	[tilespmem:s10], [sflag:$0x1] =	stream.linear.gather @!p1 [hbm4b:s0+s1], $0xFA0, $0x38;
	[tilespmem:$0x1C800] =	vst v63  }
0x8b: {  	s12 =	simm.s32 $0x19840;
	s0 =	sadd.s32 @!p1 $0x186A0, s0;
	s10 =	simm.s32 @!p1 $0x1A800  }
0x8c: {  	[tilespmem:s10], [sflag:$0x2] =	stream.linear.gather @!p1 [hbm4b:s0+s1], $0xFA0, $0x38;
	[tilespmem:$0x1C800] =	vst v63  }
0x8d: {  	v1 =	vld [tilespmem:s12+$0x30]  }
0x8e: {  	v2 =	vld [tilespmem:s12+$0xFFFFFFD0]  }
0x8f: {  	v3 =	vld [tilespmem:s12+$0xFFFFFFE0]  }
0x90: {  	v4 =	vld [tilespmem:s12+$0xFFFFFFF0]  }
0x91: {  	v5 =	vld [tilespmem:s12+$0x0]  }
0x92: {  	s1 =	simm.s32 $0x1B840;
	v6 =	vld [tilespmem:s12+$0x10]  }
0x93: {  	v7 =	vld [tilespmem:s1+$0x30]  }
0x94: {  	v8 =	vld [tilespmem:s12+$0x20]  }
0x95: {  	v9 =	vld [tilespmem:s12+$0xFFFFFFC0]  }
0x96: {  	v63 =	vld [tilespmem:s1+$0xFFFFFFC0]  }
0x97: {  	v11 =	vld [tilespmem:s1+$0xFFFFFFD0]  }
0x98: {  	v12 =	vld [tilespmem:s1+$0xFFFFFFE0]  }
0x99: {  	v13 =	vld [tilespmem:s1+$0xFFFFFFF0]  }
0x9a: {  	v14 =	vld [tilespmem:s1+$0x0]  }
0x9b: {  	s31 =	simm.s32 $0x0;
	v15 =	vld [tilespmem:s1+$0x10]  }
0x9c: {  	v1 =	vld.idx.msk [tilespmem:v1+s31+$0x0], $0xffff  }
0x9d: {  	v10 =	vld.idx.msk [tilespmem:v2+s31+$0x0], $0xffff  }
0x9e: {  	v3 =	vld.idx.msk [tilespmem:v3+s31+$0x0], $0xffff  }
0x9f: {  	v4 =	vld.idx.msk [tilespmem:v4+s31+$0x0], $0xffff  }
0xa0: {  	v5 =	vld.idx.msk [tilespmem:v5+s31+$0x0], $0xffff  }
0xa1: {  	v62 =	vld.idx.msk [tilespmem:v9+s31+$0x0], $0xffff  }
0xa2: {  	v6 =	vld.idx.msk [tilespmem:v6+s31+$0x0], $0xffff  }
0xa3: {  	v2 =	vld [tilespmem:s1+$0x20]  }
0xa4: {  	[tilespmem:v7+s26+$0x0] =	vst.idx.add.f32.msk $0xffff, v1  }
0xa5: {  	v1 =	vld.idx.msk [tilespmem:v8+s31+$0x0], $0xffff  }
0xa6: {  	[tilespmem:v63+s26+$0x0] =	vst.idx.add.f32.msk $0xffff, v62  }
0xa7: {  	[tilespmem:v11+s26+$0x0] =	vst.idx.add.f32.msk $0xffff, v10  }
0xa8: {  	[tilespmem:v12+s26+$0x0] =	vst.idx.add.f32.msk $0xffff, v3  }
0xa9: {  	[tilespmem:v13+s26+$0x0] =	vst.idx.add.f32.msk $0xffff, v4  }
0xaa: {  	[tilespmem:v14+s26+$0x0] =	vst.idx.add.f32.msk $0xffff, v5  }
0xab: {  	s0 =	simm.s32 $0x0;
	s10 =	simm.s32 $0x198C0;
	[tilespmem:v15+s26+$0x0] =	vst.idx.add.f32.msk $0xffff, v6  }
.LBB2_9:
0xac: {  	v3 =	vld [tilespmem:s10+$0x30];
	s0 =	sadd.s32 $0x8, s0  }
0xad: {  	v4 =	vld [tilespmem:s10+$0xFFFFFFD0];
	p1 =	slt.u32 s0, $0xF0  }
0xae: {  	v5 =	vld [tilespmem:s10+$0xFFFFFFE0]  }
0xaf: {  	v6 =	vld [tilespmem:s10+$0xFFFFFFF0]  }
0xb0: {  	v7 =	vld [tilespmem:s10+$0x0]  }
0xb1: {  	s1 =	sadd.s32 $0x80, s1;
	v8 =	vld [tilespmem:s10+$0x10]  }
0xb2: {  	v9 =	vld [tilespmem:s1+$0x30]  }
0xb3: {  	v10 =	vld [tilespmem:s10+$0x20]  }
0xb4: {  	v3 =	vld.idx.msk [tilespmem:v3+s31+$0x0], $0xffff  }
0xb5: {  	v11 =	vld [tilespmem:s10+$0xFFFFFFC0]  }
0xb6: {  	v4 =	vld.idx.msk [tilespmem:v4+s31+$0x0], $0xffff  }
0xb7: {  	v5 =	vld.idx.msk [tilespmem:v5+s31+$0x0], $0xffff  }
0xb8: {  	v6 =	vld.idx.msk [tilespmem:v6+s31+$0x0], $0xffff  }
0xb9: {  	v7 =	vld.idx.msk [tilespmem:v7+s31+$0x0], $0xffff  }
0xba: {  	[tilespmem:v9+s26+$0x0] =	vst.idx.add.f32.msk $0xffff, v3  }
0xbb: {  	v3 =	vld.idx.msk [tilespmem:v8+s31+$0x0], $0xffff  }
0xbc: {  	v8 =	vld.idx.msk [tilespmem:v10+s31+$0x0], $0xffff  }
0xbd: {  	v9 =	vld.idx.msk [tilespmem:v11+s31+$0x0], $0xffff  }
0xbe: {  	v10 =	vld [tilespmem:s1+$0xFFFFFFC0]  }
0xbf: {  	v11 =	vld [tilespmem:s1+$0xFFFFFFD0]  }
0xc0: {  	v12 =	vld [tilespmem:s1+$0xFFFFFFE0]  }
0xc1: {  	v13 =	vld [tilespmem:s1+$0xFFFFFFF0]  }
0xc2: {  	v14 =	vld [tilespmem:s1+$0x0]  }
0xc3: {  	v15 =	vld [tilespmem:s1+$0x10]  }
0xc4: {  	v16 =	vld [tilespmem:s1+$0x20]  }
0xc5: {  	[tilespmem:v2+s26+$0x0] =	vst.idx.add.f32.msk $0xffff, v1;
	v1 =	vmov v8  }
0xc6: {  	[tilespmem:v10+s26+$0x0] =	vst.idx.add.f32.msk $0xffff, v9  }
.Ltmp5:
0xc7: {  	[tilespmem:v11+s26+$0x0] =	vst.idx.add.f32.msk $0xffff, v4;
	(pc) =	sbr.rel @p1 .LBB2_9-.Ltmp5, $4  }
0xc8: {  	[tilespmem:v12+s26+$0x0] =	vst.idx.add.f32.msk $0xffff, v5  }
0xc9: {  	[tilespmem:v13+s26+$0x0] =	vst.idx.add.f32.msk $0xffff, v6;
	v2 =	vmov v16  }
0xca: {  	[tilespmem:v14+s26+$0x0] =	vst.idx.add.f32.msk $0xffff, v7  }
0xcb: {  	s10 =	sadd.s32 $0x80, s10;
	[tilespmem:v15+s26+$0x0] =	vst.idx.add.f32.msk $0xffff, v3  }
0xcc: {  	_ =	sdelay $0x3  }
0xcd: {  	[tilespmem:v2+s26+$0x0] =	vst.idx.add.f32.msk $0xffff, v1  }
.LBB2_11:
0xce: {  	s0 =	sshra.s32 s31, $0x2  }
0xcf: {  	v1 =	vld [tilespmem:s0+$0x1A780];
	_ =	sdelay $0x4  }
0xd0: {  	v2 =	vld [tilespmem:s0+$0x1C780];
	_ =	sdelay $0x2  }
0xd1: {  	p1 =	sne.s32 s31, $0x40;
	v1 =	vld.idx.msk [tilespmem:v1+s2+$0x0], $0xffff  }
.Ltmp6:
0xd2: {  	_ = 	snop;
	(pc) =	sbr.rel @p1 .LBB2_11-.Ltmp6, $2  }
0xd3: {  	_ =	sdelay $0x2  }
0xd4: {  	s31 =	sadd.s32 $0x40, s31;
	[tilespmem:v2+s26+$0x0] =	vst.idx.add.f32.msk $0xffff, v1  }
0xd5: {  	s30 =	sadd.s32 $0x1, s30  }
0xd6: {  	p1 =	sne.s32 s30, $0x5  }
.Ltmp7:
0xd7: {  	_ = 	snop;
	(pc) =	sbr.rel @p1 .LBB2_4-.Ltmp7, $1  }
0xd8: {  	_ =	sdelay $0x3  }
.Ltmp8:
0xd9: {  	(pc) =	sbr.rel @p0 .LBB2_27-.Ltmp8, $4  }
0xda: {  	[hbm4b:s9+s17] =	stream.strided.scatter [tilespmem:s26], [sflag:$0x3], $0xC400, s18, s17, $0x38;
	[tilespmem:$0x1C800] =	vst v63  }
0xdb: {  	_ =	swait.ge [sflag:s19], $0xC400  }
0xdc: {  	[sflag:s19] =	ssyncset.done $0x0  }
0xdd: {  	[sflag:s19] =	ssyncadd.s32 $0xFFFF3C00  }
0xde: {  	s0 =	rddreg [dreg:$0x2]  }
0xdf: {  	[tilespmem:s2], [sflag:$0x3] =	stream.strided.gather [hbm4b:s0+s17], $0xC400, s18, s17, $0x38;
	[tilespmem:$0x1C800] =	vst v63  }
0xe0: {  	_ =	swait.ge [sflag:s19], $0xC400  }
0xe1: {  	[sflag:s19] =	ssyncset.done $0x0  }
0xe2: {  	s0 =	simm.s32 $0xC440;
	[sflag:s19] =	ssyncadd.s32 $0xFFFF3C00  }
0xe3: {  	[tilespmem:s0+$0xFFFFFFC0] =	vst v0  }
0xe4: {  	[tilespmem:s0+$0x30] =	vst v0  }
0xe5: {  	[tilespmem:s0+$0x20] =	vst v0  }
0xe6: {  	[tilespmem:s0+$0x10] =	vst v0  }
0xe7: {  	[tilespmem:s0+$0x0] =	vst v0  }
0xe8: {  	[tilespmem:s0+$0xFFFFFFF0] =	vst v0  }
0xe9: {  	s1 =	simm.s32 $0x0;
	[tilespmem:s0+$0xFFFFFFE0] =	vst v0  }
.LBB2_15:
0xea: {  	s1 =	sadd.s32 $0x8, s1;
	[tilespmem:s0+$0xFFFFFFD0] =	vst v0;
	s0 =	sadd.s32 $0x80, s0  }
0xeb: {  	[tilespmem:s0+$0xFFFFFFC0] =	vst v0;
	p1 =	slt.u32 s1, $0xC38  }
0xec: {  	[tilespmem:s0+$0x30] =	vst v0  }
.Ltmp9:
0xed: {  	[tilespmem:s0+$0x20] =	vst v0;
	(pc) =	sbr.rel @p1 .LBB2_15-.Ltmp9, $4  }
0xee: {  	[tilespmem:s0+$0x10] =	vst v0  }
0xef: {  	[tilespmem:s0+$0x0] =	vst v0  }
0xf0: {  	[tilespmem:s0+$0xFFFFFFF0] =	vst v0  }
0xf1: {  	[tilespmem:s0+$0xFFFFFFE0] =	vst v0  }
0xf2: {  	[tilespmem:s0+$0xFFFFFFD0] =	vst v0;
	s29 =	simm.s32 $0x0  }
0xf3: {  	[tilespmem:s20], [sflag:$0x1] =	stream.linear.gather [hbm4b:s11+s29], $0xFA0, $0x38;
	[tilespmem:$0x1C800] =	vst v63  }
0xf4: {  	s30 =	simm.s32 $0x0;
	s0 =	rddreg [dreg:$0x3]  }
0xf5: {  	[tilespmem:s21], [sflag:$0x2] =	stream.linear.gather [hbm4b:s0+s29], $0xFA0, $0x38;
	[tilespmem:$0x1C800] =	vst v63  }
.LBB2_17:
0xf6: {  	_ =	swait.ge [sflag:s22], $0xFA0  }
0xf7: {  	s31 =	smul.u32 $0x1F40, s30;
	[sflag:s22] =	ssyncset.done $0x0  }
0xf8: {  	[sflag:s22] =	ssyncadd.s32 $0xFFFFF060  }
0xf9: {  	s0 =	sadd.s32 s31, s13;
	_ =	swait.ge [sflag:s23], $0xFA0  }
0xfa: {  	s0 =	sshrl.u32 s0, $0x3;
	[sflag:s23] =	ssyncset.done $0x0  }
0xfb: {  	s0 =	sadd.s32 s3, s0;
	[sflag:s23] =	ssyncadd.s32 $0xFFFFF060  }
0xfc: {  	[tilespmem:s24], [sflag:$0x1] =	stream.linear.gather [hbm4b:s0+s2], $0xFA0, $0x38;
	[tilespmem:$0x1C800] =	vst v63  }
0xfd: {  	s12 =	simm.s32 $0x18840;
	s0 =	sadd.s32 $0x186A0, s0  }
0xfe: {  	[tilespmem:s25], [sflag:$0x2] =	stream.linear.gather [hbm4b:s0+s2], $0xFA0, $0x38;
	[tilespmem:$0x1C800] =	vst v63  }
0xff: {  	v1 =	vld [tilespmem:s12+$0x30]  }
0x100: {  	v2 =	vld [tilespmem:s12+$0xFFFFFFD0]  }
0x101: {  	v3 =	vld [tilespmem:s12+$0xFFFFFFE0]  }
0x102: {  	v4 =	vld [tilespmem:s12+$0xFFFFFFF0]  }
0x103: {  	v5 =	vld [tilespmem:s12+$0x0]  }
0x104: {  	s1 =	simm.s32 $0x1A840;
	v6 =	vld [tilespmem:s12+$0x10]  }
0x105: {  	v7 =	vld [tilespmem:s1+$0x30]  }
0x106: {  	v8 =	vld [tilespmem:s12+$0x20]  }
0x107: {  	v9 =	vld [tilespmem:s12+$0xFFFFFFC0]  }
0x108: {  	v63 =	vld [tilespmem:s1+$0xFFFFFFC0]  }
0x109: {  	v11 =	vld [tilespmem:s1+$0xFFFFFFD0]  }
0x10a: {  	v12 =	vld [tilespmem:s1+$0xFFFFFFE0]  }
0x10b: {  	v13 =	vld [tilespmem:s1+$0xFFFFFFF0]  }
0x10c: {  	v14 =	vld [tilespmem:s1+$0x0]  }
0x10d: {  	v15 =	vld [tilespmem:s1+$0x10]  }
0x10e: {  	v1 =	vld.idx.msk [tilespmem:v1+s29+$0x0], $0xffff  }
0x10f: {  	v10 =	vld.idx.msk [tilespmem:v2+s29+$0x0], $0xffff  }
0x110: {  	v3 =	vld.idx.msk [tilespmem:v3+s29+$0x0], $0xffff  }
0x111: {  	v4 =	vld.idx.msk [tilespmem:v4+s29+$0x0], $0xffff  }
0x112: {  	v5 =	vld.idx.msk [tilespmem:v5+s29+$0x0], $0xffff  }
0x113: {  	v62 =	vld.idx.msk [tilespmem:v9+s29+$0x0], $0xffff  }
0x114: {  	v6 =	vld.idx.msk [tilespmem:v6+s29+$0x0], $0xffff  }
0x115: {  	v2 =	vld [tilespmem:s1+$0x20]  }
0x116: {  	[tilespmem:v7+s26+$0x0] =	vst.idx.add.f32.msk $0xffff, v1  }
0x117: {  	v1 =	vld.idx.msk [tilespmem:v8+s29+$0x0], $0xffff  }
0x118: {  	[tilespmem:v63+s26+$0x0] =	vst.idx.add.f32.msk $0xffff, v62  }
0x119: {  	[tilespmem:v11+s26+$0x0] =	vst.idx.add.f32.msk $0xffff, v10  }
0x11a: {  	[tilespmem:v12+s26+$0x0] =	vst.idx.add.f32.msk $0xffff, v3  }
0x11b: {  	[tilespmem:v13+s26+$0x0] =	vst.idx.add.f32.msk $0xffff, v4  }
0x11c: {  	[tilespmem:v14+s26+$0x0] =	vst.idx.add.f32.msk $0xffff, v5  }
0x11d: {  	s10 =	simm.s32 $0x188C0;
	s0 =	simm.s32 $0x0;
	[tilespmem:v15+s26+$0x0] =	vst.idx.add.f32.msk $0xffff, v6  }
.LBB2_18:
0x11e: {  	v3 =	vld [tilespmem:s10+$0x30];
	s0 =	sadd.s32 $0x8, s0  }
0x11f: {  	v4 =	vld [tilespmem:s10+$0xFFFFFFD0];
	p1 =	slt.u32 s0, $0xF0  }
0x120: {  	v5 =	vld [tilespmem:s10+$0xFFFFFFE0]  }
0x121: {  	v6 =	vld [tilespmem:s10+$0xFFFFFFF0]  }
0x122: {  	v7 =	vld [tilespmem:s10+$0x0]  }
0x123: {  	s1 =	sadd.s32 $0x80, s1;
	v8 =	vld [tilespmem:s10+$0x10]  }
0x124: {  	v9 =	vld [tilespmem:s1+$0x30]  }
0x125: {  	s12 =	simm.s32 $0x0;
	v10 =	vld [tilespmem:s10+$0x20]  }
0x126: {  	v3 =	vld.idx.msk [tilespmem:v3+s12+$0x0], $0xffff  }
0x127: {  	v11 =	vld [tilespmem:s10+$0xFFFFFFC0]  }
0x128: {  	v4 =	vld.idx.msk [tilespmem:v4+s12+$0x0], $0xffff  }
0x129: {  	v5 =	vld.idx.msk [tilespmem:v5+s12+$0x0], $0xffff  }
0x12a: {  	v6 =	vld.idx.msk [tilespmem:v6+s12+$0x0], $0xffff  }
0x12b: {  	v7 =	vld.idx.msk [tilespmem:v7+s12+$0x0], $0xffff  }
0x12c: {  	[tilespmem:v9+s26+$0x0] =	vst.idx.add.f32.msk $0xffff, v3  }
0x12d: {  	v3 =	vld.idx.msk [tilespmem:v8+s12+$0x0], $0xffff  }
0x12e: {  	v8 =	vld.idx.msk [tilespmem:v10+s12+$0x0], $0xffff  }
0x12f: {  	v9 =	vld.idx.msk [tilespmem:v11+s12+$0x0], $0xffff  }
0x130: {  	v10 =	vld [tilespmem:s1+$0xFFFFFFC0]  }
0x131: {  	v11 =	vld [tilespmem:s1+$0xFFFFFFD0]  }
0x132: {  	v12 =	vld [tilespmem:s1+$0xFFFFFFE0]  }
0x133: {  	v13 =	vld [tilespmem:s1+$0xFFFFFFF0]  }
0x134: {  	v14 =	vld [tilespmem:s1+$0x0]  }
0x135: {  	v15 =	vld [tilespmem:s1+$0x10]  }
0x136: {  	v16 =	vld [tilespmem:s1+$0x20]  }
0x137: {  	[tilespmem:v2+s26+$0x0] =	vst.idx.add.f32.msk $0xffff, v1;
	v1 =	vmov v8  }
0x138: {  	[tilespmem:v10+s26+$0x0] =	vst.idx.add.f32.msk $0xffff, v9  }
.Ltmp10:
0x139: {  	[tilespmem:v11+s26+$0x0] =	vst.idx.add.f32.msk $0xffff, v4;
	(pc) =	sbr.rel @p1 .LBB2_18-.Ltmp10, $4  }
0x13a: {  	[tilespmem:v12+s26+$0x0] =	vst.idx.add.f32.msk $0xffff, v5  }
0x13b: {  	[tilespmem:v13+s26+$0x0] =	vst.idx.add.f32.msk $0xffff, v6;
	v2 =	vmov v16  }
0x13c: {  	[tilespmem:v14+s26+$0x0] =	vst.idx.add.f32.msk $0xffff, v7  }
0x13d: {  	s10 =	sadd.s32 $0x80, s10;
	[tilespmem:v15+s26+$0x0] =	vst.idx.add.f32.msk $0xffff, v3  }
0x13e: {  	_ =	sdelay $0x3  }
0x13f: {  	[tilespmem:v2+s26+$0x0] =	vst.idx.add.f32.msk $0xffff, v1  }
.LBB2_20:
0x140: {  	s0 =	sshra.s32 s12, $0x2  }
0x141: {  	v1 =	vld [tilespmem:s0+$0x19780];
	_ =	sdelay $0x4  }
0x142: {  	v2 =	vld [tilespmem:s0+$0x1B780];
	_ =	sdelay $0x2  }
0x143: {  	p1 =	sne.s32 s12, $0x40;
	v1 =	vld.idx.msk [tilespmem:v1+s2+$0x0], $0xffff  }
.Ltmp11:
0x144: {  	_ = 	snop;
	(pc) =	sbr.rel @p1 .LBB2_20-.Ltmp11, $2  }
0x145: {  	_ =	sdelay $0x2  }
0x146: {  	s12 =	sadd.s32 $0x40, s12;
	[tilespmem:v2+s26+$0x0] =	vst.idx.add.f32.msk $0xffff, v1  }
0x147: {  	_ =	swait.ge [sflag:s22], $0xFA0  }
0x148: {  	[sflag:s22] =	ssyncset.done $0x0  }
0x149: {  	p1 =	seq.s32 s30, $0x4;
	[sflag:s22] =	ssyncadd.s32 $0xFFFFF060  }
0x14a: {  	s0 =	sadd.s32 @!p1 s31, s14;
	_ =	swait.ge [sflag:s23], $0xFA0  }
0x14b: {  	s1 =	simm.s32 @!p1 $0x0;
	s0 =	sshrl.u32 @!p1 s0, $0x3;
	[sflag:s23] =	ssyncset.done $0x0  }
0x14c: {  	s10 =	simm.s32 @!p1 $0x18800;
	s0 =	sadd.s32 @!p1 s3, s0;
	[sflag:s23] =	ssyncadd.s32 $0xFFFFF060  }
0x14d: {  	[tilespmem:s10], [sflag:$0x1] =	stream.linear.gather @!p1 [hbm4b:s0+s1], $0xFA0, $0x38;
	[tilespmem:$0x1C800] =	vst v63  }
0x14e: {  	s12 =	simm.s32 $0x19840;
	s0 =	sadd.s32 @!p1 $0x186A0, s0;
	s10 =	simm.s32 @!p1 $0x1A800  }
0x14f: {  	[tilespmem:s10], [sflag:$0x2] =	stream.linear.gather @!p1 [hbm4b:s0+s1], $0xFA0, $0x38;
	[tilespmem:$0x1C800] =	vst v63  }
0x150: {  	v1 =	vld [tilespmem:s12+$0x30]  }
0x151: {  	v2 =	vld [tilespmem:s12+$0xFFFFFFD0]  }
0x152: {  	v3 =	vld [tilespmem:s12+$0xFFFFFFE0]  }
0x153: {  	v4 =	vld [tilespmem:s12+$0xFFFFFFF0]  }
0x154: {  	v5 =	vld [tilespmem:s12+$0x0]  }
0x155: {  	s1 =	simm.s32 $0x1B840;
	v6 =	vld [tilespmem:s12+$0x10]  }
0x156: {  	v7 =	vld [tilespmem:s1+$0x30]  }
0x157: {  	v8 =	vld [tilespmem:s12+$0x20]  }
0x158: {  	v9 =	vld [tilespmem:s12+$0xFFFFFFC0]  }
0x159: {  	v63 =	vld [tilespmem:s1+$0xFFFFFFC0]  }
0x15a: {  	v11 =	vld [tilespmem:s1+$0xFFFFFFD0]  }
0x15b: {  	v12 =	vld [tilespmem:s1+$0xFFFFFFE0]  }
0x15c: {  	v13 =	vld [tilespmem:s1+$0xFFFFFFF0]  }
0x15d: {  	v14 =	vld [tilespmem:s1+$0x0]  }
0x15e: {  	s31 =	simm.s32 $0x0;
	v15 =	vld [tilespmem:s1+$0x10]  }
0x15f: {  	v1 =	vld.idx.msk [tilespmem:v1+s31+$0x0], $0xffff  }
0x160: {  	v10 =	vld.idx.msk [tilespmem:v2+s31+$0x0], $0xffff  }
0x161: {  	v3 =	vld.idx.msk [tilespmem:v3+s31+$0x0], $0xffff  }
0x162: {  	v4 =	vld.idx.msk [tilespmem:v4+s31+$0x0], $0xffff  }
0x163: {  	v5 =	vld.idx.msk [tilespmem:v5+s31+$0x0], $0xffff  }
0x164: {  	v62 =	vld.idx.msk [tilespmem:v9+s31+$0x0], $0xffff  }
0x165: {  	v6 =	vld.idx.msk [tilespmem:v6+s31+$0x0], $0xffff  }
0x166: {  	v2 =	vld [tilespmem:s1+$0x20]  }
0x167: {  	[tilespmem:v7+s26+$0x0] =	vst.idx.add.f32.msk $0xffff, v1  }
0x168: {  	v1 =	vld.idx.msk [tilespmem:v8+s31+$0x0], $0xffff  }
0x169: {  	[tilespmem:v63+s26+$0x0] =	vst.idx.add.f32.msk $0xffff, v62  }
0x16a: {  	[tilespmem:v11+s26+$0x0] =	vst.idx.add.f32.msk $0xffff, v10  }
0x16b: {  	[tilespmem:v12+s26+$0x0] =	vst.idx.add.f32.msk $0xffff, v3  }
0x16c: {  	[tilespmem:v13+s26+$0x0] =	vst.idx.add.f32.msk $0xffff, v4  }
0x16d: {  	[tilespmem:v14+s26+$0x0] =	vst.idx.add.f32.msk $0xffff, v5  }
0x16e: {  	s0 =	simm.s32 $0x0;
	s10 =	simm.s32 $0x198C0;
	[tilespmem:v15+s26+$0x0] =	vst.idx.add.f32.msk $0xffff, v6  }
.LBB2_22:
0x16f: {  	v3 =	vld [tilespmem:s10+$0x30];
	s0 =	sadd.s32 $0x8, s0  }
0x170: {  	v4 =	vld [tilespmem:s10+$0xFFFFFFD0];
	p1 =	slt.u32 s0, $0xF0  }
0x171: {  	v5 =	vld [tilespmem:s10+$0xFFFFFFE0]  }
0x172: {  	v6 =	vld [tilespmem:s10+$0xFFFFFFF0]  }
0x173: {  	v7 =	vld [tilespmem:s10+$0x0]  }
0x174: {  	s1 =	sadd.s32 $0x80, s1;
	v8 =	vld [tilespmem:s10+$0x10]  }
0x175: {  	v9 =	vld [tilespmem:s1+$0x30]  }
0x176: {  	v10 =	vld [tilespmem:s10+$0x20]  }
0x177: {  	v3 =	vld.idx.msk [tilespmem:v3+s31+$0x0], $0xffff  }
0x178: {  	v11 =	vld [tilespmem:s10+$0xFFFFFFC0]  }
0x179: {  	v4 =	vld.idx.msk [tilespmem:v4+s31+$0x0], $0xffff  }
0x17a: {  	v5 =	vld.idx.msk [tilespmem:v5+s31+$0x0], $0xffff  }
0x17b: {  	v6 =	vld.idx.msk [tilespmem:v6+s31+$0x0], $0xffff  }
0x17c: {  	v7 =	vld.idx.msk [tilespmem:v7+s31+$0x0], $0xffff  }
0x17d: {  	[tilespmem:v9+s26+$0x0] =	vst.idx.add.f32.msk $0xffff, v3  }
0x17e: {  	v3 =	vld.idx.msk [tilespmem:v8+s31+$0x0], $0xffff  }
0x17f: {  	v8 =	vld.idx.msk [tilespmem:v10+s31+$0x0], $0xffff  }
0x180: {  	v9 =	vld.idx.msk [tilespmem:v11+s31+$0x0], $0xffff  }
0x181: {  	v10 =	vld [tilespmem:s1+$0xFFFFFFC0]  }
0x182: {  	v11 =	vld [tilespmem:s1+$0xFFFFFFD0]  }
0x183: {  	v12 =	vld [tilespmem:s1+$0xFFFFFFE0]  }
0x184: {  	v13 =	vld [tilespmem:s1+$0xFFFFFFF0]  }
0x185: {  	v14 =	vld [tilespmem:s1+$0x0]  }
0x186: {  	v15 =	vld [tilespmem:s1+$0x10]  }
0x187: {  	v16 =	vld [tilespmem:s1+$0x20]  }
0x188: {  	[tilespmem:v2+s26+$0x0] =	vst.idx.add.f32.msk $0xffff, v1;
	v1 =	vmov v8  }
0x189: {  	[tilespmem:v10+s26+$0x0] =	vst.idx.add.f32.msk $0xffff, v9  }
.Ltmp12:
0x18a: {  	[tilespmem:v11+s26+$0x0] =	vst.idx.add.f32.msk $0xffff, v4;
	(pc) =	sbr.rel @p1 .LBB2_22-.Ltmp12, $4  }
0x18b: {  	[tilespmem:v12+s26+$0x0] =	vst.idx.add.f32.msk $0xffff, v5  }
0x18c: {  	[tilespmem:v13+s26+$0x0] =	vst.idx.add.f32.msk $0xffff, v6;
	v2 =	vmov v16  }
0x18d: {  	[tilespmem:v14+s26+$0x0] =	vst.idx.add.f32.msk $0xffff, v7  }
0x18e: {  	s10 =	sadd.s32 $0x80, s10;
	[tilespmem:v15+s26+$0x0] =	vst.idx.add.f32.msk $0xffff, v3  }
0x18f: {  	_ =	sdelay $0x3  }
0x190: {  	[tilespmem:v2+s26+$0x0] =	vst.idx.add.f32.msk $0xffff, v1  }
.LBB2_24:
0x191: {  	s0 =	sshra.s32 s31, $0x2  }
0x192: {  	v1 =	vld [tilespmem:s0+$0x1A780];
	_ =	sdelay $0x4  }
0x193: {  	v2 =	vld [tilespmem:s0+$0x1C780];
	_ =	sdelay $0x2  }
0x194: {  	p1 =	sne.s32 s31, $0x40;
	v1 =	vld.idx.msk [tilespmem:v1+s2+$0x0], $0xffff  }
.Ltmp13:
0x195: {  	_ = 	snop;
	(pc) =	sbr.rel @p1 .LBB2_24-.Ltmp13, $2  }
0x196: {  	_ =	sdelay $0x2  }
0x197: {  	s31 =	sadd.s32 $0x40, s31;
	[tilespmem:v2+s26+$0x0] =	vst.idx.add.f32.msk $0xffff, v1  }
0x198: {  	s30 =	sadd.s32 $0x1, s30  }
0x199: {  	p1 =	sne.s32 s30, $0x5  }
.Ltmp14:
0x19a: {  	_ = 	snop;
	(pc) =	sbr.rel @p1 .LBB2_17-.Ltmp14, $1  }
0x19b: {  	_ =	sdelay $0x3  }
.Ltmp15:
0x19c: {  	(pc) =	sbr.rel .LBB2_27-.Ltmp15, $4  }
0x19d: {  	[hbm4b:s15+s17] =	stream.strided.scatter [tilespmem:s26], [sflag:$0x3], $0xC400, s18, s17, $0x38;
	[tilespmem:$0x1C800] =	vst v63  }
0x19e: {  	_ =	swait.ge [sflag:s19], $0xC400  }
0x19f: {  	[sflag:s19] =	ssyncset.done $0x0  }
0x1a0: {  	[sflag:s19] =	ssyncadd.s32 $0xFFFF3C00  }
.LBB2_28:
0x1a1: {  	_ =	sfence.sel $0x180000  }
0x1a2: {  	[bflag:$0x0] =	sbarrier.arrive $0xFFFF  }
0x1a3: {  	_ =	strace $0x90000053  }
0x1a4: {  	s0 =	stileid.u32;
	[bflag:$0x2] =	sbarrier.arrive $0xFFFF  }
0x1a5: {  	p0 =	sne.s32 s0, $0x0;
	s0 =	rddreg [dreg:$0x1]  }
0x1a6: {  	s0 =	sadd.s32 @!p0 $0x100000, s0  }
0x1a7: {  	[sflag:s0] =	ssyncadd.tile.s32 @!p0 $0x1;
	_ =	shalt  }
.Lfunc_end2:
_tile_overlayer_lowered:
.L_overlay_start_2:
0x1a8: {  	(tag) =	ssettag $0x2  }
0x1a9: {  	s0 =	rddreg [dreg:$0x0];
	s2 =	stileid.u32  }
0x1aa: {  	s1 =	rddreg [dreg:$0x1];
	p0 =	sne.s32 s2, $0x0  }
0x1ab: {  	s3 =	rddreg [dreg:$0x2];
	[bflag:$0x3] =	sbarrier.arrive $0xFFFF;
	s2 =	simm.s32 @!p0 $0x1C03  }
0x1ac: {  	[timem:s3], [sflag:s2] =	dma.local @!p0 [hbm:s0], s1  }
0x1ad: {  	s0 =	simm.s32 @!p0 $0x3  }
0x1ae: {  	_ =	swait.ge @!p0 [sflag:s0], s1  }
0x1af: {  	s1 =	ssub.s32 @!p0 $0x0, s1;
	[sflag:s0] =	ssyncset.done @!p0 $0x0  }
0x1b0: {  	[sflag:s0] =	ssyncadd.s32 @!p0 s1  }
0x1b1: {  	[bflag:$0x3] =	sbarrier.arrive $0xFFFF  }
0x1b2: {  	_ =	shalt  }

</sc_bundles>
